<compile_context>
chip_gen: v7x
topology: tpu7x:2x2x1
jax: 0.10.2.dev20260603
libtpu: 0.0.44.dev20260713+nightly
codegen_flags: <defaults>
</compile_context>

<pallas_src>
import jax
import jax.numpy as jnp
from jax import lax
from jax.experimental import pallas as pl
from jax.experimental.pallas import tpu as pltpu
from jax.experimental.pallas import tpu_sc as plsc

N = 10000
E = 320000
D = 128
ALPHA = 0.2

NC = 2
NS = 16
N_PAD = 10240
ROWS_PT = N_PAD // NS
CHUNK = 80
E_PER_TILE = E // NS
NCHUNKS = E_PER_TILE // CHUNK
RB_BLK = 80



def _front_body(x_ref, wh_ref, wl_ref, ah_ref, al_ref, hh_ref, hl_ref, tab_ref):
    x = x_ref[...]
    hh = jnp.dot(x, wh_ref[...], preferred_element_type=jnp.float32)
    hh = jnp.where(hh >= 0, hh, 0.01 * hh)
    hl = jnp.dot(x, wl_ref[...], preferred_element_type=jnp.float32)
    hl = jnp.where(hl >= 0, hl, 0.01 * hl)
    hh_ref[...] = hh
    hl_ref[...] = hl
    p = jnp.dot(hh, ah_ref[...].T, preferred_element_type=jnp.float32)
    q = jnp.dot(hl, al_ref[...].T, preferred_element_type=jnp.float32)
    ids = lax.broadcasted_iota(jnp.int32, (1, 8), 1)
    m1 = jnp.where(ids == 0, 1.0, 0.0)
    m2 = jnp.where(ids == 1, 1.0, 0.0)
    tab_ref[...] = p * m1 + q * m2


_BN = 1000

_front = pl.pallas_call(
    _front_body,
    grid=(N // _BN,),
    in_specs=[
        pl.BlockSpec((_BN, D), lambda i: (i, 0)),
        pl.BlockSpec((D, D), lambda i: (0, 0)),
        pl.BlockSpec((D, D), lambda i: (0, 0)),
        pl.BlockSpec((1, D), lambda i: (0, 0)),
        pl.BlockSpec((1, D), lambda i: (0, 0)),
    ],
    out_specs=[
        pl.BlockSpec((_BN, D), lambda i: (i, 0)),
        pl.BlockSpec((_BN, D), lambda i: (i, 0)),
        pl.BlockSpec((_BN, 8), lambda i: (i, 0)),
    ],
    out_shape=[
        jax.ShapeDtypeStruct((N, D), jnp.float32),
        jax.ShapeDtypeStruct((N, D), jnp.float32),
        jax.ShapeDtypeStruct((N, 8), jnp.float32),
    ],
)



def _sc_body(hf, tabs, sd, out,
             tab_v, sd_v, eh_v, rows_v, sums_priv, tmp_v, sumacc,
             num_sh, sums_sh, sem, sem_g, sem_s):
    c = lax.axis_index("c")
    s = lax.axis_index("s")
    sgn = jnp.where(c == 0, -1.0, 1.0)
    zero16 = jnp.zeros((16,), jnp.float32)

    pltpu.sync_copy(tabs.at[c], tab_v)

    def zrow(r, _):
        for k in range(D // 16):
            rows_v[r, pl.ds(k * 16, 16)] = zero16
        return 0

    lax.fori_loop(0, RB_BLK, zrow, 0)

    def zsum(i, _):
        sums_priv[pl.ds(i * 16, 16)] = zero16
        return 0

    lax.fori_loop(0, N_PAD // 16, zsum, 0)

    nbase = s * ROWS_PT
    for b in range(ROWS_PT // RB_BLK):
        pltpu.async_copy(rows_v, num_sh.at[pl.ds(nbase + b * RB_BLK, RB_BLK)], sem).wait()
    plsc.subcore_barrier()

    ebase = s * E_PER_TILE
    coff = c * N

    zero16i = jnp.zeros((16,), jnp.int32)

    def chunk(i, _):
        p = jnp.bitwise_and(i, 1)
        g = s * NCHUNKS + i
        pltpu.sync_copy(sd.at[g], sd_v.at[p])

        @pl.when(i > 0)
        def _():
            pltpu.make_async_copy(hf.at[pl.ds(0, CHUNK)], rows_v, sem_s).wait()

        @pl.when(c == 0)
        def _():
            pltpu.async_copy(hf.at[sd_v.at[p, 1]], rows_v, sem_g)

        @pl.when(c == 1)
        def _():
            pltpu.async_copy(hf.at[sd_v.at[p, 2]], rows_v, sem_g)

        @plsc.parallel_loop(0, CHUNK // 16, unroll=2)
        def jbody(j):
            sl = pl.ds(j * 16, 16)
            si = sd_v[p, 0, sl]
            di = sd_v[p, 1, sl]
            a = plsc.load_gather(tab_v, [si])
            b = plsc.load_gather(tab_v, [di])
            sv = a + sgn * b
            eh_v[sl] = jnp.exp(-jnp.where(sv >= 0, sv, ALPHA * sv))

        def sbody(e, _):
            efull = jnp.full((16,), e, jnp.int32)
            sp = plsc.load_gather(eh_v, [efull])
            sidx = plsc.load_gather(sd_v, [jnp.full((16,), p, jnp.int32), zero16i, efull])
            cur = plsc.load_gather(sums_priv, [sidx])
            plsc.store_scatter(sums_priv, [sidx], cur + sp)
            return 0

        lax.fori_loop(0, CHUNK, sbody, 0)
        pltpu.make_async_copy(hf.at[pl.ds(0, CHUNK)], rows_v, sem_g).wait()

        @plsc.parallel_loop(0, CHUNK, unroll=4)
        def ebody(e):
            sp = plsc.load_gather(eh_v, [jnp.full((16,), e, jnp.int32)])
            for k in range(D // 16):
                sl = pl.ds(k * 16, 16)
                rows_v[e, sl] = rows_v[e, sl] * sp

        pltpu.async_copy(rows_v, num_sh.at[sd_v.at[p, 0]], sem_s, add=True)
        return 0

    lax.fori_loop(0, NCHUNKS, chunk, 0)
    pltpu.make_async_copy(hf.at[pl.ds(0, CHUNK)], rows_v, sem_s).wait()

    pltpu.async_copy(sums_priv, sums_sh.at[s], sem).wait()
    plsc.subcore_barrier()

    def zacc(i, _):
        sumacc[pl.ds(i * 16, 16)] = zero16
        return 0

    lax.fori_loop(0, ROWS_PT // 16, zacc, 0)
    for t in range(NS):
        pltpu.async_copy(sums_sh.at[t, pl.ds(nbase, ROWS_PT)], tmp_v, sem).wait()

        def radd(i, _):
            sl = pl.ds(i * 16, 16)
            sumacc[sl] = sumacc[sl] + tmp_v[sl]
            return 0

        lax.fori_loop(0, ROWS_PT // 16, radd, 0)

    for b in range(ROWS_PT // RB_BLK):
        pltpu.async_copy(num_sh.at[pl.ds(nbase + b * RB_BLK, RB_BLK)], rows_v, sem).wait()

        def rbody(r, _):
            sm = plsc.load_gather(sumacc, [jnp.full((16,), b * RB_BLK + r, jnp.int32)])
            inv = 1.0 / (sm + 1e-16)
            for k in range(D // 16):
                sl = pl.ds(k * 16, 16)
                v = rows_v[r, sl] * inv
                rows_v[r, sl] = jnp.where(v >= 0, v, 0.01 * v)
            return 0

        lax.fori_loop(0, RB_BLK, rbody, 0)
        pltpu.sync_copy(rows_v, out.at[c, pl.ds(nbase + b * RB_BLK, RB_BLK)])


_sc_call = pl.kernel(
    _sc_body,
    out_type=jax.ShapeDtypeStruct((NC, N_PAD, D), jnp.float32),
    mesh=plsc.VectorSubcoreMesh(
        core_axis_name="c", subcore_axis_name="s", num_cores=NC, num_subcores=NS
    ),
    compiler_params=pltpu.CompilerParams(needs_layout_passes=False),
    scratch_types=[
        pltpu.VMEM((N,), jnp.float32),
        pltpu.VMEM((2, 8, CHUNK), jnp.int32),
        pltpu.VMEM((CHUNK,), jnp.float32),
        pltpu.VMEM((CHUNK, D), jnp.float32),
        pltpu.VMEM((N_PAD,), jnp.float32),
        pltpu.VMEM((ROWS_PT,), jnp.float32),
        pltpu.VMEM((ROWS_PT,), jnp.float32),
        pltpu.VMEM_SHARED((N_PAD, D), jnp.float32),
        pltpu.VMEM_SHARED((NS, N_PAD), jnp.float32),
        pltpu.SemaphoreType.DMA,
        pltpu.SemaphoreType.DMA,
        pltpu.SemaphoreType.DMA,
    ],
)


def kernel(input, edge, W_high, W_low, a_high, a_low, c_high, c_low):
    hh, hl, tab = _front(input, W_high, W_low, a_high, a_low)
    hf = jnp.concatenate([hh, hl], axis=0)
    tabs = jnp.stack([tab[:, 0], tab[:, 1]])
    src_c = edge[0].reshape(E // CHUNK, CHUNK)
    dst_c = edge[1].reshape(E // CHUNK, CHUNK)
    sd = jnp.stack([src_c, dst_c, dst_c + N, src_c,
                    src_c, src_c, src_c, src_c], axis=1)
    out = _sc_call(hf, tabs, sd)
    return jnp.concatenate([out[0, :N], out[1, :N]], axis=1)

# --- scband reference (transcript-rebuilt; emitter-appended) ---
"""Pipeline reference for scband-graph-attention-layer-20633022890032 (READ-ONLY COPY).

The authoritative reference and input builder live on the scoring server;
editing this copy changes nothing except your own understanding.
"""

import jax, jax.numpy as jnp
import numpy as np

N = 10000
E = 320000
D_IN = 128
D_OUT = 128
ALPHA = 0.2  # LeakyReLU slope used in attention scores


def gam(x, epsilon=1e-06):
    # F.relu6(x + 3) / 3 + eps
    return jnp.clip(x + 3.0, 0.0, 6.0) / 3.0 + epsilon


def relu_bt(x):
    # threshold = ||x||_inf (detached); result = min(leaky_relu(x, 0.01), threshold)
    t = jax.lax.stop_gradient(jnp.max(jnp.abs(x)))
    y = jnp.where(x >= 0, x, 0.01 * x)
    return jnp.minimum(y, t)


def leaky(x, slope):
    return jnp.where(x >= 0, x, slope * x)


def setup_inputs(seed: int = 0) -> dict:
    key = jax.random.key(seed)
    ks = jax.random.split(key, 9)
    inp = jax.random.normal(ks[0], (N, D_IN), dtype=jnp.float32)
    edge = jax.random.randint(ks[1], (2, E), 0, N, dtype=jnp.int32)
    w_std = 1.414 * np.sqrt(2.0 / (D_IN + D_OUT))
    a_std = 1.414 * np.sqrt(2.0 / (1 + D_OUT))
    c_bound = 1.0 * np.sqrt(6.0 / 2.0)
    W_high = jax.random.normal(ks[2], (D_IN, D_OUT), dtype=jnp.float32) * w_std
    W_low = jax.random.normal(ks[3], (D_IN, D_OUT), dtype=jnp.float32) * w_std
    a_high = jax.random.normal(ks[4], (1, D_OUT), dtype=jnp.float32) * a_std
    a_low = jax.random.normal(ks[5], (1, D_OUT), dtype=jnp.float32) * a_std
    c_high = jax.random.uniform(ks[6], (1, 1), dtype=jnp.float32, minval=-c_bound, maxval=c_bound)
    c_low = jax.random.uniform(ks[7], (1, 1), dtype=jnp.float32, minval=-c_bound, maxval=c_bound)
    return {"input": inp, "edge": edge, "W_high": W_high, "W_low": W_low,
            "a_high": a_high, "a_low": a_low, "c_high": c_high, "c_low": c_low}


def reference(input, edge, W_high, W_low, a_high, a_low, c_high, c_low):
    n = input.shape[0]
    # c terms are computed in the torch forward but unused when concat=True
    _ch = gam(c_high) - 1.0
    _cl = gam(c_low)
    h_high = relu_bt(input @ W_high)
    h_low = relu_bt(input @ W_low)
    src = edge[0, :]
    dst = edge[1, :]
    edge_h_high = (h_high[src, :] - h_high[dst, :]).T  # [D_OUT, E]
    edge_h_low = (h_low[src, :] + h_low[dst, :]).T
    s_high = jnp.squeeze(a_high @ edge_h_high)  # [E]
    s_low = jnp.squeeze(a_low @ edge_h_low)
    edge_e_high = jnp.exp(-leaky(s_high, ALPHA))
    edge_e_low = jnp.exp(-leaky(s_low, ALPHA))
    # dropout p=0.0 -> identity
    e_high_rowsum = jax.ops.segment_sum(edge_e_high, src, num_segments=n)[:, None]
    e_low_rowsum = jax.ops.segment_sum(edge_e_low, src, num_segments=n)[:, None]
    h_prime_high = jax.ops.segment_sum(edge_e_high[:, None] * h_high[dst, :], src, num_segments=n)
    h_prime_low = jax.ops.segment_sum(edge_e_low[:, None] * h_low[dst, :], src, num_segments=n)
    h_prime_high = h_prime_high / (e_high_rowsum + 1e-16)
    h_prime_low = h_prime_low / (e_low_rowsum + 1e-16)
    h_prime = jnp.concatenate((h_prime_high, h_prime_low), axis=1)
    return relu_bt(h_prime)

if __name__ == "__main__":
    import jax
    _d = setup_inputs()
    print(jax.jit(kernel)(*tuple(_d.values())))

</pallas_src>

<mosaic_0001>
#map = affine_map<(d0, d1) -> (0, 0)>
#map1 = affine_map<(d0, d1) -> (0, 0, 0)>
module attributes {stable_mosaic.version = 14 : i64} {
  func.func @_sc_body(%arg0: i32, %arg1: i32, %arg2: memref<20000x128xf32, #tpu.memory_space<hbm>>, %arg3: memref<2x10000xf32, #tpu.memory_space<hbm>>, %arg4: memref<4000x8x80xi32, #tpu.memory_space<hbm>>, %arg5: memref<2x10240x128xf32, #tpu.memory_space<hbm>>, %arg6: memref<10000xf32, #tpu.memory_space<vmem>>, %arg7: memref<2x8x80xi32, #tpu.memory_space<vmem>>, %arg8: memref<80xf32, #tpu.memory_space<vmem>>, %arg9: memref<80x128xf32, #tpu.memory_space<vmem>>, %arg10: memref<10240xf32, #tpu.memory_space<vmem>>, %arg11: memref<640xf32, #tpu.memory_space<vmem>>, %arg12: memref<640xf32, #tpu.memory_space<vmem>>, %arg13: memref<10240x128xf32, #tpu.memory_space<vmem_shared>>, %arg14: memref<16x10240xf32, #tpu.memory_space<vmem_shared>>, %arg15: memref<!tpu.dma_semaphore, #tpu.memory_space<semaphore_mem>>, %arg16: memref<!tpu.dma_semaphore, #tpu.memory_space<semaphore_mem>>, %arg17: memref<!tpu.dma_semaphore, #tpu.memory_space<semaphore_mem>>) attributes {dimension_semantics = [#tpu.dimension_semantics<core_parallel>, #tpu.dimension_semantics<subcore_parallel>], iteration_bounds = array<i64: 2, 16>, scalar_prefetch = 0 : i64, scratch_operands = 12 : i64, tpu.core_type = #tpu.core_type<sc_vector_subcore>, window_params = [{transform_indices = #map}, {transform_indices = #map}, {transform_indices = #map1}, {transform_indices = #map1}]} {
    %eq3A = arith.constant 0 : i32
    %eq3A_0 = arith.cmpi eq, %arg0, %eq3A : i32
    %jit3A = arith.constant -1.000000e+00 : f32
    %jit3A_1 = arith.constant 1.000000e+00 : f32
    %select_n3A = arith.select %eq3A_0, %jit3A, %jit3A_1 : f32
    %broadcast_in_dim3A = arith.constant 0.000000e+00 : f32
    %broadcast_in_dim3A_2 = vector.broadcast %broadcast_in_dim3A : f32 to vector<16xf32>
    "tpu.region"() ({
      %run_scoped3A = tpu.sem_alloc : memref<!tpu.dma_semaphore, #tpu.memory_space<semaphore_mem>>
      %dma_start3A_557 = arith.constant 0 : i32
      %dma_start3A_558 = tpu.memref_slice %arg3[%arg0, %dma_start3A_557] : memref<2x10000xf32, #tpu.memory_space<hbm>> -> memref<1x10000xf32, #tpu.memory_space<hbm>>
      %dma_start3A_559 = tpu.memref_squeeze %dma_start3A_558 : memref<1x10000xf32, #tpu.memory_space<hbm>> -> memref<10000xf32, #tpu.memory_space<hbm>>
      %dma_start3A_560 = arith.constant 0 : i32
      %dma_start3A_561 = tpu.memref_slice %arg3[%arg0, %dma_start3A_560] : memref<2x10000xf32, #tpu.memory_space<hbm>> -> memref<1x10000xf32, #tpu.memory_space<hbm>>
      %dma_start3A_562 = tpu.memref_squeeze %dma_start3A_561 : memref<1x10000xf32, #tpu.memory_space<hbm>> -> memref<10000xf32, #tpu.memory_space<hbm>>
      tpu.enqueue_dma source(%dma_start3A_562 : memref<10000xf32, #tpu.memory_space<hbm>>) target(%arg6 : memref<10000xf32, #tpu.memory_space<vmem>>) target_semaphore(%run_scoped3A : memref<!tpu.dma_semaphore, #tpu.memory_space<semaphore_mem>>)
      %dma_wait3A_563 = arith.constant 0 : i32
      %dma_wait3A_564 = tpu.memref_slice %arg3[%arg0, %dma_wait3A_563] : memref<2x10000xf32, #tpu.memory_space<hbm>> -> memref<1x10000xf32, #tpu.memory_space<hbm>>
      %dma_wait3A_565 = tpu.memref_squeeze %dma_wait3A_564 : memref<1x10000xf32, #tpu.memory_space<hbm>> -> memref<10000xf32, #tpu.memory_space<hbm>>
      %dma_wait3A_566 = arith.constant 0 : i32
      %dma_wait3A_567 = tpu.memref_slice %arg3[%arg0, %dma_wait3A_566] : memref<2x10000xf32, #tpu.memory_space<hbm>> -> memref<1x10000xf32, #tpu.memory_space<hbm>>
      %dma_wait3A_568 = tpu.memref_squeeze %dma_wait3A_567 : memref<1x10000xf32, #tpu.memory_space<hbm>> -> memref<10000xf32, #tpu.memory_space<hbm>>
      tpu.wait_dma2 semaphore(%run_scoped3A : memref<!tpu.dma_semaphore, #tpu.memory_space<semaphore_mem>>) src(%dma_wait3A_568 : memref<10000xf32, #tpu.memory_space<hbm>>) dst(%arg6 : memref<10000xf32, #tpu.memory_space<vmem>>)
      tpu.yield
    }) : () -> ()
    %scan3A = arith.constant 0 : i32
    %scan3A_3 = arith.constant 0 : i32
    %scan3A_4 = arith.constant 80 : i32
    %scan3A_5 = arith.addi %scan3A_3, %scan3A_4 : i32
    %scan3A_6 = arith.constant 1 : i32
    %scan3A_7 = scf.for %scan3A_557 = %scan3A_3 to %scan3A_5 step %scan3A_6 iter_args(%scan3A_558 = %scan3A) -> (i32)  : i32 {
      %swap3A = arith.index_cast %scan3A_557 : i32 to index
      %swap3A_559 = arith.constant 0 : index
      %swap3A_560 = tpu.vector_load %arg9[%swap3A, %swap3A_559] {strides = array<i32>} : memref<80x128xf32, #tpu.memory_space<vmem>>, vector<16xf32>,
      tpu.vector_store %arg9[%swap3A, %swap3A_559], %broadcast_in_dim3A_2 {strides = array<i32>} : memref<80x128xf32, #tpu.memory_space<vmem>>, vector<16xf32>,
      %swap3A_561 = arith.index_cast %scan3A_557 : i32 to index
      %swap3A_562 = arith.constant 16 : index
      %swap3A_563 = tpu.vector_load %arg9[%swap3A_561, %swap3A_562] {strides = array<i32>} : memref<80x128xf32, #tpu.memory_space<vmem>>, vector<16xf32>,
      tpu.vector_store %arg9[%swap3A_561, %swap3A_562], %broadcast_in_dim3A_2 {strides = array<i32>} : memref<80x128xf32, #tpu.memory_space<vmem>>, vector<16xf32>,
      %swap3A_564 = arith.index_cast %scan3A_557 : i32 to index
      %swap3A_565 = arith.constant 32 : index
      %swap3A_566 = tpu.vector_load %arg9[%swap3A_564, %swap3A_565] {strides = array<i32>} : memref<80x128xf32, #tpu.memory_space<vmem>>, vector<16xf32>,
      tpu.vector_store %arg9[%swap3A_564, %swap3A_565], %broadcast_in_dim3A_2 {strides = array<i32>} : memref<80x128xf32, #tpu.memory_space<vmem>>, vector<16xf32>,
      %swap3A_567 = arith.index_cast %scan3A_557 : i32 to index
      %swap3A_568 = arith.constant 48 : index
      %swap3A_569 = tpu.vector_load %arg9[%swap3A_567, %swap3A_568] {strides = array<i32>} : memref<80x128xf32, #tpu.memory_space<vmem>>, vector<16xf32>,
      tpu.vector_store %arg9[%swap3A_567, %swap3A_568], %broadcast_in_dim3A_2 {strides = array<i32>} : memref<80x128xf32, #tpu.memory_space<vmem>>, vector<16xf32>,
      %swap3A_570 = arith.index_cast %scan3A_557 : i32 to index
      %swap3A_571 = arith.constant 64 : index
      %swap3A_572 = tpu.vector_load %arg9[%swap3A_570, %swap3A_571] {strides = array<i32>} : memref<80x128xf32, #tpu.memory_space<vmem>>, vector<16xf32>,
      tpu.vector_store %arg9[%swap3A_570, %swap3A_571], %broadcast_in_dim3A_2 {strides = array<i32>} : memref<80x128xf32, #tpu.memory_space<vmem>>, vector<16xf32>,
      %swap3A_573 = arith.index_cast %scan3A_557 : i32 to index
      %swap3A_574 = arith.constant 80 : index
      %swap3A_575 = tpu.vector_load %arg9[%swap3A_573, %swap3A_574] {strides = array<i32>} : memref<80x128xf32, #tpu.memory_space<vmem>>, vector<16xf32>,
      tpu.vector_store %arg9[%swap3A_573, %swap3A_574], %broadcast_in_dim3A_2 {strides = array<i32>} : memref<80x128xf32, #tpu.memory_space<vmem>>, vector<16xf32>,
      %swap3A_576 = arith.index_cast %scan3A_557 : i32 to index
      %swap3A_577 = arith.constant 96 : index
      %swap3A_578 = tpu.vector_load %arg9[%swap3A_576, %swap3A_577] {strides = array<i32>} : memref<80x128xf32, #tpu.memory_space<vmem>>, vector<16xf32>,
      tpu.vector_store %arg9[%swap3A_576, %swap3A_577], %broadcast_in_dim3A_2 {strides = array<i32>} : memref<80x128xf32, #tpu.memory_space<vmem>>, vector<16xf32>,
      %swap3A_579 = arith.index_cast %scan3A_557 : i32 to index
      %swap3A_580 = arith.constant 112 : index
      %swap3A_581 = tpu.vector_load %arg9[%swap3A_579, %swap3A_580] {strides = array<i32>} : memref<80x128xf32, #tpu.memory_space<vmem>>, vector<16xf32>,
      tpu.vector_store %arg9[%swap3A_579, %swap3A_580], %broadcast_in_dim3A_2 {strides = array<i32>} : memref<80x128xf32, #tpu.memory_space<vmem>>, vector<16xf32>,
      %scan3A_582 = arith.constant 0 : i32
      scf.yield %scan3A_582 : i32
    }
    %scan3A_8 = arith.constant 80 : i32
    %scan3A_9 = arith.constant 0 : i32
    %scan3A_10 = arith.constant 0 : i32
    %scan3A_11 = arith.constant 640 : i32
    %scan3A_12 = arith.addi %scan3A_10, %scan3A_11 : i32
    %scan3A_13 = arith.constant 1 : i32
    %scan3A_14 = scf.for %scan3A_557 = %scan3A_10 to %scan3A_12 step %scan3A_13 iter_args(%scan3A_558 = %scan3A_9) -> (i32)  : i32 {
      %mul3A_559 = arith.constant 16 : i32
      %mul3A_560 = arith.muli %scan3A_557, %mul3A_559 : i32
      %swap3A = arith.index_cast %mul3A_560 : i32 to index
      %swap3A_561 = tpu.vector_load %arg10[%swap3A] {strides = array<i32>} : memref<10240xf32, #tpu.memory_space<vmem>>, vector<16xf32>,
      tpu.vector_store %arg10[%swap3A], %broadcast_in_dim3A_2 {strides = array<i32>} : memref<10240xf32, #tpu.memory_space<vmem>>, vector<16xf32>,
      %scan3A_562 = arith.constant 0 : i32
      scf.yield %scan3A_562 : i32
    }
    %scan3A_15 = arith.constant 640 : i32
    %mul3A = arith.constant 640 : i32
    %mul3A_16 = arith.muli %arg1, %mul3A : i32
    %add3A = arith.constant 0 : i32
    %add3A_17 = arith.addi %mul3A_16, %add3A : i32
    %dma_start3A = arith.constant 0 : i32
    %dma_start3A_18 = tpu.memref_slice %arg13[%add3A_17, %dma_start3A] : memref<10240x128xf32, #tpu.memory_space<vmem_shared>> -> memref<80x128xf32, #tpu.memory_space<vmem_shared>>
    %dma_start3A_19 = arith.constant 0 : i32
    %dma_start3A_20 = tpu.memref_slice %arg13[%add3A_17, %dma_start3A_19] : memref<10240x128xf32, #tpu.memory_space<vmem_shared>> -> memref<80x128xf32, #tpu.memory_space<vmem_shared>>
    tpu.enqueue_dma source(%arg9 : memref<80x128xf32, #tpu.memory_space<vmem>>) target(%dma_start3A_20 : memref<80x128xf32, #tpu.memory_space<vmem_shared>>) target_semaphore(%arg15 : memref<!tpu.dma_semaphore, #tpu.memory_space<semaphore_mem>>)
    %dma_wait3A = arith.constant 0 : i32
    %dma_wait3A_21 = tpu.memref_slice %arg13[%add3A_17, %dma_wait3A] : memref<10240x128xf32, #tpu.memory_space<vmem_shared>> -> memref<80x128xf32, #tpu.memory_space<vmem_shared>>
    %dma_wait3A_22 = arith.constant 0 : i32
    %dma_wait3A_23 = tpu.memref_slice %arg13[%add3A_17, %dma_wait3A_22] : memref<10240x128xf32, #tpu.memory_space<vmem_shared>> -> memref<80x128xf32, #tpu.memory_space<vmem_shared>>
    tpu.wait_dma2 semaphore(%arg15 : memref<!tpu.dma_semaphore, #tpu.memory_space<semaphore_mem>>) src(%arg9 : memref<80x128xf32, #tpu.memory_space<vmem>>) dst(%dma_wait3A_23 : memref<80x128xf32, #tpu.memory_space<vmem_shared>>)
    %add3A_24 = arith.constant 80 : i32
    %add3A_25 = arith.addi %mul3A_16, %add3A_24 : i32
    %dma_start3A_26 = arith.constant 0 : i32
    %dma_start3A_27 = tpu.memref_slice %arg13[%add3A_25, %dma_start3A_26] : memref<10240x128xf32, #tpu.memory_space<vmem_shared>> -> memref<80x128xf32, #tpu.memory_space<vmem_shared>>
    %dma_start3A_28 = arith.constant 0 : i32
    %dma_start3A_29 = tpu.memref_slice %arg13[%add3A_25, %dma_start3A_28] : memref<10240x128xf32, #tpu.memory_space<vmem_shared>> -> memref<80x128xf32, #tpu.memory_space<vmem_shared>>
    tpu.enqueue_dma source(%arg9 : memref<80x128xf32, #tpu.memory_space<vmem>>) target(%dma_start3A_29 : memref<80x128xf32, #tpu.memory_space<vmem_shared>>) target_semaphore(%arg15 : memref<!tpu.dma_semaphore, #tpu.memory_space<semaphore_mem>>)
    %dma_wait3A_30 = arith.constant 0 : i32
    %dma_wait3A_31 = tpu.memref_slice %arg13[%add3A_25, %dma_wait3A_30] : memref<10240x128xf32, #tpu.memory_space<vmem_shared>> -> memref<80x128xf32, #tpu.memory_space<vmem_shared>>
    %dma_wait3A_32 = arith.constant 0 : i32
    %dma_wait3A_33 = tpu.memref_slice %arg13[%add3A_25, %dma_wait3A_32] : memref<10240x128xf32, #tpu.memory_space<vmem_shared>> -> memref<80x128xf32, #tpu.memory_space<vmem_shared>>
    tpu.wait_dma2 semaphore(%arg15 : memref<!tpu.dma_semaphore, #tpu.memory_space<semaphore_mem>>) src(%arg9 : memref<80x128xf32, #tpu.memory_space<vmem>>) dst(%dma_wait3A_33 : memref<80x128xf32, #tpu.memory_space<vmem_shared>>)
    %add3A_34 = arith.constant 160 : i32
    %add3A_35 = arith.addi %mul3A_16, %add3A_34 : i32
    %dma_start3A_36 = arith.constant 0 : i32
    %dma_start3A_37 = tpu.memref_slice %arg13[%add3A_35, %dma_start3A_36] : memref<10240x128xf32, #tpu.memory_space<vmem_shared>> -> memref<80x128xf32, #tpu.memory_space<vmem_shared>>
    %dma_start3A_38 = arith.constant 0 : i32
    %dma_start3A_39 = tpu.memref_slice %arg13[%add3A_35, %dma_start3A_38] : memref<10240x128xf32, #tpu.memory_space<vmem_shared>> -> memref<80x128xf32, #tpu.memory_space<vmem_shared>>
    tpu.enqueue_dma source(%arg9 : memref<80x128xf32, #tpu.memory_space<vmem>>) target(%dma_start3A_39 : memref<80x128xf32, #tpu.memory_space<vmem_shared>>) target_semaphore(%arg15 : memref<!tpu.dma_semaphore, #tpu.memory_space<semaphore_mem>>)
    %dma_wait3A_40 = arith.constant 0 : i32
    %dma_wait3A_41 = tpu.memref_slice %arg13[%add3A_35, %dma_wait3A_40] : memref<10240x128xf32, #tpu.memory_space<vmem_shared>> -> memref<80x128xf32, #tpu.memory_space<vmem_shared>>
    %dma_wait3A_42 = arith.constant 0 : i32
    %dma_wait3A_43 = tpu.memref_slice %arg13[%add3A_35, %dma_wait3A_42] : memref<10240x128xf32, #tpu.memory_space<vmem_shared>> -> memref<80x128xf32, #tpu.memory_space<vmem_shared>>
    tpu.wait_dma2 semaphore(%arg15 : memref<!tpu.dma_semaphore, #tpu.memory_space<semaphore_mem>>) src(%arg9 : memref<80x128xf32, #tpu.memory_space<vmem>>) dst(%dma_wait3A_43 : memref<80x128xf32, #tpu.memory_space<vmem_shared>>)
    %add3A_44 = arith.constant 240 : i32
    %add3A_45 = arith.addi %mul3A_16, %add3A_44 : i32
    %dma_start3A_46 = arith.constant 0 : i32
    %dma_start3A_47 = tpu.memref_slice %arg13[%add3A_45, %dma_start3A_46] : memref<10240x128xf32, #tpu.memory_space<vmem_shared>> -> memref<80x128xf32, #tpu.memory_space<vmem_shared>>
    %dma_start3A_48 = arith.constant 0 : i32
    %dma_start3A_49 = tpu.memref_slice %arg13[%add3A_45, %dma_start3A_48] : memref<10240x128xf32, #tpu.memory_space<vmem_shared>> -> memref<80x128xf32, #tpu.memory_space<vmem_shared>>
    tpu.enqueue_dma source(%arg9 : memref<80x128xf32, #tpu.memory_space<vmem>>) target(%dma_start3A_49 : memref<80x128xf32, #tpu.memory_space<vmem_shared>>) target_semaphore(%arg15 : memref<!tpu.dma_semaphore, #tpu.memory_space<semaphore_mem>>)
    %dma_wait3A_50 = arith.constant 0 : i32
    %dma_wait3A_51 = tpu.memref_slice %arg13[%add3A_45, %dma_wait3A_50] : memref<10240x128xf32, #tpu.memory_space<vmem_shared>> -> memref<80x128xf32, #tpu.memory_space<vmem_shared>>
    %dma_wait3A_52 = arith.constant 0 : i32
    %dma_wait3A_53 = tpu.memref_slice %arg13[%add3A_45, %dma_wait3A_52] : memref<10240x128xf32, #tpu.memory_space<vmem_shared>> -> memref<80x128xf32, #tpu.memory_space<vmem_shared>>
    tpu.wait_dma2 semaphore(%arg15 : memref<!tpu.dma_semaphore, #tpu.memory_space<semaphore_mem>>) src(%arg9 : memref<80x128xf32, #tpu.memory_space<vmem>>) dst(%dma_wait3A_53 : memref<80x128xf32, #tpu.memory_space<vmem_shared>>)
    %add3A_54 = arith.constant 320 : i32
    %add3A_55 = arith.addi %mul3A_16, %add3A_54 : i32
    %dma_start3A_56 = arith.constant 0 : i32
    %dma_start3A_57 = tpu.memref_slice %arg13[%add3A_55, %dma_start3A_56] : memref<10240x128xf32, #tpu.memory_space<vmem_shared>> -> memref<80x128xf32, #tpu.memory_space<vmem_shared>>
    %dma_start3A_58 = arith.constant 0 : i32
    %dma_start3A_59 = tpu.memref_slice %arg13[%add3A_55, %dma_start3A_58] : memref<10240x128xf32, #tpu.memory_space<vmem_shared>> -> memref<80x128xf32, #tpu.memory_space<vmem_shared>>
    tpu.enqueue_dma source(%arg9 : memref<80x128xf32, #tpu.memory_space<vmem>>) target(%dma_start3A_59 : memref<80x128xf32, #tpu.memory_space<vmem_shared>>) target_semaphore(%arg15 : memref<!tpu.dma_semaphore, #tpu.memory_space<semaphore_mem>>)
    %dma_wait3A_60 = arith.constant 0 : i32
    %dma_wait3A_61 = tpu.memref_slice %arg13[%add3A_55, %dma_wait3A_60] : memref<10240x128xf32, #tpu.memory_space<vmem_shared>> -> memref<80x128xf32, #tpu.memory_space<vmem_shared>>
    %dma_wait3A_62 = arith.constant 0 : i32
    %dma_wait3A_63 = tpu.memref_slice %arg13[%add3A_55, %dma_wait3A_62] : memref<10240x128xf32, #tpu.memory_space<vmem_shared>> -> memref<80x128xf32, #tpu.memory_space<vmem_shared>>
    tpu.wait_dma2 semaphore(%arg15 : memref<!tpu.dma_semaphore, #tpu.memory_space<semaphore_mem>>) src(%arg9 : memref<80x128xf32, #tpu.memory_space<vmem>>) dst(%dma_wait3A_63 : memref<80x128xf32, #tpu.memory_space<vmem_shared>>)
    %add3A_64 = arith.constant 400 : i32
    %add3A_65 = arith.addi %mul3A_16, %add3A_64 : i32
    %dma_start3A_66 = arith.constant 0 : i32
    %dma_start3A_67 = tpu.memref_slice %arg13[%add3A_65, %dma_start3A_66] : memref<10240x128xf32, #tpu.memory_space<vmem_shared>> -> memref<80x128xf32, #tpu.memory_space<vmem_shared>>
    %dma_start3A_68 = arith.constant 0 : i32
    %dma_start3A_69 = tpu.memref_slice %arg13[%add3A_65, %dma_start3A_68] : memref<10240x128xf32, #tpu.memory_space<vmem_shared>> -> memref<80x128xf32, #tpu.memory_space<vmem_shared>>
    tpu.enqueue_dma source(%arg9 : memref<80x128xf32, #tpu.memory_space<vmem>>) target(%dma_start3A_69 : memref<80x128xf32, #tpu.memory_space<vmem_shared>>) target_semaphore(%arg15 : memref<!tpu.dma_semaphore, #tpu.memory_space<semaphore_mem>>)
    %dma_wait3A_70 = arith.constant 0 : i32
    %dma_wait3A_71 = tpu.memref_slice %arg13[%add3A_65, %dma_wait3A_70] : memref<10240x128xf32, #tpu.memory_space<vmem_shared>> -> memref<80x128xf32, #tpu.memory_space<vmem_shared>>
    %dma_wait3A_72 = arith.constant 0 : i32
    %dma_wait3A_73 = tpu.memref_slice %arg13[%add3A_65, %dma_wait3A_72] : memref<10240x128xf32, #tpu.memory_space<vmem_shared>> -> memref<80x128xf32, #tpu.memory_space<vmem_shared>>
    tpu.wait_dma2 semaphore(%arg15 : memref<!tpu.dma_semaphore, #tpu.memory_space<semaphore_mem>>) src(%arg9 : memref<80x128xf32, #tpu.memory_space<vmem>>) dst(%dma_wait3A_73 : memref<80x128xf32, #tpu.memory_space<vmem_shared>>)
    %add3A_74 = arith.constant 480 : i32
    %add3A_75 = arith.addi %mul3A_16, %add3A_74 : i32
    %dma_start3A_76 = arith.constant 0 : i32
    %dma_start3A_77 = tpu.memref_slice %arg13[%add3A_75, %dma_start3A_76] : memref<10240x128xf32, #tpu.memory_space<vmem_shared>> -> memref<80x128xf32, #tpu.memory_space<vmem_shared>>
    %dma_start3A_78 = arith.constant 0 : i32
    %dma_start3A_79 = tpu.memref_slice %arg13[%add3A_75, %dma_start3A_78] : memref<10240x128xf32, #tpu.memory_space<vmem_shared>> -> memref<80x128xf32, #tpu.memory_space<vmem_shared>>
    tpu.enqueue_dma source(%arg9 : memref<80x128xf32, #tpu.memory_space<vmem>>) target(%dma_start3A_79 : memref<80x128xf32, #tpu.memory_space<vmem_shared>>) target_semaphore(%arg15 : memref<!tpu.dma_semaphore, #tpu.memory_space<semaphore_mem>>)
    %dma_wait3A_80 = arith.constant 0 : i32
    %dma_wait3A_81 = tpu.memref_slice %arg13[%add3A_75, %dma_wait3A_80] : memref<10240x128xf32, #tpu.memory_space<vmem_shared>> -> memref<80x128xf32, #tpu.memory_space<vmem_shared>>
    %dma_wait3A_82 = arith.constant 0 : i32
    %dma_wait3A_83 = tpu.memref_slice %arg13[%add3A_75, %dma_wait3A_82] : memref<10240x128xf32, #tpu.memory_space<vmem_shared>> -> memref<80x128xf32, #tpu.memory_space<vmem_shared>>
    tpu.wait_dma2 semaphore(%arg15 : memref<!tpu.dma_semaphore, #tpu.memory_space<semaphore_mem>>) src(%arg9 : memref<80x128xf32, #tpu.memory_space<vmem>>) dst(%dma_wait3A_83 : memref<80x128xf32, #tpu.memory_space<vmem_shared>>)
    %add3A_84 = arith.constant 560 : i32
    %add3A_85 = arith.addi %mul3A_16, %add3A_84 : i32
    %dma_start3A_86 = arith.constant 0 : i32
    %dma_start3A_87 = tpu.memref_slice %arg13[%add3A_85, %dma_start3A_86] : memref<10240x128xf32, #tpu.memory_space<vmem_shared>> -> memref<80x128xf32, #tpu.memory_space<vmem_shared>>
    %dma_start3A_88 = arith.constant 0 : i32
    %dma_start3A_89 = tpu.memref_slice %arg13[%add3A_85, %dma_start3A_88] : memref<10240x128xf32, #tpu.memory_space<vmem_shared>> -> memref<80x128xf32, #tpu.memory_space<vmem_shared>>
    tpu.enqueue_dma source(%arg9 : memref<80x128xf32, #tpu.memory_space<vmem>>) target(%dma_start3A_89 : memref<80x128xf32, #tpu.memory_space<vmem_shared>>) target_semaphore(%arg15 : memref<!tpu.dma_semaphore, #tpu.memory_space<semaphore_mem>>)
    %dma_wait3A_90 = arith.constant 0 : i32
    %dma_wait3A_91 = tpu.memref_slice %arg13[%add3A_85, %dma_wait3A_90] : memref<10240x128xf32, #tpu.memory_space<vmem_shared>> -> memref<80x128xf32, #tpu.memory_space<vmem_shared>>
    %dma_wait3A_92 = arith.constant 0 : i32
    %dma_wait3A_93 = tpu.memref_slice %arg13[%add3A_85, %dma_wait3A_92] : memref<10240x128xf32, #tpu.memory_space<vmem_shared>> -> memref<80x128xf32, #tpu.memory_space<vmem_shared>>
    tpu.wait_dma2 semaphore(%arg15 : memref<!tpu.dma_semaphore, #tpu.memory_space<semaphore_mem>>) src(%arg9 : memref<80x128xf32, #tpu.memory_space<vmem>>) dst(%dma_wait3A_93 : memref<80x128xf32, #tpu.memory_space<vmem_shared>>)
    %barrier3A = arith.constant 0 : index
    tpu.barrier barrier_id(%barrier3A)
    %mul3A_94 = arith.constant 20000 : i32
    %mul3A_95 = arith.muli %arg1, %mul3A_94 : i32
    %mul3A_96 = arith.constant 10000 : i32
    %mul3A_97 = arith.muli %arg0, %mul3A_96 : i32
    %broadcast_in_dim3A_98 = arith.constant 0 : i32
    %broadcast_in_dim3A_99 = vector.broadcast %broadcast_in_dim3A_98 : i32 to vector<16xi32>
    %scan3A_100 = arith.constant 0 : i32
    %scan3A_101 = arith.constant 0 : i32
    %scan3A_102 = arith.constant 250 : i32
    %scan3A_103 = arith.addi %scan3A_101, %scan3A_102 : i32
    %scan3A_104 = arith.constant 1 : i32
    %scan3A_105 = scf.for %scan3A_557 = %scan3A_101 to %scan3A_103 step %scan3A_104 iter_args(%scan3A_558 = %scan3A_100) -> (i32)  : i32 {
      %and3A = arith.constant 1 : i32
      %and3A_559 = arith.andi %scan3A_557, %and3A : i32
      %mul3A_560 = arith.constant 250 : i32
      %mul3A_561 = arith.muli %arg1, %mul3A_560 : i32
      %add3A_562 = arith.addi %mul3A_561, %scan3A_557 : i32
      "tpu.region"() ({
        %run_scoped3A = tpu.sem_alloc : memref<!tpu.dma_semaphore, #tpu.memory_space<semaphore_mem>>
        %dma_start3A_601 = arith.constant 0 : i32
        %dma_start3A_602 = arith.constant 0 : i32
        %dma_start3A_603 = tpu.memref_slice %arg7[%and3A_559, %dma_start3A_601, %dma_start3A_602] : memref<2x8x80xi32, #tpu.memory_space<vmem>> -> memref<1x8x80xi32, #tpu.memory_space<vmem>>
        %dma_start3A_604 = tpu.memref_squeeze %dma_start3A_603 : memref<1x8x80xi32, #tpu.memory_space<vmem>> -> memref<8x80xi32, #tpu.memory_space<vmem>>
        %dma_start3A_605 = arith.constant 0 : i32
        %dma_start3A_606 = arith.constant 0 : i32
        %dma_start3A_607 = tpu.memref_slice %arg4[%add3A_562, %dma_start3A_605, %dma_start3A_606] : memref<4000x8x80xi32, #tpu.memory_space<hbm>> -> memref<1x8x80xi32, #tpu.memory_space<hbm>>
        %dma_start3A_608 = tpu.memref_squeeze %dma_start3A_607 : memref<1x8x80xi32, #tpu.memory_space<hbm>> -> memref<8x80xi32, #tpu.memory_space<hbm>>
        %dma_start3A_609 = arith.constant 0 : i32
        %dma_start3A_610 = arith.constant 0 : i32
        %dma_start3A_611 = tpu.memref_slice %arg7[%and3A_559, %dma_start3A_609, %dma_start3A_610] : memref<2x8x80xi32, #tpu.memory_space<vmem>> -> memref<1x8x80xi32, #tpu.memory_space<vmem>>
        %dma_start3A_612 = tpu.memref_squeeze %dma_start3A_611 : memref<1x8x80xi32, #tpu.memory_space<vmem>> -> memref<8x80xi32, #tpu.memory_space<vmem>>
        %dma_start3A_613 = arith.constant 0 : i32
        %dma_start3A_614 = arith.constant 0 : i32
        %dma_start3A_615 = tpu.memref_slice %arg4[%add3A_562, %dma_start3A_613, %dma_start3A_614] : memref<4000x8x80xi32, #tpu.memory_space<hbm>> -> memref<1x8x80xi32, #tpu.memory_space<hbm>>
        %dma_start3A_616 = tpu.memref_squeeze %dma_start3A_615 : memref<1x8x80xi32, #tpu.memory_space<hbm>> -> memref<8x80xi32, #tpu.memory_space<hbm>>
        tpu.enqueue_dma source(%dma_start3A_616 : memref<8x80xi32, #tpu.memory_space<hbm>>) target(%dma_start3A_612 : memref<8x80xi32, #tpu.memory_space<vmem>>) target_semaphore(%run_scoped3A : memref<!tpu.dma_semaphore, #tpu.memory_space<semaphore_mem>>)
        %dma_wait3A_617 = arith.constant 0 : i32
        %dma_wait3A_618 = arith.constant 0 : i32
        %dma_wait3A_619 = tpu.memref_slice %arg7[%and3A_559, %dma_wait3A_617, %dma_wait3A_618] : memref<2x8x80xi32, #tpu.memory_space<vmem>> -> memref<1x8x80xi32, #tpu.memory_space<vmem>>
        %dma_wait3A_620 = tpu.memref_squeeze %dma_wait3A_619 : memref<1x8x80xi32, #tpu.memory_space<vmem>> -> memref<8x80xi32, #tpu.memory_space<vmem>>
        %dma_wait3A_621 = arith.constant 0 : i32
        %dma_wait3A_622 = arith.constant 0 : i32
        %dma_wait3A_623 = tpu.memref_slice %arg4[%add3A_562, %dma_wait3A_621, %dma_wait3A_622] : memref<4000x8x80xi32, #tpu.memory_space<hbm>> -> memref<1x8x80xi32, #tpu.memory_space<hbm>>
        %dma_wait3A_624 = tpu.memref_squeeze %dma_wait3A_623 : memref<1x8x80xi32, #tpu.memory_space<hbm>> -> memref<8x80xi32, #tpu.memory_space<hbm>>
        %dma_wait3A_625 = arith.constant 0 : i32
        %dma_wait3A_626 = arith.constant 0 : i32
        %dma_wait3A_627 = tpu.memref_slice %arg7[%and3A_559, %dma_wait3A_625, %dma_wait3A_626] : memref<2x8x80xi32, #tpu.memory_space<vmem>> -> memref<1x8x80xi32, #tpu.memory_space<vmem>>
        %dma_wait3A_628 = tpu.memref_squeeze %dma_wait3A_627 : memref<1x8x80xi32, #tpu.memory_space<vmem>> -> memref<8x80xi32, #tpu.memory_space<vmem>>
        %dma_wait3A_629 = arith.constant 0 : i32
        %dma_wait3A_630 = arith.constant 0 : i32
        %dma_wait3A_631 = tpu.memref_slice %arg4[%add3A_562, %dma_wait3A_629, %dma_wait3A_630] : memref<4000x8x80xi32, #tpu.memory_space<hbm>> -> memref<1x8x80xi32, #tpu.memory_space<hbm>>
        %dma_wait3A_632 = tpu.memref_squeeze %dma_wait3A_631 : memref<1x8x80xi32, #tpu.memory_space<hbm>> -> memref<8x80xi32, #tpu.memory_space<hbm>>
        tpu.wait_dma2 semaphore(%run_scoped3A : memref<!tpu.dma_semaphore, #tpu.memory_space<semaphore_mem>>) src(%dma_wait3A_632 : memref<8x80xi32, #tpu.memory_space<hbm>>) dst(%dma_wait3A_628 : memref<8x80xi32, #tpu.memory_space<vmem>>)
        tpu.yield
      }) : () -> ()
      %gt3A = arith.constant 0 : i32
      %gt3A_563 = arith.cmpi sgt, %scan3A_557, %gt3A : i32
      %convert_element_type3A = arith.extui %gt3A_563 : i1 to i32
      %cond3A = arith.constant 0 : i32
      %cond3A_564 = arith.cmpi ne, %convert_element_type3A, %cond3A : i32
      scf.if %cond3A_564 {
        %dma_wait3A_601 = arith.constant 0 : i32
        %dma_wait3A_602 = arith.constant 0 : i32
        %dma_wait3A_603 = tpu.memref_slice %arg2[%dma_wait3A_601, %dma_wait3A_602] : memref<20000x128xf32, #tpu.memory_space<hbm>> -> memref<80x128xf32, #tpu.memory_space<hbm>>
        %dma_wait3A_604 = arith.constant 0 : i32
        %dma_wait3A_605 = arith.constant 0 : i32
        %dma_wait3A_606 = tpu.memref_slice %arg2[%dma_wait3A_604, %dma_wait3A_605] : memref<20000x128xf32, #tpu.memory_space<hbm>> -> memref<80x128xf32, #tpu.memory_space<hbm>>
        tpu.wait_dma2 semaphore(%arg17 : memref<!tpu.dma_semaphore, #tpu.memory_space<semaphore_mem>>) src(%dma_wait3A_606 : memref<80x128xf32, #tpu.memory_space<hbm>>) dst(%arg9 : memref<80x128xf32, #tpu.memory_space<vmem>>)
      } else {
      }
      %eq3A_565 = arith.constant 0 : i32
      %eq3A_566 = arith.cmpi eq, %arg0, %eq3A_565 : i32
      %convert_element_type3A_567 = arith.extui %eq3A_566 : i1 to i32
      %cond3A_568 = arith.constant 0 : i32
      %cond3A_569 = arith.cmpi ne, %convert_element_type3A_567, %cond3A_568 : i32
      scf.if %cond3A_569 {
        %dma_start3A_601 = arith.constant 1 : i32
        %dma_start3A_602 = arith.constant 0 : i32
        %dma_start3A_603 = tpu.memref_slice %arg7[%and3A_559, %dma_start3A_601, %dma_start3A_602] : memref<2x8x80xi32, #tpu.memory_space<vmem>> -> memref<1x1x80xi32, #tpu.memory_space<vmem>>
        %dma_start3A_604 = tpu.memref_squeeze %dma_start3A_603 : memref<1x1x80xi32, #tpu.memory_space<vmem>> -> memref<80xi32, #tpu.memory_space<vmem>>
        %dma_start3A_605 = arith.constant 0 : i32
        %dma_start3A_606 = arith.constant 0 : i32
        %dma_start3A_607 = tpu.memref_slice %arg2[%dma_start3A_605, %dma_start3A_606] : memref<20000x128xf32, #tpu.memory_space<hbm>> -> memref<20000x128xf32, #tpu.memory_space<hbm>>
        tpu.enqueue_indirect_dma source(%dma_start3A_607 : memref<20000x128xf32, #tpu.memory_space<hbm>>) target(%arg9 : memref<80x128xf32, #tpu.memory_space<vmem>>) offsets(%dma_start3A_604 : memref<80xi32, #tpu.memory_space<vmem>>) semaphore(%arg16 : memref<!tpu.dma_semaphore, #tpu.memory_space<semaphore_mem>>)
      } else {
      }
      %eq3A_570 = arith.constant 1 : i32
      %eq3A_571 = arith.cmpi eq, %arg0, %eq3A_570 : i32
      %convert_element_type3A_572 = arith.extui %eq3A_571 : i1 to i32
      %cond3A_573 = arith.constant 0 : i32
      %cond3A_574 = arith.cmpi ne, %convert_element_type3A_572, %cond3A_573 : i32
      scf.if %cond3A_574 {
        %dma_start3A_601 = arith.constant 2 : i32
        %dma_start3A_602 = arith.constant 0 : i32
        %dma_start3A_603 = tpu.memref_slice %arg7[%and3A_559, %dma_start3A_601, %dma_start3A_602] : memref<2x8x80xi32, #tpu.memory_space<vmem>> -> memref<1x1x80xi32, #tpu.memory_space<vmem>>
        %dma_start3A_604 = tpu.memref_squeeze %dma_start3A_603 : memref<1x1x80xi32, #tpu.memory_space<vmem>> -> memref<80xi32, #tpu.memory_space<vmem>>
        %dma_start3A_605 = arith.constant 0 : i32
        %dma_start3A_606 = arith.constant 0 : i32
        %dma_start3A_607 = tpu.memref_slice %arg2[%dma_start3A_605, %dma_start3A_606] : memref<20000x128xf32, #tpu.memory_space<hbm>> -> memref<20000x128xf32, #tpu.memory_space<hbm>>
        tpu.enqueue_indirect_dma source(%dma_start3A_607 : memref<20000x128xf32, #tpu.memory_space<hbm>>) target(%arg9 : memref<80x128xf32, #tpu.memory_space<vmem>>) offsets(%dma_start3A_604 : memref<80xi32, #tpu.memory_space<vmem>>) semaphore(%arg16 : memref<!tpu.dma_semaphore, #tpu.memory_space<semaphore_mem>>)
      } else {
      }
      %parallel_loop3A = arith.constant 0 : i32
      %parallel_loop3A_575 = arith.constant 5 : i32
      %parallel_loop3A_576 = arith.constant 1 : i32
      scf.for %parallel_loop3A_601 = %parallel_loop3A to %parallel_loop3A_575 step %parallel_loop3A_576  : i32 {
        %parallel_loop3A_602 = arith.constant 16 : i32
        %parallel_loop3A_603 = arith.muli %parallel_loop3A_601, %parallel_loop3A_602 : i32
        %parallel_loop3A_604 = arith.constant 0 : i32
        %parallel_loop3A_605 = arith.index_cast %and3A_559 : i32 to index
        %parallel_loop3A_606 = arith.index_cast %parallel_loop3A_604 : i32 to index
        %parallel_loop3A_607 = arith.index_cast %parallel_loop3A_603 : i32 to index
        %parallel_loop3A_608 = tpu.vector_load %arg7[%parallel_loop3A_605, %parallel_loop3A_606, %parallel_loop3A_607] {strides = array<i32>} : memref<2x8x80xi32, #tpu.memory_space<vmem>>, vector<16xi32>,
        %parallel_loop3A_609 = arith.constant 1 : i32
        %parallel_loop3A_610 = arith.index_cast %and3A_559 : i32 to index
        %parallel_loop3A_611 = arith.index_cast %parallel_loop3A_609 : i32 to index
        %parallel_loop3A_612 = arith.index_cast %parallel_loop3A_603 : i32 to index
        %parallel_loop3A_613 = tpu.vector_load %arg7[%parallel_loop3A_610, %parallel_loop3A_611, %parallel_loop3A_612] {strides = array<i32>} : memref<2x8x80xi32, #tpu.memory_space<vmem>>, vector<16xi32>,
        %parallel_loop3A_614 = tpu.vector_load_idx %arg6[%parallel_loop3A_608] : memref<10000xf32, #tpu.memory_space<vmem>>[vector<16xi32>], vector<16xf32>,
        %parallel_loop3A_615 = tpu.vector_load_idx %arg6[%parallel_loop3A_613] : memref<10000xf32, #tpu.memory_space<vmem>>[vector<16xi32>], vector<16xf32>,
        %parallel_loop3A_616 = vector.broadcast %select_n3A : f32 to vector<16xf32>
        %parallel_loop3A_617 = arith.mulf %parallel_loop3A_616, %parallel_loop3A_615 : vector<16xf32>
        %parallel_loop3A_618 = arith.addf %parallel_loop3A_614, %parallel_loop3A_617 : vector<16xf32>
        %parallel_loop3A_619 = arith.constant 0.000000e+00 : f32
        %parallel_loop3A_620 = vector.broadcast %parallel_loop3A_619 : f32 to vector<16xf32>
        %parallel_loop3A_621 = arith.cmpf oge, %parallel_loop3A_618, %parallel_loop3A_620 : vector<16xf32>
        %parallel_loop3A_622 = arith.constant 2.000000e-01 : f32
        %parallel_loop3A_623 = vector.broadcast %parallel_loop3A_622 : f32 to vector<16xf32>
        %parallel_loop3A_624 = arith.mulf %parallel_loop3A_623, %parallel_loop3A_618 : vector<16xf32>
        %parallel_loop3A_625 = arith.select %parallel_loop3A_621, %parallel_loop3A_618, %parallel_loop3A_624 : vector<16xi1>, vector<16xf32>
        %parallel_loop3A_626 = arith.constant 0.000000e+00 : f32
        %parallel_loop3A_627 = vector.broadcast %parallel_loop3A_626 : f32 to vector<16xf32>
        %parallel_loop3A_628 = arith.subf %parallel_loop3A_627, %parallel_loop3A_625 : vector<16xf32>
        %parallel_loop3A_629 = math.exp %parallel_loop3A_628 : vector<16xf32>
        %parallel_loop3A_630 = arith.index_cast %parallel_loop3A_603 : i32 to index
        %parallel_loop3A_631 = tpu.vector_load %arg8[%parallel_loop3A_630] {strides = array<i32>} : memref<80xf32, #tpu.memory_space<vmem>>, vector<16xf32>,
        tpu.vector_store %arg8[%parallel_loop3A_630], %parallel_loop3A_629 {strides = array<i32>} : memref<80xf32, #tpu.memory_space<vmem>>, vector<16xf32>,
      } {sc.loop_unroll_factor = 2 : i64, sc.parallel_access}
      %scan3A_577 = arith.constant 0 : i32
      %scan3A_578 = arith.constant 0 : i32
      %scan3A_579 = arith.constant 80 : i32
      %scan3A_580 = arith.addi %scan3A_578, %scan3A_579 : i32
      %scan3A_581 = arith.constant 1 : i32
      %scan3A_582 = scf.for %scan3A_601 = %scan3A_578 to %scan3A_580 step %scan3A_581 iter_args(%scan3A_602 = %scan3A_577) -> (i32)  : i32 {
        %broadcast_in_dim3A_603 = vector.broadcast %scan3A_601 : i32 to vector<16xi32>
        %gather3A = tpu.vector_load_idx %arg8[%broadcast_in_dim3A_603] : memref<80xf32, #tpu.memory_space<vmem>>[vector<16xi32>], vector<16xf32>,
        %broadcast_in_dim3A_604 = vector.broadcast %and3A_559 : i32 to vector<16xi32>
        %gather3A_605 = tpu.vector_load_idx %arg7[%broadcast_in_dim3A_604, %broadcast_in_dim3A_99, %broadcast_in_dim3A_603] : memref<2x8x80xi32, #tpu.memory_space<vmem>>[vector<16xi32>, vector<16xi32>, vector<16xi32>], vector<16xi32>,
        %gather3A_606 = tpu.vector_load_idx %arg10[%gather3A_605] : memref<10240xf32, #tpu.memory_space<vmem>>[vector<16xi32>], vector<16xf32>,
        %add3A_607 = arith.addf %gather3A_606, %gather3A : vector<16xf32>
        tpu.vector_store_idx %arg10[%gather3A_605], %add3A_607 : memref<10240xf32, #tpu.memory_space<vmem>>[vector<16xi32>], vector<16xf32>,
        %scan3A_608 = arith.constant 0 : i32
        scf.yield %scan3A_608 : i32
      }
      %scan3A_583 = arith.constant 80 : i32
      %dma_wait3A_584 = arith.constant 0 : i32
      %dma_wait3A_585 = arith.constant 0 : i32
      %dma_wait3A_586 = tpu.memref_slice %arg2[%dma_wait3A_584, %dma_wait3A_585] : memref<20000x128xf32, #tpu.memory_space<hbm>> -> memref<80x128xf32, #tpu.memory_space<hbm>>
      %dma_wait3A_587 = arith.constant 0 : i32
      %dma_wait3A_588 = arith.constant 0 : i32
      %dma_wait3A_589 = tpu.memref_slice %arg2[%dma_wait3A_587, %dma_wait3A_588] : memref<20000x128xf32, #tpu.memory_space<hbm>> -> memref<80x128xf32, #tpu.memory_space<hbm>>
      tpu.wait_dma2 semaphore(%arg16 : memref<!tpu.dma_semaphore, #tpu.memory_space<semaphore_mem>>) src(%dma_wait3A_589 : memref<80x128xf32, #tpu.memory_space<hbm>>) dst(%arg9 : memref<80x128xf32, #tpu.memory_space<vmem>>)
      %parallel_loop3A_590 = arith.constant 0 : i32
      %parallel_loop3A_591 = arith.constant 80 : i32
      %parallel_loop3A_592 = arith.constant 1 : i32
      scf.for %parallel_loop3A_601 = %parallel_loop3A_590 to %parallel_loop3A_591 step %parallel_loop3A_592  : i32 {
        %parallel_loop3A_602 = vector.broadcast %parallel_loop3A_601 : i32 to vector<16xi32>
        %parallel_loop3A_603 = tpu.vector_load_idx %arg8[%parallel_loop3A_602] : memref<80xf32, #tpu.memory_space<vmem>>[vector<16xi32>], vector<16xf32>,
        %parallel_loop3A_604 = arith.index_cast %parallel_loop3A_601 : i32 to index
        %parallel_loop3A_605 = arith.constant 0 : index
        %parallel_loop3A_606 = tpu.vector_load %arg9[%parallel_loop3A_604, %parallel_loop3A_605] {strides = array<i32>} : memref<80x128xf32, #tpu.memory_space<vmem>>, vector<16xf32>,
        %parallel_loop3A_607 = arith.mulf %parallel_loop3A_606, %parallel_loop3A_603 : vector<16xf32>
        %parallel_loop3A_608 = arith.index_cast %parallel_loop3A_601 : i32 to index
        %parallel_loop3A_609 = arith.constant 0 : index
        %parallel_loop3A_610 = tpu.vector_load %arg9[%parallel_loop3A_608, %parallel_loop3A_609] {strides = array<i32>} : memref<80x128xf32, #tpu.memory_space<vmem>>, vector<16xf32>,
        tpu.vector_store %arg9[%parallel_loop3A_608, %parallel_loop3A_609], %parallel_loop3A_607 {strides = array<i32>} : memref<80x128xf32, #tpu.memory_space<vmem>>, vector<16xf32>,
        %parallel_loop3A_611 = arith.index_cast %parallel_loop3A_601 : i32 to index
        %parallel_loop3A_612 = arith.constant 16 : index
        %parallel_loop3A_613 = tpu.vector_load %arg9[%parallel_loop3A_611, %parallel_loop3A_612] {strides = array<i32>} : memref<80x128xf32, #tpu.memory_space<vmem>>, vector<16xf32>,
        %parallel_loop3A_614 = arith.mulf %parallel_loop3A_613, %parallel_loop3A_603 : vector<16xf32>
        %parallel_loop3A_615 = arith.index_cast %parallel_loop3A_601 : i32 to index
        %parallel_loop3A_616 = arith.constant 16 : index
        %parallel_loop3A_617 = tpu.vector_load %arg9[%parallel_loop3A_615, %parallel_loop3A_616] {strides = array<i32>} : memref<80x128xf32, #tpu.memory_space<vmem>>, vector<16xf32>,
        tpu.vector_store %arg9[%parallel_loop3A_615, %parallel_loop3A_616], %parallel_loop3A_614 {strides = array<i32>} : memref<80x128xf32, #tpu.memory_space<vmem>>, vector<16xf32>,
        %parallel_loop3A_618 = arith.index_cast %parallel_loop3A_601 : i32 to index
        %parallel_loop3A_619 = arith.constant 32 : index
        %parallel_loop3A_620 = tpu.vector_load %arg9[%parallel_loop3A_618, %parallel_loop3A_619] {strides = array<i32>} : memref<80x128xf32, #tpu.memory_space<vmem>>, vector<16xf32>,
        %parallel_loop3A_621 = arith.mulf %parallel_loop3A_620, %parallel_loop3A_603 : vector<16xf32>
        %parallel_loop3A_622 = arith.index_cast %parallel_loop3A_601 : i32 to index
        %parallel_loop3A_623 = arith.constant 32 : index
        %parallel_loop3A_624 = tpu.vector_load %arg9[%parallel_loop3A_622, %parallel_loop3A_623] {strides = array<i32>} : memref<80x128xf32, #tpu.memory_space<vmem>>, vector<16xf32>,
        tpu.vector_store %arg9[%parallel_loop3A_622, %parallel_loop3A_623], %parallel_loop3A_621 {strides = array<i32>} : memref<80x128xf32, #tpu.memory_space<vmem>>, vector<16xf32>,
        %parallel_loop3A_625 = arith.index_cast %parallel_loop3A_601 : i32 to index
        %parallel_loop3A_626 = arith.constant 48 : index
        %parallel_loop3A_627 = tpu.vector_load %arg9[%parallel_loop3A_625, %parallel_loop3A_626] {strides = array<i32>} : memref<80x128xf32, #tpu.memory_space<vmem>>, vector<16xf32>,
        %parallel_loop3A_628 = arith.mulf %parallel_loop3A_627, %parallel_loop3A_603 : vector<16xf32>
        %parallel_loop3A_629 = arith.index_cast %parallel_loop3A_601 : i32 to index
        %parallel_loop3A_630 = arith.constant 48 : index
        %parallel_loop3A_631 = tpu.vector_load %arg9[%parallel_loop3A_629, %parallel_loop3A_630] {strides = array<i32>} : memref<80x128xf32, #tpu.memory_space<vmem>>, vector<16xf32>,
        tpu.vector_store %arg9[%parallel_loop3A_629, %parallel_loop3A_630], %parallel_loop3A_628 {strides = array<i32>} : memref<80x128xf32, #tpu.memory_space<vmem>>, vector<16xf32>,
        %parallel_loop3A_632 = arith.index_cast %parallel_loop3A_601 : i32 to index
        %parallel_loop3A_633 = arith.constant 64 : index
        %parallel_loop3A_634 = tpu.vector_load %arg9[%parallel_loop3A_632, %parallel_loop3A_633] {strides = array<i32>} : memref<80x128xf32, #tpu.memory_space<vmem>>, vector<16xf32>,
        %parallel_loop3A_635 = arith.mulf %parallel_loop3A_634, %parallel_loop3A_603 : vector<16xf32>
        %parallel_loop3A_636 = arith.index_cast %parallel_loop3A_601 : i32 to index
        %parallel_loop3A_637 = arith.constant 64 : index
        %parallel_loop3A_638 = tpu.vector_load %arg9[%parallel_loop3A_636, %parallel_loop3A_637] {strides = array<i32>} : memref<80x128xf32, #tpu.memory_space<vmem>>, vector<16xf32>,
        tpu.vector_store %arg9[%parallel_loop3A_636, %parallel_loop3A_637], %parallel_loop3A_635 {strides = array<i32>} : memref<80x128xf32, #tpu.memory_space<vmem>>, vector<16xf32>,
        %parallel_loop3A_639 = arith.index_cast %parallel_loop3A_601 : i32 to index
        %parallel_loop3A_640 = arith.constant 80 : index
        %parallel_loop3A_641 = tpu.vector_load %arg9[%parallel_loop3A_639, %parallel_loop3A_640] {strides = array<i32>} : memref<80x128xf32, #tpu.memory_space<vmem>>, vector<16xf32>,
        %parallel_loop3A_642 = arith.mulf %parallel_loop3A_641, %parallel_loop3A_603 : vector<16xf32>
        %parallel_loop3A_643 = arith.index_cast %parallel_loop3A_601 : i32 to index
        %parallel_loop3A_644 = arith.constant 80 : index
        %parallel_loop3A_645 = tpu.vector_load %arg9[%parallel_loop3A_643, %parallel_loop3A_644] {strides = array<i32>} : memref<80x128xf32, #tpu.memory_space<vmem>>, vector<16xf32>,
        tpu.vector_store %arg9[%parallel_loop3A_643, %parallel_loop3A_644], %parallel_loop3A_642 {strides = array<i32>} : memref<80x128xf32, #tpu.memory_space<vmem>>, vector<16xf32>,
        %parallel_loop3A_646 = arith.index_cast %parallel_loop3A_601 : i32 to index
        %parallel_loop3A_647 = arith.constant 96 : index
        %parallel_loop3A_648 = tpu.vector_load %arg9[%parallel_loop3A_646, %parallel_loop3A_647] {strides = array<i32>} : memref<80x128xf32, #tpu.memory_space<vmem>>, vector<16xf32>,
        %parallel_loop3A_649 = arith.mulf %parallel_loop3A_648, %parallel_loop3A_603 : vector<16xf32>
        %parallel_loop3A_650 = arith.index_cast %parallel_loop3A_601 : i32 to index
        %parallel_loop3A_651 = arith.constant 96 : index
        %parallel_loop3A_652 = tpu.vector_load %arg9[%parallel_loop3A_650, %parallel_loop3A_651] {strides = array<i32>} : memref<80x128xf32, #tpu.memory_space<vmem>>, vector<16xf32>,
        tpu.vector_store %arg9[%parallel_loop3A_650, %parallel_loop3A_651], %parallel_loop3A_649 {strides = array<i32>} : memref<80x128xf32, #tpu.memory_space<vmem>>, vector<16xf32>,
        %parallel_loop3A_653 = arith.index_cast %parallel_loop3A_601 : i32 to index
        %parallel_loop3A_654 = arith.constant 112 : index
        %parallel_loop3A_655 = tpu.vector_load %arg9[%parallel_loop3A_653, %parallel_loop3A_654] {strides = array<i32>} : memref<80x128xf32, #tpu.memory_space<vmem>>, vector<16xf32>,
        %parallel_loop3A_656 = arith.mulf %parallel_loop3A_655, %parallel_loop3A_603 : vector<16xf32>
        %parallel_loop3A_657 = arith.index_cast %parallel_loop3A_601 : i32 to index
        %parallel_loop3A_658 = arith.constant 112 : index
        %parallel_loop3A_659 = tpu.vector_load %arg9[%parallel_loop3A_657, %parallel_loop3A_658] {strides = array<i32>} : memref<80x128xf32, #tpu.memory_space<vmem>>, vector<16xf32>,
        tpu.vector_store %arg9[%parallel_loop3A_657, %parallel_loop3A_658], %parallel_loop3A_656 {strides = array<i32>} : memref<80x128xf32, #tpu.memory_space<vmem>>, vector<16xf32>,
      } {sc.loop_unroll_factor = 4 : i64, sc.parallel_access}
      %dma_start3A_593 = arith.constant 0 : i32
      %dma_start3A_594 = arith.constant 0 : i32
      %dma_start3A_595 = tpu.memref_slice %arg7[%and3A_559, %dma_start3A_593, %dma_start3A_594] : memref<2x8x80xi32, #tpu.memory_space<vmem>> -> memref<1x1x80xi32, #tpu.memory_space<vmem>>
      %dma_start3A_596 = tpu.memref_squeeze %dma_start3A_595 : memref<1x1x80xi32, #tpu.memory_space<vmem>> -> memref<80xi32, #tpu.memory_space<vmem>>
      %dma_start3A_597 = arith.constant 0 : i32
      %dma_start3A_598 = arith.constant 0 : i32
      %dma_start3A_599 = tpu.memref_slice %arg13[%dma_start3A_597, %dma_start3A_598] : memref<10240x128xf32, #tpu.memory_space<vmem_shared>> -> memref<10240x128xf32, #tpu.memory_space<vmem_shared>>
      tpu.enqueue_indirect_dma source(%arg9 : memref<80x128xf32, #tpu.memory_space<vmem>>) target(%dma_start3A_599 : memref<10240x128xf32, #tpu.memory_space<vmem_shared>>) offsets(%dma_start3A_596 : memref<80xi32, #tpu.memory_space<vmem>>) semaphore(%arg17 : memref<!tpu.dma_semaphore, #tpu.memory_space<semaphore_mem>>) {add = true}
      %scan3A_600 = arith.constant 0 : i32
      scf.yield %scan3A_600 : i32
    }
    %scan3A_106 = arith.constant 250 : i32
    %dma_wait3A_107 = arith.constant 0 : i32
    %dma_wait3A_108 = arith.constant 0 : i32
    %dma_wait3A_109 = tpu.memref_slice %arg2[%dma_wait3A_107, %dma_wait3A_108] : memref<20000x128xf32, #tpu.memory_space<hbm>> -> memref<80x128xf32, #tpu.memory_space<hbm>>
    %dma_wait3A_110 = arith.constant 0 : i32
    %dma_wait3A_111 = arith.constant 0 : i32
    %dma_wait3A_112 = tpu.memref_slice %arg2[%dma_wait3A_110, %dma_wait3A_111] : memref<20000x128xf32, #tpu.memory_space<hbm>> -> memref<80x128xf32, #tpu.memory_space<hbm>>
    tpu.wait_dma2 semaphore(%arg17 : memref<!tpu.dma_semaphore, #tpu.memory_space<semaphore_mem>>) src(%dma_wait3A_112 : memref<80x128xf32, #tpu.memory_space<hbm>>) dst(%arg9 : memref<80x128xf32, #tpu.memory_space<vmem>>)
    %dma_start3A_113 = arith.constant 0 : i32
    %dma_start3A_114 = tpu.memref_slice %arg14[%arg1, %dma_start3A_113] : memref<16x10240xf32, #tpu.memory_space<vmem_shared>> -> memref<1x10240xf32, #tpu.memory_space<vmem_shared>>
    %dma_start3A_115 = tpu.memref_squeeze %dma_start3A_114 : memref<1x10240xf32, #tpu.memory_space<vmem_shared>> -> memref<10240xf32, #tpu.memory_space<vmem_shared>>
    %dma_start3A_116 = arith.constant 0 : i32
    %dma_start3A_117 = tpu.memref_slice %arg14[%arg1, %dma_start3A_116] : memref<16x10240xf32, #tpu.memory_space<vmem_shared>> -> memref<1x10240xf32, #tpu.memory_space<vmem_shared>>
    %dma_start3A_118 = tpu.memref_squeeze %dma_start3A_117 : memref<1x10240xf32, #tpu.memory_space<vmem_shared>> -> memref<10240xf32, #tpu.memory_space<vmem_shared>>
    tpu.enqueue_dma source(%arg10 : memref<10240xf32, #tpu.memory_space<vmem>>) target(%dma_start3A_118 : memref<10240xf32, #tpu.memory_space<vmem_shared>>) target_semaphore(%arg15 : memref<!tpu.dma_semaphore, #tpu.memory_space<semaphore_mem>>)
    %dma_wait3A_119 = arith.constant 0 : i32
    %dma_wait3A_120 = tpu.memref_slice %arg14[%arg1, %dma_wait3A_119] : memref<16x10240xf32, #tpu.memory_space<vmem_shared>> -> memref<1x10240xf32, #tpu.memory_space<vmem_shared>>
    %dma_wait3A_121 = tpu.memref_squeeze %dma_wait3A_120 : memref<1x10240xf32, #tpu.memory_space<vmem_shared>> -> memref<10240xf32, #tpu.memory_space<vmem_shared>>
    %dma_wait3A_122 = arith.constant 0 : i32
    %dma_wait3A_123 = tpu.memref_slice %arg14[%arg1, %dma_wait3A_122] : memref<16x10240xf32, #tpu.memory_space<vmem_shared>> -> memref<1x10240xf32, #tpu.memory_space<vmem_shared>>
    %dma_wait3A_124 = tpu.memref_squeeze %dma_wait3A_123 : memref<1x10240xf32, #tpu.memory_space<vmem_shared>> -> memref<10240xf32, #tpu.memory_space<vmem_shared>>
    tpu.wait_dma2 semaphore(%arg15 : memref<!tpu.dma_semaphore, #tpu.memory_space<semaphore_mem>>) src(%arg10 : memref<10240xf32, #tpu.memory_space<vmem>>) dst(%dma_wait3A_124 : memref<10240xf32, #tpu.memory_space<vmem_shared>>)
    %barrier3A_125 = arith.constant 0 : index
    tpu.barrier barrier_id(%barrier3A_125)
    %scan3A_126 = arith.constant 0 : i32
    %scan3A_127 = arith.constant 0 : i32
    %scan3A_128 = arith.constant 40 : i32
    %scan3A_129 = arith.addi %scan3A_127, %scan3A_128 : i32
    %scan3A_130 = arith.constant 1 : i32
    %scan3A_131 = scf.for %scan3A_557 = %scan3A_127 to %scan3A_129 step %scan3A_130 iter_args(%scan3A_558 = %scan3A_126) -> (i32)  : i32 {
      %mul3A_559 = arith.constant 16 : i32
      %mul3A_560 = arith.muli %scan3A_557, %mul3A_559 : i32
      %swap3A = arith.index_cast %mul3A_560 : i32 to index
      %swap3A_561 = tpu.vector_load %arg12[%swap3A] {strides = array<i32>} : memref<640xf32, #tpu.memory_space<vmem>>, vector<16xf32>,
      tpu.vector_store %arg12[%swap3A], %broadcast_in_dim3A_2 {strides = array<i32>} : memref<640xf32, #tpu.memory_space<vmem>>, vector<16xf32>,
      %scan3A_562 = arith.constant 0 : i32
      scf.yield %scan3A_562 : i32
    }
    %scan3A_132 = arith.constant 40 : i32
    %dma_start3A_133 = arith.constant 0 : i32
    %dma_start3A_134 = tpu.memref_slice %arg14[%dma_start3A_133, %mul3A_16] : memref<16x10240xf32, #tpu.memory_space<vmem_shared>> -> memref<1x640xf32, #tpu.memory_space<vmem_shared>>
    %dma_start3A_135 = tpu.memref_squeeze %dma_start3A_134 : memref<1x640xf32, #tpu.memory_space<vmem_shared>> -> memref<640xf32, #tpu.memory_space<vmem_shared>>
    %dma_start3A_136 = tpu.memref_slice %arg14[%dma_start3A_133, %mul3A_16] : memref<16x10240xf32, #tpu.memory_space<vmem_shared>> -> memref<1x640xf32, #tpu.memory_space<vmem_shared>>
    %dma_start3A_137 = tpu.memref_squeeze %dma_start3A_136 : memref<1x640xf32, #tpu.memory_space<vmem_shared>> -> memref<640xf32, #tpu.memory_space<vmem_shared>>
    tpu.enqueue_dma source(%dma_start3A_137 : memref<640xf32, #tpu.memory_space<vmem_shared>>) target(%arg11 : memref<640xf32, #tpu.memory_space<vmem>>) target_semaphore(%arg15 : memref<!tpu.dma_semaphore, #tpu.memory_space<semaphore_mem>>)
    %dma_wait3A_138 = arith.constant 0 : i32
    %dma_wait3A_139 = tpu.memref_slice %arg14[%dma_wait3A_138, %mul3A_16] : memref<16x10240xf32, #tpu.memory_space<vmem_shared>> -> memref<1x640xf32, #tpu.memory_space<vmem_shared>>
    %dma_wait3A_140 = tpu.memref_squeeze %dma_wait3A_139 : memref<1x640xf32, #tpu.memory_space<vmem_shared>> -> memref<640xf32, #tpu.memory_space<vmem_shared>>
    %dma_wait3A_141 = tpu.memref_slice %arg14[%dma_wait3A_138, %mul3A_16] : memref<16x10240xf32, #tpu.memory_space<vmem_shared>> -> memref<1x640xf32, #tpu.memory_space<vmem_shared>>
    %dma_wait3A_142 = tpu.memref_squeeze %dma_wait3A_141 : memref<1x640xf32, #tpu.memory_space<vmem_shared>> -> memref<640xf32, #tpu.memory_space<vmem_shared>>
    tpu.wait_dma2 semaphore(%arg15 : memref<!tpu.dma_semaphore, #tpu.memory_space<semaphore_mem>>) src(%dma_wait3A_142 : memref<640xf32, #tpu.memory_space<vmem_shared>>) dst(%arg11 : memref<640xf32, #tpu.memory_space<vmem>>)
    %scan3A_143 = arith.constant 0 : i32
    %scan3A_144 = arith.constant 0 : i32
    %scan3A_145 = arith.constant 40 : i32
    %scan3A_146 = arith.addi %scan3A_144, %scan3A_145 : i32
    %scan3A_147 = arith.constant 1 : i32
    %scan3A_148 = scf.for %scan3A_557 = %scan3A_144 to %scan3A_146 step %scan3A_147 iter_args(%scan3A_558 = %scan3A_143) -> (i32)  : i32 {
      %mul3A_559 = arith.constant 16 : i32
      %mul3A_560 = arith.muli %scan3A_557, %mul3A_559 : i32
      %get3A = arith.index_cast %mul3A_560 : i32 to index
      %get3A_561 = tpu.vector_load %arg12[%get3A] {strides = array<i32>} : memref<640xf32, #tpu.memory_space<vmem>>, vector<16xf32>,
      %get3A_562 = arith.index_cast %mul3A_560 : i32 to index
      %get3A_563 = tpu.vector_load %arg11[%get3A_562] {strides = array<i32>} : memref<640xf32, #tpu.memory_space<vmem>>, vector<16xf32>,
      %add3A_564 = arith.addf %get3A_561, %get3A_563 : vector<16xf32>
      %swap3A = arith.index_cast %mul3A_560 : i32 to index
      %swap3A_565 = tpu.vector_load %arg12[%swap3A] {strides = array<i32>} : memref<640xf32, #tpu.memory_space<vmem>>, vector<16xf32>,
      tpu.vector_store %arg12[%swap3A], %add3A_564 {strides = array<i32>} : memref<640xf32, #tpu.memory_space<vmem>>, vector<16xf32>,
      %scan3A_566 = arith.constant 0 : i32
      scf.yield %scan3A_566 : i32
    }
    %scan3A_149 = arith.constant 40 : i32
    %dma_start3A_150 = arith.constant 1 : i32
    %dma_start3A_151 = tpu.memref_slice %arg14[%dma_start3A_150, %mul3A_16] : memref<16x10240xf32, #tpu.memory_space<vmem_shared>> -> memref<1x640xf32, #tpu.memory_space<vmem_shared>>
    %dma_start3A_152 = tpu.memref_squeeze %dma_start3A_151 : memref<1x640xf32, #tpu.memory_space<vmem_shared>> -> memref<640xf32, #tpu.memory_space<vmem_shared>>
    %dma_start3A_153 = tpu.memref_slice %arg14[%dma_start3A_150, %mul3A_16] : memref<16x10240xf32, #tpu.memory_space<vmem_shared>> -> memref<1x640xf32, #tpu.memory_space<vmem_shared>>
    %dma_start3A_154 = tpu.memref_squeeze %dma_start3A_153 : memref<1x640xf32, #tpu.memory_space<vmem_shared>> -> memref<640xf32, #tpu.memory_space<vmem_shared>>
    tpu.enqueue_dma source(%dma_start3A_154 : memref<640xf32, #tpu.memory_space<vmem_shared>>) target(%arg11 : memref<640xf32, #tpu.memory_space<vmem>>) target_semaphore(%arg15 : memref<!tpu.dma_semaphore, #tpu.memory_space<semaphore_mem>>)
    %dma_wait3A_155 = arith.constant 1 : i32
    %dma_wait3A_156 = tpu.memref_slice %arg14[%dma_wait3A_155, %mul3A_16] : memref<16x10240xf32, #tpu.memory_space<vmem_shared>> -> memref<1x640xf32, #tpu.memory_space<vmem_shared>>
    %dma_wait3A_157 = tpu.memref_squeeze %dma_wait3A_156 : memref<1x640xf32, #tpu.memory_space<vmem_shared>> -> memref<640xf32, #tpu.memory_space<vmem_shared>>
    %dma_wait3A_158 = tpu.memref_slice %arg14[%dma_wait3A_155, %mul3A_16] : memref<16x10240xf32, #tpu.memory_space<vmem_shared>> -> memref<1x640xf32, #tpu.memory_space<vmem_shared>>
    %dma_wait3A_159 = tpu.memref_squeeze %dma_wait3A_158 : memref<1x640xf32, #tpu.memory_space<vmem_shared>> -> memref<640xf32, #tpu.memory_space<vmem_shared>>
    tpu.wait_dma2 semaphore(%arg15 : memref<!tpu.dma_semaphore, #tpu.memory_space<semaphore_mem>>) src(%dma_wait3A_159 : memref<640xf32, #tpu.memory_space<vmem_shared>>) dst(%arg11 : memref<640xf32, #tpu.memory_space<vmem>>)
    %scan3A_160 = arith.constant 0 : i32
    %scan3A_161 = arith.constant 0 : i32
    %scan3A_162 = arith.constant 40 : i32
    %scan3A_163 = arith.addi %scan3A_161, %scan3A_162 : i32
    %scan3A_164 = arith.constant 1 : i32
    %scan3A_165 = scf.for %scan3A_557 = %scan3A_161 to %scan3A_163 step %scan3A_164 iter_args(%scan3A_558 = %scan3A_160) -> (i32)  : i32 {
      %mul3A_559 = arith.constant 16 : i32
      %mul3A_560 = arith.muli %scan3A_557, %mul3A_559 : i32
      %get3A = arith.index_cast %mul3A_560 : i32 to index
      %get3A_561 = tpu.vector_load %arg12[%get3A] {strides = array<i32>} : memref<640xf32, #tpu.memory_space<vmem>>, vector<16xf32>,
      %get3A_562 = arith.index_cast %mul3A_560 : i32 to index
      %get3A_563 = tpu.vector_load %arg11[%get3A_562] {strides = array<i32>} : memref<640xf32, #tpu.memory_space<vmem>>, vector<16xf32>,
      %add3A_564 = arith.addf %get3A_561, %get3A_563 : vector<16xf32>
      %swap3A = arith.index_cast %mul3A_560 : i32 to index
      %swap3A_565 = tpu.vector_load %arg12[%swap3A] {strides = array<i32>} : memref<640xf32, #tpu.memory_space<vmem>>, vector<16xf32>,
      tpu.vector_store %arg12[%swap3A], %add3A_564 {strides = array<i32>} : memref<640xf32, #tpu.memory_space<vmem>>, vector<16xf32>,
      %scan3A_566 = arith.constant 0 : i32
      scf.yield %scan3A_566 : i32
    }
    %scan3A_166 = arith.constant 40 : i32
    %dma_start3A_167 = arith.constant 2 : i32
    %dma_start3A_168 = tpu.memref_slice %arg14[%dma_start3A_167, %mul3A_16] : memref<16x10240xf32, #tpu.memory_space<vmem_shared>> -> memref<1x640xf32, #tpu.memory_space<vmem_shared>>
    %dma_start3A_169 = tpu.memref_squeeze %dma_start3A_168 : memref<1x640xf32, #tpu.memory_space<vmem_shared>> -> memref<640xf32, #tpu.memory_space<vmem_shared>>
    %dma_start3A_170 = tpu.memref_slice %arg14[%dma_start3A_167, %mul3A_16] : memref<16x10240xf32, #tpu.memory_space<vmem_shared>> -> memref<1x640xf32, #tpu.memory_space<vmem_shared>>
    %dma_start3A_171 = tpu.memref_squeeze %dma_start3A_170 : memref<1x640xf32, #tpu.memory_space<vmem_shared>> -> memref<640xf32, #tpu.memory_space<vmem_shared>>
    tpu.enqueue_dma source(%dma_start3A_171 : memref<640xf32, #tpu.memory_space<vmem_shared>>) target(%arg11 : memref<640xf32, #tpu.memory_space<vmem>>) target_semaphore(%arg15 : memref<!tpu.dma_semaphore, #tpu.memory_space<semaphore_mem>>)
    %dma_wait3A_172 = arith.constant 2 : i32
    %dma_wait3A_173 = tpu.memref_slice %arg14[%dma_wait3A_172, %mul3A_16] : memref<16x10240xf32, #tpu.memory_space<vmem_shared>> -> memref<1x640xf32, #tpu.memory_space<vmem_shared>>
    %dma_wait3A_174 = tpu.memref_squeeze %dma_wait3A_173 : memref<1x640xf32, #tpu.memory_space<vmem_shared>> -> memref<640xf32, #tpu.memory_space<vmem_shared>>
    %dma_wait3A_175 = tpu.memref_slice %arg14[%dma_wait3A_172, %mul3A_16] : memref<16x10240xf32, #tpu.memory_space<vmem_shared>> -> memref<1x640xf32, #tpu.memory_space<vmem_shared>>
    %dma_wait3A_176 = tpu.memref_squeeze %dma_wait3A_175 : memref<1x640xf32, #tpu.memory_space<vmem_shared>> -> memref<640xf32, #tpu.memory_space<vmem_shared>>
    tpu.wait_dma2 semaphore(%arg15 : memref<!tpu.dma_semaphore, #tpu.memory_space<semaphore_mem>>) src(%dma_wait3A_176 : memref<640xf32, #tpu.memory_space<vmem_shared>>) dst(%arg11 : memref<640xf32, #tpu.memory_space<vmem>>)
    %scan3A_177 = arith.constant 0 : i32
    %scan3A_178 = arith.constant 0 : i32
    %scan3A_179 = arith.constant 40 : i32
    %scan3A_180 = arith.addi %scan3A_178, %scan3A_179 : i32
    %scan3A_181 = arith.constant 1 : i32
    %scan3A_182 = scf.for %scan3A_557 = %scan3A_178 to %scan3A_180 step %scan3A_181 iter_args(%scan3A_558 = %scan3A_177) -> (i32)  : i32 {
      %mul3A_559 = arith.constant 16 : i32
      %mul3A_560 = arith.muli %scan3A_557, %mul3A_559 : i32
      %get3A = arith.index_cast %mul3A_560 : i32 to index
      %get3A_561 = tpu.vector_load %arg12[%get3A] {strides = array<i32>} : memref<640xf32, #tpu.memory_space<vmem>>, vector<16xf32>,
      %get3A_562 = arith.index_cast %mul3A_560 : i32 to index
      %get3A_563 = tpu.vector_load %arg11[%get3A_562] {strides = array<i32>} : memref<640xf32, #tpu.memory_space<vmem>>, vector<16xf32>,
      %add3A_564 = arith.addf %get3A_561, %get3A_563 : vector<16xf32>
      %swap3A = arith.index_cast %mul3A_560 : i32 to index
      %swap3A_565 = tpu.vector_load %arg12[%swap3A] {strides = array<i32>} : memref<640xf32, #tpu.memory_space<vmem>>, vector<16xf32>,
      tpu.vector_store %arg12[%swap3A], %add3A_564 {strides = array<i32>} : memref<640xf32, #tpu.memory_space<vmem>>, vector<16xf32>,
      %scan3A_566 = arith.constant 0 : i32
      scf.yield %scan3A_566 : i32
    }
    %scan3A_183 = arith.constant 40 : i32
    %dma_start3A_184 = arith.constant 3 : i32
    %dma_start3A_185 = tpu.memref_slice %arg14[%dma_start3A_184, %mul3A_16] : memref<16x10240xf32, #tpu.memory_space<vmem_shared>> -> memref<1x640xf32, #tpu.memory_space<vmem_shared>>
    %dma_start3A_186 = tpu.memref_squeeze %dma_start3A_185 : memref<1x640xf32, #tpu.memory_space<vmem_shared>> -> memref<640xf32, #tpu.memory_space<vmem_shared>>
    %dma_start3A_187 = tpu.memref_slice %arg14[%dma_start3A_184, %mul3A_16] : memref<16x10240xf32, #tpu.memory_space<vmem_shared>> -> memref<1x640xf32, #tpu.memory_space<vmem_shared>>
    %dma_start3A_188 = tpu.memref_squeeze %dma_start3A_187 : memref<1x640xf32, #tpu.memory_space<vmem_shared>> -> memref<640xf32, #tpu.memory_space<vmem_shared>>
    tpu.enqueue_dma source(%dma_start3A_188 : memref<640xf32, #tpu.memory_space<vmem_shared>>) target(%arg11 : memref<640xf32, #tpu.memory_space<vmem>>) target_semaphore(%arg15 : memref<!tpu.dma_semaphore, #tpu.memory_space<semaphore_mem>>)
    %dma_wait3A_189 = arith.constant 3 : i32
    %dma_wait3A_190 = tpu.memref_slice %arg14[%dma_wait3A_189, %mul3A_16] : memref<16x10240xf32, #tpu.memory_space<vmem_shared>> -> memref<1x640xf32, #tpu.memory_space<vmem_shared>>
    %dma_wait3A_191 = tpu.memref_squeeze %dma_wait3A_190 : memref<1x640xf32, #tpu.memory_space<vmem_shared>> -> memref<640xf32, #tpu.memory_space<vmem_shared>>
    %dma_wait3A_192 = tpu.memref_slice %arg14[%dma_wait3A_189, %mul3A_16] : memref<16x10240xf32, #tpu.memory_space<vmem_shared>> -> memref<1x640xf32, #tpu.memory_space<vmem_shared>>
    %dma_wait3A_193 = tpu.memref_squeeze %dma_wait3A_192 : memref<1x640xf32, #tpu.memory_space<vmem_shared>> -> memref<640xf32, #tpu.memory_space<vmem_shared>>
    tpu.wait_dma2 semaphore(%arg15 : memref<!tpu.dma_semaphore, #tpu.memory_space<semaphore_mem>>) src(%dma_wait3A_193 : memref<640xf32, #tpu.memory_space<vmem_shared>>) dst(%arg11 : memref<640xf32, #tpu.memory_space<vmem>>)
    %scan3A_194 = arith.constant 0 : i32
    %scan3A_195 = arith.constant 0 : i32
    %scan3A_196 = arith.constant 40 : i32
    %scan3A_197 = arith.addi %scan3A_195, %scan3A_196 : i32
    %scan3A_198 = arith.constant 1 : i32
    %scan3A_199 = scf.for %scan3A_557 = %scan3A_195 to %scan3A_197 step %scan3A_198 iter_args(%scan3A_558 = %scan3A_194) -> (i32)  : i32 {
      %mul3A_559 = arith.constant 16 : i32
      %mul3A_560 = arith.muli %scan3A_557, %mul3A_559 : i32
      %get3A = arith.index_cast %mul3A_560 : i32 to index
      %get3A_561 = tpu.vector_load %arg12[%get3A] {strides = array<i32>} : memref<640xf32, #tpu.memory_space<vmem>>, vector<16xf32>,
      %get3A_562 = arith.index_cast %mul3A_560 : i32 to index
      %get3A_563 = tpu.vector_load %arg11[%get3A_562] {strides = array<i32>} : memref<640xf32, #tpu.memory_space<vmem>>, vector<16xf32>,
      %add3A_564 = arith.addf %get3A_561, %get3A_563 : vector<16xf32>
      %swap3A = arith.index_cast %mul3A_560 : i32 to index
      %swap3A_565 = tpu.vector_load %arg12[%swap3A] {strides = array<i32>} : memref<640xf32, #tpu.memory_space<vmem>>, vector<16xf32>,
      tpu.vector_store %arg12[%swap3A], %add3A_564 {strides = array<i32>} : memref<640xf32, #tpu.memory_space<vmem>>, vector<16xf32>,
      %scan3A_566 = arith.constant 0 : i32
      scf.yield %scan3A_566 : i32
    }
    %scan3A_200 = arith.constant 40 : i32
    %dma_start3A_201 = arith.constant 4 : i32
    %dma_start3A_202 = tpu.memref_slice %arg14[%dma_start3A_201, %mul3A_16] : memref<16x10240xf32, #tpu.memory_space<vmem_shared>> -> memref<1x640xf32, #tpu.memory_space<vmem_shared>>
    %dma_start3A_203 = tpu.memref_squeeze %dma_start3A_202 : memref<1x640xf32, #tpu.memory_space<vmem_shared>> -> memref<640xf32, #tpu.memory_space<vmem_shared>>
    %dma_start3A_204 = tpu.memref_slice %arg14[%dma_start3A_201, %mul3A_16] : memref<16x10240xf32, #tpu.memory_space<vmem_shared>> -> memref<1x640xf32, #tpu.memory_space<vmem_shared>>
    %dma_start3A_205 = tpu.memref_squeeze %dma_start3A_204 : memref<1x640xf32, #tpu.memory_space<vmem_shared>> -> memref<640xf32, #tpu.memory_space<vmem_shared>>
    tpu.enqueue_dma source(%dma_start3A_205 : memref<640xf32, #tpu.memory_space<vmem_shared>>) target(%arg11 : memref<640xf32, #tpu.memory_space<vmem>>) target_semaphore(%arg15 : memref<!tpu.dma_semaphore, #tpu.memory_space<semaphore_mem>>)
    %dma_wait3A_206 = arith.constant 4 : i32
    %dma_wait3A_207 = tpu.memref_slice %arg14[%dma_wait3A_206, %mul3A_16] : memref<16x10240xf32, #tpu.memory_space<vmem_shared>> -> memref<1x640xf32, #tpu.memory_space<vmem_shared>>
    %dma_wait3A_208 = tpu.memref_squeeze %dma_wait3A_207 : memref<1x640xf32, #tpu.memory_space<vmem_shared>> -> memref<640xf32, #tpu.memory_space<vmem_shared>>
    %dma_wait3A_209 = tpu.memref_slice %arg14[%dma_wait3A_206, %mul3A_16] : memref<16x10240xf32, #tpu.memory_space<vmem_shared>> -> memref<1x640xf32, #tpu.memory_space<vmem_shared>>
    %dma_wait3A_210 = tpu.memref_squeeze %dma_wait3A_209 : memref<1x640xf32, #tpu.memory_space<vmem_shared>> -> memref<640xf32, #tpu.memory_space<vmem_shared>>
    tpu.wait_dma2 semaphore(%arg15 : memref<!tpu.dma_semaphore, #tpu.memory_space<semaphore_mem>>) src(%dma_wait3A_210 : memref<640xf32, #tpu.memory_space<vmem_shared>>) dst(%arg11 : memref<640xf32, #tpu.memory_space<vmem>>)
    %scan3A_211 = arith.constant 0 : i32
    %scan3A_212 = arith.constant 0 : i32
    %scan3A_213 = arith.constant 40 : i32
    %scan3A_214 = arith.addi %scan3A_212, %scan3A_213 : i32
    %scan3A_215 = arith.constant 1 : i32
    %scan3A_216 = scf.for %scan3A_557 = %scan3A_212 to %scan3A_214 step %scan3A_215 iter_args(%scan3A_558 = %scan3A_211) -> (i32)  : i32 {
      %mul3A_559 = arith.constant 16 : i32
      %mul3A_560 = arith.muli %scan3A_557, %mul3A_559 : i32
      %get3A = arith.index_cast %mul3A_560 : i32 to index
      %get3A_561 = tpu.vector_load %arg12[%get3A] {strides = array<i32>} : memref<640xf32, #tpu.memory_space<vmem>>, vector<16xf32>,
      %get3A_562 = arith.index_cast %mul3A_560 : i32 to index
      %get3A_563 = tpu.vector_load %arg11[%get3A_562] {strides = array<i32>} : memref<640xf32, #tpu.memory_space<vmem>>, vector<16xf32>,
      %add3A_564 = arith.addf %get3A_561, %get3A_563 : vector<16xf32>
      %swap3A = arith.index_cast %mul3A_560 : i32 to index
      %swap3A_565 = tpu.vector_load %arg12[%swap3A] {strides = array<i32>} : memref<640xf32, #tpu.memory_space<vmem>>, vector<16xf32>,
      tpu.vector_store %arg12[%swap3A], %add3A_564 {strides = array<i32>} : memref<640xf32, #tpu.memory_space<vmem>>, vector<16xf32>,
      %scan3A_566 = arith.constant 0 : i32
      scf.yield %scan3A_566 : i32
    }
    %scan3A_217 = arith.constant 40 : i32
    %dma_start3A_218 = arith.constant 5 : i32
    %dma_start3A_219 = tpu.memref_slice %arg14[%dma_start3A_218, %mul3A_16] : memref<16x10240xf32, #tpu.memory_space<vmem_shared>> -> memref<1x640xf32, #tpu.memory_space<vmem_shared>>
    %dma_start3A_220 = tpu.memref_squeeze %dma_start3A_219 : memref<1x640xf32, #tpu.memory_space<vmem_shared>> -> memref<640xf32, #tpu.memory_space<vmem_shared>>
    %dma_start3A_221 = tpu.memref_slice %arg14[%dma_start3A_218, %mul3A_16] : memref<16x10240xf32, #tpu.memory_space<vmem_shared>> -> memref<1x640xf32, #tpu.memory_space<vmem_shared>>
    %dma_start3A_222 = tpu.memref_squeeze %dma_start3A_221 : memref<1x640xf32, #tpu.memory_space<vmem_shared>> -> memref<640xf32, #tpu.memory_space<vmem_shared>>
    tpu.enqueue_dma source(%dma_start3A_222 : memref<640xf32, #tpu.memory_space<vmem_shared>>) target(%arg11 : memref<640xf32, #tpu.memory_space<vmem>>) target_semaphore(%arg15 : memref<!tpu.dma_semaphore, #tpu.memory_space<semaphore_mem>>)
    %dma_wait3A_223 = arith.constant 5 : i32
    %dma_wait3A_224 = tpu.memref_slice %arg14[%dma_wait3A_223, %mul3A_16] : memref<16x10240xf32, #tpu.memory_space<vmem_shared>> -> memref<1x640xf32, #tpu.memory_space<vmem_shared>>
    %dma_wait3A_225 = tpu.memref_squeeze %dma_wait3A_224 : memref<1x640xf32, #tpu.memory_space<vmem_shared>> -> memref<640xf32, #tpu.memory_space<vmem_shared>>
    %dma_wait3A_226 = tpu.memref_slice %arg14[%dma_wait3A_223, %mul3A_16] : memref<16x10240xf32, #tpu.memory_space<vmem_shared>> -> memref<1x640xf32, #tpu.memory_space<vmem_shared>>
    %dma_wait3A_227 = tpu.memref_squeeze %dma_wait3A_226 : memref<1x640xf32, #tpu.memory_space<vmem_shared>> -> memref<640xf32, #tpu.memory_space<vmem_shared>>
    tpu.wait_dma2 semaphore(%arg15 : memref<!tpu.dma_semaphore, #tpu.memory_space<semaphore_mem>>) src(%dma_wait3A_227 : memref<640xf32, #tpu.memory_space<vmem_shared>>) dst(%arg11 : memref<640xf32, #tpu.memory_space<vmem>>)
    %scan3A_228 = arith.constant 0 : i32
    %scan3A_229 = arith.constant 0 : i32
    %scan3A_230 = arith.constant 40 : i32
    %scan3A_231 = arith.addi %scan3A_229, %scan3A_230 : i32
    %scan3A_232 = arith.constant 1 : i32
    %scan3A_233 = scf.for %scan3A_557 = %scan3A_229 to %scan3A_231 step %scan3A_232 iter_args(%scan3A_558 = %scan3A_228) -> (i32)  : i32 {
      %mul3A_559 = arith.constant 16 : i32
      %mul3A_560 = arith.muli %scan3A_557, %mul3A_559 : i32
      %get3A = arith.index_cast %mul3A_560 : i32 to index
      %get3A_561 = tpu.vector_load %arg12[%get3A] {strides = array<i32>} : memref<640xf32, #tpu.memory_space<vmem>>, vector<16xf32>,
      %get3A_562 = arith.index_cast %mul3A_560 : i32 to index
      %get3A_563 = tpu.vector_load %arg11[%get3A_562] {strides = array<i32>} : memref<640xf32, #tpu.memory_space<vmem>>, vector<16xf32>,
      %add3A_564 = arith.addf %get3A_561, %get3A_563 : vector<16xf32>
      %swap3A = arith.index_cast %mul3A_560 : i32 to index
      %swap3A_565 = tpu.vector_load %arg12[%swap3A] {strides = array<i32>} : memref<640xf32, #tpu.memory_space<vmem>>, vector<16xf32>,
      tpu.vector_store %arg12[%swap3A], %add3A_564 {strides = array<i32>} : memref<640xf32, #tpu.memory_space<vmem>>, vector<16xf32>,
      %scan3A_566 = arith.constant 0 : i32
      scf.yield %scan3A_566 : i32
    }
    %scan3A_234 = arith.constant 40 : i32
    %dma_start3A_235 = arith.constant 6 : i32
    %dma_start3A_236 = tpu.memref_slice %arg14[%dma_start3A_235, %mul3A_16] : memref<16x10240xf32, #tpu.memory_space<vmem_shared>> -> memref<1x640xf32, #tpu.memory_space<vmem_shared>>
    %dma_start3A_237 = tpu.memref_squeeze %dma_start3A_236 : memref<1x640xf32, #tpu.memory_space<vmem_shared>> -> memref<640xf32, #tpu.memory_space<vmem_shared>>
    %dma_start3A_238 = tpu.memref_slice %arg14[%dma_start3A_235, %mul3A_16] : memref<16x10240xf32, #tpu.memory_space<vmem_shared>> -> memref<1x640xf32, #tpu.memory_space<vmem_shared>>
    %dma_start3A_239 = tpu.memref_squeeze %dma_start3A_238 : memref<1x640xf32, #tpu.memory_space<vmem_shared>> -> memref<640xf32, #tpu.memory_space<vmem_shared>>
    tpu.enqueue_dma source(%dma_start3A_239 : memref<640xf32, #tpu.memory_space<vmem_shared>>) target(%arg11 : memref<640xf32, #tpu.memory_space<vmem>>) target_semaphore(%arg15 : memref<!tpu.dma_semaphore, #tpu.memory_space<semaphore_mem>>)
    %dma_wait3A_240 = arith.constant 6 : i32
    %dma_wait3A_241 = tpu.memref_slice %arg14[%dma_wait3A_240, %mul3A_16] : memref<16x10240xf32, #tpu.memory_space<vmem_shared>> -> memref<1x640xf32, #tpu.memory_space<vmem_shared>>
    %dma_wait3A_242 = tpu.memref_squeeze %dma_wait3A_241 : memref<1x640xf32, #tpu.memory_space<vmem_shared>> -> memref<640xf32, #tpu.memory_space<vmem_shared>>
    %dma_wait3A_243 = tpu.memref_slice %arg14[%dma_wait3A_240, %mul3A_16] : memref<16x10240xf32, #tpu.memory_space<vmem_shared>> -> memref<1x640xf32, #tpu.memory_space<vmem_shared>>
    %dma_wait3A_244 = tpu.memref_squeeze %dma_wait3A_243 : memref<1x640xf32, #tpu.memory_space<vmem_shared>> -> memref<640xf32, #tpu.memory_space<vmem_shared>>
    tpu.wait_dma2 semaphore(%arg15 : memref<!tpu.dma_semaphore, #tpu.memory_space<semaphore_mem>>) src(%dma_wait3A_244 : memref<640xf32, #tpu.memory_space<vmem_shared>>) dst(%arg11 : memref<640xf32, #tpu.memory_space<vmem>>)
    %scan3A_245 = arith.constant 0 : i32
    %scan3A_246 = arith.constant 0 : i32
    %scan3A_247 = arith.constant 40 : i32
    %scan3A_248 = arith.addi %scan3A_246, %scan3A_247 : i32
    %scan3A_249 = arith.constant 1 : i32
    %scan3A_250 = scf.for %scan3A_557 = %scan3A_246 to %scan3A_248 step %scan3A_249 iter_args(%scan3A_558 = %scan3A_245) -> (i32)  : i32 {
      %mul3A_559 = arith.constant 16 : i32
      %mul3A_560 = arith.muli %scan3A_557, %mul3A_559 : i32
      %get3A = arith.index_cast %mul3A_560 : i32 to index
      %get3A_561 = tpu.vector_load %arg12[%get3A] {strides = array<i32>} : memref<640xf32, #tpu.memory_space<vmem>>, vector<16xf32>,
      %get3A_562 = arith.index_cast %mul3A_560 : i32 to index
      %get3A_563 = tpu.vector_load %arg11[%get3A_562] {strides = array<i32>} : memref<640xf32, #tpu.memory_space<vmem>>, vector<16xf32>,
      %add3A_564 = arith.addf %get3A_561, %get3A_563 : vector<16xf32>
      %swap3A = arith.index_cast %mul3A_560 : i32 to index
      %swap3A_565 = tpu.vector_load %arg12[%swap3A] {strides = array<i32>} : memref<640xf32, #tpu.memory_space<vmem>>, vector<16xf32>,
      tpu.vector_store %arg12[%swap3A], %add3A_564 {strides = array<i32>} : memref<640xf32, #tpu.memory_space<vmem>>, vector<16xf32>,
      %scan3A_566 = arith.constant 0 : i32
      scf.yield %scan3A_566 : i32
    }
    %scan3A_251 = arith.constant 40 : i32
    %dma_start3A_252 = arith.constant 7 : i32
    %dma_start3A_253 = tpu.memref_slice %arg14[%dma_start3A_252, %mul3A_16] : memref<16x10240xf32, #tpu.memory_space<vmem_shared>> -> memref<1x640xf32, #tpu.memory_space<vmem_shared>>
    %dma_start3A_254 = tpu.memref_squeeze %dma_start3A_253 : memref<1x640xf32, #tpu.memory_space<vmem_shared>> -> memref<640xf32, #tpu.memory_space<vmem_shared>>
    %dma_start3A_255 = tpu.memref_slice %arg14[%dma_start3A_252, %mul3A_16] : memref<16x10240xf32, #tpu.memory_space<vmem_shared>> -> memref<1x640xf32, #tpu.memory_space<vmem_shared>>
    %dma_start3A_256 = tpu.memref_squeeze %dma_start3A_255 : memref<1x640xf32, #tpu.memory_space<vmem_shared>> -> memref<640xf32, #tpu.memory_space<vmem_shared>>
    tpu.enqueue_dma source(%dma_start3A_256 : memref<640xf32, #tpu.memory_space<vmem_shared>>) target(%arg11 : memref<640xf32, #tpu.memory_space<vmem>>) target_semaphore(%arg15 : memref<!tpu.dma_semaphore, #tpu.memory_space<semaphore_mem>>)
    %dma_wait3A_257 = arith.constant 7 : i32
    %dma_wait3A_258 = tpu.memref_slice %arg14[%dma_wait3A_257, %mul3A_16] : memref<16x10240xf32, #tpu.memory_space<vmem_shared>> -> memref<1x640xf32, #tpu.memory_space<vmem_shared>>
    %dma_wait3A_259 = tpu.memref_squeeze %dma_wait3A_258 : memref<1x640xf32, #tpu.memory_space<vmem_shared>> -> memref<640xf32, #tpu.memory_space<vmem_shared>>
    %dma_wait3A_260 = tpu.memref_slice %arg14[%dma_wait3A_257, %mul3A_16] : memref<16x10240xf32, #tpu.memory_space<vmem_shared>> -> memref<1x640xf32, #tpu.memory_space<vmem_shared>>
    %dma_wait3A_261 = tpu.memref_squeeze %dma_wait3A_260 : memref<1x640xf32, #tpu.memory_space<vmem_shared>> -> memref<640xf32, #tpu.memory_space<vmem_shared>>
    tpu.wait_dma2 semaphore(%arg15 : memref<!tpu.dma_semaphore, #tpu.memory_space<semaphore_mem>>) src(%dma_wait3A_261 : memref<640xf32, #tpu.memory_space<vmem_shared>>) dst(%arg11 : memref<640xf32, #tpu.memory_space<vmem>>)
    %scan3A_262 = arith.constant 0 : i32
    %scan3A_263 = arith.constant 0 : i32
    %scan3A_264 = arith.constant 40 : i32
    %scan3A_265 = arith.addi %scan3A_263, %scan3A_264 : i32
    %scan3A_266 = arith.constant 1 : i32
    %scan3A_267 = scf.for %scan3A_557 = %scan3A_263 to %scan3A_265 step %scan3A_266 iter_args(%scan3A_558 = %scan3A_262) -> (i32)  : i32 {
      %mul3A_559 = arith.constant 16 : i32
      %mul3A_560 = arith.muli %scan3A_557, %mul3A_559 : i32
      %get3A = arith.index_cast %mul3A_560 : i32 to index
      %get3A_561 = tpu.vector_load %arg12[%get3A] {strides = array<i32>} : memref<640xf32, #tpu.memory_space<vmem>>, vector<16xf32>,
      %get3A_562 = arith.index_cast %mul3A_560 : i32 to index
      %get3A_563 = tpu.vector_load %arg11[%get3A_562] {strides = array<i32>} : memref<640xf32, #tpu.memory_space<vmem>>, vector<16xf32>,
      %add3A_564 = arith.addf %get3A_561, %get3A_563 : vector<16xf32>
      %swap3A = arith.index_cast %mul3A_560 : i32 to index
      %swap3A_565 = tpu.vector_load %arg12[%swap3A] {strides = array<i32>} : memref<640xf32, #tpu.memory_space<vmem>>, vector<16xf32>,
      tpu.vector_store %arg12[%swap3A], %add3A_564 {strides = array<i32>} : memref<640xf32, #tpu.memory_space<vmem>>, vector<16xf32>,
      %scan3A_566 = arith.constant 0 : i32
      scf.yield %scan3A_566 : i32
    }
    %scan3A_268 = arith.constant 40 : i32
    %dma_start3A_269 = arith.constant 8 : i32
    %dma_start3A_270 = tpu.memref_slice %arg14[%dma_start3A_269, %mul3A_16] : memref<16x10240xf32, #tpu.memory_space<vmem_shared>> -> memref<1x640xf32, #tpu.memory_space<vmem_shared>>
    %dma_start3A_271 = tpu.memref_squeeze %dma_start3A_270 : memref<1x640xf32, #tpu.memory_space<vmem_shared>> -> memref<640xf32, #tpu.memory_space<vmem_shared>>
    %dma_start3A_272 = tpu.memref_slice %arg14[%dma_start3A_269, %mul3A_16] : memref<16x10240xf32, #tpu.memory_space<vmem_shared>> -> memref<1x640xf32, #tpu.memory_space<vmem_shared>>
    %dma_start3A_273 = tpu.memref_squeeze %dma_start3A_272 : memref<1x640xf32, #tpu.memory_space<vmem_shared>> -> memref<640xf32, #tpu.memory_space<vmem_shared>>
    tpu.enqueue_dma source(%dma_start3A_273 : memref<640xf32, #tpu.memory_space<vmem_shared>>) target(%arg11 : memref<640xf32, #tpu.memory_space<vmem>>) target_semaphore(%arg15 : memref<!tpu.dma_semaphore, #tpu.memory_space<semaphore_mem>>)
    %dma_wait3A_274 = arith.constant 8 : i32
    %dma_wait3A_275 = tpu.memref_slice %arg14[%dma_wait3A_274, %mul3A_16] : memref<16x10240xf32, #tpu.memory_space<vmem_shared>> -> memref<1x640xf32, #tpu.memory_space<vmem_shared>>
    %dma_wait3A_276 = tpu.memref_squeeze %dma_wait3A_275 : memref<1x640xf32, #tpu.memory_space<vmem_shared>> -> memref<640xf32, #tpu.memory_space<vmem_shared>>
    %dma_wait3A_277 = tpu.memref_slice %arg14[%dma_wait3A_274, %mul3A_16] : memref<16x10240xf32, #tpu.memory_space<vmem_shared>> -> memref<1x640xf32, #tpu.memory_space<vmem_shared>>
    %dma_wait3A_278 = tpu.memref_squeeze %dma_wait3A_277 : memref<1x640xf32, #tpu.memory_space<vmem_shared>> -> memref<640xf32, #tpu.memory_space<vmem_shared>>
    tpu.wait_dma2 semaphore(%arg15 : memref<!tpu.dma_semaphore, #tpu.memory_space<semaphore_mem>>) src(%dma_wait3A_278 : memref<640xf32, #tpu.memory_space<vmem_shared>>) dst(%arg11 : memref<640xf32, #tpu.memory_space<vmem>>)
    %scan3A_279 = arith.constant 0 : i32
    %scan3A_280 = arith.constant 0 : i32
    %scan3A_281 = arith.constant 40 : i32
    %scan3A_282 = arith.addi %scan3A_280, %scan3A_281 : i32
    %scan3A_283 = arith.constant 1 : i32
    %scan3A_284 = scf.for %scan3A_557 = %scan3A_280 to %scan3A_282 step %scan3A_283 iter_args(%scan3A_558 = %scan3A_279) -> (i32)  : i32 {
      %mul3A_559 = arith.constant 16 : i32
      %mul3A_560 = arith.muli %scan3A_557, %mul3A_559 : i32
      %get3A = arith.index_cast %mul3A_560 : i32 to index
      %get3A_561 = tpu.vector_load %arg12[%get3A] {strides = array<i32>} : memref<640xf32, #tpu.memory_space<vmem>>, vector<16xf32>,
      %get3A_562 = arith.index_cast %mul3A_560 : i32 to index
      %get3A_563 = tpu.vector_load %arg11[%get3A_562] {strides = array<i32>} : memref<640xf32, #tpu.memory_space<vmem>>, vector<16xf32>,
      %add3A_564 = arith.addf %get3A_561, %get3A_563 : vector<16xf32>
      %swap3A = arith.index_cast %mul3A_560 : i32 to index
      %swap3A_565 = tpu.vector_load %arg12[%swap3A] {strides = array<i32>} : memref<640xf32, #tpu.memory_space<vmem>>, vector<16xf32>,
      tpu.vector_store %arg12[%swap3A], %add3A_564 {strides = array<i32>} : memref<640xf32, #tpu.memory_space<vmem>>, vector<16xf32>,
      %scan3A_566 = arith.constant 0 : i32
      scf.yield %scan3A_566 : i32
    }
    %scan3A_285 = arith.constant 40 : i32
    %dma_start3A_286 = arith.constant 9 : i32
    %dma_start3A_287 = tpu.memref_slice %arg14[%dma_start3A_286, %mul3A_16] : memref<16x10240xf32, #tpu.memory_space<vmem_shared>> -> memref<1x640xf32, #tpu.memory_space<vmem_shared>>
    %dma_start3A_288 = tpu.memref_squeeze %dma_start3A_287 : memref<1x640xf32, #tpu.memory_space<vmem_shared>> -> memref<640xf32, #tpu.memory_space<vmem_shared>>
    %dma_start3A_289 = tpu.memref_slice %arg14[%dma_start3A_286, %mul3A_16] : memref<16x10240xf32, #tpu.memory_space<vmem_shared>> -> memref<1x640xf32, #tpu.memory_space<vmem_shared>>
    %dma_start3A_290 = tpu.memref_squeeze %dma_start3A_289 : memref<1x640xf32, #tpu.memory_space<vmem_shared>> -> memref<640xf32, #tpu.memory_space<vmem_shared>>
    tpu.enqueue_dma source(%dma_start3A_290 : memref<640xf32, #tpu.memory_space<vmem_shared>>) target(%arg11 : memref<640xf32, #tpu.memory_space<vmem>>) target_semaphore(%arg15 : memref<!tpu.dma_semaphore, #tpu.memory_space<semaphore_mem>>)
    %dma_wait3A_291 = arith.constant 9 : i32
    %dma_wait3A_292 = tpu.memref_slice %arg14[%dma_wait3A_291, %mul3A_16] : memref<16x10240xf32, #tpu.memory_space<vmem_shared>> -> memref<1x640xf32, #tpu.memory_space<vmem_shared>>
    %dma_wait3A_293 = tpu.memref_squeeze %dma_wait3A_292 : memref<1x640xf32, #tpu.memory_space<vmem_shared>> -> memref<640xf32, #tpu.memory_space<vmem_shared>>
    %dma_wait3A_294 = tpu.memref_slice %arg14[%dma_wait3A_291, %mul3A_16] : memref<16x10240xf32, #tpu.memory_space<vmem_shared>> -> memref<1x640xf32, #tpu.memory_space<vmem_shared>>
    %dma_wait3A_295 = tpu.memref_squeeze %dma_wait3A_294 : memref<1x640xf32, #tpu.memory_space<vmem_shared>> -> memref<640xf32, #tpu.memory_space<vmem_shared>>
    tpu.wait_dma2 semaphore(%arg15 : memref<!tpu.dma_semaphore, #tpu.memory_space<semaphore_mem>>) src(%dma_wait3A_295 : memref<640xf32, #tpu.memory_space<vmem_shared>>) dst(%arg11 : memref<640xf32, #tpu.memory_space<vmem>>)
    %scan3A_296 = arith.constant 0 : i32
    %scan3A_297 = arith.constant 0 : i32
    %scan3A_298 = arith.constant 40 : i32
    %scan3A_299 = arith.addi %scan3A_297, %scan3A_298 : i32
    %scan3A_300 = arith.constant 1 : i32
    %scan3A_301 = scf.for %scan3A_557 = %scan3A_297 to %scan3A_299 step %scan3A_300 iter_args(%scan3A_558 = %scan3A_296) -> (i32)  : i32 {
      %mul3A_559 = arith.constant 16 : i32
      %mul3A_560 = arith.muli %scan3A_557, %mul3A_559 : i32
      %get3A = arith.index_cast %mul3A_560 : i32 to index
      %get3A_561 = tpu.vector_load %arg12[%get3A] {strides = array<i32>} : memref<640xf32, #tpu.memory_space<vmem>>, vector<16xf32>,
      %get3A_562 = arith.index_cast %mul3A_560 : i32 to index
      %get3A_563 = tpu.vector_load %arg11[%get3A_562] {strides = array<i32>} : memref<640xf32, #tpu.memory_space<vmem>>, vector<16xf32>,
      %add3A_564 = arith.addf %get3A_561, %get3A_563 : vector<16xf32>
      %swap3A = arith.index_cast %mul3A_560 : i32 to index
      %swap3A_565 = tpu.vector_load %arg12[%swap3A] {strides = array<i32>} : memref<640xf32, #tpu.memory_space<vmem>>, vector<16xf32>,
      tpu.vector_store %arg12[%swap3A], %add3A_564 {strides = array<i32>} : memref<640xf32, #tpu.memory_space<vmem>>, vector<16xf32>,
      %scan3A_566 = arith.constant 0 : i32
      scf.yield %scan3A_566 : i32
    }
    %scan3A_302 = arith.constant 40 : i32
    %dma_start3A_303 = arith.constant 10 : i32
    %dma_start3A_304 = tpu.memref_slice %arg14[%dma_start3A_303, %mul3A_16] : memref<16x10240xf32, #tpu.memory_space<vmem_shared>> -> memref<1x640xf32, #tpu.memory_space<vmem_shared>>
    %dma_start3A_305 = tpu.memref_squeeze %dma_start3A_304 : memref<1x640xf32, #tpu.memory_space<vmem_shared>> -> memref<640xf32, #tpu.memory_space<vmem_shared>>
    %dma_start3A_306 = tpu.memref_slice %arg14[%dma_start3A_303, %mul3A_16] : memref<16x10240xf32, #tpu.memory_space<vmem_shared>> -> memref<1x640xf32, #tpu.memory_space<vmem_shared>>
    %dma_start3A_307 = tpu.memref_squeeze %dma_start3A_306 : memref<1x640xf32, #tpu.memory_space<vmem_shared>> -> memref<640xf32, #tpu.memory_space<vmem_shared>>
    tpu.enqueue_dma source(%dma_start3A_307 : memref<640xf32, #tpu.memory_space<vmem_shared>>) target(%arg11 : memref<640xf32, #tpu.memory_space<vmem>>) target_semaphore(%arg15 : memref<!tpu.dma_semaphore, #tpu.memory_space<semaphore_mem>>)
    %dma_wait3A_308 = arith.constant 10 : i32
    %dma_wait3A_309 = tpu.memref_slice %arg14[%dma_wait3A_308, %mul3A_16] : memref<16x10240xf32, #tpu.memory_space<vmem_shared>> -> memref<1x640xf32, #tpu.memory_space<vmem_shared>>
    %dma_wait3A_310 = tpu.memref_squeeze %dma_wait3A_309 : memref<1x640xf32, #tpu.memory_space<vmem_shared>> -> memref<640xf32, #tpu.memory_space<vmem_shared>>
    %dma_wait3A_311 = tpu.memref_slice %arg14[%dma_wait3A_308, %mul3A_16] : memref<16x10240xf32, #tpu.memory_space<vmem_shared>> -> memref<1x640xf32, #tpu.memory_space<vmem_shared>>
    %dma_wait3A_312 = tpu.memref_squeeze %dma_wait3A_311 : memref<1x640xf32, #tpu.memory_space<vmem_shared>> -> memref<640xf32, #tpu.memory_space<vmem_shared>>
    tpu.wait_dma2 semaphore(%arg15 : memref<!tpu.dma_semaphore, #tpu.memory_space<semaphore_mem>>) src(%dma_wait3A_312 : memref<640xf32, #tpu.memory_space<vmem_shared>>) dst(%arg11 : memref<640xf32, #tpu.memory_space<vmem>>)
    %scan3A_313 = arith.constant 0 : i32
    %scan3A_314 = arith.constant 0 : i32
    %scan3A_315 = arith.constant 40 : i32
    %scan3A_316 = arith.addi %scan3A_314, %scan3A_315 : i32
    %scan3A_317 = arith.constant 1 : i32
    %scan3A_318 = scf.for %scan3A_557 = %scan3A_314 to %scan3A_316 step %scan3A_317 iter_args(%scan3A_558 = %scan3A_313) -> (i32)  : i32 {
      %mul3A_559 = arith.constant 16 : i32
      %mul3A_560 = arith.muli %scan3A_557, %mul3A_559 : i32
      %get3A = arith.index_cast %mul3A_560 : i32 to index
      %get3A_561 = tpu.vector_load %arg12[%get3A] {strides = array<i32>} : memref<640xf32, #tpu.memory_space<vmem>>, vector<16xf32>,
      %get3A_562 = arith.index_cast %mul3A_560 : i32 to index
      %get3A_563 = tpu.vector_load %arg11[%get3A_562] {strides = array<i32>} : memref<640xf32, #tpu.memory_space<vmem>>, vector<16xf32>,
      %add3A_564 = arith.addf %get3A_561, %get3A_563 : vector<16xf32>
      %swap3A = arith.index_cast %mul3A_560 : i32 to index
      %swap3A_565 = tpu.vector_load %arg12[%swap3A] {strides = array<i32>} : memref<640xf32, #tpu.memory_space<vmem>>, vector<16xf32>,
      tpu.vector_store %arg12[%swap3A], %add3A_564 {strides = array<i32>} : memref<640xf32, #tpu.memory_space<vmem>>, vector<16xf32>,
      %scan3A_566 = arith.constant 0 : i32
      scf.yield %scan3A_566 : i32
    }
    %scan3A_319 = arith.constant 40 : i32
    %dma_start3A_320 = arith.constant 11 : i32
    %dma_start3A_321 = tpu.memref_slice %arg14[%dma_start3A_320, %mul3A_16] : memref<16x10240xf32, #tpu.memory_space<vmem_shared>> -> memref<1x640xf32, #tpu.memory_space<vmem_shared>>
    %dma_start3A_322 = tpu.memref_squeeze %dma_start3A_321 : memref<1x640xf32, #tpu.memory_space<vmem_shared>> -> memref<640xf32, #tpu.memory_space<vmem_shared>>
    %dma_start3A_323 = tpu.memref_slice %arg14[%dma_start3A_320, %mul3A_16] : memref<16x10240xf32, #tpu.memory_space<vmem_shared>> -> memref<1x640xf32, #tpu.memory_space<vmem_shared>>
    %dma_start3A_324 = tpu.memref_squeeze %dma_start3A_323 : memref<1x640xf32, #tpu.memory_space<vmem_shared>> -> memref<640xf32, #tpu.memory_space<vmem_shared>>
    tpu.enqueue_dma source(%dma_start3A_324 : memref<640xf32, #tpu.memory_space<vmem_shared>>) target(%arg11 : memref<640xf32, #tpu.memory_space<vmem>>) target_semaphore(%arg15 : memref<!tpu.dma_semaphore, #tpu.memory_space<semaphore_mem>>)
    %dma_wait3A_325 = arith.constant 11 : i32
    %dma_wait3A_326 = tpu.memref_slice %arg14[%dma_wait3A_325, %mul3A_16] : memref<16x10240xf32, #tpu.memory_space<vmem_shared>> -> memref<1x640xf32, #tpu.memory_space<vmem_shared>>
    %dma_wait3A_327 = tpu.memref_squeeze %dma_wait3A_326 : memref<1x640xf32, #tpu.memory_space<vmem_shared>> -> memref<640xf32, #tpu.memory_space<vmem_shared>>
    %dma_wait3A_328 = tpu.memref_slice %arg14[%dma_wait3A_325, %mul3A_16] : memref<16x10240xf32, #tpu.memory_space<vmem_shared>> -> memref<1x640xf32, #tpu.memory_space<vmem_shared>>
    %dma_wait3A_329 = tpu.memref_squeeze %dma_wait3A_328 : memref<1x640xf32, #tpu.memory_space<vmem_shared>> -> memref<640xf32, #tpu.memory_space<vmem_shared>>
    tpu.wait_dma2 semaphore(%arg15 : memref<!tpu.dma_semaphore, #tpu.memory_space<semaphore_mem>>) src(%dma_wait3A_329 : memref<640xf32, #tpu.memory_space<vmem_shared>>) dst(%arg11 : memref<640xf32, #tpu.memory_space<vmem>>)
    %scan3A_330 = arith.constant 0 : i32
    %scan3A_331 = arith.constant 0 : i32
    %scan3A_332 = arith.constant 40 : i32
    %scan3A_333 = arith.addi %scan3A_331, %scan3A_332 : i32
    %scan3A_334 = arith.constant 1 : i32
    %scan3A_335 = scf.for %scan3A_557 = %scan3A_331 to %scan3A_333 step %scan3A_334 iter_args(%scan3A_558 = %scan3A_330) -> (i32)  : i32 {
      %mul3A_559 = arith.constant 16 : i32
      %mul3A_560 = arith.muli %scan3A_557, %mul3A_559 : i32
      %get3A = arith.index_cast %mul3A_560 : i32 to index
      %get3A_561 = tpu.vector_load %arg12[%get3A] {strides = array<i32>} : memref<640xf32, #tpu.memory_space<vmem>>, vector<16xf32>,
      %get3A_562 = arith.index_cast %mul3A_560 : i32 to index
      %get3A_563 = tpu.vector_load %arg11[%get3A_562] {strides = array<i32>} : memref<640xf32, #tpu.memory_space<vmem>>, vector<16xf32>,
      %add3A_564 = arith.addf %get3A_561, %get3A_563 : vector<16xf32>
      %swap3A = arith.index_cast %mul3A_560 : i32 to index
      %swap3A_565 = tpu.vector_load %arg12[%swap3A] {strides = array<i32>} : memref<640xf32, #tpu.memory_space<vmem>>, vector<16xf32>,
      tpu.vector_store %arg12[%swap3A], %add3A_564 {strides = array<i32>} : memref<640xf32, #tpu.memory_space<vmem>>, vector<16xf32>,
      %scan3A_566 = arith.constant 0 : i32
      scf.yield %scan3A_566 : i32
    }
    %scan3A_336 = arith.constant 40 : i32
    %dma_start3A_337 = arith.constant 12 : i32
    %dma_start3A_338 = tpu.memref_slice %arg14[%dma_start3A_337, %mul3A_16] : memref<16x10240xf32, #tpu.memory_space<vmem_shared>> -> memref<1x640xf32, #tpu.memory_space<vmem_shared>>
    %dma_start3A_339 = tpu.memref_squeeze %dma_start3A_338 : memref<1x640xf32, #tpu.memory_space<vmem_shared>> -> memref<640xf32, #tpu.memory_space<vmem_shared>>
    %dma_start3A_340 = tpu.memref_slice %arg14[%dma_start3A_337, %mul3A_16] : memref<16x10240xf32, #tpu.memory_space<vmem_shared>> -> memref<1x640xf32, #tpu.memory_space<vmem_shared>>
    %dma_start3A_341 = tpu.memref_squeeze %dma_start3A_340 : memref<1x640xf32, #tpu.memory_space<vmem_shared>> -> memref<640xf32, #tpu.memory_space<vmem_shared>>
    tpu.enqueue_dma source(%dma_start3A_341 : memref<640xf32, #tpu.memory_space<vmem_shared>>) target(%arg11 : memref<640xf32, #tpu.memory_space<vmem>>) target_semaphore(%arg15 : memref<!tpu.dma_semaphore, #tpu.memory_space<semaphore_mem>>)
    %dma_wait3A_342 = arith.constant 12 : i32
    %dma_wait3A_343 = tpu.memref_slice %arg14[%dma_wait3A_342, %mul3A_16] : memref<16x10240xf32, #tpu.memory_space<vmem_shared>> -> memref<1x640xf32, #tpu.memory_space<vmem_shared>>
    %dma_wait3A_344 = tpu.memref_squeeze %dma_wait3A_343 : memref<1x640xf32, #tpu.memory_space<vmem_shared>> -> memref<640xf32, #tpu.memory_space<vmem_shared>>
    %dma_wait3A_345 = tpu.memref_slice %arg14[%dma_wait3A_342, %mul3A_16] : memref<16x10240xf32, #tpu.memory_space<vmem_shared>> -> memref<1x640xf32, #tpu.memory_space<vmem_shared>>
    %dma_wait3A_346 = tpu.memref_squeeze %dma_wait3A_345 : memref<1x640xf32, #tpu.memory_space<vmem_shared>> -> memref<640xf32, #tpu.memory_space<vmem_shared>>
    tpu.wait_dma2 semaphore(%arg15 : memref<!tpu.dma_semaphore, #tpu.memory_space<semaphore_mem>>) src(%dma_wait3A_346 : memref<640xf32, #tpu.memory_space<vmem_shared>>) dst(%arg11 : memref<640xf32, #tpu.memory_space<vmem>>)
    %scan3A_347 = arith.constant 0 : i32
    %scan3A_348 = arith.constant 0 : i32
    %scan3A_349 = arith.constant 40 : i32
    %scan3A_350 = arith.addi %scan3A_348, %scan3A_349 : i32
    %scan3A_351 = arith.constant 1 : i32
    %scan3A_352 = scf.for %scan3A_557 = %scan3A_348 to %scan3A_350 step %scan3A_351 iter_args(%scan3A_558 = %scan3A_347) -> (i32)  : i32 {
      %mul3A_559 = arith.constant 16 : i32
      %mul3A_560 = arith.muli %scan3A_557, %mul3A_559 : i32
      %get3A = arith.index_cast %mul3A_560 : i32 to index
      %get3A_561 = tpu.vector_load %arg12[%get3A] {strides = array<i32>} : memref<640xf32, #tpu.memory_space<vmem>>, vector<16xf32>,
      %get3A_562 = arith.index_cast %mul3A_560 : i32 to index
      %get3A_563 = tpu.vector_load %arg11[%get3A_562] {strides = array<i32>} : memref<640xf32, #tpu.memory_space<vmem>>, vector<16xf32>,
      %add3A_564 = arith.addf %get3A_561, %get3A_563 : vector<16xf32>
      %swap3A = arith.index_cast %mul3A_560 : i32 to index
      %swap3A_565 = tpu.vector_load %arg12[%swap3A] {strides = array<i32>} : memref<640xf32, #tpu.memory_space<vmem>>, vector<16xf32>,
      tpu.vector_store %arg12[%swap3A], %add3A_564 {strides = array<i32>} : memref<640xf32, #tpu.memory_space<vmem>>, vector<16xf32>,
      %scan3A_566 = arith.constant 0 : i32
      scf.yield %scan3A_566 : i32
    }
    %scan3A_353 = arith.constant 40 : i32
    %dma_start3A_354 = arith.constant 13 : i32
    %dma_start3A_355 = tpu.memref_slice %arg14[%dma_start3A_354, %mul3A_16] : memref<16x10240xf32, #tpu.memory_space<vmem_shared>> -> memref<1x640xf32, #tpu.memory_space<vmem_shared>>
    %dma_start3A_356 = tpu.memref_squeeze %dma_start3A_355 : memref<1x640xf32, #tpu.memory_space<vmem_shared>> -> memref<640xf32, #tpu.memory_space<vmem_shared>>
    %dma_start3A_357 = tpu.memref_slice %arg14[%dma_start3A_354, %mul3A_16] : memref<16x10240xf32, #tpu.memory_space<vmem_shared>> -> memref<1x640xf32, #tpu.memory_space<vmem_shared>>
    %dma_start3A_358 = tpu.memref_squeeze %dma_start3A_357 : memref<1x640xf32, #tpu.memory_space<vmem_shared>> -> memref<640xf32, #tpu.memory_space<vmem_shared>>
    tpu.enqueue_dma source(%dma_start3A_358 : memref<640xf32, #tpu.memory_space<vmem_shared>>) target(%arg11 : memref<640xf32, #tpu.memory_space<vmem>>) target_semaphore(%arg15 : memref<!tpu.dma_semaphore, #tpu.memory_space<semaphore_mem>>)
    %dma_wait3A_359 = arith.constant 13 : i32
    %dma_wait3A_360 = tpu.memref_slice %arg14[%dma_wait3A_359, %mul3A_16] : memref<16x10240xf32, #tpu.memory_space<vmem_shared>> -> memref<1x640xf32, #tpu.memory_space<vmem_shared>>
    %dma_wait3A_361 = tpu.memref_squeeze %dma_wait3A_360 : memref<1x640xf32, #tpu.memory_space<vmem_shared>> -> memref<640xf32, #tpu.memory_space<vmem_shared>>
    %dma_wait3A_362 = tpu.memref_slice %arg14[%dma_wait3A_359, %mul3A_16] : memref<16x10240xf32, #tpu.memory_space<vmem_shared>> -> memref<1x640xf32, #tpu.memory_space<vmem_shared>>
    %dma_wait3A_363 = tpu.memref_squeeze %dma_wait3A_362 : memref<1x640xf32, #tpu.memory_space<vmem_shared>> -> memref<640xf32, #tpu.memory_space<vmem_shared>>
    tpu.wait_dma2 semaphore(%arg15 : memref<!tpu.dma_semaphore, #tpu.memory_space<semaphore_mem>>) src(%dma_wait3A_363 : memref<640xf32, #tpu.memory_space<vmem_shared>>) dst(%arg11 : memref<640xf32, #tpu.memory_space<vmem>>)
    %scan3A_364 = arith.constant 0 : i32
    %scan3A_365 = arith.constant 0 : i32
    %scan3A_366 = arith.constant 40 : i32
    %scan3A_367 = arith.addi %scan3A_365, %scan3A_366 : i32
    %scan3A_368 = arith.constant 1 : i32
    %scan3A_369 = scf.for %scan3A_557 = %scan3A_365 to %scan3A_367 step %scan3A_368 iter_args(%scan3A_558 = %scan3A_364) -> (i32)  : i32 {
      %mul3A_559 = arith.constant 16 : i32
      %mul3A_560 = arith.muli %scan3A_557, %mul3A_559 : i32
      %get3A = arith.index_cast %mul3A_560 : i32 to index
      %get3A_561 = tpu.vector_load %arg12[%get3A] {strides = array<i32>} : memref<640xf32, #tpu.memory_space<vmem>>, vector<16xf32>,
      %get3A_562 = arith.index_cast %mul3A_560 : i32 to index
      %get3A_563 = tpu.vector_load %arg11[%get3A_562] {strides = array<i32>} : memref<640xf32, #tpu.memory_space<vmem>>, vector<16xf32>,
      %add3A_564 = arith.addf %get3A_561, %get3A_563 : vector<16xf32>
      %swap3A = arith.index_cast %mul3A_560 : i32 to index
      %swap3A_565 = tpu.vector_load %arg12[%swap3A] {strides = array<i32>} : memref<640xf32, #tpu.memory_space<vmem>>, vector<16xf32>,
      tpu.vector_store %arg12[%swap3A], %add3A_564 {strides = array<i32>} : memref<640xf32, #tpu.memory_space<vmem>>, vector<16xf32>,
      %scan3A_566 = arith.constant 0 : i32
      scf.yield %scan3A_566 : i32
    }
    %scan3A_370 = arith.constant 40 : i32
    %dma_start3A_371 = arith.constant 14 : i32
    %dma_start3A_372 = tpu.memref_slice %arg14[%dma_start3A_371, %mul3A_16] : memref<16x10240xf32, #tpu.memory_space<vmem_shared>> -> memref<1x640xf32, #tpu.memory_space<vmem_shared>>
    %dma_start3A_373 = tpu.memref_squeeze %dma_start3A_372 : memref<1x640xf32, #tpu.memory_space<vmem_shared>> -> memref<640xf32, #tpu.memory_space<vmem_shared>>
    %dma_start3A_374 = tpu.memref_slice %arg14[%dma_start3A_371, %mul3A_16] : memref<16x10240xf32, #tpu.memory_space<vmem_shared>> -> memref<1x640xf32, #tpu.memory_space<vmem_shared>>
    %dma_start3A_375 = tpu.memref_squeeze %dma_start3A_374 : memref<1x640xf32, #tpu.memory_space<vmem_shared>> -> memref<640xf32, #tpu.memory_space<vmem_shared>>
    tpu.enqueue_dma source(%dma_start3A_375 : memref<640xf32, #tpu.memory_space<vmem_shared>>) target(%arg11 : memref<640xf32, #tpu.memory_space<vmem>>) target_semaphore(%arg15 : memref<!tpu.dma_semaphore, #tpu.memory_space<semaphore_mem>>)
    %dma_wait3A_376 = arith.constant 14 : i32
    %dma_wait3A_377 = tpu.memref_slice %arg14[%dma_wait3A_376, %mul3A_16] : memref<16x10240xf32, #tpu.memory_space<vmem_shared>> -> memref<1x640xf32, #tpu.memory_space<vmem_shared>>
    %dma_wait3A_378 = tpu.memref_squeeze %dma_wait3A_377 : memref<1x640xf32, #tpu.memory_space<vmem_shared>> -> memref<640xf32, #tpu.memory_space<vmem_shared>>
    %dma_wait3A_379 = tpu.memref_slice %arg14[%dma_wait3A_376, %mul3A_16] : memref<16x10240xf32, #tpu.memory_space<vmem_shared>> -> memref<1x640xf32, #tpu.memory_space<vmem_shared>>
    %dma_wait3A_380 = tpu.memref_squeeze %dma_wait3A_379 : memref<1x640xf32, #tpu.memory_space<vmem_shared>> -> memref<640xf32, #tpu.memory_space<vmem_shared>>
    tpu.wait_dma2 semaphore(%arg15 : memref<!tpu.dma_semaphore, #tpu.memory_space<semaphore_mem>>) src(%dma_wait3A_380 : memref<640xf32, #tpu.memory_space<vmem_shared>>) dst(%arg11 : memref<640xf32, #tpu.memory_space<vmem>>)
    %scan3A_381 = arith.constant 0 : i32
    %scan3A_382 = arith.constant 0 : i32
    %scan3A_383 = arith.constant 40 : i32
    %scan3A_384 = arith.addi %scan3A_382, %scan3A_383 : i32
    %scan3A_385 = arith.constant 1 : i32
    %scan3A_386 = scf.for %scan3A_557 = %scan3A_382 to %scan3A_384 step %scan3A_385 iter_args(%scan3A_558 = %scan3A_381) -> (i32)  : i32 {
      %mul3A_559 = arith.constant 16 : i32
      %mul3A_560 = arith.muli %scan3A_557, %mul3A_559 : i32
      %get3A = arith.index_cast %mul3A_560 : i32 to index
      %get3A_561 = tpu.vector_load %arg12[%get3A] {strides = array<i32>} : memref<640xf32, #tpu.memory_space<vmem>>, vector<16xf32>,
      %get3A_562 = arith.index_cast %mul3A_560 : i32 to index
      %get3A_563 = tpu.vector_load %arg11[%get3A_562] {strides = array<i32>} : memref<640xf32, #tpu.memory_space<vmem>>, vector<16xf32>,
      %add3A_564 = arith.addf %get3A_561, %get3A_563 : vector<16xf32>
      %swap3A = arith.index_cast %mul3A_560 : i32 to index
      %swap3A_565 = tpu.vector_load %arg12[%swap3A] {strides = array<i32>} : memref<640xf32, #tpu.memory_space<vmem>>, vector<16xf32>,
      tpu.vector_store %arg12[%swap3A], %add3A_564 {strides = array<i32>} : memref<640xf32, #tpu.memory_space<vmem>>, vector<16xf32>,
      %scan3A_566 = arith.constant 0 : i32
      scf.yield %scan3A_566 : i32
    }
    %scan3A_387 = arith.constant 40 : i32
    %dma_start3A_388 = arith.constant 15 : i32
    %dma_start3A_389 = tpu.memref_slice %arg14[%dma_start3A_388, %mul3A_16] : memref<16x10240xf32, #tpu.memory_space<vmem_shared>> -> memref<1x640xf32, #tpu.memory_space<vmem_shared>>
    %dma_start3A_390 = tpu.memref_squeeze %dma_start3A_389 : memref<1x640xf32, #tpu.memory_space<vmem_shared>> -> memref<640xf32, #tpu.memory_space<vmem_shared>>
    %dma_start3A_391 = tpu.memref_slice %arg14[%dma_start3A_388, %mul3A_16] : memref<16x10240xf32, #tpu.memory_space<vmem_shared>> -> memref<1x640xf32, #tpu.memory_space<vmem_shared>>
    %dma_start3A_392 = tpu.memref_squeeze %dma_start3A_391 : memref<1x640xf32, #tpu.memory_space<vmem_shared>> -> memref<640xf32, #tpu.memory_space<vmem_shared>>
    tpu.enqueue_dma source(%dma_start3A_392 : memref<640xf32, #tpu.memory_space<vmem_shared>>) target(%arg11 : memref<640xf32, #tpu.memory_space<vmem>>) target_semaphore(%arg15 : memref<!tpu.dma_semaphore, #tpu.memory_space<semaphore_mem>>)
    %dma_wait3A_393 = arith.constant 15 : i32
    %dma_wait3A_394 = tpu.memref_slice %arg14[%dma_wait3A_393, %mul3A_16] : memref<16x10240xf32, #tpu.memory_space<vmem_shared>> -> memref<1x640xf32, #tpu.memory_space<vmem_shared>>
    %dma_wait3A_395 = tpu.memref_squeeze %dma_wait3A_394 : memref<1x640xf32, #tpu.memory_space<vmem_shared>> -> memref<640xf32, #tpu.memory_space<vmem_shared>>
    %dma_wait3A_396 = tpu.memref_slice %arg14[%dma_wait3A_393, %mul3A_16] : memref<16x10240xf32, #tpu.memory_space<vmem_shared>> -> memref<1x640xf32, #tpu.memory_space<vmem_shared>>
    %dma_wait3A_397 = tpu.memref_squeeze %dma_wait3A_396 : memref<1x640xf32, #tpu.memory_space<vmem_shared>> -> memref<640xf32, #tpu.memory_space<vmem_shared>>
    tpu.wait_dma2 semaphore(%arg15 : memref<!tpu.dma_semaphore, #tpu.memory_space<semaphore_mem>>) src(%dma_wait3A_397 : memref<640xf32, #tpu.memory_space<vmem_shared>>) dst(%arg11 : memref<640xf32, #tpu.memory_space<vmem>>)
    %scan3A_398 = arith.constant 0 : i32
    %scan3A_399 = arith.constant 0 : i32
    %scan3A_400 = arith.constant 40 : i32
    %scan3A_401 = arith.addi %scan3A_399, %scan3A_400 : i32
    %scan3A_402 = arith.constant 1 : i32
    %scan3A_403 = scf.for %scan3A_557 = %scan3A_399 to %scan3A_401 step %scan3A_402 iter_args(%scan3A_558 = %scan3A_398) -> (i32)  : i32 {
      %mul3A_559 = arith.constant 16 : i32
      %mul3A_560 = arith.muli %scan3A_557, %mul3A_559 : i32
      %get3A = arith.index_cast %mul3A_560 : i32 to index
      %get3A_561 = tpu.vector_load %arg12[%get3A] {strides = array<i32>} : memref<640xf32, #tpu.memory_space<vmem>>, vector<16xf32>,
      %get3A_562 = arith.index_cast %mul3A_560 : i32 to index
      %get3A_563 = tpu.vector_load %arg11[%get3A_562] {strides = array<i32>} : memref<640xf32, #tpu.memory_space<vmem>>, vector<16xf32>,
      %add3A_564 = arith.addf %get3A_561, %get3A_563 : vector<16xf32>
      %swap3A = arith.index_cast %mul3A_560 : i32 to index
      %swap3A_565 = tpu.vector_load %arg12[%swap3A] {strides = array<i32>} : memref<640xf32, #tpu.memory_space<vmem>>, vector<16xf32>,
      tpu.vector_store %arg12[%swap3A], %add3A_564 {strides = array<i32>} : memref<640xf32, #tpu.memory_space<vmem>>, vector<16xf32>,
      %scan3A_566 = arith.constant 0 : i32
      scf.yield %scan3A_566 : i32
    }
    %scan3A_404 = arith.constant 40 : i32
    %add3A_405 = arith.constant 0 : i32
    %add3A_406 = arith.addi %mul3A_16, %add3A_405 : i32
    %dma_start3A_407 = arith.constant 0 : i32
    %dma_start3A_408 = tpu.memref_slice %arg13[%add3A_406, %dma_start3A_407] : memref<10240x128xf32, #tpu.memory_space<vmem_shared>> -> memref<80x128xf32, #tpu.memory_space<vmem_shared>>
    %dma_start3A_409 = arith.constant 0 : i32
    %dma_start3A_410 = tpu.memref_slice %arg13[%add3A_406, %dma_start3A_409] : memref<10240x128xf32, #tpu.memory_space<vmem_shared>> -> memref<80x128xf32, #tpu.memory_space<vmem_shared>>
    tpu.enqueue_dma source(%dma_start3A_410 : memref<80x128xf32, #tpu.memory_space<vmem_shared>>) target(%arg9 : memref<80x128xf32, #tpu.memory_space<vmem>>) target_semaphore(%arg15 : memref<!tpu.dma_semaphore, #tpu.memory_space<semaphore_mem>>)
    %dma_wait3A_411 = arith.constant 0 : i32
    %dma_wait3A_412 = tpu.memref_slice %arg13[%add3A_406, %dma_wait3A_411] : memref<10240x128xf32, #tpu.memory_space<vmem_shared>> -> memref<80x128xf32, #tpu.memory_space<vmem_shared>>
    %dma_wait3A_413 = arith.constant 0 : i32
    %dma_wait3A_414 = tpu.memref_slice %arg13[%add3A_406, %dma_wait3A_413] : memref<10240x128xf32, #tpu.memory_space<vmem_shared>> -> memref<80x128xf32, #tpu.memory_space<vmem_shared>>
    tpu.wait_dma2 semaphore(%arg15 : memref<!tpu.dma_semaphore, #tpu.memory_space<semaphore_mem>>) src(%dma_wait3A_414 : memref<80x128xf32, #tpu.memory_space<vmem_shared>>) dst(%arg9 : memref<80x128xf32, #tpu.memory_space<vmem>>)
    %scan3A_415 = arith.constant 0 : i32
    %scan3A_416 = arith.constant 0 : i32
    %scan3A_417 = arith.constant 80 : i32
    %scan3A_418 = arith.addi %scan3A_416, %scan3A_417 : i32
    %scan3A_419 = arith.constant 1 : i32
    %scan3A_420 = scf.for %scan3A_557 = %scan3A_416 to %scan3A_418 step %scan3A_419 iter_args(%scan3A_558 = %scan3A_415) -> (i32)  : i32 {
      %add3A_559 = arith.constant 0 : i32
      %add3A_560 = arith.addi %add3A_559, %scan3A_557 : i32
      %broadcast_in_dim3A_561 = vector.broadcast %add3A_560 : i32 to vector<16xi32>
      %gather3A = tpu.vector_load_idx %arg12[%broadcast_in_dim3A_561] : memref<640xf32, #tpu.memory_space<vmem>>[vector<16xi32>], vector<16xf32>,
      %add3A_562 = arith.constant 1.000000e-16 : f32
      %add3A_563 = vector.broadcast %add3A_562 : f32 to vector<16xf32>
      %add3A_564 = arith.addf %gather3A, %add3A_563 : vector<16xf32>
      %div3A = arith.constant 1.000000e+00 : f32
      %div3A_565 = vector.broadcast %div3A : f32 to vector<16xf32>
      %div3A_566 = arith.divf %div3A_565, %add3A_564 : vector<16xf32>
      %get3A = arith.index_cast %scan3A_557 : i32 to index
      %get3A_567 = arith.constant 0 : index
      %get3A_568 = tpu.vector_load %arg9[%get3A, %get3A_567] {strides = array<i32>} : memref<80x128xf32, #tpu.memory_space<vmem>>, vector<16xf32>,
      %mul3A_569 = arith.mulf %get3A_568, %div3A_566 : vector<16xf32>
      %ge3A = arith.constant 0.000000e+00 : f32
      %ge3A_570 = vector.broadcast %ge3A : f32 to vector<16xf32>
      %ge3A_571 = arith.cmpf oge, %mul3A_569, %ge3A_570 : vector<16xf32>
      %mul3A_572 = arith.constant 0.00999999977 : f32
      %mul3A_573 = vector.broadcast %mul3A_572 : f32 to vector<16xf32>
      %mul3A_574 = arith.mulf %mul3A_573, %mul3A_569 : vector<16xf32>
      %select_n3A_575 = arith.select %ge3A_571, %mul3A_569, %mul3A_574 : vector<16xi1>, vector<16xf32>
      %swap3A = arith.index_cast %scan3A_557 : i32 to index
      %swap3A_576 = arith.constant 0 : index
      %swap3A_577 = tpu.vector_load %arg9[%swap3A, %swap3A_576] {strides = array<i32>} : memref<80x128xf32, #tpu.memory_space<vmem>>, vector<16xf32>,
      tpu.vector_store %arg9[%swap3A, %swap3A_576], %select_n3A_575 {strides = array<i32>} : memref<80x128xf32, #tpu.memory_space<vmem>>, vector<16xf32>,
      %get3A_578 = arith.index_cast %scan3A_557 : i32 to index
      %get3A_579 = arith.constant 16 : index
      %get3A_580 = tpu.vector_load %arg9[%get3A_578, %get3A_579] {strides = array<i32>} : memref<80x128xf32, #tpu.memory_space<vmem>>, vector<16xf32>,
      %mul3A_581 = arith.mulf %get3A_580, %div3A_566 : vector<16xf32>
      %ge3A_582 = arith.constant 0.000000e+00 : f32
      %ge3A_583 = vector.broadcast %ge3A_582 : f32 to vector<16xf32>
      %ge3A_584 = arith.cmpf oge, %mul3A_581, %ge3A_583 : vector<16xf32>
      %mul3A_585 = arith.constant 0.00999999977 : f32
      %mul3A_586 = vector.broadcast %mul3A_585 : f32 to vector<16xf32>
      %mul3A_587 = arith.mulf %mul3A_586, %mul3A_581 : vector<16xf32>
      %select_n3A_588 = arith.select %ge3A_584, %mul3A_581, %mul3A_587 : vector<16xi1>, vector<16xf32>
      %swap3A_589 = arith.index_cast %scan3A_557 : i32 to index
      %swap3A_590 = arith.constant 16 : index
      %swap3A_591 = tpu.vector_load %arg9[%swap3A_589, %swap3A_590] {strides = array<i32>} : memref<80x128xf32, #tpu.memory_space<vmem>>, vector<16xf32>,
      tpu.vector_store %arg9[%swap3A_589, %swap3A_590], %select_n3A_588 {strides = array<i32>} : memref<80x128xf32, #tpu.memory_space<vmem>>, vector<16xf32>,
      %get3A_592 = arith.index_cast %scan3A_557 : i32 to index
      %get3A_593 = arith.constant 32 : index
      %get3A_594 = tpu.vector_load %arg9[%get3A_592, %get3A_593] {strides = array<i32>} : memref<80x128xf32, #tpu.memory_space<vmem>>, vector<16xf32>,
      %mul3A_595 = arith.mulf %get3A_594, %div3A_566 : vector<16xf32>
      %ge3A_596 = arith.constant 0.000000e+00 : f32
      %ge3A_597 = vector.broadcast %ge3A_596 : f32 to vector<16xf32>
      %ge3A_598 = arith.cmpf oge, %mul3A_595, %ge3A_597 : vector<16xf32>
      %mul3A_599 = arith.constant 0.00999999977 : f32
      %mul3A_600 = vector.broadcast %mul3A_599 : f32 to vector<16xf32>
      %mul3A_601 = arith.mulf %mul3A_600, %mul3A_595 : vector<16xf32>
      %select_n3A_602 = arith.select %ge3A_598, %mul3A_595, %mul3A_601 : vector<16xi1>, vector<16xf32>
      %swap3A_603 = arith.index_cast %scan3A_557 : i32 to index
      %swap3A_604 = arith.constant 32 : index
      %swap3A_605 = tpu.vector_load %arg9[%swap3A_603, %swap3A_604] {strides = array<i32>} : memref<80x128xf32, #tpu.memory_space<vmem>>, vector<16xf32>,
      tpu.vector_store %arg9[%swap3A_603, %swap3A_604], %select_n3A_602 {strides = array<i32>} : memref<80x128xf32, #tpu.memory_space<vmem>>, vector<16xf32>,
      %get3A_606 = arith.index_cast %scan3A_557 : i32 to index
      %get3A_607 = arith.constant 48 : index
      %get3A_608 = tpu.vector_load %arg9[%get3A_606, %get3A_607] {strides = array<i32>} : memref<80x128xf32, #tpu.memory_space<vmem>>, vector<16xf32>,
      %mul3A_609 = arith.mulf %get3A_608, %div3A_566 : vector<16xf32>
      %ge3A_610 = arith.constant 0.000000e+00 : f32
      %ge3A_611 = vector.broadcast %ge3A_610 : f32 to vector<16xf32>
      %ge3A_612 = arith.cmpf oge, %mul3A_609, %ge3A_611 : vector<16xf32>
      %mul3A_613 = arith.constant 0.00999999977 : f32
      %mul3A_614 = vector.broadcast %mul3A_613 : f32 to vector<16xf32>
      %mul3A_615 = arith.mulf %mul3A_614, %mul3A_609 : vector<16xf32>
      %select_n3A_616 = arith.select %ge3A_612, %mul3A_609, %mul3A_615 : vector<16xi1>, vector<16xf32>
      %swap3A_617 = arith.index_cast %scan3A_557 : i32 to index
      %swap3A_618 = arith.constant 48 : index
      %swap3A_619 = tpu.vector_load %arg9[%swap3A_617, %swap3A_618] {strides = array<i32>} : memref<80x128xf32, #tpu.memory_space<vmem>>, vector<16xf32>,
      tpu.vector_store %arg9[%swap3A_617, %swap3A_618], %select_n3A_616 {strides = array<i32>} : memref<80x128xf32, #tpu.memory_space<vmem>>, vector<16xf32>,
      %get3A_620 = arith.index_cast %scan3A_557 : i32 to index
      %get3A_621 = arith.constant 64 : index
      %get3A_622 = tpu.vector_load %arg9[%get3A_620, %get3A_621] {strides = array<i32>} : memref<80x128xf32, #tpu.memory_space<vmem>>, vector<16xf32>,
      %mul3A_623 = arith.mulf %get3A_622, %div3A_566 : vector<16xf32>
      %ge3A_624 = arith.constant 0.000000e+00 : f32
      %ge3A_625 = vector.broadcast %ge3A_624 : f32 to vector<16xf32>
      %ge3A_626 = arith.cmpf oge, %mul3A_623, %ge3A_625 : vector<16xf32>
      %mul3A_627 = arith.constant 0.00999999977 : f32
      %mul3A_628 = vector.broadcast %mul3A_627 : f32 to vector<16xf32>
      %mul3A_629 = arith.mulf %mul3A_628, %mul3A_623 : vector<16xf32>
      %select_n3A_630 = arith.select %ge3A_626, %mul3A_623, %mul3A_629 : vector<16xi1>, vector<16xf32>
      %swap3A_631 = arith.index_cast %scan3A_557 : i32 to index
      %swap3A_632 = arith.constant 64 : index
      %swap3A_633 = tpu.vector_load %arg9[%swap3A_631, %swap3A_632] {strides = array<i32>} : memref<80x128xf32, #tpu.memory_space<vmem>>, vector<16xf32>,
      tpu.vector_store %arg9[%swap3A_631, %swap3A_632], %select_n3A_630 {strides = array<i32>} : memref<80x128xf32, #tpu.memory_space<vmem>>, vector<16xf32>,
      %get3A_634 = arith.index_cast %scan3A_557 : i32 to index
      %get3A_635 = arith.constant 80 : index
      %get3A_636 = tpu.vector_load %arg9[%get3A_634, %get3A_635] {strides = array<i32>} : memref<80x128xf32, #tpu.memory_space<vmem>>, vector<16xf32>,
      %mul3A_637 = arith.mulf %get3A_636, %div3A_566 : vector<16xf32>
      %ge3A_638 = arith.constant 0.000000e+00 : f32
      %ge3A_639 = vector.broadcast %ge3A_638 : f32 to vector<16xf32>
      %ge3A_640 = arith.cmpf oge, %mul3A_637, %ge3A_639 : vector<16xf32>
      %mul3A_641 = arith.constant 0.00999999977 : f32
      %mul3A_642 = vector.broadcast %mul3A_641 : f32 to vector<16xf32>
      %mul3A_643 = arith.mulf %mul3A_642, %mul3A_637 : vector<16xf32>
      %select_n3A_644 = arith.select %ge3A_640, %mul3A_637, %mul3A_643 : vector<16xi1>, vector<16xf32>
      %swap3A_645 = arith.index_cast %scan3A_557 : i32 to index
      %swap3A_646 = arith.constant 80 : index
      %swap3A_647 = tpu.vector_load %arg9[%swap3A_645, %swap3A_646] {strides = array<i32>} : memref<80x128xf32, #tpu.memory_space<vmem>>, vector<16xf32>,
      tpu.vector_store %arg9[%swap3A_645, %swap3A_646], %select_n3A_644 {strides = array<i32>} : memref<80x128xf32, #tpu.memory_space<vmem>>, vector<16xf32>,
      %get3A_648 = arith.index_cast %scan3A_557 : i32 to index
      %get3A_649 = arith.constant 96 : index
      %get3A_650 = tpu.vector_load %arg9[%get3A_648, %get3A_649] {strides = array<i32>} : memref<80x128xf32, #tpu.memory_space<vmem>>, vector<16xf32>,
      %mul3A_651 = arith.mulf %get3A_650, %div3A_566 : vector<16xf32>
      %ge3A_652 = arith.constant 0.000000e+00 : f32
      %ge3A_653 = vector.broadcast %ge3A_652 : f32 to vector<16xf32>
      %ge3A_654 = arith.cmpf oge, %mul3A_651, %ge3A_653 : vector<16xf32>
      %mul3A_655 = arith.constant 0.00999999977 : f32
      %mul3A_656 = vector.broadcast %mul3A_655 : f32 to vector<16xf32>
      %mul3A_657 = arith.mulf %mul3A_656, %mul3A_651 : vector<16xf32>
      %select_n3A_658 = arith.select %ge3A_654, %mul3A_651, %mul3A_657 : vector<16xi1>, vector<16xf32>
      %swap3A_659 = arith.index_cast %scan3A_557 : i32 to index
      %swap3A_660 = arith.constant 96 : index
      %swap3A_661 = tpu.vector_load %arg9[%swap3A_659, %swap3A_660] {strides = array<i32>} : memref<80x128xf32, #tpu.memory_space<vmem>>, vector<16xf32>,
      tpu.vector_store %arg9[%swap3A_659, %swap3A_660], %select_n3A_658 {strides = array<i32>} : memref<80x128xf32, #tpu.memory_space<vmem>>, vector<16xf32>,
      %get3A_662 = arith.index_cast %scan3A_557 : i32 to index
      %get3A_663 = arith.constant 112 : index
      %get3A_664 = tpu.vector_load %arg9[%get3A_662, %get3A_663] {strides = array<i32>} : memref<80x128xf32, #tpu.memory_space<vmem>>, vector<16xf32>,
      %mul3A_665 = arith.mulf %get3A_664, %div3A_566 : vector<16xf32>
      %ge3A_666 = arith.constant 0.000000e+00 : f32
      %ge3A_667 = vector.broadcast %ge3A_666 : f32 to vector<16xf32>
      %ge3A_668 = arith.cmpf oge, %mul3A_665, %ge3A_667 : vector<16xf32>
      %mul3A_669 = arith.constant 0.00999999977 : f32
      %mul3A_670 = vector.broadcast %mul3A_669 : f32 to vector<16xf32>
      %mul3A_671 = arith.mulf %mul3A_670, %mul3A_665 : vector<16xf32>
      %select_n3A_672 = arith.select %ge3A_668, %mul3A_665, %mul3A_671 : vector<16xi1>, vector<16xf32>
      %swap3A_673 = arith.index_cast %scan3A_557 : i32 to index
      %swap3A_674 = arith.constant 112 : index
      %swap3A_675 = tpu.vector_load %arg9[%swap3A_673, %swap3A_674] {strides = array<i32>} : memref<80x128xf32, #tpu.memory_space<vmem>>, vector<16xf32>,
      tpu.vector_store %arg9[%swap3A_673, %swap3A_674], %select_n3A_672 {strides = array<i32>} : memref<80x128xf32, #tpu.memory_space<vmem>>, vector<16xf32>,
      %scan3A_676 = arith.constant 0 : i32
      scf.yield %scan3A_676 : i32
    }
    %scan3A_421 = arith.constant 80 : i32
    %add3A_422 = arith.constant 0 : i32
    %add3A_423 = arith.addi %mul3A_16, %add3A_422 : i32
    "tpu.region"() ({
      %run_scoped3A = tpu.sem_alloc : memref<!tpu.dma_semaphore, #tpu.memory_space<semaphore_mem>>
      %dma_start3A_557 = arith.constant 0 : i32
      %dma_start3A_558 = tpu.memref_slice %arg5[%arg0, %add3A_423, %dma_start3A_557] : memref<2x10240x128xf32, #tpu.memory_space<hbm>> -> memref<1x80x128xf32, #tpu.memory_space<hbm>>
      %dma_start3A_559 = tpu.memref_squeeze %dma_start3A_558 : memref<1x80x128xf32, #tpu.memory_space<hbm>> -> memref<80x128xf32, #tpu.memory_space<hbm>>
      %dma_start3A_560 = arith.constant 0 : i32
      %dma_start3A_561 = tpu.memref_slice %arg5[%arg0, %add3A_423, %dma_start3A_560] : memref<2x10240x128xf32, #tpu.memory_space<hbm>> -> memref<1x80x128xf32, #tpu.memory_space<hbm>>
      %dma_start3A_562 = tpu.memref_squeeze %dma_start3A_561 : memref<1x80x128xf32, #tpu.memory_space<hbm>> -> memref<80x128xf32, #tpu.memory_space<hbm>>
      tpu.enqueue_dma source(%arg9 : memref<80x128xf32, #tpu.memory_space<vmem>>) target(%dma_start3A_562 : memref<80x128xf32, #tpu.memory_space<hbm>>) target_semaphore(%run_scoped3A : memref<!tpu.dma_semaphore, #tpu.memory_space<semaphore_mem>>)
      %dma_wait3A_563 = arith.constant 0 : i32
      %dma_wait3A_564 = tpu.memref_slice %arg5[%arg0, %add3A_423, %dma_wait3A_563] : memref<2x10240x128xf32, #tpu.memory_space<hbm>> -> memref<1x80x128xf32, #tpu.memory_space<hbm>>
      %dma_wait3A_565 = tpu.memref_squeeze %dma_wait3A_564 : memref<1x80x128xf32, #tpu.memory_space<hbm>> -> memref<80x128xf32, #tpu.memory_space<hbm>>
      %dma_wait3A_566 = arith.constant 0 : i32
      %dma_wait3A_567 = tpu.memref_slice %arg5[%arg0, %add3A_423, %dma_wait3A_566] : memref<2x10240x128xf32, #tpu.memory_space<hbm>> -> memref<1x80x128xf32, #tpu.memory_space<hbm>>
      %dma_wait3A_568 = tpu.memref_squeeze %dma_wait3A_567 : memref<1x80x128xf32, #tpu.memory_space<hbm>> -> memref<80x128xf32, #tpu.memory_space<hbm>>
      tpu.wait_dma2 semaphore(%run_scoped3A : memref<!tpu.dma_semaphore, #tpu.memory_space<semaphore_mem>>) src(%arg9 : memref<80x128xf32, #tpu.memory_space<vmem>>) dst(%dma_wait3A_568 : memref<80x128xf32, #tpu.memory_space<hbm>>)
      tpu.yield
    }) : () -> ()
    %add3A_424 = arith.constant 80 : i32
    %add3A_425 = arith.addi %mul3A_16, %add3A_424 : i32
    %dma_start3A_426 = arith.constant 0 : i32
    %dma_start3A_427 = tpu.memref_slice %arg13[%add3A_425, %dma_start3A_426] : memref<10240x128xf32, #tpu.memory_space<vmem_shared>> -> memref<80x128xf32, #tpu.memory_space<vmem_shared>>
    %dma_start3A_428 = arith.constant 0 : i32
    %dma_start3A_429 = tpu.memref_slice %arg13[%add3A_425, %dma_start3A_428] : memref<10240x128xf32, #tpu.memory_space<vmem_shared>> -> memref<80x128xf32, #tpu.memory_space<vmem_shared>>
    tpu.enqueue_dma source(%dma_start3A_429 : memref<80x128xf32, #tpu.memory_space<vmem_shared>>) target(%arg9 : memref<80x128xf32, #tpu.memory_space<vmem>>) target_semaphore(%arg15 : memref<!tpu.dma_semaphore, #tpu.memory_space<semaphore_mem>>)
    %dma_wait3A_430 = arith.constant 0 : i32
    %dma_wait3A_431 = tpu.memref_slice %arg13[%add3A_425, %dma_wait3A_430] : memref<10240x128xf32, #tpu.memory_space<vmem_shared>> -> memref<80x128xf32, #tpu.memory_space<vmem_shared>>
    %dma_wait3A_432 = arith.constant 0 : i32
    %dma_wait3A_433 = tpu.memref_slice %arg13[%add3A_425, %dma_wait3A_432] : memref<10240x128xf32, #tpu.memory_space<vmem_shared>> -> memref<80x128xf32, #tpu.memory_space<vmem_shared>>
    tpu.wait_dma2 semaphore(%arg15 : memref<!tpu.dma_semaphore, #tpu.memory_space<semaphore_mem>>) src(%dma_wait3A_433 : memref<80x128xf32, #tpu.memory_space<vmem_shared>>) dst(%arg9 : memref<80x128xf32, #tpu.memory_space<vmem>>)
    %scan3A_434 = arith.constant 0 : i32
    %scan3A_435 = arith.constant 0 : i32
    %scan3A_436 = arith.constant 80 : i32
    %scan3A_437 = arith.addi %scan3A_435, %scan3A_436 : i32
    %scan3A_438 = arith.constant 1 : i32
    %scan3A_439 = scf.for %scan3A_557 = %scan3A_435 to %scan3A_437 step %scan3A_438 iter_args(%scan3A_558 = %scan3A_434) -> (i32)  : i32 {
      %add3A_559 = arith.constant 80 : i32
      %add3A_560 = arith.addi %add3A_559, %scan3A_557 : i32
      %broadcast_in_dim3A_561 = vector.broadcast %add3A_560 : i32 to vector<16xi32>
      %gather3A = tpu.vector_load_idx %arg12[%broadcast_in_dim3A_561] : memref<640xf32, #tpu.memory_space<vmem>>[vector<16xi32>], vector<16xf32>,
      %add3A_562 = arith.constant 1.000000e-16 : f32
      %add3A_563 = vector.broadcast %add3A_562 : f32 to vector<16xf32>
      %add3A_564 = arith.addf %gather3A, %add3A_563 : vector<16xf32>
      %div3A = arith.constant 1.000000e+00 : f32
      %div3A_565 = vector.broadcast %div3A : f32 to vector<16xf32>
      %div3A_566 = arith.divf %div3A_565, %add3A_564 : vector<16xf32>
      %get3A = arith.index_cast %scan3A_557 : i32 to index
      %get3A_567 = arith.constant 0 : index
      %get3A_568 = tpu.vector_load %arg9[%get3A, %get3A_567] {strides = array<i32>} : memref<80x128xf32, #tpu.memory_space<vmem>>, vector<16xf32>,
      %mul3A_569 = arith.mulf %get3A_568, %div3A_566 : vector<16xf32>
      %ge3A = arith.constant 0.000000e+00 : f32
      %ge3A_570 = vector.broadcast %ge3A : f32 to vector<16xf32>
      %ge3A_571 = arith.cmpf oge, %mul3A_569, %ge3A_570 : vector<16xf32>
      %mul3A_572 = arith.constant 0.00999999977 : f32
      %mul3A_573 = vector.broadcast %mul3A_572 : f32 to vector<16xf32>
      %mul3A_574 = arith.mulf %mul3A_573, %mul3A_569 : vector<16xf32>
      %select_n3A_575 = arith.select %ge3A_571, %mul3A_569, %mul3A_574 : vector<16xi1>, vector<16xf32>
      %swap3A = arith.index_cast %scan3A_557 : i32 to index
      %swap3A_576 = arith.constant 0 : index
      %swap3A_577 = tpu.vector_load %arg9[%swap3A, %swap3A_576] {strides = array<i32>} : memref<80x128xf32, #tpu.memory_space<vmem>>, vector<16xf32>,
      tpu.vector_store %arg9[%swap3A, %swap3A_576], %select_n3A_575 {strides = array<i32>} : memref<80x128xf32, #tpu.memory_space<vmem>>, vector<16xf32>,
      %get3A_578 = arith.index_cast %scan3A_557 : i32 to index
      %get3A_579 = arith.constant 16 : index
      %get3A_580 = tpu.vector_load %arg9[%get3A_578, %get3A_579] {strides = array<i32>} : memref<80x128xf32, #tpu.memory_space<vmem>>, vector<16xf32>,
      %mul3A_581 = arith.mulf %get3A_580, %div3A_566 : vector<16xf32>
      %ge3A_582 = arith.constant 0.000000e+00 : f32
      %ge3A_583 = vector.broadcast %ge3A_582 : f32 to vector<16xf32>
      %ge3A_584 = arith.cmpf oge, %mul3A_581, %ge3A_583 : vector<16xf32>
      %mul3A_585 = arith.constant 0.00999999977 : f32
      %mul3A_586 = vector.broadcast %mul3A_585 : f32 to vector<16xf32>
      %mul3A_587 = arith.mulf %mul3A_586, %mul3A_581 : vector<16xf32>
      %select_n3A_588 = arith.select %ge3A_584, %mul3A_581, %mul3A_587 : vector<16xi1>, vector<16xf32>
      %swap3A_589 = arith.index_cast %scan3A_557 : i32 to index
      %swap3A_590 = arith.constant 16 : index
      %swap3A_591 = tpu.vector_load %arg9[%swap3A_589, %swap3A_590] {strides = array<i32>} : memref<80x128xf32, #tpu.memory_space<vmem>>, vector<16xf32>,
      tpu.vector_store %arg9[%swap3A_589, %swap3A_590], %select_n3A_588 {strides = array<i32>} : memref<80x128xf32, #tpu.memory_space<vmem>>, vector<16xf32>,
      %get3A_592 = arith.index_cast %scan3A_557 : i32 to index
      %get3A_593 = arith.constant 32 : index
      %get3A_594 = tpu.vector_load %arg9[%get3A_592, %get3A_593] {strides = array<i32>} : memref<80x128xf32, #tpu.memory_space<vmem>>, vector<16xf32>,
      %mul3A_595 = arith.mulf %get3A_594, %div3A_566 : vector<16xf32>
      %ge3A_596 = arith.constant 0.000000e+00 : f32
      %ge3A_597 = vector.broadcast %ge3A_596 : f32 to vector<16xf32>
      %ge3A_598 = arith.cmpf oge, %mul3A_595, %ge3A_597 : vector<16xf32>
      %mul3A_599 = arith.constant 0.00999999977 : f32
      %mul3A_600 = vector.broadcast %mul3A_599 : f32 to vector<16xf32>
      %mul3A_601 = arith.mulf %mul3A_600, %mul3A_595 : vector<16xf32>
      %select_n3A_602 = arith.select %ge3A_598, %mul3A_595, %mul3A_601 : vector<16xi1>, vector<16xf32>
      %swap3A_603 = arith.index_cast %scan3A_557 : i32 to index
      %swap3A_604 = arith.constant 32 : index
      %swap3A_605 = tpu.vector_load %arg9[%swap3A_603, %swap3A_604] {strides = array<i32>} : memref<80x128xf32, #tpu.memory_space<vmem>>, vector<16xf32>,
      tpu.vector_store %arg9[%swap3A_603, %swap3A_604], %select_n3A_602 {strides = array<i32>} : memref<80x128xf32, #tpu.memory_space<vmem>>, vector<16xf32>,
      %get3A_606 = arith.index_cast %scan3A_557 : i32 to index
      %get3A_607 = arith.constant 48 : index
      %get3A_608 = tpu.vector_load %arg9[%get3A_606, %get3A_607] {strides = array<i32>} : memref<80x128xf32, #tpu.memory_space<vmem>>, vector<16xf32>,
      %mul3A_609 = arith.mulf %get3A_608, %div3A_566 : vector<16xf32>
      %ge3A_610 = arith.constant 0.000000e+00 : f32
      %ge3A_611 = vector.broadcast %ge3A_610 : f32 to vector<16xf32>
      %ge3A_612 = arith.cmpf oge, %mul3A_609, %ge3A_611 : vector<16xf32>
      %mul3A_613 = arith.constant 0.00999999977 : f32
      %mul3A_614 = vector.broadcast %mul3A_613 : f32 to vector<16xf32>
      %mul3A_615 = arith.mulf %mul3A_614, %mul3A_609 : vector<16xf32>
      %select_n3A_616 = arith.select %ge3A_612, %mul3A_609, %mul3A_615 : vector<16xi1>, vector<16xf32>
      %swap3A_617 = arith.index_cast %scan3A_557 : i32 to index
      %swap3A_618 = arith.constant 48 : index
      %swap3A_619 = tpu.vector_load %arg9[%swap3A_617, %swap3A_618] {strides = array<i32>} : memref<80x128xf32, #tpu.memory_space<vmem>>, vector<16xf32>,
      tpu.vector_store %arg9[%swap3A_617, %swap3A_618], %select_n3A_616 {strides = array<i32>} : memref<80x128xf32, #tpu.memory_space<vmem>>, vector<16xf32>,
      %get3A_620 = arith.index_cast %scan3A_557 : i32 to index
      %get3A_621 = arith.constant 64 : index
      %get3A_622 = tpu.vector_load %arg9[%get3A_620, %get3A_621] {strides = array<i32>} : memref<80x128xf32, #tpu.memory_space<vmem>>, vector<16xf32>,
      %mul3A_623 = arith.mulf %get3A_622, %div3A_566 : vector<16xf32>
      %ge3A_624 = arith.constant 0.000000e+00 : f32
      %ge3A_625 = vector.broadcast %ge3A_624 : f32 to vector<16xf32>
      %ge3A_626 = arith.cmpf oge, %mul3A_623, %ge3A_625 : vector<16xf32>
      %mul3A_627 = arith.constant 0.00999999977 : f32
      %mul3A_628 = vector.broadcast %mul3A_627 : f32 to vector<16xf32>
      %mul3A_629 = arith.mulf %mul3A_628, %mul3A_623 : vector<16xf32>
      %select_n3A_630 = arith.select %ge3A_626, %mul3A_623, %mul3A_629 : vector<16xi1>, vector<16xf32>
      %swap3A_631 = arith.index_cast %scan3A_557 : i32 to index
      %swap3A_632 = arith.constant 64 : index
      %swap3A_633 = tpu.vector_load %arg9[%swap3A_631, %swap3A_632] {strides = array<i32>} : memref<80x128xf32, #tpu.memory_space<vmem>>, vector<16xf32>,
      tpu.vector_store %arg9[%swap3A_631, %swap3A_632], %select_n3A_630 {strides = array<i32>} : memref<80x128xf32, #tpu.memory_space<vmem>>, vector<16xf32>,
      %get3A_634 = arith.index_cast %scan3A_557 : i32 to index
      %get3A_635 = arith.constant 80 : index
      %get3A_636 = tpu.vector_load %arg9[%get3A_634, %get3A_635] {strides = array<i32>} : memref<80x128xf32, #tpu.memory_space<vmem>>, vector<16xf32>,
      %mul3A_637 = arith.mulf %get3A_636, %div3A_566 : vector<16xf32>
      %ge3A_638 = arith.constant 0.000000e+00 : f32
      %ge3A_639 = vector.broadcast %ge3A_638 : f32 to vector<16xf32>
      %ge3A_640 = arith.cmpf oge, %mul3A_637, %ge3A_639 : vector<16xf32>
      %mul3A_641 = arith.constant 0.00999999977 : f32
      %mul3A_642 = vector.broadcast %mul3A_641 : f32 to vector<16xf32>
      %mul3A_643 = arith.mulf %mul3A_642, %mul3A_637 : vector<16xf32>
      %select_n3A_644 = arith.select %ge3A_640, %mul3A_637, %mul3A_643 : vector<16xi1>, vector<16xf32>
      %swap3A_645 = arith.index_cast %scan3A_557 : i32 to index
      %swap3A_646 = arith.constant 80 : index
      %swap3A_647 = tpu.vector_load %arg9[%swap3A_645, %swap3A_646] {strides = array<i32>} : memref<80x128xf32, #tpu.memory_space<vmem>>, vector<16xf32>,
      tpu.vector_store %arg9[%swap3A_645, %swap3A_646], %select_n3A_644 {strides = array<i32>} : memref<80x128xf32, #tpu.memory_space<vmem>>, vector<16xf32>,
      %get3A_648 = arith.index_cast %scan3A_557 : i32 to index
      %get3A_649 = arith.constant 96 : index
      %get3A_650 = tpu.vector_load %arg9[%get3A_648, %get3A_649] {strides = array<i32>} : memref<80x128xf32, #tpu.memory_space<vmem>>, vector<16xf32>,
      %mul3A_651 = arith.mulf %get3A_650, %div3A_566 : vector<16xf32>
      %ge3A_652 = arith.constant 0.000000e+00 : f32
      %ge3A_653 = vector.broadcast %ge3A_652 : f32 to vector<16xf32>
      %ge3A_654 = arith.cmpf oge, %mul3A_651, %ge3A_653 : vector<16xf32>
      %mul3A_655 = arith.constant 0.00999999977 : f32
      %mul3A_656 = vector.broadcast %mul3A_655 : f32 to vector<16xf32>
      %mul3A_657 = arith.mulf %mul3A_656, %mul3A_651 : vector<16xf32>
      %select_n3A_658 = arith.select %ge3A_654, %mul3A_651, %mul3A_657 : vector<16xi1>, vector<16xf32>
      %swap3A_659 = arith.index_cast %scan3A_557 : i32 to index
      %swap3A_660 = arith.constant 96 : index
      %swap3A_661 = tpu.vector_load %arg9[%swap3A_659, %swap3A_660] {strides = array<i32>} : memref<80x128xf32, #tpu.memory_space<vmem>>, vector<16xf32>,
      tpu.vector_store %arg9[%swap3A_659, %swap3A_660], %select_n3A_658 {strides = array<i32>} : memref<80x128xf32, #tpu.memory_space<vmem>>, vector<16xf32>,
      %get3A_662 = arith.index_cast %scan3A_557 : i32 to index
      %get3A_663 = arith.constant 112 : index
      %get3A_664 = tpu.vector_load %arg9[%get3A_662, %get3A_663] {strides = array<i32>} : memref<80x128xf32, #tpu.memory_space<vmem>>, vector<16xf32>,
      %mul3A_665 = arith.mulf %get3A_664, %div3A_566 : vector<16xf32>
      %ge3A_666 = arith.constant 0.000000e+00 : f32
      %ge3A_667 = vector.broadcast %ge3A_666 : f32 to vector<16xf32>
      %ge3A_668 = arith.cmpf oge, %mul3A_665, %ge3A_667 : vector<16xf32>
      %mul3A_669 = arith.constant 0.00999999977 : f32
      %mul3A_670 = vector.broadcast %mul3A_669 : f32 to vector<16xf32>
      %mul3A_671 = arith.mulf %mul3A_670, %mul3A_665 : vector<16xf32>
      %select_n3A_672 = arith.select %ge3A_668, %mul3A_665, %mul3A_671 : vector<16xi1>, vector<16xf32>
      %swap3A_673 = arith.index_cast %scan3A_557 : i32 to index
      %swap3A_674 = arith.constant 112 : index
      %swap3A_675 = tpu.vector_load %arg9[%swap3A_673, %swap3A_674] {strides = array<i32>} : memref<80x128xf32, #tpu.memory_space<vmem>>, vector<16xf32>,
      tpu.vector_store %arg9[%swap3A_673, %swap3A_674], %select_n3A_672 {strides = array<i32>} : memref<80x128xf32, #tpu.memory_space<vmem>>, vector<16xf32>,
      %scan3A_676 = arith.constant 0 : i32
      scf.yield %scan3A_676 : i32
    }
    %scan3A_440 = arith.constant 80 : i32
    %add3A_441 = arith.constant 80 : i32
    %add3A_442 = arith.addi %mul3A_16, %add3A_441 : i32
    "tpu.region"() ({
      %run_scoped3A = tpu.sem_alloc : memref<!tpu.dma_semaphore, #tpu.memory_space<semaphore_mem>>
      %dma_start3A_557 = arith.constant 0 : i32
      %dma_start3A_558 = tpu.memref_slice %arg5[%arg0, %add3A_442, %dma_start3A_557] : memref<2x10240x128xf32, #tpu.memory_space<hbm>> -> memref<1x80x128xf32, #tpu.memory_space<hbm>>
      %dma_start3A_559 = tpu.memref_squeeze %dma_start3A_558 : memref<1x80x128xf32, #tpu.memory_space<hbm>> -> memref<80x128xf32, #tpu.memory_space<hbm>>
      %dma_start3A_560 = arith.constant 0 : i32
      %dma_start3A_561 = tpu.memref_slice %arg5[%arg0, %add3A_442, %dma_start3A_560] : memref<2x10240x128xf32, #tpu.memory_space<hbm>> -> memref<1x80x128xf32, #tpu.memory_space<hbm>>
      %dma_start3A_562 = tpu.memref_squeeze %dma_start3A_561 : memref<1x80x128xf32, #tpu.memory_space<hbm>> -> memref<80x128xf32, #tpu.memory_space<hbm>>
      tpu.enqueue_dma source(%arg9 : memref<80x128xf32, #tpu.memory_space<vmem>>) target(%dma_start3A_562 : memref<80x128xf32, #tpu.memory_space<hbm>>) target_semaphore(%run_scoped3A : memref<!tpu.dma_semaphore, #tpu.memory_space<semaphore_mem>>)
      %dma_wait3A_563 = arith.constant 0 : i32
      %dma_wait3A_564 = tpu.memref_slice %arg5[%arg0, %add3A_442, %dma_wait3A_563] : memref<2x10240x128xf32, #tpu.memory_space<hbm>> -> memref<1x80x128xf32, #tpu.memory_space<hbm>>
      %dma_wait3A_565 = tpu.memref_squeeze %dma_wait3A_564 : memref<1x80x128xf32, #tpu.memory_space<hbm>> -> memref<80x128xf32, #tpu.memory_space<hbm>>
      %dma_wait3A_566 = arith.constant 0 : i32
      %dma_wait3A_567 = tpu.memref_slice %arg5[%arg0, %add3A_442, %dma_wait3A_566] : memref<2x10240x128xf32, #tpu.memory_space<hbm>> -> memref<1x80x128xf32, #tpu.memory_space<hbm>>
      %dma_wait3A_568 = tpu.memref_squeeze %dma_wait3A_567 : memref<1x80x128xf32, #tpu.memory_space<hbm>> -> memref<80x128xf32, #tpu.memory_space<hbm>>
      tpu.wait_dma2 semaphore(%run_scoped3A : memref<!tpu.dma_semaphore, #tpu.memory_space<semaphore_mem>>) src(%arg9 : memref<80x128xf32, #tpu.memory_space<vmem>>) dst(%dma_wait3A_568 : memref<80x128xf32, #tpu.memory_space<hbm>>)
      tpu.yield
    }) : () -> ()
    %add3A_443 = arith.constant 160 : i32
    %add3A_444 = arith.addi %mul3A_16, %add3A_443 : i32
    %dma_start3A_445 = arith.constant 0 : i32
    %dma_start3A_446 = tpu.memref_slice %arg13[%add3A_444, %dma_start3A_445] : memref<10240x128xf32, #tpu.memory_space<vmem_shared>> -> memref<80x128xf32, #tpu.memory_space<vmem_shared>>
    %dma_start3A_447 = arith.constant 0 : i32
    %dma_start3A_448 = tpu.memref_slice %arg13[%add3A_444, %dma_start3A_447] : memref<10240x128xf32, #tpu.memory_space<vmem_shared>> -> memref<80x128xf32, #tpu.memory_space<vmem_shared>>
    tpu.enqueue_dma source(%dma_start3A_448 : memref<80x128xf32, #tpu.memory_space<vmem_shared>>) target(%arg9 : memref<80x128xf32, #tpu.memory_space<vmem>>) target_semaphore(%arg15 : memref<!tpu.dma_semaphore, #tpu.memory_space<semaphore_mem>>)
    %dma_wait3A_449 = arith.constant 0 : i32
    %dma_wait3A_450 = tpu.memref_slice %arg13[%add3A_444, %dma_wait3A_449] : memref<10240x128xf32, #tpu.memory_space<vmem_shared>> -> memref<80x128xf32, #tpu.memory_space<vmem_shared>>
    %dma_wait3A_451 = arith.constant 0 : i32
    %dma_wait3A_452 = tpu.memref_slice %arg13[%add3A_444, %dma_wait3A_451] : memref<10240x128xf32, #tpu.memory_space<vmem_shared>> -> memref<80x128xf32, #tpu.memory_space<vmem_shared>>
    tpu.wait_dma2 semaphore(%arg15 : memref<!tpu.dma_semaphore, #tpu.memory_space<semaphore_mem>>) src(%dma_wait3A_452 : memref<80x128xf32, #tpu.memory_space<vmem_shared>>) dst(%arg9 : memref<80x128xf32, #tpu.memory_space<vmem>>)
    %scan3A_453 = arith.constant 0 : i32
    %scan3A_454 = arith.constant 0 : i32
    %scan3A_455 = arith.constant 80 : i32
    %scan3A_456 = arith.addi %scan3A_454, %scan3A_455 : i32
    %scan3A_457 = arith.constant 1 : i32
    %scan3A_458 = scf.for %scan3A_557 = %scan3A_454 to %scan3A_456 step %scan3A_457 iter_args(%scan3A_558 = %scan3A_453) -> (i32)  : i32 {
      %add3A_559 = arith.constant 160 : i32
      %add3A_560 = arith.addi %add3A_559, %scan3A_557 : i32
      %broadcast_in_dim3A_561 = vector.broadcast %add3A_560 : i32 to vector<16xi32>
      %gather3A = tpu.vector_load_idx %arg12[%broadcast_in_dim3A_561] : memref<640xf32, #tpu.memory_space<vmem>>[vector<16xi32>], vector<16xf32>,
      %add3A_562 = arith.constant 1.000000e-16 : f32
      %add3A_563 = vector.broadcast %add3A_562 : f32 to vector<16xf32>
      %add3A_564 = arith.addf %gather3A, %add3A_563 : vector<16xf32>
      %div3A = arith.constant 1.000000e+00 : f32
      %div3A_565 = vector.broadcast %div3A : f32 to vector<16xf32>
      %div3A_566 = arith.divf %div3A_565, %add3A_564 : vector<16xf32>
      %get3A = arith.index_cast %scan3A_557 : i32 to index
      %get3A_567 = arith.constant 0 : index
      %get3A_568 = tpu.vector_load %arg9[%get3A, %get3A_567] {strides = array<i32>} : memref<80x128xf32, #tpu.memory_space<vmem>>, vector<16xf32>,
      %mul3A_569 = arith.mulf %get3A_568, %div3A_566 : vector<16xf32>
      %ge3A = arith.constant 0.000000e+00 : f32
      %ge3A_570 = vector.broadcast %ge3A : f32 to vector<16xf32>
      %ge3A_571 = arith.cmpf oge, %mul3A_569, %ge3A_570 : vector<16xf32>
      %mul3A_572 = arith.constant 0.00999999977 : f32
      %mul3A_573 = vector.broadcast %mul3A_572 : f32 to vector<16xf32>
      %mul3A_574 = arith.mulf %mul3A_573, %mul3A_569 : vector<16xf32>
      %select_n3A_575 = arith.select %ge3A_571, %mul3A_569, %mul3A_574 : vector<16xi1>, vector<16xf32>
      %swap3A = arith.index_cast %scan3A_557 : i32 to index
      %swap3A_576 = arith.constant 0 : index
      %swap3A_577 = tpu.vector_load %arg9[%swap3A, %swap3A_576] {strides = array<i32>} : memref<80x128xf32, #tpu.memory_space<vmem>>, vector<16xf32>,
      tpu.vector_store %arg9[%swap3A, %swap3A_576], %select_n3A_575 {strides = array<i32>} : memref<80x128xf32, #tpu.memory_space<vmem>>, vector<16xf32>,
      %get3A_578 = arith.index_cast %scan3A_557 : i32 to index
      %get3A_579 = arith.constant 16 : index
      %get3A_580 = tpu.vector_load %arg9[%get3A_578, %get3A_579] {strides = array<i32>} : memref<80x128xf32, #tpu.memory_space<vmem>>, vector<16xf32>,
      %mul3A_581 = arith.mulf %get3A_580, %div3A_566 : vector<16xf32>
      %ge3A_582 = arith.constant 0.000000e+00 : f32
      %ge3A_583 = vector.broadcast %ge3A_582 : f32 to vector<16xf32>
      %ge3A_584 = arith.cmpf oge, %mul3A_581, %ge3A_583 : vector<16xf32>
      %mul3A_585 = arith.constant 0.00999999977 : f32
      %mul3A_586 = vector.broadcast %mul3A_585 : f32 to vector<16xf32>
      %mul3A_587 = arith.mulf %mul3A_586, %mul3A_581 : vector<16xf32>
      %select_n3A_588 = arith.select %ge3A_584, %mul3A_581, %mul3A_587 : vector<16xi1>, vector<16xf32>
      %swap3A_589 = arith.index_cast %scan3A_557 : i32 to index
      %swap3A_590 = arith.constant 16 : index
      %swap3A_591 = tpu.vector_load %arg9[%swap3A_589, %swap3A_590] {strides = array<i32>} : memref<80x128xf32, #tpu.memory_space<vmem>>, vector<16xf32>,
      tpu.vector_store %arg9[%swap3A_589, %swap3A_590], %select_n3A_588 {strides = array<i32>} : memref<80x128xf32, #tpu.memory_space<vmem>>, vector<16xf32>,
      %get3A_592 = arith.index_cast %scan3A_557 : i32 to index
      %get3A_593 = arith.constant 32 : index
      %get3A_594 = tpu.vector_load %arg9[%get3A_592, %get3A_593] {strides = array<i32>} : memref<80x128xf32, #tpu.memory_space<vmem>>, vector<16xf32>,
      %mul3A_595 = arith.mulf %get3A_594, %div3A_566 : vector<16xf32>
      %ge3A_596 = arith.constant 0.000000e+00 : f32
      %ge3A_597 = vector.broadcast %ge3A_596 : f32 to vector<16xf32>
      %ge3A_598 = arith.cmpf oge, %mul3A_595, %ge3A_597 : vector<16xf32>
      %mul3A_599 = arith.constant 0.00999999977 : f32
      %mul3A_600 = vector.broadcast %mul3A_599 : f32 to vector<16xf32>
      %mul3A_601 = arith.mulf %mul3A_600, %mul3A_595 : vector<16xf32>
      %select_n3A_602 = arith.select %ge3A_598, %mul3A_595, %mul3A_601 : vector<16xi1>, vector<16xf32>
      %swap3A_603 = arith.index_cast %scan3A_557 : i32 to index
      %swap3A_604 = arith.constant 32 : index
      %swap3A_605 = tpu.vector_load %arg9[%swap3A_603, %swap3A_604] {strides = array<i32>} : memref<80x128xf32, #tpu.memory_space<vmem>>, vector<16xf32>,
      tpu.vector_store %arg9[%swap3A_603, %swap3A_604], %select_n3A_602 {strides = array<i32>} : memref<80x128xf32, #tpu.memory_space<vmem>>, vector<16xf32>,
      %get3A_606 = arith.index_cast %scan3A_557 : i32 to index
      %get3A_607 = arith.constant 48 : index
      %get3A_608 = tpu.vector_load %arg9[%get3A_606, %get3A_607] {strides = array<i32>} : memref<80x128xf32, #tpu.memory_space<vmem>>, vector<16xf32>,
      %mul3A_609 = arith.mulf %get3A_608, %div3A_566 : vector<16xf32>
      %ge3A_610 = arith.constant 0.000000e+00 : f32
      %ge3A_611 = vector.broadcast %ge3A_610 : f32 to vector<16xf32>
      %ge3A_612 = arith.cmpf oge, %mul3A_609, %ge3A_611 : vector<16xf32>
      %mul3A_613 = arith.constant 0.00999999977 : f32
      %mul3A_614 = vector.broadcast %mul3A_613 : f32 to vector<16xf32>
      %mul3A_615 = arith.mulf %mul3A_614, %mul3A_609 : vector<16xf32>
      %select_n3A_616 = arith.select %ge3A_612, %mul3A_609, %mul3A_615 : vector<16xi1>, vector<16xf32>
      %swap3A_617 = arith.index_cast %scan3A_557 : i32 to index
      %swap3A_618 = arith.constant 48 : index
      %swap3A_619 = tpu.vector_load %arg9[%swap3A_617, %swap3A_618] {strides = array<i32>} : memref<80x128xf32, #tpu.memory_space<vmem>>, vector<16xf32>,
      tpu.vector_store %arg9[%swap3A_617, %swap3A_618], %select_n3A_616 {strides = array<i32>} : memref<80x128xf32, #tpu.memory_space<vmem>>, vector<16xf32>,
      %get3A_620 = arith.index_cast %scan3A_557 : i32 to index
      %get3A_621 = arith.constant 64 : index
      %get3A_622 = tpu.vector_load %arg9[%get3A_620, %get3A_621] {strides = array<i32>} : memref<80x128xf32, #tpu.memory_space<vmem>>, vector<16xf32>,
      %mul3A_623 = arith.mulf %get3A_622, %div3A_566 : vector<16xf32>
      %ge3A_624 = arith.constant 0.000000e+00 : f32
      %ge3A_625 = vector.broadcast %ge3A_624 : f32 to vector<16xf32>
      %ge3A_626 = arith.cmpf oge, %mul3A_623, %ge3A_625 : vector<16xf32>
      %mul3A_627 = arith.constant 0.00999999977 : f32
      %mul3A_628 = vector.broadcast %mul3A_627 : f32 to vector<16xf32>
      %mul3A_629 = arith.mulf %mul3A_628, %mul3A_623 : vector<16xf32>
      %select_n3A_630 = arith.select %ge3A_626, %mul3A_623, %mul3A_629 : vector<16xi1>, vector<16xf32>
      %swap3A_631 = arith.index_cast %scan3A_557 : i32 to index
      %swap3A_632 = arith.constant 64 : index
      %swap3A_633 = tpu.vector_load %arg9[%swap3A_631, %swap3A_632] {strides = array<i32>} : memref<80x128xf32, #tpu.memory_space<vmem>>, vector<16xf32>,
      tpu.vector_store %arg9[%swap3A_631, %swap3A_632], %select_n3A_630 {strides = array<i32>} : memref<80x128xf32, #tpu.memory_space<vmem>>, vector<16xf32>,
      %get3A_634 = arith.index_cast %scan3A_557 : i32 to index
      %get3A_635 = arith.constant 80 : index
      %get3A_636 = tpu.vector_load %arg9[%get3A_634, %get3A_635] {strides = array<i32>} : memref<80x128xf32, #tpu.memory_space<vmem>>, vector<16xf32>,
      %mul3A_637 = arith.mulf %get3A_636, %div3A_566 : vector<16xf32>
      %ge3A_638 = arith.constant 0.000000e+00 : f32
      %ge3A_639 = vector.broadcast %ge3A_638 : f32 to vector<16xf32>
      %ge3A_640 = arith.cmpf oge, %mul3A_637, %ge3A_639 : vector<16xf32>
      %mul3A_641 = arith.constant 0.00999999977 : f32
      %mul3A_642 = vector.broadcast %mul3A_641 : f32 to vector<16xf32>
      %mul3A_643 = arith.mulf %mul3A_642, %mul3A_637 : vector<16xf32>
      %select_n3A_644 = arith.select %ge3A_640, %mul3A_637, %mul3A_643 : vector<16xi1>, vector<16xf32>
      %swap3A_645 = arith.index_cast %scan3A_557 : i32 to index
      %swap3A_646 = arith.constant 80 : index
      %swap3A_647 = tpu.vector_load %arg9[%swap3A_645, %swap3A_646] {strides = array<i32>} : memref<80x128xf32, #tpu.memory_space<vmem>>, vector<16xf32>,
      tpu.vector_store %arg9[%swap3A_645, %swap3A_646], %select_n3A_644 {strides = array<i32>} : memref<80x128xf32, #tpu.memory_space<vmem>>, vector<16xf32>,
      %get3A_648 = arith.index_cast %scan3A_557 : i32 to index
      %get3A_649 = arith.constant 96 : index
      %get3A_650 = tpu.vector_load %arg9[%get3A_648, %get3A_649] {strides = array<i32>} : memref<80x128xf32, #tpu.memory_space<vmem>>, vector<16xf32>,
      %mul3A_651 = arith.mulf %get3A_650, %div3A_566 : vector<16xf32>
      %ge3A_652 = arith.constant 0.000000e+00 : f32
      %ge3A_653 = vector.broadcast %ge3A_652 : f32 to vector<16xf32>
      %ge3A_654 = arith.cmpf oge, %mul3A_651, %ge3A_653 : vector<16xf32>
      %mul3A_655 = arith.constant 0.00999999977 : f32
      %mul3A_656 = vector.broadcast %mul3A_655 : f32 to vector<16xf32>
      %mul3A_657 = arith.mulf %mul3A_656, %mul3A_651 : vector<16xf32>
      %select_n3A_658 = arith.select %ge3A_654, %mul3A_651, %mul3A_657 : vector<16xi1>, vector<16xf32>
      %swap3A_659 = arith.index_cast %scan3A_557 : i32 to index
      %swap3A_660 = arith.constant 96 : index
      %swap3A_661 = tpu.vector_load %arg9[%swap3A_659, %swap3A_660] {strides = array<i32>} : memref<80x128xf32, #tpu.memory_space<vmem>>, vector<16xf32>,
      tpu.vector_store %arg9[%swap3A_659, %swap3A_660], %select_n3A_658 {strides = array<i32>} : memref<80x128xf32, #tpu.memory_space<vmem>>, vector<16xf32>,
      %get3A_662 = arith.index_cast %scan3A_557 : i32 to index
      %get3A_663 = arith.constant 112 : index
      %get3A_664 = tpu.vector_load %arg9[%get3A_662, %get3A_663] {strides = array<i32>} : memref<80x128xf32, #tpu.memory_space<vmem>>, vector<16xf32>,
      %mul3A_665 = arith.mulf %get3A_664, %div3A_566 : vector<16xf32>
      %ge3A_666 = arith.constant 0.000000e+00 : f32
      %ge3A_667 = vector.broadcast %ge3A_666 : f32 to vector<16xf32>
      %ge3A_668 = arith.cmpf oge, %mul3A_665, %ge3A_667 : vector<16xf32>
      %mul3A_669 = arith.constant 0.00999999977 : f32
      %mul3A_670 = vector.broadcast %mul3A_669 : f32 to vector<16xf32>
      %mul3A_671 = arith.mulf %mul3A_670, %mul3A_665 : vector<16xf32>
      %select_n3A_672 = arith.select %ge3A_668, %mul3A_665, %mul3A_671 : vector<16xi1>, vector<16xf32>
      %swap3A_673 = arith.index_cast %scan3A_557 : i32 to index
      %swap3A_674 = arith.constant 112 : index
      %swap3A_675 = tpu.vector_load %arg9[%swap3A_673, %swap3A_674] {strides = array<i32>} : memref<80x128xf32, #tpu.memory_space<vmem>>, vector<16xf32>,
      tpu.vector_store %arg9[%swap3A_673, %swap3A_674], %select_n3A_672 {strides = array<i32>} : memref<80x128xf32, #tpu.memory_space<vmem>>, vector<16xf32>,
      %scan3A_676 = arith.constant 0 : i32
      scf.yield %scan3A_676 : i32
    }
    %scan3A_459 = arith.constant 80 : i32
    %add3A_460 = arith.constant 160 : i32
    %add3A_461 = arith.addi %mul3A_16, %add3A_460 : i32
    "tpu.region"() ({
      %run_scoped3A = tpu.sem_alloc : memref<!tpu.dma_semaphore, #tpu.memory_space<semaphore_mem>>
      %dma_start3A_557 = arith.constant 0 : i32
      %dma_start3A_558 = tpu.memref_slice %arg5[%arg0, %add3A_461, %dma_start3A_557] : memref<2x10240x128xf32, #tpu.memory_space<hbm>> -> memref<1x80x128xf32, #tpu.memory_space<hbm>>
      %dma_start3A_559 = tpu.memref_squeeze %dma_start3A_558 : memref<1x80x128xf32, #tpu.memory_space<hbm>> -> memref<80x128xf32, #tpu.memory_space<hbm>>
      %dma_start3A_560 = arith.constant 0 : i32
      %dma_start3A_561 = tpu.memref_slice %arg5[%arg0, %add3A_461, %dma_start3A_560] : memref<2x10240x128xf32, #tpu.memory_space<hbm>> -> memref<1x80x128xf32, #tpu.memory_space<hbm>>
      %dma_start3A_562 = tpu.memref_squeeze %dma_start3A_561 : memref<1x80x128xf32, #tpu.memory_space<hbm>> -> memref<80x128xf32, #tpu.memory_space<hbm>>
      tpu.enqueue_dma source(%arg9 : memref<80x128xf32, #tpu.memory_space<vmem>>) target(%dma_start3A_562 : memref<80x128xf32, #tpu.memory_space<hbm>>) target_semaphore(%run_scoped3A : memref<!tpu.dma_semaphore, #tpu.memory_space<semaphore_mem>>)
      %dma_wait3A_563 = arith.constant 0 : i32
      %dma_wait3A_564 = tpu.memref_slice %arg5[%arg0, %add3A_461, %dma_wait3A_563] : memref<2x10240x128xf32, #tpu.memory_space<hbm>> -> memref<1x80x128xf32, #tpu.memory_space<hbm>>
      %dma_wait3A_565 = tpu.memref_squeeze %dma_wait3A_564 : memref<1x80x128xf32, #tpu.memory_space<hbm>> -> memref<80x128xf32, #tpu.memory_space<hbm>>
      %dma_wait3A_566 = arith.constant 0 : i32
      %dma_wait3A_567 = tpu.memref_slice %arg5[%arg0, %add3A_461, %dma_wait3A_566] : memref<2x10240x128xf32, #tpu.memory_space<hbm>> -> memref<1x80x128xf32, #tpu.memory_space<hbm>>
      %dma_wait3A_568 = tpu.memref_squeeze %dma_wait3A_567 : memref<1x80x128xf32, #tpu.memory_space<hbm>> -> memref<80x128xf32, #tpu.memory_space<hbm>>
      tpu.wait_dma2 semaphore(%run_scoped3A : memref<!tpu.dma_semaphore, #tpu.memory_space<semaphore_mem>>) src(%arg9 : memref<80x128xf32, #tpu.memory_space<vmem>>) dst(%dma_wait3A_568 : memref<80x128xf32, #tpu.memory_space<hbm>>)
      tpu.yield
    }) : () -> ()
    %add3A_462 = arith.constant 240 : i32
    %add3A_463 = arith.addi %mul3A_16, %add3A_462 : i32
    %dma_start3A_464 = arith.constant 0 : i32
    %dma_start3A_465 = tpu.memref_slice %arg13[%add3A_463, %dma_start3A_464] : memref<10240x128xf32, #tpu.memory_space<vmem_shared>> -> memref<80x128xf32, #tpu.memory_space<vmem_shared>>
    %dma_start3A_466 = arith.constant 0 : i32
    %dma_start3A_467 = tpu.memref_slice %arg13[%add3A_463, %dma_start3A_466] : memref<10240x128xf32, #tpu.memory_space<vmem_shared>> -> memref<80x128xf32, #tpu.memory_space<vmem_shared>>
    tpu.enqueue_dma source(%dma_start3A_467 : memref<80x128xf32, #tpu.memory_space<vmem_shared>>) target(%arg9 : memref<80x128xf32, #tpu.memory_space<vmem>>) target_semaphore(%arg15 : memref<!tpu.dma_semaphore, #tpu.memory_space<semaphore_mem>>)
    %dma_wait3A_468 = arith.constant 0 : i32
    %dma_wait3A_469 = tpu.memref_slice %arg13[%add3A_463, %dma_wait3A_468] : memref<10240x128xf32, #tpu.memory_space<vmem_shared>> -> memref<80x128xf32, #tpu.memory_space<vmem_shared>>
    %dma_wait3A_470 = arith.constant 0 : i32
    %dma_wait3A_471 = tpu.memref_slice %arg13[%add3A_463, %dma_wait3A_470] : memref<10240x128xf32, #tpu.memory_space<vmem_shared>> -> memref<80x128xf32, #tpu.memory_space<vmem_shared>>
    tpu.wait_dma2 semaphore(%arg15 : memref<!tpu.dma_semaphore, #tpu.memory_space<semaphore_mem>>) src(%dma_wait3A_471 : memref<80x128xf32, #tpu.memory_space<vmem_shared>>) dst(%arg9 : memref<80x128xf32, #tpu.memory_space<vmem>>)
    %scan3A_472 = arith.constant 0 : i32
    %scan3A_473 = arith.constant 0 : i32
    %scan3A_474 = arith.constant 80 : i32
    %scan3A_475 = arith.addi %scan3A_473, %scan3A_474 : i32
    %scan3A_476 = arith.constant 1 : i32
    %scan3A_477 = scf.for %scan3A_557 = %scan3A_473 to %scan3A_475 step %scan3A_476 iter_args(%scan3A_558 = %scan3A_472) -> (i32)  : i32 {
      %add3A_559 = arith.constant 240 : i32
      %add3A_560 = arith.addi %add3A_559, %scan3A_557 : i32
      %broadcast_in_dim3A_561 = vector.broadcast %add3A_560 : i32 to vector<16xi32>
      %gather3A = tpu.vector_load_idx %arg12[%broadcast_in_dim3A_561] : memref<640xf32, #tpu.memory_space<vmem>>[vector<16xi32>], vector<16xf32>,
      %add3A_562 = arith.constant 1.000000e-16 : f32
      %add3A_563 = vector.broadcast %add3A_562 : f32 to vector<16xf32>
      %add3A_564 = arith.addf %gather3A, %add3A_563 : vector<16xf32>
      %div3A = arith.constant 1.000000e+00 : f32
      %div3A_565 = vector.broadcast %div3A : f32 to vector<16xf32>
      %div3A_566 = arith.divf %div3A_565, %add3A_564 : vector<16xf32>
      %get3A = arith.index_cast %scan3A_557 : i32 to index
      %get3A_567 = arith.constant 0 : index
      %get3A_568 = tpu.vector_load %arg9[%get3A, %get3A_567] {strides = array<i32>} : memref<80x128xf32, #tpu.memory_space<vmem>>, vector<16xf32>,
      %mul3A_569 = arith.mulf %get3A_568, %div3A_566 : vector<16xf32>
      %ge3A = arith.constant 0.000000e+00 : f32
      %ge3A_570 = vector.broadcast %ge3A : f32 to vector<16xf32>
      %ge3A_571 = arith.cmpf oge, %mul3A_569, %ge3A_570 : vector<16xf32>
      %mul3A_572 = arith.constant 0.00999999977 : f32
      %mul3A_573 = vector.broadcast %mul3A_572 : f32 to vector<16xf32>
      %mul3A_574 = arith.mulf %mul3A_573, %mul3A_569 : vector<16xf32>
      %select_n3A_575 = arith.select %ge3A_571, %mul3A_569, %mul3A_574 : vector<16xi1>, vector<16xf32>
      %swap3A = arith.index_cast %scan3A_557 : i32 to index
      %swap3A_576 = arith.constant 0 : index
      %swap3A_577 = tpu.vector_load %arg9[%swap3A, %swap3A_576] {strides = array<i32>} : memref<80x128xf32, #tpu.memory_space<vmem>>, vector<16xf32>,
      tpu.vector_store %arg9[%swap3A, %swap3A_576], %select_n3A_575 {strides = array<i32>} : memref<80x128xf32, #tpu.memory_space<vmem>>, vector<16xf32>,
      %get3A_578 = arith.index_cast %scan3A_557 : i32 to index
      %get3A_579 = arith.constant 16 : index
      %get3A_580 = tpu.vector_load %arg9[%get3A_578, %get3A_579] {strides = array<i32>} : memref<80x128xf32, #tpu.memory_space<vmem>>, vector<16xf32>,
      %mul3A_581 = arith.mulf %get3A_580, %div3A_566 : vector<16xf32>
      %ge3A_582 = arith.constant 0.000000e+00 : f32
      %ge3A_583 = vector.broadcast %ge3A_582 : f32 to vector<16xf32>
      %ge3A_584 = arith.cmpf oge, %mul3A_581, %ge3A_583 : vector<16xf32>
      %mul3A_585 = arith.constant 0.00999999977 : f32
      %mul3A_586 = vector.broadcast %mul3A_585 : f32 to vector<16xf32>
      %mul3A_587 = arith.mulf %mul3A_586, %mul3A_581 : vector<16xf32>
      %select_n3A_588 = arith.select %ge3A_584, %mul3A_581, %mul3A_587 : vector<16xi1>, vector<16xf32>
      %swap3A_589 = arith.index_cast %scan3A_557 : i32 to index
      %swap3A_590 = arith.constant 16 : index
      %swap3A_591 = tpu.vector_load %arg9[%swap3A_589, %swap3A_590] {strides = array<i32>} : memref<80x128xf32, #tpu.memory_space<vmem>>, vector<16xf32>,
      tpu.vector_store %arg9[%swap3A_589, %swap3A_590], %select_n3A_588 {strides = array<i32>} : memref<80x128xf32, #tpu.memory_space<vmem>>, vector<16xf32>,
      %get3A_592 = arith.index_cast %scan3A_557 : i32 to index
      %get3A_593 = arith.constant 32 : index
      %get3A_594 = tpu.vector_load %arg9[%get3A_592, %get3A_593] {strides = array<i32>} : memref<80x128xf32, #tpu.memory_space<vmem>>, vector<16xf32>,
      %mul3A_595 = arith.mulf %get3A_594, %div3A_566 : vector<16xf32>
      %ge3A_596 = arith.constant 0.000000e+00 : f32
      %ge3A_597 = vector.broadcast %ge3A_596 : f32 to vector<16xf32>
      %ge3A_598 = arith.cmpf oge, %mul3A_595, %ge3A_597 : vector<16xf32>
      %mul3A_599 = arith.constant 0.00999999977 : f32
      %mul3A_600 = vector.broadcast %mul3A_599 : f32 to vector<16xf32>
      %mul3A_601 = arith.mulf %mul3A_600, %mul3A_595 : vector<16xf32>
      %select_n3A_602 = arith.select %ge3A_598, %mul3A_595, %mul3A_601 : vector<16xi1>, vector<16xf32>
      %swap3A_603 = arith.index_cast %scan3A_557 : i32 to index
      %swap3A_604 = arith.constant 32 : index
      %swap3A_605 = tpu.vector_load %arg9[%swap3A_603, %swap3A_604] {strides = array<i32>} : memref<80x128xf32, #tpu.memory_space<vmem>>, vector<16xf32>,
      tpu.vector_store %arg9[%swap3A_603, %swap3A_604], %select_n3A_602 {strides = array<i32>} : memref<80x128xf32, #tpu.memory_space<vmem>>, vector<16xf32>,
      %get3A_606 = arith.index_cast %scan3A_557 : i32 to index
      %get3A_607 = arith.constant 48 : index
      %get3A_608 = tpu.vector_load %arg9[%get3A_606, %get3A_607] {strides = array<i32>} : memref<80x128xf32, #tpu.memory_space<vmem>>, vector<16xf32>,
      %mul3A_609 = arith.mulf %get3A_608, %div3A_566 : vector<16xf32>
      %ge3A_610 = arith.constant 0.000000e+00 : f32
      %ge3A_611 = vector.broadcast %ge3A_610 : f32 to vector<16xf32>
      %ge3A_612 = arith.cmpf oge, %mul3A_609, %ge3A_611 : vector<16xf32>
      %mul3A_613 = arith.constant 0.00999999977 : f32
      %mul3A_614 = vector.broadcast %mul3A_613 : f32 to vector<16xf32>
      %mul3A_615 = arith.mulf %mul3A_614, %mul3A_609 : vector<16xf32>
      %select_n3A_616 = arith.select %ge3A_612, %mul3A_609, %mul3A_615 : vector<16xi1>, vector<16xf32>
      %swap3A_617 = arith.index_cast %scan3A_557 : i32 to index
      %swap3A_618 = arith.constant 48 : index
      %swap3A_619 = tpu.vector_load %arg9[%swap3A_617, %swap3A_618] {strides = array<i32>} : memref<80x128xf32, #tpu.memory_space<vmem>>, vector<16xf32>,
      tpu.vector_store %arg9[%swap3A_617, %swap3A_618], %select_n3A_616 {strides = array<i32>} : memref<80x128xf32, #tpu.memory_space<vmem>>, vector<16xf32>,
      %get3A_620 = arith.index_cast %scan3A_557 : i32 to index
      %get3A_621 = arith.constant 64 : index
      %get3A_622 = tpu.vector_load %arg9[%get3A_620, %get3A_621] {strides = array<i32>} : memref<80x128xf32, #tpu.memory_space<vmem>>, vector<16xf32>,
      %mul3A_623 = arith.mulf %get3A_622, %div3A_566 : vector<16xf32>
      %ge3A_624 = arith.constant 0.000000e+00 : f32
      %ge3A_625 = vector.broadcast %ge3A_624 : f32 to vector<16xf32>
      %ge3A_626 = arith.cmpf oge, %mul3A_623, %ge3A_625 : vector<16xf32>
      %mul3A_627 = arith.constant 0.00999999977 : f32
      %mul3A_628 = vector.broadcast %mul3A_627 : f32 to vector<16xf32>
      %mul3A_629 = arith.mulf %mul3A_628, %mul3A_623 : vector<16xf32>
      %select_n3A_630 = arith.select %ge3A_626, %mul3A_623, %mul3A_629 : vector<16xi1>, vector<16xf32>
      %swap3A_631 = arith.index_cast %scan3A_557 : i32 to index
      %swap3A_632 = arith.constant 64 : index
      %swap3A_633 = tpu.vector_load %arg9[%swap3A_631, %swap3A_632] {strides = array<i32>} : memref<80x128xf32, #tpu.memory_space<vmem>>, vector<16xf32>,
      tpu.vector_store %arg9[%swap3A_631, %swap3A_632], %select_n3A_630 {strides = array<i32>} : memref<80x128xf32, #tpu.memory_space<vmem>>, vector<16xf32>,
      %get3A_634 = arith.index_cast %scan3A_557 : i32 to index
      %get3A_635 = arith.constant 80 : index
      %get3A_636 = tpu.vector_load %arg9[%get3A_634, %get3A_635] {strides = array<i32>} : memref<80x128xf32, #tpu.memory_space<vmem>>, vector<16xf32>,
      %mul3A_637 = arith.mulf %get3A_636, %div3A_566 : vector<16xf32>
      %ge3A_638 = arith.constant 0.000000e+00 : f32
      %ge3A_639 = vector.broadcast %ge3A_638 : f32 to vector<16xf32>
      %ge3A_640 = arith.cmpf oge, %mul3A_637, %ge3A_639 : vector<16xf32>
      %mul3A_641 = arith.constant 0.00999999977 : f32
      %mul3A_642 = vector.broadcast %mul3A_641 : f32 to vector<16xf32>
      %mul3A_643 = arith.mulf %mul3A_642, %mul3A_637 : vector<16xf32>
      %select_n3A_644 = arith.select %ge3A_640, %mul3A_637, %mul3A_643 : vector<16xi1>, vector<16xf32>
      %swap3A_645 = arith.index_cast %scan3A_557 : i32 to index
      %swap3A_646 = arith.constant 80 : index
      %swap3A_647 = tpu.vector_load %arg9[%swap3A_645, %swap3A_646] {strides = array<i32>} : memref<80x128xf32, #tpu.memory_space<vmem>>, vector<16xf32>,
      tpu.vector_store %arg9[%swap3A_645, %swap3A_646], %select_n3A_644 {strides = array<i32>} : memref<80x128xf32, #tpu.memory_space<vmem>>, vector<16xf32>,
      %get3A_648 = arith.index_cast %scan3A_557 : i32 to index
      %get3A_649 = arith.constant 96 : index
      %get3A_650 = tpu.vector_load %arg9[%get3A_648, %get3A_649] {strides = array<i32>} : memref<80x128xf32, #tpu.memory_space<vmem>>, vector<16xf32>,
      %mul3A_651 = arith.mulf %get3A_650, %div3A_566 : vector<16xf32>
      %ge3A_652 = arith.constant 0.000000e+00 : f32
      %ge3A_653 = vector.broadcast %ge3A_652 : f32 to vector<16xf32>
      %ge3A_654 = arith.cmpf oge, %mul3A_651, %ge3A_653 : vector<16xf32>
      %mul3A_655 = arith.constant 0.00999999977 : f32
      %mul3A_656 = vector.broadcast %mul3A_655 : f32 to vector<16xf32>
      %mul3A_657 = arith.mulf %mul3A_656, %mul3A_651 : vector<16xf32>
      %select_n3A_658 = arith.select %ge3A_654, %mul3A_651, %mul3A_657 : vector<16xi1>, vector<16xf32>
      %swap3A_659 = arith.index_cast %scan3A_557 : i32 to index
      %swap3A_660 = arith.constant 96 : index
      %swap3A_661 = tpu.vector_load %arg9[%swap3A_659, %swap3A_660] {strides = array<i32>} : memref<80x128xf32, #tpu.memory_space<vmem>>, vector<16xf32>,
      tpu.vector_store %arg9[%swap3A_659, %swap3A_660], %select_n3A_658 {strides = array<i32>} : memref<80x128xf32, #tpu.memory_space<vmem>>, vector<16xf32>,
      %get3A_662 = arith.index_cast %scan3A_557 : i32 to index
      %get3A_663 = arith.constant 112 : index
      %get3A_664 = tpu.vector_load %arg9[%get3A_662, %get3A_663] {strides = array<i32>} : memref<80x128xf32, #tpu.memory_space<vmem>>, vector<16xf32>,
      %mul3A_665 = arith.mulf %get3A_664, %div3A_566 : vector<16xf32>
      %ge3A_666 = arith.constant 0.000000e+00 : f32
      %ge3A_667 = vector.broadcast %ge3A_666 : f32 to vector<16xf32>
      %ge3A_668 = arith.cmpf oge, %mul3A_665, %ge3A_667 : vector<16xf32>
      %mul3A_669 = arith.constant 0.00999999977 : f32
      %mul3A_670 = vector.broadcast %mul3A_669 : f32 to vector<16xf32>
      %mul3A_671 = arith.mulf %mul3A_670, %mul3A_665 : vector<16xf32>
      %select_n3A_672 = arith.select %ge3A_668, %mul3A_665, %mul3A_671 : vector<16xi1>, vector<16xf32>
      %swap3A_673 = arith.index_cast %scan3A_557 : i32 to index
      %swap3A_674 = arith.constant 112 : index
      %swap3A_675 = tpu.vector_load %arg9[%swap3A_673, %swap3A_674] {strides = array<i32>} : memref<80x128xf32, #tpu.memory_space<vmem>>, vector<16xf32>,
      tpu.vector_store %arg9[%swap3A_673, %swap3A_674], %select_n3A_672 {strides = array<i32>} : memref<80x128xf32, #tpu.memory_space<vmem>>, vector<16xf32>,
      %scan3A_676 = arith.constant 0 : i32
      scf.yield %scan3A_676 : i32
    }
    %scan3A_478 = arith.constant 80 : i32
    %add3A_479 = arith.constant 240 : i32
    %add3A_480 = arith.addi %mul3A_16, %add3A_479 : i32
    "tpu.region"() ({
      %run_scoped3A = tpu.sem_alloc : memref<!tpu.dma_semaphore, #tpu.memory_space<semaphore_mem>>
      %dma_start3A_557 = arith.constant 0 : i32
      %dma_start3A_558 = tpu.memref_slice %arg5[%arg0, %add3A_480, %dma_start3A_557] : memref<2x10240x128xf32, #tpu.memory_space<hbm>> -> memref<1x80x128xf32, #tpu.memory_space<hbm>>
      %dma_start3A_559 = tpu.memref_squeeze %dma_start3A_558 : memref<1x80x128xf32, #tpu.memory_space<hbm>> -> memref<80x128xf32, #tpu.memory_space<hbm>>
      %dma_start3A_560 = arith.constant 0 : i32
      %dma_start3A_561 = tpu.memref_slice %arg5[%arg0, %add3A_480, %dma_start3A_560] : memref<2x10240x128xf32, #tpu.memory_space<hbm>> -> memref<1x80x128xf32, #tpu.memory_space<hbm>>
      %dma_start3A_562 = tpu.memref_squeeze %dma_start3A_561 : memref<1x80x128xf32, #tpu.memory_space<hbm>> -> memref<80x128xf32, #tpu.memory_space<hbm>>
      tpu.enqueue_dma source(%arg9 : memref<80x128xf32, #tpu.memory_space<vmem>>) target(%dma_start3A_562 : memref<80x128xf32, #tpu.memory_space<hbm>>) target_semaphore(%run_scoped3A : memref<!tpu.dma_semaphore, #tpu.memory_space<semaphore_mem>>)
      %dma_wait3A_563 = arith.constant 0 : i32
      %dma_wait3A_564 = tpu.memref_slice %arg5[%arg0, %add3A_480, %dma_wait3A_563] : memref<2x10240x128xf32, #tpu.memory_space<hbm>> -> memref<1x80x128xf32, #tpu.memory_space<hbm>>
      %dma_wait3A_565 = tpu.memref_squeeze %dma_wait3A_564 : memref<1x80x128xf32, #tpu.memory_space<hbm>> -> memref<80x128xf32, #tpu.memory_space<hbm>>
      %dma_wait3A_566 = arith.constant 0 : i32
      %dma_wait3A_567 = tpu.memref_slice %arg5[%arg0, %add3A_480, %dma_wait3A_566] : memref<2x10240x128xf32, #tpu.memory_space<hbm>> -> memref<1x80x128xf32, #tpu.memory_space<hbm>>
      %dma_wait3A_568 = tpu.memref_squeeze %dma_wait3A_567 : memref<1x80x128xf32, #tpu.memory_space<hbm>> -> memref<80x128xf32, #tpu.memory_space<hbm>>
      tpu.wait_dma2 semaphore(%run_scoped3A : memref<!tpu.dma_semaphore, #tpu.memory_space<semaphore_mem>>) src(%arg9 : memref<80x128xf32, #tpu.memory_space<vmem>>) dst(%dma_wait3A_568 : memref<80x128xf32, #tpu.memory_space<hbm>>)
      tpu.yield
    }) : () -> ()
    %add3A_481 = arith.constant 320 : i32
    %add3A_482 = arith.addi %mul3A_16, %add3A_481 : i32
    %dma_start3A_483 = arith.constant 0 : i32
    %dma_start3A_484 = tpu.memref_slice %arg13[%add3A_482, %dma_start3A_483] : memref<10240x128xf32, #tpu.memory_space<vmem_shared>> -> memref<80x128xf32, #tpu.memory_space<vmem_shared>>
    %dma_start3A_485 = arith.constant 0 : i32
    %dma_start3A_486 = tpu.memref_slice %arg13[%add3A_482, %dma_start3A_485] : memref<10240x128xf32, #tpu.memory_space<vmem_shared>> -> memref<80x128xf32, #tpu.memory_space<vmem_shared>>
    tpu.enqueue_dma source(%dma_start3A_486 : memref<80x128xf32, #tpu.memory_space<vmem_shared>>) target(%arg9 : memref<80x128xf32, #tpu.memory_space<vmem>>) target_semaphore(%arg15 : memref<!tpu.dma_semaphore, #tpu.memory_space<semaphore_mem>>)
    %dma_wait3A_487 = arith.constant 0 : i32
    %dma_wait3A_488 = tpu.memref_slice %arg13[%add3A_482, %dma_wait3A_487] : memref<10240x128xf32, #tpu.memory_space<vmem_shared>> -> memref<80x128xf32, #tpu.memory_space<vmem_shared>>
    %dma_wait3A_489 = arith.constant 0 : i32
    %dma_wait3A_490 = tpu.memref_slice %arg13[%add3A_482, %dma_wait3A_489] : memref<10240x128xf32, #tpu.memory_space<vmem_shared>> -> memref<80x128xf32, #tpu.memory_space<vmem_shared>>
    tpu.wait_dma2 semaphore(%arg15 : memref<!tpu.dma_semaphore, #tpu.memory_space<semaphore_mem>>) src(%dma_wait3A_490 : memref<80x128xf32, #tpu.memory_space<vmem_shared>>) dst(%arg9 : memref<80x128xf32, #tpu.memory_space<vmem>>)
    %scan3A_491 = arith.constant 0 : i32
    %scan3A_492 = arith.constant 0 : i32
    %scan3A_493 = arith.constant 80 : i32
    %scan3A_494 = arith.addi %scan3A_492, %scan3A_493 : i32
    %scan3A_495 = arith.constant 1 : i32
    %scan3A_496 = scf.for %scan3A_557 = %scan3A_492 to %scan3A_494 step %scan3A_495 iter_args(%scan3A_558 = %scan3A_491) -> (i32)  : i32 {
      %add3A_559 = arith.constant 320 : i32
      %add3A_560 = arith.addi %add3A_559, %scan3A_557 : i32
      %broadcast_in_dim3A_561 = vector.broadcast %add3A_560 : i32 to vector<16xi32>
      %gather3A = tpu.vector_load_idx %arg12[%broadcast_in_dim3A_561] : memref<640xf32, #tpu.memory_space<vmem>>[vector<16xi32>], vector<16xf32>,
      %add3A_562 = arith.constant 1.000000e-16 : f32
      %add3A_563 = vector.broadcast %add3A_562 : f32 to vector<16xf32>
      %add3A_564 = arith.addf %gather3A, %add3A_563 : vector<16xf32>
      %div3A = arith.constant 1.000000e+00 : f32
      %div3A_565 = vector.broadcast %div3A : f32 to vector<16xf32>
      %div3A_566 = arith.divf %div3A_565, %add3A_564 : vector<16xf32>
      %get3A = arith.index_cast %scan3A_557 : i32 to index
      %get3A_567 = arith.constant 0 : index
      %get3A_568 = tpu.vector_load %arg9[%get3A, %get3A_567] {strides = array<i32>} : memref<80x128xf32, #tpu.memory_space<vmem>>, vector<16xf32>,
      %mul3A_569 = arith.mulf %get3A_568, %div3A_566 : vector<16xf32>
      %ge3A = arith.constant 0.000000e+00 : f32
      %ge3A_570 = vector.broadcast %ge3A : f32 to vector<16xf32>
      %ge3A_571 = arith.cmpf oge, %mul3A_569, %ge3A_570 : vector<16xf32>
      %mul3A_572 = arith.constant 0.00999999977 : f32
      %mul3A_573 = vector.broadcast %mul3A_572 : f32 to vector<16xf32>
      %mul3A_574 = arith.mulf %mul3A_573, %mul3A_569 : vector<16xf32>
      %select_n3A_575 = arith.select %ge3A_571, %mul3A_569, %mul3A_574 : vector<16xi1>, vector<16xf32>
      %swap3A = arith.index_cast %scan3A_557 : i32 to index
      %swap3A_576 = arith.constant 0 : index
      %swap3A_577 = tpu.vector_load %arg9[%swap3A, %swap3A_576] {strides = array<i32>} : memref<80x128xf32, #tpu.memory_space<vmem>>, vector<16xf32>,
      tpu.vector_store %arg9[%swap3A, %swap3A_576], %select_n3A_575 {strides = array<i32>} : memref<80x128xf32, #tpu.memory_space<vmem>>, vector<16xf32>,
      %get3A_578 = arith.index_cast %scan3A_557 : i32 to index
      %get3A_579 = arith.constant 16 : index
      %get3A_580 = tpu.vector_load %arg9[%get3A_578, %get3A_579] {strides = array<i32>} : memref<80x128xf32, #tpu.memory_space<vmem>>, vector<16xf32>,
      %mul3A_581 = arith.mulf %get3A_580, %div3A_566 : vector<16xf32>
      %ge3A_582 = arith.constant 0.000000e+00 : f32
      %ge3A_583 = vector.broadcast %ge3A_582 : f32 to vector<16xf32>
      %ge3A_584 = arith.cmpf oge, %mul3A_581, %ge3A_583 : vector<16xf32>
      %mul3A_585 = arith.constant 0.00999999977 : f32
      %mul3A_586 = vector.broadcast %mul3A_585 : f32 to vector<16xf32>
      %mul3A_587 = arith.mulf %mul3A_586, %mul3A_581 : vector<16xf32>
      %select_n3A_588 = arith.select %ge3A_584, %mul3A_581, %mul3A_587 : vector<16xi1>, vector<16xf32>
      %swap3A_589 = arith.index_cast %scan3A_557 : i32 to index
      %swap3A_590 = arith.constant 16 : index
      %swap3A_591 = tpu.vector_load %arg9[%swap3A_589, %swap3A_590] {strides = array<i32>} : memref<80x128xf32, #tpu.memory_space<vmem>>, vector<16xf32>,
      tpu.vector_store %arg9[%swap3A_589, %swap3A_590], %select_n3A_588 {strides = array<i32>} : memref<80x128xf32, #tpu.memory_space<vmem>>, vector<16xf32>,
      %get3A_592 = arith.index_cast %scan3A_557 : i32 to index
      %get3A_593 = arith.constant 32 : index
      %get3A_594 = tpu.vector_load %arg9[%get3A_592, %get3A_593] {strides = array<i32>} : memref<80x128xf32, #tpu.memory_space<vmem>>, vector<16xf32>,
      %mul3A_595 = arith.mulf %get3A_594, %div3A_566 : vector<16xf32>
      %ge3A_596 = arith.constant 0.000000e+00 : f32
      %ge3A_597 = vector.broadcast %ge3A_596 : f32 to vector<16xf32>
      %ge3A_598 = arith.cmpf oge, %mul3A_595, %ge3A_597 : vector<16xf32>
      %mul3A_599 = arith.constant 0.00999999977 : f32
      %mul3A_600 = vector.broadcast %mul3A_599 : f32 to vector<16xf32>
      %mul3A_601 = arith.mulf %mul3A_600, %mul3A_595 : vector<16xf32>
      %select_n3A_602 = arith.select %ge3A_598, %mul3A_595, %mul3A_601 : vector<16xi1>, vector<16xf32>
      %swap3A_603 = arith.index_cast %scan3A_557 : i32 to index
      %swap3A_604 = arith.constant 32 : index
      %swap3A_605 = tpu.vector_load %arg9[%swap3A_603, %swap3A_604] {strides = array<i32>} : memref<80x128xf32, #tpu.memory_space<vmem>>, vector<16xf32>,
      tpu.vector_store %arg9[%swap3A_603, %swap3A_604], %select_n3A_602 {strides = array<i32>} : memref<80x128xf32, #tpu.memory_space<vmem>>, vector<16xf32>,
      %get3A_606 = arith.index_cast %scan3A_557 : i32 to index
      %get3A_607 = arith.constant 48 : index
      %get3A_608 = tpu.vector_load %arg9[%get3A_606, %get3A_607] {strides = array<i32>} : memref<80x128xf32, #tpu.memory_space<vmem>>, vector<16xf32>,
      %mul3A_609 = arith.mulf %get3A_608, %div3A_566 : vector<16xf32>
      %ge3A_610 = arith.constant 0.000000e+00 : f32
      %ge3A_611 = vector.broadcast %ge3A_610 : f32 to vector<16xf32>
      %ge3A_612 = arith.cmpf oge, %mul3A_609, %ge3A_611 : vector<16xf32>
      %mul3A_613 = arith.constant 0.00999999977 : f32
      %mul3A_614 = vector.broadcast %mul3A_613 : f32 to vector<16xf32>
      %mul3A_615 = arith.mulf %mul3A_614, %mul3A_609 : vector<16xf32>
      %select_n3A_616 = arith.select %ge3A_612, %mul3A_609, %mul3A_615 : vector<16xi1>, vector<16xf32>
      %swap3A_617 = arith.index_cast %scan3A_557 : i32 to index
      %swap3A_618 = arith.constant 48 : index
      %swap3A_619 = tpu.vector_load %arg9[%swap3A_617, %swap3A_618] {strides = array<i32>} : memref<80x128xf32, #tpu.memory_space<vmem>>, vector<16xf32>,
      tpu.vector_store %arg9[%swap3A_617, %swap3A_618], %select_n3A_616 {strides = array<i32>} : memref<80x128xf32, #tpu.memory_space<vmem>>, vector<16xf32>,
      %get3A_620 = arith.index_cast %scan3A_557 : i32 to index
      %get3A_621 = arith.constant 64 : index
      %get3A_622 = tpu.vector_load %arg9[%get3A_620, %get3A_621] {strides = array<i32>} : memref<80x128xf32, #tpu.memory_space<vmem>>, vector<16xf32>,
      %mul3A_623 = arith.mulf %get3A_622, %div3A_566 : vector<16xf32>
      %ge3A_624 = arith.constant 0.000000e+00 : f32
      %ge3A_625 = vector.broadcast %ge3A_624 : f32 to vector<16xf32>
      %ge3A_626 = arith.cmpf oge, %mul3A_623, %ge3A_625 : vector<16xf32>
      %mul3A_627 = arith.constant 0.00999999977 : f32
      %mul3A_628 = vector.broadcast %mul3A_627 : f32 to vector<16xf32>
      %mul3A_629 = arith.mulf %mul3A_628, %mul3A_623 : vector<16xf32>
      %select_n3A_630 = arith.select %ge3A_626, %mul3A_623, %mul3A_629 : vector<16xi1>, vector<16xf32>
      %swap3A_631 = arith.index_cast %scan3A_557 : i32 to index
      %swap3A_632 = arith.constant 64 : index
      %swap3A_633 = tpu.vector_load %arg9[%swap3A_631, %swap3A_632] {strides = array<i32>} : memref<80x128xf32, #tpu.memory_space<vmem>>, vector<16xf32>,
      tpu.vector_store %arg9[%swap3A_631, %swap3A_632], %select_n3A_630 {strides = array<i32>} : memref<80x128xf32, #tpu.memory_space<vmem>>, vector<16xf32>,
      %get3A_634 = arith.index_cast %scan3A_557 : i32 to index
      %get3A_635 = arith.constant 80 : index
      %get3A_636 = tpu.vector_load %arg9[%get3A_634, %get3A_635] {strides = array<i32>} : memref<80x128xf32, #tpu.memory_space<vmem>>, vector<16xf32>,
      %mul3A_637 = arith.mulf %get3A_636, %div3A_566 : vector<16xf32>
      %ge3A_638 = arith.constant 0.000000e+00 : f32
      %ge3A_639 = vector.broadcast %ge3A_638 : f32 to vector<16xf32>
      %ge3A_640 = arith.cmpf oge, %mul3A_637, %ge3A_639 : vector<16xf32>
      %mul3A_641 = arith.constant 0.00999999977 : f32
      %mul3A_642 = vector.broadcast %mul3A_641 : f32 to vector<16xf32>
      %mul3A_643 = arith.mulf %mul3A_642, %mul3A_637 : vector<16xf32>
      %select_n3A_644 = arith.select %ge3A_640, %mul3A_637, %mul3A_643 : vector<16xi1>, vector<16xf32>
      %swap3A_645 = arith.index_cast %scan3A_557 : i32 to index
      %swap3A_646 = arith.constant 80 : index
      %swap3A_647 = tpu.vector_load %arg9[%swap3A_645, %swap3A_646] {strides = array<i32>} : memref<80x128xf32, #tpu.memory_space<vmem>>, vector<16xf32>,
      tpu.vector_store %arg9[%swap3A_645, %swap3A_646], %select_n3A_644 {strides = array<i32>} : memref<80x128xf32, #tpu.memory_space<vmem>>, vector<16xf32>,
      %get3A_648 = arith.index_cast %scan3A_557 : i32 to index
      %get3A_649 = arith.constant 96 : index
      %get3A_650 = tpu.vector_load %arg9[%get3A_648, %get3A_649] {strides = array<i32>} : memref<80x128xf32, #tpu.memory_space<vmem>>, vector<16xf32>,
      %mul3A_651 = arith.mulf %get3A_650, %div3A_566 : vector<16xf32>
      %ge3A_652 = arith.constant 0.000000e+00 : f32
      %ge3A_653 = vector.broadcast %ge3A_652 : f32 to vector<16xf32>
      %ge3A_654 = arith.cmpf oge, %mul3A_651, %ge3A_653 : vector<16xf32>
      %mul3A_655 = arith.constant 0.00999999977 : f32
      %mul3A_656 = vector.broadcast %mul3A_655 : f32 to vector<16xf32>
      %mul3A_657 = arith.mulf %mul3A_656, %mul3A_651 : vector<16xf32>
      %select_n3A_658 = arith.select %ge3A_654, %mul3A_651, %mul3A_657 : vector<16xi1>, vector<16xf32>
      %swap3A_659 = arith.index_cast %scan3A_557 : i32 to index
      %swap3A_660 = arith.constant 96 : index
      %swap3A_661 = tpu.vector_load %arg9[%swap3A_659, %swap3A_660] {strides = array<i32>} : memref<80x128xf32, #tpu.memory_space<vmem>>, vector<16xf32>,
      tpu.vector_store %arg9[%swap3A_659, %swap3A_660], %select_n3A_658 {strides = array<i32>} : memref<80x128xf32, #tpu.memory_space<vmem>>, vector<16xf32>,
      %get3A_662 = arith.index_cast %scan3A_557 : i32 to index
      %get3A_663 = arith.constant 112 : index
      %get3A_664 = tpu.vector_load %arg9[%get3A_662, %get3A_663] {strides = array<i32>} : memref<80x128xf32, #tpu.memory_space<vmem>>, vector<16xf32>,
      %mul3A_665 = arith.mulf %get3A_664, %div3A_566 : vector<16xf32>
      %ge3A_666 = arith.constant 0.000000e+00 : f32
      %ge3A_667 = vector.broadcast %ge3A_666 : f32 to vector<16xf32>
      %ge3A_668 = arith.cmpf oge, %mul3A_665, %ge3A_667 : vector<16xf32>
      %mul3A_669 = arith.constant 0.00999999977 : f32
      %mul3A_670 = vector.broadcast %mul3A_669 : f32 to vector<16xf32>
      %mul3A_671 = arith.mulf %mul3A_670, %mul3A_665 : vector<16xf32>
      %select_n3A_672 = arith.select %ge3A_668, %mul3A_665, %mul3A_671 : vector<16xi1>, vector<16xf32>
      %swap3A_673 = arith.index_cast %scan3A_557 : i32 to index
      %swap3A_674 = arith.constant 112 : index
      %swap3A_675 = tpu.vector_load %arg9[%swap3A_673, %swap3A_674] {strides = array<i32>} : memref<80x128xf32, #tpu.memory_space<vmem>>, vector<16xf32>,
      tpu.vector_store %arg9[%swap3A_673, %swap3A_674], %select_n3A_672 {strides = array<i32>} : memref<80x128xf32, #tpu.memory_space<vmem>>, vector<16xf32>,
      %scan3A_676 = arith.constant 0 : i32
      scf.yield %scan3A_676 : i32
    }
    %scan3A_497 = arith.constant 80 : i32
    %add3A_498 = arith.constant 320 : i32
    %add3A_499 = arith.addi %mul3A_16, %add3A_498 : i32
    "tpu.region"() ({
      %run_scoped3A = tpu.sem_alloc : memref<!tpu.dma_semaphore, #tpu.memory_space<semaphore_mem>>
      %dma_start3A_557 = arith.constant 0 : i32
      %dma_start3A_558 = tpu.memref_slice %arg5[%arg0, %add3A_499, %dma_start3A_557] : memref<2x10240x128xf32, #tpu.memory_space<hbm>> -> memref<1x80x128xf32, #tpu.memory_space<hbm>>
      %dma_start3A_559 = tpu.memref_squeeze %dma_start3A_558 : memref<1x80x128xf32, #tpu.memory_space<hbm>> -> memref<80x128xf32, #tpu.memory_space<hbm>>
      %dma_start3A_560 = arith.constant 0 : i32
      %dma_start3A_561 = tpu.memref_slice %arg5[%arg0, %add3A_499, %dma_start3A_560] : memref<2x10240x128xf32, #tpu.memory_space<hbm>> -> memref<1x80x128xf32, #tpu.memory_space<hbm>>
      %dma_start3A_562 = tpu.memref_squeeze %dma_start3A_561 : memref<1x80x128xf32, #tpu.memory_space<hbm>> -> memref<80x128xf32, #tpu.memory_space<hbm>>
      tpu.enqueue_dma source(%arg9 : memref<80x128xf32, #tpu.memory_space<vmem>>) target(%dma_start3A_562 : memref<80x128xf32, #tpu.memory_space<hbm>>) target_semaphore(%run_scoped3A : memref<!tpu.dma_semaphore, #tpu.memory_space<semaphore_mem>>)
      %dma_wait3A_563 = arith.constant 0 : i32
      %dma_wait3A_564 = tpu.memref_slice %arg5[%arg0, %add3A_499, %dma_wait3A_563] : memref<2x10240x128xf32, #tpu.memory_space<hbm>> -> memref<1x80x128xf32, #tpu.memory_space<hbm>>
      %dma_wait3A_565 = tpu.memref_squeeze %dma_wait3A_564 : memref<1x80x128xf32, #tpu.memory_space<hbm>> -> memref<80x128xf32, #tpu.memory_space<hbm>>
      %dma_wait3A_566 = arith.constant 0 : i32
      %dma_wait3A_567 = tpu.memref_slice %arg5[%arg0, %add3A_499, %dma_wait3A_566] : memref<2x10240x128xf32, #tpu.memory_space<hbm>> -> memref<1x80x128xf32, #tpu.memory_space<hbm>>
      %dma_wait3A_568 = tpu.memref_squeeze %dma_wait3A_567 : memref<1x80x128xf32, #tpu.memory_space<hbm>> -> memref<80x128xf32, #tpu.memory_space<hbm>>
      tpu.wait_dma2 semaphore(%run_scoped3A : memref<!tpu.dma_semaphore, #tpu.memory_space<semaphore_mem>>) src(%arg9 : memref<80x128xf32, #tpu.memory_space<vmem>>) dst(%dma_wait3A_568 : memref<80x128xf32, #tpu.memory_space<hbm>>)
      tpu.yield
    }) : () -> ()
    %add3A_500 = arith.constant 400 : i32
    %add3A_501 = arith.addi %mul3A_16, %add3A_500 : i32
    %dma_start3A_502 = arith.constant 0 : i32
    %dma_start3A_503 = tpu.memref_slice %arg13[%add3A_501, %dma_start3A_502] : memref<10240x128xf32, #tpu.memory_space<vmem_shared>> -> memref<80x128xf32, #tpu.memory_space<vmem_shared>>
    %dma_start3A_504 = arith.constant 0 : i32
    %dma_start3A_505 = tpu.memref_slice %arg13[%add3A_501, %dma_start3A_504] : memref<10240x128xf32, #tpu.memory_space<vmem_shared>> -> memref<80x128xf32, #tpu.memory_space<vmem_shared>>
    tpu.enqueue_dma source(%dma_start3A_505 : memref<80x128xf32, #tpu.memory_space<vmem_shared>>) target(%arg9 : memref<80x128xf32, #tpu.memory_space<vmem>>) target_semaphore(%arg15 : memref<!tpu.dma_semaphore, #tpu.memory_space<semaphore_mem>>)
    %dma_wait3A_506 = arith.constant 0 : i32
    %dma_wait3A_507 = tpu.memref_slice %arg13[%add3A_501, %dma_wait3A_506] : memref<10240x128xf32, #tpu.memory_space<vmem_shared>> -> memref<80x128xf32, #tpu.memory_space<vmem_shared>>
    %dma_wait3A_508 = arith.constant 0 : i32
    %dma_wait3A_509 = tpu.memref_slice %arg13[%add3A_501, %dma_wait3A_508] : memref<10240x128xf32, #tpu.memory_space<vmem_shared>> -> memref<80x128xf32, #tpu.memory_space<vmem_shared>>
    tpu.wait_dma2 semaphore(%arg15 : memref<!tpu.dma_semaphore, #tpu.memory_space<semaphore_mem>>) src(%dma_wait3A_509 : memref<80x128xf32, #tpu.memory_space<vmem_shared>>) dst(%arg9 : memref<80x128xf32, #tpu.memory_space<vmem>>)
    %scan3A_510 = arith.constant 0 : i32
    %scan3A_511 = arith.constant 0 : i32
    %scan3A_512 = arith.constant 80 : i32
    %scan3A_513 = arith.addi %scan3A_511, %scan3A_512 : i32
    %scan3A_514 = arith.constant 1 : i32
    %scan3A_515 = scf.for %scan3A_557 = %scan3A_511 to %scan3A_513 step %scan3A_514 iter_args(%scan3A_558 = %scan3A_510) -> (i32)  : i32 {
      %add3A_559 = arith.constant 400 : i32
      %add3A_560 = arith.addi %add3A_559, %scan3A_557 : i32
      %broadcast_in_dim3A_561 = vector.broadcast %add3A_560 : i32 to vector<16xi32>
      %gather3A = tpu.vector_load_idx %arg12[%broadcast_in_dim3A_561] : memref<640xf32, #tpu.memory_space<vmem>>[vector<16xi32>], vector<16xf32>,
      %add3A_562 = arith.constant 1.000000e-16 : f32
      %add3A_563 = vector.broadcast %add3A_562 : f32 to vector<16xf32>
      %add3A_564 = arith.addf %gather3A, %add3A_563 : vector<16xf32>
      %div3A = arith.constant 1.000000e+00 : f32
      %div3A_565 = vector.broadcast %div3A : f32 to vector<16xf32>
      %div3A_566 = arith.divf %div3A_565, %add3A_564 : vector<16xf32>
      %get3A = arith.index_cast %scan3A_557 : i32 to index
      %get3A_567 = arith.constant 0 : index
      %get3A_568 = tpu.vector_load %arg9[%get3A, %get3A_567] {strides = array<i32>} : memref<80x128xf32, #tpu.memory_space<vmem>>, vector<16xf32>,
      %mul3A_569 = arith.mulf %get3A_568, %div3A_566 : vector<16xf32>
      %ge3A = arith.constant 0.000000e+00 : f32
      %ge3A_570 = vector.broadcast %ge3A : f32 to vector<16xf32>
      %ge3A_571 = arith.cmpf oge, %mul3A_569, %ge3A_570 : vector<16xf32>
      %mul3A_572 = arith.constant 0.00999999977 : f32
      %mul3A_573 = vector.broadcast %mul3A_572 : f32 to vector<16xf32>
      %mul3A_574 = arith.mulf %mul3A_573, %mul3A_569 : vector<16xf32>
      %select_n3A_575 = arith.select %ge3A_571, %mul3A_569, %mul3A_574 : vector<16xi1>, vector<16xf32>
      %swap3A = arith.index_cast %scan3A_557 : i32 to index
      %swap3A_576 = arith.constant 0 : index
      %swap3A_577 = tpu.vector_load %arg9[%swap3A, %swap3A_576] {strides = array<i32>} : memref<80x128xf32, #tpu.memory_space<vmem>>, vector<16xf32>,
      tpu.vector_store %arg9[%swap3A, %swap3A_576], %select_n3A_575 {strides = array<i32>} : memref<80x128xf32, #tpu.memory_space<vmem>>, vector<16xf32>,
      %get3A_578 = arith.index_cast %scan3A_557 : i32 to index
      %get3A_579 = arith.constant 16 : index
      %get3A_580 = tpu.vector_load %arg9[%get3A_578, %get3A_579] {strides = array<i32>} : memref<80x128xf32, #tpu.memory_space<vmem>>, vector<16xf32>,
      %mul3A_581 = arith.mulf %get3A_580, %div3A_566 : vector<16xf32>
      %ge3A_582 = arith.constant 0.000000e+00 : f32
      %ge3A_583 = vector.broadcast %ge3A_582 : f32 to vector<16xf32>
      %ge3A_584 = arith.cmpf oge, %mul3A_581, %ge3A_583 : vector<16xf32>
      %mul3A_585 = arith.constant 0.00999999977 : f32
      %mul3A_586 = vector.broadcast %mul3A_585 : f32 to vector<16xf32>
      %mul3A_587 = arith.mulf %mul3A_586, %mul3A_581 : vector<16xf32>
      %select_n3A_588 = arith.select %ge3A_584, %mul3A_581, %mul3A_587 : vector<16xi1>, vector<16xf32>
      %swap3A_589 = arith.index_cast %scan3A_557 : i32 to index
      %swap3A_590 = arith.constant 16 : index
      %swap3A_591 = tpu.vector_load %arg9[%swap3A_589, %swap3A_590] {strides = array<i32>} : memref<80x128xf32, #tpu.memory_space<vmem>>, vector<16xf32>,
      tpu.vector_store %arg9[%swap3A_589, %swap3A_590], %select_n3A_588 {strides = array<i32>} : memref<80x128xf32, #tpu.memory_space<vmem>>, vector<16xf32>,
      %get3A_592 = arith.index_cast %scan3A_557 : i32 to index
      %get3A_593 = arith.constant 32 : index
      %get3A_594 = tpu.vector_load %arg9[%get3A_592, %get3A_593] {strides = array<i32>} : memref<80x128xf32, #tpu.memory_space<vmem>>, vector<16xf32>,
      %mul3A_595 = arith.mulf %get3A_594, %div3A_566 : vector<16xf32>
      %ge3A_596 = arith.constant 0.000000e+00 : f32
      %ge3A_597 = vector.broadcast %ge3A_596 : f32 to vector<16xf32>
      %ge3A_598 = arith.cmpf oge, %mul3A_595, %ge3A_597 : vector<16xf32>
      %mul3A_599 = arith.constant 0.00999999977 : f32
      %mul3A_600 = vector.broadcast %mul3A_599 : f32 to vector<16xf32>
      %mul3A_601 = arith.mulf %mul3A_600, %mul3A_595 : vector<16xf32>
      %select_n3A_602 = arith.select %ge3A_598, %mul3A_595, %mul3A_601 : vector<16xi1>, vector<16xf32>
      %swap3A_603 = arith.index_cast %scan3A_557 : i32 to index
      %swap3A_604 = arith.constant 32 : index
      %swap3A_605 = tpu.vector_load %arg9[%swap3A_603, %swap3A_604] {strides = array<i32>} : memref<80x128xf32, #tpu.memory_space<vmem>>, vector<16xf32>,
      tpu.vector_store %arg9[%swap3A_603, %swap3A_604], %select_n3A_602 {strides = array<i32>} : memref<80x128xf32, #tpu.memory_space<vmem>>, vector<16xf32>,
      %get3A_606 = arith.index_cast %scan3A_557 : i32 to index
      %get3A_607 = arith.constant 48 : index
      %get3A_608 = tpu.vector_load %arg9[%get3A_606, %get3A_607] {strides = array<i32>} : memref<80x128xf32, #tpu.memory_space<vmem>>, vector<16xf32>,
      %mul3A_609 = arith.mulf %get3A_608, %div3A_566 : vector<16xf32>
      %ge3A_610 = arith.constant 0.000000e+00 : f32
      %ge3A_611 = vector.broadcast %ge3A_610 : f32 to vector<16xf32>
      %ge3A_612 = arith.cmpf oge, %mul3A_609, %ge3A_611 : vector<16xf32>
      %mul3A_613 = arith.constant 0.00999999977 : f32
      %mul3A_614 = vector.broadcast %mul3A_613 : f32 to vector<16xf32>
      %mul3A_615 = arith.mulf %mul3A_614, %mul3A_609 : vector<16xf32>
      %select_n3A_616 = arith.select %ge3A_612, %mul3A_609, %mul3A_615 : vector<16xi1>, vector<16xf32>
      %swap3A_617 = arith.index_cast %scan3A_557 : i32 to index
      %swap3A_618 = arith.constant 48 : index
      %swap3A_619 = tpu.vector_load %arg9[%swap3A_617, %swap3A_618] {strides = array<i32>} : memref<80x128xf32, #tpu.memory_space<vmem>>, vector<16xf32>,
      tpu.vector_store %arg9[%swap3A_617, %swap3A_618], %select_n3A_616 {strides = array<i32>} : memref<80x128xf32, #tpu.memory_space<vmem>>, vector<16xf32>,
      %get3A_620 = arith.index_cast %scan3A_557 : i32 to index
      %get3A_621 = arith.constant 64 : index
      %get3A_622 = tpu.vector_load %arg9[%get3A_620, %get3A_621] {strides = array<i32>} : memref<80x128xf32, #tpu.memory_space<vmem>>, vector<16xf32>,
      %mul3A_623 = arith.mulf %get3A_622, %div3A_566 : vector<16xf32>
      %ge3A_624 = arith.constant 0.000000e+00 : f32
      %ge3A_625 = vector.broadcast %ge3A_624 : f32 to vector<16xf32>
      %ge3A_626 = arith.cmpf oge, %mul3A_623, %ge3A_625 : vector<16xf32>
      %mul3A_627 = arith.constant 0.00999999977 : f32
      %mul3A_628 = vector.broadcast %mul3A_627 : f32 to vector<16xf32>
      %mul3A_629 = arith.mulf %mul3A_628, %mul3A_623 : vector<16xf32>
      %select_n3A_630 = arith.select %ge3A_626, %mul3A_623, %mul3A_629 : vector<16xi1>, vector<16xf32>
      %swap3A_631 = arith.index_cast %scan3A_557 : i32 to index
      %swap3A_632 = arith.constant 64 : index
      %swap3A_633 = tpu.vector_load %arg9[%swap3A_631, %swap3A_632] {strides = array<i32>} : memref<80x128xf32, #tpu.memory_space<vmem>>, vector<16xf32>,
      tpu.vector_store %arg9[%swap3A_631, %swap3A_632], %select_n3A_630 {strides = array<i32>} : memref<80x128xf32, #tpu.memory_space<vmem>>, vector<16xf32>,
      %get3A_634 = arith.index_cast %scan3A_557 : i32 to index
      %get3A_635 = arith.constant 80 : index
      %get3A_636 = tpu.vector_load %arg9[%get3A_634, %get3A_635] {strides = array<i32>} : memref<80x128xf32, #tpu.memory_space<vmem>>, vector<16xf32>,
      %mul3A_637 = arith.mulf %get3A_636, %div3A_566 : vector<16xf32>
      %ge3A_638 = arith.constant 0.000000e+00 : f32
      %ge3A_639 = vector.broadcast %ge3A_638 : f32 to vector<16xf32>
      %ge3A_640 = arith.cmpf oge, %mul3A_637, %ge3A_639 : vector<16xf32>
      %mul3A_641 = arith.constant 0.00999999977 : f32
      %mul3A_642 = vector.broadcast %mul3A_641 : f32 to vector<16xf32>
      %mul3A_643 = arith.mulf %mul3A_642, %mul3A_637 : vector<16xf32>
      %select_n3A_644 = arith.select %ge3A_640, %mul3A_637, %mul3A_643 : vector<16xi1>, vector<16xf32>
      %swap3A_645 = arith.index_cast %scan3A_557 : i32 to index
      %swap3A_646 = arith.constant 80 : index
      %swap3A_647 = tpu.vector_load %arg9[%swap3A_645, %swap3A_646] {strides = array<i32>} : memref<80x128xf32, #tpu.memory_space<vmem>>, vector<16xf32>,
      tpu.vector_store %arg9[%swap3A_645, %swap3A_646], %select_n3A_644 {strides = array<i32>} : memref<80x128xf32, #tpu.memory_space<vmem>>, vector<16xf32>,
      %get3A_648 = arith.index_cast %scan3A_557 : i32 to index
      %get3A_649 = arith.constant 96 : index
      %get3A_650 = tpu.vector_load %arg9[%get3A_648, %get3A_649] {strides = array<i32>} : memref<80x128xf32, #tpu.memory_space<vmem>>, vector<16xf32>,
      %mul3A_651 = arith.mulf %get3A_650, %div3A_566 : vector<16xf32>
      %ge3A_652 = arith.constant 0.000000e+00 : f32
      %ge3A_653 = vector.broadcast %ge3A_652 : f32 to vector<16xf32>
      %ge3A_654 = arith.cmpf oge, %mul3A_651, %ge3A_653 : vector<16xf32>
      %mul3A_655 = arith.constant 0.00999999977 : f32
      %mul3A_656 = vector.broadcast %mul3A_655 : f32 to vector<16xf32>
      %mul3A_657 = arith.mulf %mul3A_656, %mul3A_651 : vector<16xf32>
      %select_n3A_658 = arith.select %ge3A_654, %mul3A_651, %mul3A_657 : vector<16xi1>, vector<16xf32>
      %swap3A_659 = arith.index_cast %scan3A_557 : i32 to index
      %swap3A_660 = arith.constant 96 : index
      %swap3A_661 = tpu.vector_load %arg9[%swap3A_659, %swap3A_660] {strides = array<i32>} : memref<80x128xf32, #tpu.memory_space<vmem>>, vector<16xf32>,
      tpu.vector_store %arg9[%swap3A_659, %swap3A_660], %select_n3A_658 {strides = array<i32>} : memref<80x128xf32, #tpu.memory_space<vmem>>, vector<16xf32>,
      %get3A_662 = arith.index_cast %scan3A_557 : i32 to index
      %get3A_663 = arith.constant 112 : index
      %get3A_664 = tpu.vector_load %arg9[%get3A_662, %get3A_663] {strides = array<i32>} : memref<80x128xf32, #tpu.memory_space<vmem>>, vector<16xf32>,
      %mul3A_665 = arith.mulf %get3A_664, %div3A_566 : vector<16xf32>
      %ge3A_666 = arith.constant 0.000000e+00 : f32
      %ge3A_667 = vector.broadcast %ge3A_666 : f32 to vector<16xf32>
      %ge3A_668 = arith.cmpf oge, %mul3A_665, %ge3A_667 : vector<16xf32>
      %mul3A_669 = arith.constant 0.00999999977 : f32
      %mul3A_670 = vector.broadcast %mul3A_669 : f32 to vector<16xf32>
      %mul3A_671 = arith.mulf %mul3A_670, %mul3A_665 : vector<16xf32>
      %select_n3A_672 = arith.select %ge3A_668, %mul3A_665, %mul3A_671 : vector<16xi1>, vector<16xf32>
      %swap3A_673 = arith.index_cast %scan3A_557 : i32 to index
      %swap3A_674 = arith.constant 112 : index
      %swap3A_675 = tpu.vector_load %arg9[%swap3A_673, %swap3A_674] {strides = array<i32>} : memref<80x128xf32, #tpu.memory_space<vmem>>, vector<16xf32>,
      tpu.vector_store %arg9[%swap3A_673, %swap3A_674], %select_n3A_672 {strides = array<i32>} : memref<80x128xf32, #tpu.memory_space<vmem>>, vector<16xf32>,
      %scan3A_676 = arith.constant 0 : i32
      scf.yield %scan3A_676 : i32
    }
    %scan3A_516 = arith.constant 80 : i32
    %add3A_517 = arith.constant 400 : i32
    %add3A_518 = arith.addi %mul3A_16, %add3A_517 : i32
    "tpu.region"() ({
      %run_scoped3A = tpu.sem_alloc : memref<!tpu.dma_semaphore, #tpu.memory_space<semaphore_mem>>
      %dma_start3A_557 = arith.constant 0 : i32
      %dma_start3A_558 = tpu.memref_slice %arg5[%arg0, %add3A_518, %dma_start3A_557] : memref<2x10240x128xf32, #tpu.memory_space<hbm>> -> memref<1x80x128xf32, #tpu.memory_space<hbm>>
      %dma_start3A_559 = tpu.memref_squeeze %dma_start3A_558 : memref<1x80x128xf32, #tpu.memory_space<hbm>> -> memref<80x128xf32, #tpu.memory_space<hbm>>
      %dma_start3A_560 = arith.constant 0 : i32
      %dma_start3A_561 = tpu.memref_slice %arg5[%arg0, %add3A_518, %dma_start3A_560] : memref<2x10240x128xf32, #tpu.memory_space<hbm>> -> memref<1x80x128xf32, #tpu.memory_space<hbm>>
      %dma_start3A_562 = tpu.memref_squeeze %dma_start3A_561 : memref<1x80x128xf32, #tpu.memory_space<hbm>> -> memref<80x128xf32, #tpu.memory_space<hbm>>
      tpu.enqueue_dma source(%arg9 : memref<80x128xf32, #tpu.memory_space<vmem>>) target(%dma_start3A_562 : memref<80x128xf32, #tpu.memory_space<hbm>>) target_semaphore(%run_scoped3A : memref<!tpu.dma_semaphore, #tpu.memory_space<semaphore_mem>>)
      %dma_wait3A_563 = arith.constant 0 : i32
      %dma_wait3A_564 = tpu.memref_slice %arg5[%arg0, %add3A_518, %dma_wait3A_563] : memref<2x10240x128xf32, #tpu.memory_space<hbm>> -> memref<1x80x128xf32, #tpu.memory_space<hbm>>
      %dma_wait3A_565 = tpu.memref_squeeze %dma_wait3A_564 : memref<1x80x128xf32, #tpu.memory_space<hbm>> -> memref<80x128xf32, #tpu.memory_space<hbm>>
      %dma_wait3A_566 = arith.constant 0 : i32
      %dma_wait3A_567 = tpu.memref_slice %arg5[%arg0, %add3A_518, %dma_wait3A_566] : memref<2x10240x128xf32, #tpu.memory_space<hbm>> -> memref<1x80x128xf32, #tpu.memory_space<hbm>>
      %dma_wait3A_568 = tpu.memref_squeeze %dma_wait3A_567 : memref<1x80x128xf32, #tpu.memory_space<hbm>> -> memref<80x128xf32, #tpu.memory_space<hbm>>
      tpu.wait_dma2 semaphore(%run_scoped3A : memref<!tpu.dma_semaphore, #tpu.memory_space<semaphore_mem>>) src(%arg9 : memref<80x128xf32, #tpu.memory_space<vmem>>) dst(%dma_wait3A_568 : memref<80x128xf32, #tpu.memory_space<hbm>>)
      tpu.yield
    }) : () -> ()
    %add3A_519 = arith.constant 480 : i32
    %add3A_520 = arith.addi %mul3A_16, %add3A_519 : i32
    %dma_start3A_521 = arith.constant 0 : i32
    %dma_start3A_522 = tpu.memref_slice %arg13[%add3A_520, %dma_start3A_521] : memref<10240x128xf32, #tpu.memory_space<vmem_shared>> -> memref<80x128xf32, #tpu.memory_space<vmem_shared>>
    %dma_start3A_523 = arith.constant 0 : i32
    %dma_start3A_524 = tpu.memref_slice %arg13[%add3A_520, %dma_start3A_523] : memref<10240x128xf32, #tpu.memory_space<vmem_shared>> -> memref<80x128xf32, #tpu.memory_space<vmem_shared>>
    tpu.enqueue_dma source(%dma_start3A_524 : memref<80x128xf32, #tpu.memory_space<vmem_shared>>) target(%arg9 : memref<80x128xf32, #tpu.memory_space<vmem>>) target_semaphore(%arg15 : memref<!tpu.dma_semaphore, #tpu.memory_space<semaphore_mem>>)
    %dma_wait3A_525 = arith.constant 0 : i32
    %dma_wait3A_526 = tpu.memref_slice %arg13[%add3A_520, %dma_wait3A_525] : memref<10240x128xf32, #tpu.memory_space<vmem_shared>> -> memref<80x128xf32, #tpu.memory_space<vmem_shared>>
    %dma_wait3A_527 = arith.constant 0 : i32
    %dma_wait3A_528 = tpu.memref_slice %arg13[%add3A_520, %dma_wait3A_527] : memref<10240x128xf32, #tpu.memory_space<vmem_shared>> -> memref<80x128xf32, #tpu.memory_space<vmem_shared>>
    tpu.wait_dma2 semaphore(%arg15 : memref<!tpu.dma_semaphore, #tpu.memory_space<semaphore_mem>>) src(%dma_wait3A_528 : memref<80x128xf32, #tpu.memory_space<vmem_shared>>) dst(%arg9 : memref<80x128xf32, #tpu.memory_space<vmem>>)
    %scan3A_529 = arith.constant 0 : i32
    %scan3A_530 = arith.constant 0 : i32
    %scan3A_531 = arith.constant 80 : i32
    %scan3A_532 = arith.addi %scan3A_530, %scan3A_531 : i32
    %scan3A_533 = arith.constant 1 : i32
    %scan3A_534 = scf.for %scan3A_557 = %scan3A_530 to %scan3A_532 step %scan3A_533 iter_args(%scan3A_558 = %scan3A_529) -> (i32)  : i32 {
      %add3A_559 = arith.constant 480 : i32
      %add3A_560 = arith.addi %add3A_559, %scan3A_557 : i32
      %broadcast_in_dim3A_561 = vector.broadcast %add3A_560 : i32 to vector<16xi32>
      %gather3A = tpu.vector_load_idx %arg12[%broadcast_in_dim3A_561] : memref<640xf32, #tpu.memory_space<vmem>>[vector<16xi32>], vector<16xf32>,
      %add3A_562 = arith.constant 1.000000e-16 : f32
      %add3A_563 = vector.broadcast %add3A_562 : f32 to vector<16xf32>
      %add3A_564 = arith.addf %gather3A, %add3A_563 : vector<16xf32>
      %div3A = arith.constant 1.000000e+00 : f32
      %div3A_565 = vector.broadcast %div3A : f32 to vector<16xf32>
      %div3A_566 = arith.divf %div3A_565, %add3A_564 : vector<16xf32>
      %get3A = arith.index_cast %scan3A_557 : i32 to index
      %get3A_567 = arith.constant 0 : index
      %get3A_568 = tpu.vector_load %arg9[%get3A, %get3A_567] {strides = array<i32>} : memref<80x128xf32, #tpu.memory_space<vmem>>, vector<16xf32>,
      %mul3A_569 = arith.mulf %get3A_568, %div3A_566 : vector<16xf32>
      %ge3A = arith.constant 0.000000e+00 : f32
      %ge3A_570 = vector.broadcast %ge3A : f32 to vector<16xf32>
      %ge3A_571 = arith.cmpf oge, %mul3A_569, %ge3A_570 : vector<16xf32>
      %mul3A_572 = arith.constant 0.00999999977 : f32
      %mul3A_573 = vector.broadcast %mul3A_572 : f32 to vector<16xf32>
      %mul3A_574 = arith.mulf %mul3A_573, %mul3A_569 : vector<16xf32>
      %select_n3A_575 = arith.select %ge3A_571, %mul3A_569, %mul3A_574 : vector<16xi1>, vector<16xf32>
      %swap3A = arith.index_cast %scan3A_557 : i32 to index
      %swap3A_576 = arith.constant 0 : index
      %swap3A_577 = tpu.vector_load %arg9[%swap3A, %swap3A_576] {strides = array<i32>} : memref<80x128xf32, #tpu.memory_space<vmem>>, vector<16xf32>,
      tpu.vector_store %arg9[%swap3A, %swap3A_576], %select_n3A_575 {strides = array<i32>} : memref<80x128xf32, #tpu.memory_space<vmem>>, vector<16xf32>,
      %get3A_578 = arith.index_cast %scan3A_557 : i32 to index
      %get3A_579 = arith.constant 16 : index
      %get3A_580 = tpu.vector_load %arg9[%get3A_578, %get3A_579] {strides = array<i32>} : memref<80x128xf32, #tpu.memory_space<vmem>>, vector<16xf32>,
      %mul3A_581 = arith.mulf %get3A_580, %div3A_566 : vector<16xf32>
      %ge3A_582 = arith.constant 0.000000e+00 : f32
      %ge3A_583 = vector.broadcast %ge3A_582 : f32 to vector<16xf32>
      %ge3A_584 = arith.cmpf oge, %mul3A_581, %ge3A_583 : vector<16xf32>
      %mul3A_585 = arith.constant 0.00999999977 : f32
      %mul3A_586 = vector.broadcast %mul3A_585 : f32 to vector<16xf32>
      %mul3A_587 = arith.mulf %mul3A_586, %mul3A_581 : vector<16xf32>
      %select_n3A_588 = arith.select %ge3A_584, %mul3A_581, %mul3A_587 : vector<16xi1>, vector<16xf32>
      %swap3A_589 = arith.index_cast %scan3A_557 : i32 to index
      %swap3A_590 = arith.constant 16 : index
      %swap3A_591 = tpu.vector_load %arg9[%swap3A_589, %swap3A_590] {strides = array<i32>} : memref<80x128xf32, #tpu.memory_space<vmem>>, vector<16xf32>,
      tpu.vector_store %arg9[%swap3A_589, %swap3A_590], %select_n3A_588 {strides = array<i32>} : memref<80x128xf32, #tpu.memory_space<vmem>>, vector<16xf32>,
      %get3A_592 = arith.index_cast %scan3A_557 : i32 to index
      %get3A_593 = arith.constant 32 : index
      %get3A_594 = tpu.vector_load %arg9[%get3A_592, %get3A_593] {strides = array<i32>} : memref<80x128xf32, #tpu.memory_space<vmem>>, vector<16xf32>,
      %mul3A_595 = arith.mulf %get3A_594, %div3A_566 : vector<16xf32>
      %ge3A_596 = arith.constant 0.000000e+00 : f32
      %ge3A_597 = vector.broadcast %ge3A_596 : f32 to vector<16xf32>
      %ge3A_598 = arith.cmpf oge, %mul3A_595, %ge3A_597 : vector<16xf32>
      %mul3A_599 = arith.constant 0.00999999977 : f32
      %mul3A_600 = vector.broadcast %mul3A_599 : f32 to vector<16xf32>
      %mul3A_601 = arith.mulf %mul3A_600, %mul3A_595 : vector<16xf32>
      %select_n3A_602 = arith.select %ge3A_598, %mul3A_595, %mul3A_601 : vector<16xi1>, vector<16xf32>
      %swap3A_603 = arith.index_cast %scan3A_557 : i32 to index
      %swap3A_604 = arith.constant 32 : index
      %swap3A_605 = tpu.vector_load %arg9[%swap3A_603, %swap3A_604] {strides = array<i32>} : memref<80x128xf32, #tpu.memory_space<vmem>>, vector<16xf32>,
      tpu.vector_store %arg9[%swap3A_603, %swap3A_604], %select_n3A_602 {strides = array<i32>} : memref<80x128xf32, #tpu.memory_space<vmem>>, vector<16xf32>,
      %get3A_606 = arith.index_cast %scan3A_557 : i32 to index
      %get3A_607 = arith.constant 48 : index
      %get3A_608 = tpu.vector_load %arg9[%get3A_606, %get3A_607] {strides = array<i32>} : memref<80x128xf32, #tpu.memory_space<vmem>>, vector<16xf32>,
      %mul3A_609 = arith.mulf %get3A_608, %div3A_566 : vector<16xf32>
      %ge3A_610 = arith.constant 0.000000e+00 : f32
      %ge3A_611 = vector.broadcast %ge3A_610 : f32 to vector<16xf32>
      %ge3A_612 = arith.cmpf oge, %mul3A_609, %ge3A_611 : vector<16xf32>
      %mul3A_613 = arith.constant 0.00999999977 : f32
      %mul3A_614 = vector.broadcast %mul3A_613 : f32 to vector<16xf32>
      %mul3A_615 = arith.mulf %mul3A_614, %mul3A_609 : vector<16xf32>
      %select_n3A_616 = arith.select %ge3A_612, %mul3A_609, %mul3A_615 : vector<16xi1>, vector<16xf32>
      %swap3A_617 = arith.index_cast %scan3A_557 : i32 to index
      %swap3A_618 = arith.constant 48 : index
      %swap3A_619 = tpu.vector_load %arg9[%swap3A_617, %swap3A_618] {strides = array<i32>} : memref<80x128xf32, #tpu.memory_space<vmem>>, vector<16xf32>,
      tpu.vector_store %arg9[%swap3A_617, %swap3A_618], %select_n3A_616 {strides = array<i32>} : memref<80x128xf32, #tpu.memory_space<vmem>>, vector<16xf32>,
      %get3A_620 = arith.index_cast %scan3A_557 : i32 to index
      %get3A_621 = arith.constant 64 : index
      %get3A_622 = tpu.vector_load %arg9[%get3A_620, %get3A_621] {strides = array<i32>} : memref<80x128xf32, #tpu.memory_space<vmem>>, vector<16xf32>,
      %mul3A_623 = arith.mulf %get3A_622, %div3A_566 : vector<16xf32>
      %ge3A_624 = arith.constant 0.000000e+00 : f32
      %ge3A_625 = vector.broadcast %ge3A_624 : f32 to vector<16xf32>
      %ge3A_626 = arith.cmpf oge, %mul3A_623, %ge3A_625 : vector<16xf32>
      %mul3A_627 = arith.constant 0.00999999977 : f32
      %mul3A_628 = vector.broadcast %mul3A_627 : f32 to vector<16xf32>
      %mul3A_629 = arith.mulf %mul3A_628, %mul3A_623 : vector<16xf32>
      %select_n3A_630 = arith.select %ge3A_626, %mul3A_623, %mul3A_629 : vector<16xi1>, vector<16xf32>
      %swap3A_631 = arith.index_cast %scan3A_557 : i32 to index
      %swap3A_632 = arith.constant 64 : index
      %swap3A_633 = tpu.vector_load %arg9[%swap3A_631, %swap3A_632] {strides = array<i32>} : memref<80x128xf32, #tpu.memory_space<vmem>>, vector<16xf32>,
      tpu.vector_store %arg9[%swap3A_631, %swap3A_632], %select_n3A_630 {strides = array<i32>} : memref<80x128xf32, #tpu.memory_space<vmem>>, vector<16xf32>,
      %get3A_634 = arith.index_cast %scan3A_557 : i32 to index
      %get3A_635 = arith.constant 80 : index
      %get3A_636 = tpu.vector_load %arg9[%get3A_634, %get3A_635] {strides = array<i32>} : memref<80x128xf32, #tpu.memory_space<vmem>>, vector<16xf32>,
      %mul3A_637 = arith.mulf %get3A_636, %div3A_566 : vector<16xf32>
      %ge3A_638 = arith.constant 0.000000e+00 : f32
      %ge3A_639 = vector.broadcast %ge3A_638 : f32 to vector<16xf32>
      %ge3A_640 = arith.cmpf oge, %mul3A_637, %ge3A_639 : vector<16xf32>
      %mul3A_641 = arith.constant 0.00999999977 : f32
      %mul3A_642 = vector.broadcast %mul3A_641 : f32 to vector<16xf32>
      %mul3A_643 = arith.mulf %mul3A_642, %mul3A_637 : vector<16xf32>
      %select_n3A_644 = arith.select %ge3A_640, %mul3A_637, %mul3A_643 : vector<16xi1>, vector<16xf32>
      %swap3A_645 = arith.index_cast %scan3A_557 : i32 to index
      %swap3A_646 = arith.constant 80 : index
      %swap3A_647 = tpu.vector_load %arg9[%swap3A_645, %swap3A_646] {strides = array<i32>} : memref<80x128xf32, #tpu.memory_space<vmem>>, vector<16xf32>,
      tpu.vector_store %arg9[%swap3A_645, %swap3A_646], %select_n3A_644 {strides = array<i32>} : memref<80x128xf32, #tpu.memory_space<vmem>>, vector<16xf32>,
      %get3A_648 = arith.index_cast %scan3A_557 : i32 to index
      %get3A_649 = arith.constant 96 : index
      %get3A_650 = tpu.vector_load %arg9[%get3A_648, %get3A_649] {strides = array<i32>} : memref<80x128xf32, #tpu.memory_space<vmem>>, vector<16xf32>,
      %mul3A_651 = arith.mulf %get3A_650, %div3A_566 : vector<16xf32>
      %ge3A_652 = arith.constant 0.000000e+00 : f32
      %ge3A_653 = vector.broadcast %ge3A_652 : f32 to vector<16xf32>
      %ge3A_654 = arith.cmpf oge, %mul3A_651, %ge3A_653 : vector<16xf32>
      %mul3A_655 = arith.constant 0.00999999977 : f32
      %mul3A_656 = vector.broadcast %mul3A_655 : f32 to vector<16xf32>
      %mul3A_657 = arith.mulf %mul3A_656, %mul3A_651 : vector<16xf32>
      %select_n3A_658 = arith.select %ge3A_654, %mul3A_651, %mul3A_657 : vector<16xi1>, vector<16xf32>
      %swap3A_659 = arith.index_cast %scan3A_557 : i32 to index
      %swap3A_660 = arith.constant 96 : index
      %swap3A_661 = tpu.vector_load %arg9[%swap3A_659, %swap3A_660] {strides = array<i32>} : memref<80x128xf32, #tpu.memory_space<vmem>>, vector<16xf32>,
      tpu.vector_store %arg9[%swap3A_659, %swap3A_660], %select_n3A_658 {strides = array<i32>} : memref<80x128xf32, #tpu.memory_space<vmem>>, vector<16xf32>,
      %get3A_662 = arith.index_cast %scan3A_557 : i32 to index
      %get3A_663 = arith.constant 112 : index
      %get3A_664 = tpu.vector_load %arg9[%get3A_662, %get3A_663] {strides = array<i32>} : memref<80x128xf32, #tpu.memory_space<vmem>>, vector<16xf32>,
      %mul3A_665 = arith.mulf %get3A_664, %div3A_566 : vector<16xf32>
      %ge3A_666 = arith.constant 0.000000e+00 : f32
      %ge3A_667 = vector.broadcast %ge3A_666 : f32 to vector<16xf32>
      %ge3A_668 = arith.cmpf oge, %mul3A_665, %ge3A_667 : vector<16xf32>
      %mul3A_669 = arith.constant 0.00999999977 : f32
      %mul3A_670 = vector.broadcast %mul3A_669 : f32 to vector<16xf32>
      %mul3A_671 = arith.mulf %mul3A_670, %mul3A_665 : vector<16xf32>
      %select_n3A_672 = arith.select %ge3A_668, %mul3A_665, %mul3A_671 : vector<16xi1>, vector<16xf32>
      %swap3A_673 = arith.index_cast %scan3A_557 : i32 to index
      %swap3A_674 = arith.constant 112 : index
      %swap3A_675 = tpu.vector_load %arg9[%swap3A_673, %swap3A_674] {strides = array<i32>} : memref<80x128xf32, #tpu.memory_space<vmem>>, vector<16xf32>,
      tpu.vector_store %arg9[%swap3A_673, %swap3A_674], %select_n3A_672 {strides = array<i32>} : memref<80x128xf32, #tpu.memory_space<vmem>>, vector<16xf32>,
      %scan3A_676 = arith.constant 0 : i32
      scf.yield %scan3A_676 : i32
    }
    %scan3A_535 = arith.constant 80 : i32
    %add3A_536 = arith.constant 480 : i32
    %add3A_537 = arith.addi %mul3A_16, %add3A_536 : i32
    "tpu.region"() ({
      %run_scoped3A = tpu.sem_alloc : memref<!tpu.dma_semaphore, #tpu.memory_space<semaphore_mem>>
      %dma_start3A_557 = arith.constant 0 : i32
      %dma_start3A_558 = tpu.memref_slice %arg5[%arg0, %add3A_537, %dma_start3A_557] : memref<2x10240x128xf32, #tpu.memory_space<hbm>> -> memref<1x80x128xf32, #tpu.memory_space<hbm>>
      %dma_start3A_559 = tpu.memref_squeeze %dma_start3A_558 : memref<1x80x128xf32, #tpu.memory_space<hbm>> -> memref<80x128xf32, #tpu.memory_space<hbm>>
      %dma_start3A_560 = arith.constant 0 : i32
      %dma_start3A_561 = tpu.memref_slice %arg5[%arg0, %add3A_537, %dma_start3A_560] : memref<2x10240x128xf32, #tpu.memory_space<hbm>> -> memref<1x80x128xf32, #tpu.memory_space<hbm>>
      %dma_start3A_562 = tpu.memref_squeeze %dma_start3A_561 : memref<1x80x128xf32, #tpu.memory_space<hbm>> -> memref<80x128xf32, #tpu.memory_space<hbm>>
      tpu.enqueue_dma source(%arg9 : memref<80x128xf32, #tpu.memory_space<vmem>>) target(%dma_start3A_562 : memref<80x128xf32, #tpu.memory_space<hbm>>) target_semaphore(%run_scoped3A : memref<!tpu.dma_semaphore, #tpu.memory_space<semaphore_mem>>)
      %dma_wait3A_563 = arith.constant 0 : i32
      %dma_wait3A_564 = tpu.memref_slice %arg5[%arg0, %add3A_537, %dma_wait3A_563] : memref<2x10240x128xf32, #tpu.memory_space<hbm>> -> memref<1x80x128xf32, #tpu.memory_space<hbm>>
      %dma_wait3A_565 = tpu.memref_squeeze %dma_wait3A_564 : memref<1x80x128xf32, #tpu.memory_space<hbm>> -> memref<80x128xf32, #tpu.memory_space<hbm>>
      %dma_wait3A_566 = arith.constant 0 : i32
      %dma_wait3A_567 = tpu.memref_slice %arg5[%arg0, %add3A_537, %dma_wait3A_566] : memref<2x10240x128xf32, #tpu.memory_space<hbm>> -> memref<1x80x128xf32, #tpu.memory_space<hbm>>
      %dma_wait3A_568 = tpu.memref_squeeze %dma_wait3A_567 : memref<1x80x128xf32, #tpu.memory_space<hbm>> -> memref<80x128xf32, #tpu.memory_space<hbm>>
      tpu.wait_dma2 semaphore(%run_scoped3A : memref<!tpu.dma_semaphore, #tpu.memory_space<semaphore_mem>>) src(%arg9 : memref<80x128xf32, #tpu.memory_space<vmem>>) dst(%dma_wait3A_568 : memref<80x128xf32, #tpu.memory_space<hbm>>)
      tpu.yield
    }) : () -> ()
    %add3A_538 = arith.constant 560 : i32
    %add3A_539 = arith.addi %mul3A_16, %add3A_538 : i32
    %dma_start3A_540 = arith.constant 0 : i32
    %dma_start3A_541 = tpu.memref_slice %arg13[%add3A_539, %dma_start3A_540] : memref<10240x128xf32, #tpu.memory_space<vmem_shared>> -> memref<80x128xf32, #tpu.memory_space<vmem_shared>>
    %dma_start3A_542 = arith.constant 0 : i32
    %dma_start3A_543 = tpu.memref_slice %arg13[%add3A_539, %dma_start3A_542] : memref<10240x128xf32, #tpu.memory_space<vmem_shared>> -> memref<80x128xf32, #tpu.memory_space<vmem_shared>>
    tpu.enqueue_dma source(%dma_start3A_543 : memref<80x128xf32, #tpu.memory_space<vmem_shared>>) target(%arg9 : memref<80x128xf32, #tpu.memory_space<vmem>>) target_semaphore(%arg15 : memref<!tpu.dma_semaphore, #tpu.memory_space<semaphore_mem>>)
    %dma_wait3A_544 = arith.constant 0 : i32
    %dma_wait3A_545 = tpu.memref_slice %arg13[%add3A_539, %dma_wait3A_544] : memref<10240x128xf32, #tpu.memory_space<vmem_shared>> -> memref<80x128xf32, #tpu.memory_space<vmem_shared>>
    %dma_wait3A_546 = arith.constant 0 : i32
    %dma_wait3A_547 = tpu.memref_slice %arg13[%add3A_539, %dma_wait3A_546] : memref<10240x128xf32, #tpu.memory_space<vmem_shared>> -> memref<80x128xf32, #tpu.memory_space<vmem_shared>>
    tpu.wait_dma2 semaphore(%arg15 : memref<!tpu.dma_semaphore, #tpu.memory_space<semaphore_mem>>) src(%dma_wait3A_547 : memref<80x128xf32, #tpu.memory_space<vmem_shared>>) dst(%arg9 : memref<80x128xf32, #tpu.memory_space<vmem>>)
    %scan3A_548 = arith.constant 0 : i32
    %scan3A_549 = arith.constant 0 : i32
    %scan3A_550 = arith.constant 80 : i32
    %scan3A_551 = arith.addi %scan3A_549, %scan3A_550 : i32
    %scan3A_552 = arith.constant 1 : i32
    %scan3A_553 = scf.for %scan3A_557 = %scan3A_549 to %scan3A_551 step %scan3A_552 iter_args(%scan3A_558 = %scan3A_548) -> (i32)  : i32 {
      %add3A_559 = arith.constant 560 : i32
      %add3A_560 = arith.addi %add3A_559, %scan3A_557 : i32
      %broadcast_in_dim3A_561 = vector.broadcast %add3A_560 : i32 to vector<16xi32>
      %gather3A = tpu.vector_load_idx %arg12[%broadcast_in_dim3A_561] : memref<640xf32, #tpu.memory_space<vmem>>[vector<16xi32>], vector<16xf32>,
      %add3A_562 = arith.constant 1.000000e-16 : f32
      %add3A_563 = vector.broadcast %add3A_562 : f32 to vector<16xf32>
      %add3A_564 = arith.addf %gather3A, %add3A_563 : vector<16xf32>
      %div3A = arith.constant 1.000000e+00 : f32
      %div3A_565 = vector.broadcast %div3A : f32 to vector<16xf32>
      %div3A_566 = arith.divf %div3A_565, %add3A_564 : vector<16xf32>
      %get3A = arith.index_cast %scan3A_557 : i32 to index
      %get3A_567 = arith.constant 0 : index
      %get3A_568 = tpu.vector_load %arg9[%get3A, %get3A_567] {strides = array<i32>} : memref<80x128xf32, #tpu.memory_space<vmem>>, vector<16xf32>,
      %mul3A_569 = arith.mulf %get3A_568, %div3A_566 : vector<16xf32>
      %ge3A = arith.constant 0.000000e+00 : f32
      %ge3A_570 = vector.broadcast %ge3A : f32 to vector<16xf32>
      %ge3A_571 = arith.cmpf oge, %mul3A_569, %ge3A_570 : vector<16xf32>
      %mul3A_572 = arith.constant 0.00999999977 : f32
      %mul3A_573 = vector.broadcast %mul3A_572 : f32 to vector<16xf32>
      %mul3A_574 = arith.mulf %mul3A_573, %mul3A_569 : vector<16xf32>
      %select_n3A_575 = arith.select %ge3A_571, %mul3A_569, %mul3A_574 : vector<16xi1>, vector<16xf32>
      %swap3A = arith.index_cast %scan3A_557 : i32 to index
      %swap3A_576 = arith.constant 0 : index
      %swap3A_577 = tpu.vector_load %arg9[%swap3A, %swap3A_576] {strides = array<i32>} : memref<80x128xf32, #tpu.memory_space<vmem>>, vector<16xf32>,
      tpu.vector_store %arg9[%swap3A, %swap3A_576], %select_n3A_575 {strides = array<i32>} : memref<80x128xf32, #tpu.memory_space<vmem>>, vector<16xf32>,
      %get3A_578 = arith.index_cast %scan3A_557 : i32 to index
      %get3A_579 = arith.constant 16 : index
      %get3A_580 = tpu.vector_load %arg9[%get3A_578, %get3A_579] {strides = array<i32>} : memref<80x128xf32, #tpu.memory_space<vmem>>, vector<16xf32>,
      %mul3A_581 = arith.mulf %get3A_580, %div3A_566 : vector<16xf32>
      %ge3A_582 = arith.constant 0.000000e+00 : f32
      %ge3A_583 = vector.broadcast %ge3A_582 : f32 to vector<16xf32>
      %ge3A_584 = arith.cmpf oge, %mul3A_581, %ge3A_583 : vector<16xf32>
      %mul3A_585 = arith.constant 0.00999999977 : f32
      %mul3A_586 = vector.broadcast %mul3A_585 : f32 to vector<16xf32>
      %mul3A_587 = arith.mulf %mul3A_586, %mul3A_581 : vector<16xf32>
      %select_n3A_588 = arith.select %ge3A_584, %mul3A_581, %mul3A_587 : vector<16xi1>, vector<16xf32>
      %swap3A_589 = arith.index_cast %scan3A_557 : i32 to index
      %swap3A_590 = arith.constant 16 : index
      %swap3A_591 = tpu.vector_load %arg9[%swap3A_589, %swap3A_590] {strides = array<i32>} : memref<80x128xf32, #tpu.memory_space<vmem>>, vector<16xf32>,
      tpu.vector_store %arg9[%swap3A_589, %swap3A_590], %select_n3A_588 {strides = array<i32>} : memref<80x128xf32, #tpu.memory_space<vmem>>, vector<16xf32>,
      %get3A_592 = arith.index_cast %scan3A_557 : i32 to index
      %get3A_593 = arith.constant 32 : index
      %get3A_594 = tpu.vector_load %arg9[%get3A_592, %get3A_593] {strides = array<i32>} : memref<80x128xf32, #tpu.memory_space<vmem>>, vector<16xf32>,
      %mul3A_595 = arith.mulf %get3A_594, %div3A_566 : vector<16xf32>
      %ge3A_596 = arith.constant 0.000000e+00 : f32
      %ge3A_597 = vector.broadcast %ge3A_596 : f32 to vector<16xf32>
      %ge3A_598 = arith.cmpf oge, %mul3A_595, %ge3A_597 : vector<16xf32>
      %mul3A_599 = arith.constant 0.00999999977 : f32
      %mul3A_600 = vector.broadcast %mul3A_599 : f32 to vector<16xf32>
      %mul3A_601 = arith.mulf %mul3A_600, %mul3A_595 : vector<16xf32>
      %select_n3A_602 = arith.select %ge3A_598, %mul3A_595, %mul3A_601 : vector<16xi1>, vector<16xf32>
      %swap3A_603 = arith.index_cast %scan3A_557 : i32 to index
      %swap3A_604 = arith.constant 32 : index
      %swap3A_605 = tpu.vector_load %arg9[%swap3A_603, %swap3A_604] {strides = array<i32>} : memref<80x128xf32, #tpu.memory_space<vmem>>, vector<16xf32>,
      tpu.vector_store %arg9[%swap3A_603, %swap3A_604], %select_n3A_602 {strides = array<i32>} : memref<80x128xf32, #tpu.memory_space<vmem>>, vector<16xf32>,
      %get3A_606 = arith.index_cast %scan3A_557 : i32 to index
      %get3A_607 = arith.constant 48 : index
      %get3A_608 = tpu.vector_load %arg9[%get3A_606, %get3A_607] {strides = array<i32>} : memref<80x128xf32, #tpu.memory_space<vmem>>, vector<16xf32>,
      %mul3A_609 = arith.mulf %get3A_608, %div3A_566 : vector<16xf32>
      %ge3A_610 = arith.constant 0.000000e+00 : f32
      %ge3A_611 = vector.broadcast %ge3A_610 : f32 to vector<16xf32>
      %ge3A_612 = arith.cmpf oge, %mul3A_609, %ge3A_611 : vector<16xf32>
      %mul3A_613 = arith.constant 0.00999999977 : f32
      %mul3A_614 = vector.broadcast %mul3A_613 : f32 to vector<16xf32>
      %mul3A_615 = arith.mulf %mul3A_614, %mul3A_609 : vector<16xf32>
      %select_n3A_616 = arith.select %ge3A_612, %mul3A_609, %mul3A_615 : vector<16xi1>, vector<16xf32>
      %swap3A_617 = arith.index_cast %scan3A_557 : i32 to index
      %swap3A_618 = arith.constant 48 : index
      %swap3A_619 = tpu.vector_load %arg9[%swap3A_617, %swap3A_618] {strides = array<i32>} : memref<80x128xf32, #tpu.memory_space<vmem>>, vector<16xf32>,
      tpu.vector_store %arg9[%swap3A_617, %swap3A_618], %select_n3A_616 {strides = array<i32>} : memref<80x128xf32, #tpu.memory_space<vmem>>, vector<16xf32>,
      %get3A_620 = arith.index_cast %scan3A_557 : i32 to index
      %get3A_621 = arith.constant 64 : index
      %get3A_622 = tpu.vector_load %arg9[%get3A_620, %get3A_621] {strides = array<i32>} : memref<80x128xf32, #tpu.memory_space<vmem>>, vector<16xf32>,
      %mul3A_623 = arith.mulf %get3A_622, %div3A_566 : vector<16xf32>
      %ge3A_624 = arith.constant 0.000000e+00 : f32
      %ge3A_625 = vector.broadcast %ge3A_624 : f32 to vector<16xf32>
      %ge3A_626 = arith.cmpf oge, %mul3A_623, %ge3A_625 : vector<16xf32>
      %mul3A_627 = arith.constant 0.00999999977 : f32
      %mul3A_628 = vector.broadcast %mul3A_627 : f32 to vector<16xf32>
      %mul3A_629 = arith.mulf %mul3A_628, %mul3A_623 : vector<16xf32>
      %select_n3A_630 = arith.select %ge3A_626, %mul3A_623, %mul3A_629 : vector<16xi1>, vector<16xf32>
      %swap3A_631 = arith.index_cast %scan3A_557 : i32 to index
      %swap3A_632 = arith.constant 64 : index
      %swap3A_633 = tpu.vector_load %arg9[%swap3A_631, %swap3A_632] {strides = array<i32>} : memref<80x128xf32, #tpu.memory_space<vmem>>, vector<16xf32>,
      tpu.vector_store %arg9[%swap3A_631, %swap3A_632], %select_n3A_630 {strides = array<i32>} : memref<80x128xf32, #tpu.memory_space<vmem>>, vector<16xf32>,
      %get3A_634 = arith.index_cast %scan3A_557 : i32 to index
      %get3A_635 = arith.constant 80 : index
      %get3A_636 = tpu.vector_load %arg9[%get3A_634, %get3A_635] {strides = array<i32>} : memref<80x128xf32, #tpu.memory_space<vmem>>, vector<16xf32>,
      %mul3A_637 = arith.mulf %get3A_636, %div3A_566 : vector<16xf32>
      %ge3A_638 = arith.constant 0.000000e+00 : f32
      %ge3A_639 = vector.broadcast %ge3A_638 : f32 to vector<16xf32>
      %ge3A_640 = arith.cmpf oge, %mul3A_637, %ge3A_639 : vector<16xf32>
      %mul3A_641 = arith.constant 0.00999999977 : f32
      %mul3A_642 = vector.broadcast %mul3A_641 : f32 to vector<16xf32>
      %mul3A_643 = arith.mulf %mul3A_642, %mul3A_637 : vector<16xf32>
      %select_n3A_644 = arith.select %ge3A_640, %mul3A_637, %mul3A_643 : vector<16xi1>, vector<16xf32>
      %swap3A_645 = arith.index_cast %scan3A_557 : i32 to index
      %swap3A_646 = arith.constant 80 : index
      %swap3A_647 = tpu.vector_load %arg9[%swap3A_645, %swap3A_646] {strides = array<i32>} : memref<80x128xf32, #tpu.memory_space<vmem>>, vector<16xf32>,
      tpu.vector_store %arg9[%swap3A_645, %swap3A_646], %select_n3A_644 {strides = array<i32>} : memref<80x128xf32, #tpu.memory_space<vmem>>, vector<16xf32>,
      %get3A_648 = arith.index_cast %scan3A_557 : i32 to index
      %get3A_649 = arith.constant 96 : index
      %get3A_650 = tpu.vector_load %arg9[%get3A_648, %get3A_649] {strides = array<i32>} : memref<80x128xf32, #tpu.memory_space<vmem>>, vector<16xf32>,
      %mul3A_651 = arith.mulf %get3A_650, %div3A_566 : vector<16xf32>
      %ge3A_652 = arith.constant 0.000000e+00 : f32
      %ge3A_653 = vector.broadcast %ge3A_652 : f32 to vector<16xf32>
      %ge3A_654 = arith.cmpf oge, %mul3A_651, %ge3A_653 : vector<16xf32>
      %mul3A_655 = arith.constant 0.00999999977 : f32
      %mul3A_656 = vector.broadcast %mul3A_655 : f32 to vector<16xf32>
      %mul3A_657 = arith.mulf %mul3A_656, %mul3A_651 : vector<16xf32>
      %select_n3A_658 = arith.select %ge3A_654, %mul3A_651, %mul3A_657 : vector<16xi1>, vector<16xf32>
      %swap3A_659 = arith.index_cast %scan3A_557 : i32 to index
      %swap3A_660 = arith.constant 96 : index
      %swap3A_661 = tpu.vector_load %arg9[%swap3A_659, %swap3A_660] {strides = array<i32>} : memref<80x128xf32, #tpu.memory_space<vmem>>, vector<16xf32>,
      tpu.vector_store %arg9[%swap3A_659, %swap3A_660], %select_n3A_658 {strides = array<i32>} : memref<80x128xf32, #tpu.memory_space<vmem>>, vector<16xf32>,
      %get3A_662 = arith.index_cast %scan3A_557 : i32 to index
      %get3A_663 = arith.constant 112 : index
      %get3A_664 = tpu.vector_load %arg9[%get3A_662, %get3A_663] {strides = array<i32>} : memref<80x128xf32, #tpu.memory_space<vmem>>, vector<16xf32>,
      %mul3A_665 = arith.mulf %get3A_664, %div3A_566 : vector<16xf32>
      %ge3A_666 = arith.constant 0.000000e+00 : f32
      %ge3A_667 = vector.broadcast %ge3A_666 : f32 to vector<16xf32>
      %ge3A_668 = arith.cmpf oge, %mul3A_665, %ge3A_667 : vector<16xf32>
      %mul3A_669 = arith.constant 0.00999999977 : f32
      %mul3A_670 = vector.broadcast %mul3A_669 : f32 to vector<16xf32>
      %mul3A_671 = arith.mulf %mul3A_670, %mul3A_665 : vector<16xf32>
      %select_n3A_672 = arith.select %ge3A_668, %mul3A_665, %mul3A_671 : vector<16xi1>, vector<16xf32>
      %swap3A_673 = arith.index_cast %scan3A_557 : i32 to index
      %swap3A_674 = arith.constant 112 : index
      %swap3A_675 = tpu.vector_load %arg9[%swap3A_673, %swap3A_674] {strides = array<i32>} : memref<80x128xf32, #tpu.memory_space<vmem>>, vector<16xf32>,
      tpu.vector_store %arg9[%swap3A_673, %swap3A_674], %select_n3A_672 {strides = array<i32>} : memref<80x128xf32, #tpu.memory_space<vmem>>, vector<16xf32>,
      %scan3A_676 = arith.constant 0 : i32
      scf.yield %scan3A_676 : i32
    }
    %scan3A_554 = arith.constant 80 : i32
    %add3A_555 = arith.constant 560 : i32
    %add3A_556 = arith.addi %mul3A_16, %add3A_555 : i32
    "tpu.region"() ({
      %run_scoped3A = tpu.sem_alloc : memref<!tpu.dma_semaphore, #tpu.memory_space<semaphore_mem>>
      %dma_start3A_557 = arith.constant 0 : i32
      %dma_start3A_558 = tpu.memref_slice %arg5[%arg0, %add3A_556, %dma_start3A_557] : memref<2x10240x128xf32, #tpu.memory_space<hbm>> -> memref<1x80x128xf32, #tpu.memory_space<hbm>>
      %dma_start3A_559 = tpu.memref_squeeze %dma_start3A_558 : memref<1x80x128xf32, #tpu.memory_space<hbm>> -> memref<80x128xf32, #tpu.memory_space<hbm>>
      %dma_start3A_560 = arith.constant 0 : i32
      %dma_start3A_561 = tpu.memref_slice %arg5[%arg0, %add3A_556, %dma_start3A_560] : memref<2x10240x128xf32, #tpu.memory_space<hbm>> -> memref<1x80x128xf32, #tpu.memory_space<hbm>>
      %dma_start3A_562 = tpu.memref_squeeze %dma_start3A_561 : memref<1x80x128xf32, #tpu.memory_space<hbm>> -> memref<80x128xf32, #tpu.memory_space<hbm>>
      tpu.enqueue_dma source(%arg9 : memref<80x128xf32, #tpu.memory_space<vmem>>) target(%dma_start3A_562 : memref<80x128xf32, #tpu.memory_space<hbm>>) target_semaphore(%run_scoped3A : memref<!tpu.dma_semaphore, #tpu.memory_space<semaphore_mem>>)
      %dma_wait3A_563 = arith.constant 0 : i32
      %dma_wait3A_564 = tpu.memref_slice %arg5[%arg0, %add3A_556, %dma_wait3A_563] : memref<2x10240x128xf32, #tpu.memory_space<hbm>> -> memref<1x80x128xf32, #tpu.memory_space<hbm>>
      %dma_wait3A_565 = tpu.memref_squeeze %dma_wait3A_564 : memref<1x80x128xf32, #tpu.memory_space<hbm>> -> memref<80x128xf32, #tpu.memory_space<hbm>>
      %dma_wait3A_566 = arith.constant 0 : i32
      %dma_wait3A_567 = tpu.memref_slice %arg5[%arg0, %add3A_556, %dma_wait3A_566] : memref<2x10240x128xf32, #tpu.memory_space<hbm>> -> memref<1x80x128xf32, #tpu.memory_space<hbm>>
      %dma_wait3A_568 = tpu.memref_squeeze %dma_wait3A_567 : memref<1x80x128xf32, #tpu.memory_space<hbm>> -> memref<80x128xf32, #tpu.memory_space<hbm>>
      tpu.wait_dma2 semaphore(%run_scoped3A : memref<!tpu.dma_semaphore, #tpu.memory_space<semaphore_mem>>) src(%arg9 : memref<80x128xf32, #tpu.memory_space<vmem>>) dst(%dma_wait3A_568 : memref<80x128xf32, #tpu.memory_space<hbm>>)
      tpu.yield
    }) : () -> ()
    return
  }
}

module attributes {stable_mosaic.version = 14 : i64} {
  func.func @_front_body(%arg0: i32, %arg1: memref<1000x128xf32, #tpu.memory_space<vmem>>, %arg2: memref<128x128xf32, #tpu.memory_space<vmem>>, %arg3: memref<128x128xf32, #tpu.memory_space<vmem>>, %arg4: memref<1x128xf32, #tpu.memory_space<vmem>>, %arg5: memref<1x128xf32, #tpu.memory_space<vmem>>, %arg6: memref<1000x128xf32, #tpu.memory_space<vmem>>, %arg7: memref<1000x128xf32, #tpu.memory_space<vmem>>, %arg8: memref<1000x8xf32, #tpu.memory_space<vmem>>) attributes {dimension_semantics = [#tpu.dimension_semantics<arbitrary>], iteration_bounds = array<i64: 10>, scalar_prefetch = 0 : i64, scratch_operands = 0 : i64, tpu.core_type = #tpu.core_type<tc>, window_params = [{transform_indices = @transform_0, window_bounds = array<i64: 1000, 128>}, {pipeline_mode = #tpu.pipeline_mode<synchronous>, transform_indices = @transform_1, window_bounds = array<i64: 128, 128>}, {pipeline_mode = #tpu.pipeline_mode<synchronous>, transform_indices = @transform_2, window_bounds = array<i64: 128, 128>}, {pipeline_mode = #tpu.pipeline_mode<synchronous>, transform_indices = @transform_3, window_bounds = array<i64: 1, 128>}, {pipeline_mode = #tpu.pipeline_mode<synchronous>, transform_indices = @transform_4, window_bounds = array<i64: 1, 128>}, {transform_indices = @transform_5, window_bounds = array<i64: 1000, 128>}, {transform_indices = @transform_6, window_bounds = array<i64: 1000, 128>}, {transform_indices = @transform_7, window_bounds = array<i64: 1000, 8>}]} {
    %get3A = arith.constant 0 : index
    %get3A_0 = arith.constant 0 : index
    %get3A_1 = vector.load %arg1[%get3A, %get3A_0] : memref<1000x128xf32, #tpu.memory_space<vmem>>, vector<1000x128xf32>
    %get3A_2 = arith.constant 0 : index
    %get3A_3 = arith.constant 0 : index
    %get3A_4 = vector.load %arg2[%get3A_2, %get3A_3] : memref<128x128xf32, #tpu.memory_space<vmem>>, vector<128x128xf32>
    %dot_general3A = arith.constant dense<0.000000e+00> : vector<1000x128xf32>
    %dot_general3A_5 = tpu.matmul %get3A_1, %get3A_4, %dot_general3A {dimension_numbers = #tpu.dot_dimension_numbers<[1], [0], [0], [1], [0, 0, 1, 1], [], []>, transpose_lhs_hint = false} : vector<1000x128xf32>, vector<128x128xf32>, vector<1000x128xf32> -> vector<1000x128xf32>
    %ge3A = arith.constant 0.000000e+00 : f32
    %ge3A_6 = vector.broadcast %ge3A : f32 to vector<1000x128xf32>
    %ge3A_7 = arith.cmpf oge, %dot_general3A_5, %ge3A_6 : vector<1000x128xf32>
    %mul3A = arith.constant 0.00999999977 : f32
    %mul3A_8 = vector.broadcast %mul3A : f32 to vector<1000x128xf32>
    %mul3A_9 = arith.mulf %mul3A_8, %dot_general3A_5 : vector<1000x128xf32>
    %select_n3A = arith.select %ge3A_7, %dot_general3A_5, %mul3A_9 : vector<1000x128xi1>, vector<1000x128xf32>
    %get3A_10 = arith.constant 0 : index
    %get3A_11 = arith.constant 0 : index
    %get3A_12 = vector.load %arg3[%get3A_10, %get3A_11] : memref<128x128xf32, #tpu.memory_space<vmem>>, vector<128x128xf32>
    %dot_general3A_13 = arith.constant dense<0.000000e+00> : vector<1000x128xf32>
    %dot_general3A_14 = tpu.matmul %get3A_1, %get3A_12, %dot_general3A_13 {dimension_numbers = #tpu.dot_dimension_numbers<[1], [0], [0], [1], [0, 0, 1, 1], [], []>, transpose_lhs_hint = false} : vector<1000x128xf32>, vector<128x128xf32>, vector<1000x128xf32> -> vector<1000x128xf32>
    %ge3A_15 = arith.constant 0.000000e+00 : f32
    %ge3A_16 = vector.broadcast %ge3A_15 : f32 to vector<1000x128xf32>
    %ge3A_17 = arith.cmpf oge, %dot_general3A_14, %ge3A_16 : vector<1000x128xf32>
    %mul3A_18 = arith.constant 0.00999999977 : f32
    %mul3A_19 = vector.broadcast %mul3A_18 : f32 to vector<1000x128xf32>
    %mul3A_20 = arith.mulf %mul3A_19, %dot_general3A_14 : vector<1000x128xf32>
    %select_n3A_21 = arith.select %ge3A_17, %dot_general3A_14, %mul3A_20 : vector<1000x128xi1>, vector<1000x128xf32>
    %swap3A = arith.constant 0 : index
    %swap3A_22 = arith.constant 0 : index
    %swap3A_23 = vector.load %arg6[%swap3A, %swap3A_22] : memref<1000x128xf32, #tpu.memory_space<vmem>>, vector<1000x128xf32>
    tpu.vector_store %arg6[%swap3A, %swap3A_22], %select_n3A {strides = array<i32>} : memref<1000x128xf32, #tpu.memory_space<vmem>>, vector<1000x128xf32>,
    %swap3A_24 = arith.constant 0 : index
    %swap3A_25 = arith.constant 0 : index
    %swap3A_26 = vector.load %arg7[%swap3A_24, %swap3A_25] : memref<1000x128xf32, #tpu.memory_space<vmem>>, vector<1000x128xf32>
    tpu.vector_store %arg7[%swap3A_24, %swap3A_25], %select_n3A_21 {strides = array<i32>} : memref<1000x128xf32, #tpu.memory_space<vmem>>, vector<1000x128xf32>,
    %get3A_27 = arith.constant 0 : index
    %get3A_28 = arith.constant 0 : index
    %get3A_29 = vector.load %arg4[%get3A_27, %get3A_28] : memref<1x128xf32, #tpu.memory_space<vmem>>, vector<1x128xf32>
    %transpose3A = tpu.transpose %get3A_29, [1, 0] : vector<1x128xf32> -> vector<128x1xf32>
    %dot_general3A_30 = arith.constant dense<0.000000e+00> : vector<1000x1xf32>
    %dot_general3A_31 = tpu.matmul %select_n3A, %transpose3A, %dot_general3A_30 {dimension_numbers = #tpu.dot_dimension_numbers<[1], [0], [0], [1], [0, 0, 1, 1], [], []>, transpose_lhs_hint = false} : vector<1000x128xf32>, vector<128x1xf32>, vector<1000x1xf32> -> vector<1000x1xf32>
    %get3A_32 = arith.constant 0 : index
    %get3A_33 = arith.constant 0 : index
    %get3A_34 = vector.load %arg5[%get3A_32, %get3A_33] : memref<1x128xf32, #tpu.memory_space<vmem>>, vector<1x128xf32>
    %transpose3A_35 = tpu.transpose %get3A_34, [1, 0] : vector<1x128xf32> -> vector<128x1xf32>
    %dot_general3A_36 = arith.constant dense<0.000000e+00> : vector<1000x1xf32>
    %dot_general3A_37 = tpu.matmul %select_n3A_21, %transpose3A_35, %dot_general3A_36 {dimension_numbers = #tpu.dot_dimension_numbers<[1], [0], [0], [1], [0, 0, 1, 1], [], []>, transpose_lhs_hint = false} : vector<1000x128xf32>, vector<128x1xf32>, vector<1000x1xf32> -> vector<1000x1xf32>
    %iota3A = tpu.iota {dimensions = array<i32: 1>} : vector<1x8xi32>
    %eq3A = arith.constant 0 : i32
    %eq3A_38 = vector.broadcast %eq3A : i32 to vector<1x8xi32>
    %eq3A_39 = arith.cmpi eq, %iota3A, %eq3A_38 : vector<1x8xi32>
    %jit3A = arith.constant 1.000000e+00 : f32
    %jit3A_40 = arith.constant 0.000000e+00 : f32
    %broadcast_in_dim3A = vector.broadcast %jit3A : f32 to vector<1x8xf32>
    %broadcast_in_dim3A_41 = vector.broadcast %jit3A_40 : f32 to vector<1x8xf32>
    %select_n3A_42 = arith.select %eq3A_39, %broadcast_in_dim3A, %broadcast_in_dim3A_41 : vector<1x8xi1>, vector<1x8xf32>
    %eq3A_43 = arith.constant 1 : i32
    %eq3A_44 = vector.broadcast %eq3A_43 : i32 to vector<1x8xi32>
    %eq3A_45 = arith.cmpi eq, %iota3A, %eq3A_44 : vector<1x8xi32>
    %jit3A_46 = arith.constant 1.000000e+00 : f32
    %jit3A_47 = arith.constant 0.000000e+00 : f32
    %broadcast_in_dim3A_48 = vector.broadcast %jit3A_46 : f32 to vector<1x8xf32>
    %broadcast_in_dim3A_49 = vector.broadcast %jit3A_47 : f32 to vector<1x8xf32>
    %select_n3A_50 = arith.select %eq3A_45, %broadcast_in_dim3A_48, %broadcast_in_dim3A_49 : vector<1x8xi1>, vector<1x8xf32>
    %mul3A_51 = vector.broadcast %dot_general3A_31 : vector<1000x1xf32> to vector<1000x8xf32>
    %mul3A_52 = vector.broadcast %select_n3A_42 : vector<1x8xf32> to vector<1000x8xf32>
    %mul3A_53 = arith.mulf %mul3A_51, %mul3A_52 : vector<1000x8xf32>
    %mul3A_54 = vector.broadcast %dot_general3A_37 : vector<1000x1xf32> to vector<1000x8xf32>
    %mul3A_55 = vector.broadcast %select_n3A_50 : vector<1x8xf32> to vector<1000x8xf32>
    %mul3A_56 = arith.mulf %mul3A_54, %mul3A_55 : vector<1000x8xf32>
    %add3A = arith.addf %mul3A_53, %mul3A_56 : vector<1000x8xf32>
    %swap3A_57 = arith.constant 0 : index
    %swap3A_58 = arith.constant 0 : index
    %swap3A_59 = vector.load %arg8[%swap3A_57, %swap3A_58] : memref<1000x8xf32, #tpu.memory_space<vmem>>, vector<1000x8xf32>
    tpu.vector_store %arg8[%swap3A_57, %swap3A_58], %add3A {strides = array<i32>} : memref<1000x8xf32, #tpu.memory_space<vmem>>, vector<1000x8xf32>,
    return
  }
  func.func @transform_0(%arg0: i32) -> (i32, i32) {
    %c0_i32 = arith.constant 0 : i32
    %c0_i32_0 = arith.constant 0 : i32
    return %arg0, %c0_i32 : i32, i32
  }
  func.func @transform_1(%arg0: i32) -> (i32, i32) {
    %c0_i32 = arith.constant 0 : i32
    %c0_i32_0 = arith.constant 0 : i32
    %c0_i32_1 = arith.constant 0 : i32
    return %c0_i32, %c0_i32_0 : i32, i32
  }
  func.func @transform_2(%arg0: i32) -> (i32, i32) {
    %c0_i32 = arith.constant 0 : i32
    %c0_i32_0 = arith.constant 0 : i32
    %c0_i32_1 = arith.constant 0 : i32
    return %c0_i32, %c0_i32_0 : i32, i32
  }
  func.func @transform_3(%arg0: i32) -> (i32, i32) {
    %c0_i32 = arith.constant 0 : i32
    %c0_i32_0 = arith.constant 0 : i32
    %c0_i32_1 = arith.constant 0 : i32
    return %c0_i32, %c0_i32_0 : i32, i32
  }
  func.func @transform_4(%arg0: i32) -> (i32, i32) {
    %c0_i32 = arith.constant 0 : i32
    %c0_i32_0 = arith.constant 0 : i32
    %c0_i32_1 = arith.constant 0 : i32
    return %c0_i32, %c0_i32_0 : i32, i32
  }
  func.func @transform_5(%arg0: i32) -> (i32, i32) {
    %c0_i32 = arith.constant 0 : i32
    %c0_i32_0 = arith.constant 0 : i32
    return %arg0, %c0_i32 : i32, i32
  }
  func.func @transform_6(%arg0: i32) -> (i32, i32) {
    %c0_i32 = arith.constant 0 : i32
    %c0_i32_0 = arith.constant 0 : i32
    return %arg0, %c0_i32 : i32, i32
  }
  func.func @transform_7(%arg0: i32) -> (i32, i32) {
    %c0_i32 = arith.constant 0 : i32
    %c0_i32_0 = arith.constant 0 : i32
    return %arg0, %c0_i32 : i32, i32
  }
}

</mosaic_0001>

<sc_bundles>
// kernel: kernel.4.cloned.1.call-start
scs
__scs_entry_jumppad:
0x0: {  	(pc) =	sbr.rel $0x88, $3  }
0x1: {  	(tag) =	ssettag $0x0;
	lr =	simm.s32 $0x1  }
0x2: {  	[smem:$0x3F9B] =	sst lr;
	_ =	strace $0xD0000000  }
0x3: {  	_ = 	snop  }
0x4: {  	_ = 	snop  }
0x5: {  	_ = 	snop  }
0x6: {  	_ = 	snop  }
0x7: {  	_ = 	snop  }
__scs_overlays_trampoline_lowered:
0x8: {  	[smem:$0x3FAA] =	sst s0  }
0x9: {  	[smem:$0x3FAB] =	sst s1  }
0xa: {  	[smem:$0x3FAC] =	sst s2  }
0xb: {  	[smem:$0x3FAD] =	sst s3  }
0xc: {  	[smem:$0x3FAE] =	sst s4  }
0xd: {  	[smem:$0x3FAF] =	sst s5  }
0xe: {  	[smem:$0x3FB0] =	sst s6  }
0xf: {  	[smem:$0x3FB1] =	sst s7  }
0x10: {  	[smem:$0x3FB2] =	sst s8  }
0x11: {  	[smem:$0x3FB3] =	sst s9;
	s0 =	simm.s32 @!p0 $0x0  }
0x12: {  	s1 =	sld [smem:$0x3F99];
	s0 =	simm.s32 @p0 $0x1  }
0x13: {  	[smem:$0x3FB4] =	sst s0;
	s0 =	simm.s32 @!p1 $0x0  }
0x14: {  	s2 =	sld [smem:$0x3F98];
	s0 =	simm.s32 @p1 $0x1  }
0x15: {  	[smem:$0x3FB5] =	sst s0;
	s0 =	simm.s32 @!p2 $0x0  }
0x16: {  	s3 =	sld [smem:$0x3FDB];
	s0 =	simm.s32 @p2 $0x1  }
0x17: {  	s4 =	simm.s32 $0x1BF5;
	[smem:$0x3FB7] =	sst s0  }
0x18: {  	s0 =	sld [smem:$0x3F9A];
	_ =	swait.ge [sflag:s4], $0x0  }
0x19: {  	s7 =	sld [smem:$0x3F9B]  }
0x1a: {  	s8 =	sadd.s32 $0xFFFFE003, lr  }
0x1b: {  	s9 =	sadd.s32 $0xFFFFFEF7, lr;
	s5 =	simm.s32 $0xFFFFFFFF;
	p2 =	slt.u32 s8, $0xFFFFF086  }
0x1c: {  	p1 =	slt.u32 s9, $0xF7A;
	s5 =	simm.s32 @!p2 $0x0  }
0x1d: {  	s5 =	simm.s32 @p1 $0x1;
	p0 =	seq.s32 s7, s2  }
0x1e: {  	s7 =	smul.u32 @!p0 $0xF7A, s2;
	p2 =	seq.s32 @!p0 s5, $0x0  }
0x1f: {  	s9 =	smul.u32 $0xF7A, s1;
	s8 =	simm.s32 @!p0 $0x1BF5;
	p2 =	por !p2, p0  }
0x20: {  	[sflag:s8] =	ssyncset.s32 @!p0 $0xFFFFF086;
	s6 =	sadd.s32 @!p0 s3, s7;
	s7 =	simm.s32 @!p0 $0x108  }
0x21: {  	s3 =	sadd.s32 s3, s9;
	s6 =	sadd.s32 @!p0 $0x88, s6;
	s7 =	simm.s32 @p2 $0x1082  }
0x22: {  	[simem:s7], [sflag:s8] =	dma.local @!p0 [hbm:s6], $0xF7A  }
0x23: {  	s9 =	sor.u32 $0xD0000000, s2;
	s6 =	simm.s32 $0x108;
	_ =	swait.ge @!p0 [sflag:s8], $0x0  }
0x24: {  	s3 =	sadd.s32 $0x88, s3;
	s6 =	simm.s32 @!p1 $0x1082;
	[sflag:s4] =	ssyncset.s32 $0xFFFFF086  }
0x25: {  	[simem:s6], [sflag:s4] =	dma.local [hbm:s3], $0xF7A  }
0x26: {  	[smem:$0x3F9B] =	sst s1;
	(tag) =	ssettag s2;
	_ =	strace s9  }
0x27: {  	s1 =	sld [smem:$0x3FAB]  }
0x28: {  	s2 =	sld [smem:$0x3FAC]  }
0x29: {  	s4 =	sld [smem:$0x3FAE]  }
0x2a: {  	p0 =	seq.s32 s5, $0x0;
	s5 =	sld [smem:$0x3FAF]  }
0x2b: {  	s6 =	sld [smem:$0x3FB0]  }
0x2c: {  	s7 =	sld [smem:$0x3FB1]  }
0x2d: {  	s3 =	simm.s32 $0x108;
	s8 =	sld [smem:$0x3FB2]  }
0x2e: {  	s3 =	simm.s32 @!p0 $0x1082;
	s9 =	sld [smem:$0x3FB3]  }
0x2f: {  	lr =	sadd.s32 s0, s3;
	s0 =	sld [smem:$0x3FAA]  }
0x30: {  	s3 =	sld [smem:$0x3FAD]  }
0x31: {  	[smem:$0x3FB6] =	sst s10  }
0x32: {  	s10 =	sld [smem:$0x3FB4];
	_ =	sdelay $0x3  }
0x33: {  	p0 =	seq.s32 s10, $0x1;
	s10 =	sld [smem:$0x3FB6];
	_ =	sdelay $0x3  }
0x34: {  	[smem:$0x3FB6] =	sst s10  }
0x35: {  	s10 =	sld [smem:$0x3FB5];
	_ =	sdelay $0x3  }
0x36: {  	p1 =	seq.s32 s10, $0x1;
	s10 =	sld [smem:$0x3FB6];
	_ =	sdelay $0x3  }
0x37: {  	[smem:$0x3FB6] =	sst s10  }
0x38: {  	s10 =	sld [smem:$0x3FB7]  }
0x39: {  	_ = 	snop;
	(pc) =	sbr.ind lr, $3  }
0x3a: {  	_ = 	snop  }
0x3b: {  	_ = 	snop  }
0x3c: {  	p2 =	seq.s32 s10, $0x1;
	s10 =	sld [smem:$0x3FB6]  }
0x3d: {  	_ =	shalt  }
0x3e: {  	_ =	shalt  }
0x3f: {  	_ =	shalt  }
0x40: {  	_ =	shalt  }
0x41: {  	_ =	shalt  }
0x42: {  	_ =	shalt  }
0x43: {  	_ =	shalt  }
0x44: {  	_ =	shalt  }
0x45: {  	_ =	shalt  }
0x46: {  	_ =	shalt  }
0x47: {  	_ =	shalt  }
0x48: {  	_ =	shalt  }
0x49: {  	_ =	shalt  }
0x4a: {  	_ =	shalt  }
0x4b: {  	_ =	shalt  }
0x4c: {  	_ =	shalt  }
0x4d: {  	_ =	shalt  }
0x4e: {  	_ =	shalt  }
0x4f: {  	_ =	shalt  }
0x50: {  	_ =	shalt  }
0x51: {  	_ =	shalt  }
0x52: {  	_ =	shalt  }
0x53: {  	_ =	shalt  }
0x54: {  	_ =	shalt  }
0x55: {  	_ =	shalt  }
0x56: {  	_ =	shalt  }
0x57: {  	_ =	shalt  }
0x58: {  	_ =	shalt  }
0x59: {  	_ =	shalt  }
0x5a: {  	_ =	shalt  }
0x5b: {  	_ =	shalt  }
0x5c: {  	_ =	shalt  }
0x5d: {  	_ =	shalt  }
0x5e: {  	_ =	shalt  }
0x5f: {  	_ =	shalt  }
0x60: {  	_ =	shalt  }
0x61: {  	_ =	shalt  }
0x62: {  	_ =	shalt  }
0x63: {  	_ =	shalt  }
0x64: {  	_ =	shalt  }
0x65: {  	_ =	shalt  }
0x66: {  	_ =	shalt  }
0x67: {  	_ =	shalt  }
0x68: {  	_ =	shalt  }
0x69: {  	_ =	shalt  }
0x6a: {  	_ =	shalt  }
0x6b: {  	_ =	shalt  }
0x6c: {  	_ =	shalt  }
0x6d: {  	_ =	shalt  }
0x6e: {  	_ =	shalt  }
0x6f: {  	_ =	shalt  }
0x70: {  	_ =	shalt  }
0x71: {  	_ =	shalt  }
0x72: {  	_ =	shalt  }
0x73: {  	_ =	shalt  }
0x74: {  	_ =	shalt  }
0x75: {  	_ =	shalt  }
0x76: {  	_ =	shalt  }
0x77: {  	_ =	shalt  }
0x78: {  	_ =	shalt  }
0x79: {  	_ =	shalt  }
0x7a: {  	_ =	shalt  }
0x7b: {  	_ =	shalt  }
0x7c: {  	_ =	shalt  }
0x7d: {  	_ =	shalt  }
0x7e: {  	_ =	shalt  }
0x7f: {  	_ =	shalt  }
0x80: {  	_ =	shalt  }
0x81: {  	_ =	shalt  }
0x82: {  	_ =	shalt  }
0x83: {  	_ =	shalt  }
0x84: {  	_ =	shalt  }
0x85: {  	_ =	shalt  }
0x86: {  	_ =	shalt  }
0x87: {  	_ =	shalt  }
.Lfunc_end0:
.L_simem_size_0:
called_computation_lowered:
.L_overlay_start_0:
0x88: {  	s2 =	sld [smem:$0x3FD9]  }
0x89: {  	s3 =	sld [smem:$0x3FFE];
	_ =	sdelay $0x1  }
0x8a: {  	s1 =	srdreg.scid  }
0x8b: {  	s0 =	sand.u32 $0x1, s1  }
0x8c: {  	s17 =	sshll.u32 s0, $0xA;
	s2 =	sadd.s32 s3, s2  }
0x8d: {  	s2 =	sadd.s32 s2, s17  }
0x8e: {  	[smem:$0x3FC2] =	sst s2  }
0x8f: {  	_ = 	snop  }
0x90: {  	s2 =	sld [smem:$0x3FD0];
	(tm) =	ssettm $0x1  }
0x91: {  	s18 =	sld [smem:$0x3FFB];
	_ =	sdelay $0x3  }
0x92: {  	_ =	strace s18  }
0x93: {  	s3 =	sld [smem:$0x3FFC];
	_ =	sdelay $0x3  }
0x94: {  	_ =	strace s3  }
0x95: {  	s3 =	sld [smem:$0x3FFD];
	_ =	sdelay $0x3  }
0x96: {  	_ =	strace s3  }
0x97: {  	_ =	strace $0x8FFFFFFF  }
0x98: {  	s19 =	sld [smem:$0x3FDB];
	_ =	sdelay $0x1  }
0x99: {  	s4 =	simm.s32 $_scs_section_size  }
0x9a: {  	s5 =	simm.s32 $_size__tile_overlayer_lowered;
	s6 =	simm.s32 $_tile_overlayer_lowered  }
0x9b: {  	s22 =	simm.s32 $0x1BFF;
	s21 =	sshll.u32 s6, $0x1;
	s3 =	sadd.s32 s4, s19  }
0x9c: {  	s7 =	simm.s32 $0x0;
	s20 =	sshll.u32 s5, $0x1;
	s5 =	sadd.s32 s21, s3  }
0x9d: {  	[timem:s7], [sflag:s22] =	dma.local [hbm:s5], s20  }
0x9e: {  	_ =	swait.ge [sflag:s22], s20  }
0x9f: {  	s4 =	ssub.s32 $0x0, s20;
	[sflag:s22] =	ssyncset.done $0x0  }
0xa0: {  	[sflag:s22] =	ssyncadd.s32 s4;
	_ =	sdelay $0x1  }
0xa1: {  	s23 =	simm.s32 $0x1B8B  }
0xa2: {  	_ =	swait.ge [sflag:s23], $0x1  }
0xa3: {  	[sflag:s23] =	ssyncset.done $0x0  }
0xa4: {  	s25 =	simm.s32 $0x1B8E;
	s24 =	sld [smem:$0x3FFE];
	[sflag:s23] =	ssyncadd.s32 $0xFFFFFFFF  }
0xa5: {  	s26 =	simm.s32 $execute0_lowered;
	[smem:$0x3FD2] =	sst s25  }
0xa6: {  	s5 =	sshll.u32 s26, $0x1;
	_ =	strace $0x80000046;
	[dreg:$0x1] =	wrdreg $0xFFFFFFFF  }
0xa7: {  	s28 =	simm.s32 $_size_execute0_lowered;
	s3 =	sadd.s32 s3, s5;
	[dreg:$0x0] =	wrdreg $0x0  }
0xa8: {  	s5 =	sshll.u32 s28, $0x1;
	[dreg:$0x2] =	wrdreg s3  }
0xa9: {  	[dreg:$0x3] =	wrdreg s5  }
0xaa: {  	[dreg:$0x4] =	wrdreg $0xC0  }
0xab: {  	_ =	task [dreg:s7], $0x5FFFF  }
0xac: {  	[dreg:$0x1] =	wrdreg $0xFFFFFFFF  }
0xad: {  	[dreg:$0x0] =	wrdreg $0x60  }
0xae: {  	[dreg:$0x2] =	wrdreg s2  }
0xaf: {  	[dreg:$0x3] =	wrdreg s24  }
0xb0: {  	[dreg:$0x4] =	wrdreg $0x85000  }
0xb1: {  	[dreg:$0x5] =	wrdreg $0x1C5000  }
0xb2: {  	[dreg:$0x6] =	wrdreg $0x9  }
0xb3: {  	_ =	task.clear_ibuf [dreg:s7], $0x7FFFF;
	_ =	strace $0x90000046  }
0xb4: {  	s29 =	simm.s32 $0x9;
	_ =	strace $0x80000048  }
0xb5: {  	_ =	swait.ge [sflag:s29], $0x1  }
0xb6: {  	[sflag:s29] =	ssyncadd.s32 $0xFFFFFFFF  }
0xb7: {  	_ =	strace $0x90000048  }
0xb8: {  	_ =	sfence  }
0xb9: {  	s30 =	sld [smem:$0x0];
	_ =	sdelay $0x2  }
0xba: {  	s31 =	sshll.u32 s1, $0xD;
	s1 =	sshrl.u32 s1, $0x2  }
0xbb: {  	s3 =	sand.u32 $0x4000, s31;
	s1 =	sadd.s32 s1, s30  }
0xbc: {  	s0 =	sor.u32 s3, s0;
	s1 =	sshll.u32 s1, $0x11  }
0xbd: {  	s0 =	sor.u32 s1, s0  }
0xbe: {  	s0 =	sadd.s32 $0x8F2B, s0  }
0xbf: {  	[sflag:s0] =	ssyncadd.remote.s32 $0x1  }
0xc0: {  	_ =	sfence.sel $0xFFFF  }
0xc1: {  	[dreg:$0x0] =	wrdreg $0xFFFFFFFF;
	(pc) =	sbr.abs _section_cstart, $3  }
0xc2: {  	[dreg:$0x1] =	wrdreg $0xFFFFFFFF  }
0xc3: {  	_ =	task.clear_ibuf [dreg:s7], $0x2FFFF;
	_ =	strace $0x9FFFFFFF  }
0xc4: {  	(tm) =	ssettm $0x7FFFFFFF  }
0xc5: {  	_ =	shalt  }
tec
execute0_lowered:
.L_overlay_start_1:
0x0: {  	(tag) =	ssettag $0x1  }
0x1: {  	s1 =	rddreg [dreg:$0x0]  }
0x2: {  	s0 =	rddreg [dreg:$0x1]  }
0x3: {  	s2 =	rddreg [dreg:$0x2]  }
0x4: {  	s3 =	rddreg [dreg:$0x3];
	s5 =	srdreg.scid  }
0x5: {  	s4 =	simm.s32 $0x0;
	s19 =	stileid.u32;
	s29 =	simm.s32 $0x4  }
0x6: {  	s5 =	sand.u32 $0x1, s5;
	[smem:$0x7FF] =	sst s4;
	s9 =	smul.u32 $0x14000, s19  }
0x7: {  	s10 =	sadd.s32 $0x7DC00, s0;
	s12 =	sshrl.u32 s19, $0x3;
	s15 =	smul.u32 $0x5000, s19  }
0x8: {  	s18 =	sshll.u32 s19, $0x7;
	s6 =	ssub.s32 $0x2, s5;
	s12 =	smul.u32 $0x50000, s12  }
0x9: {  	s7 =	sshll.u32 s5, $0x4;
	p0 =	seq.s32 s5, $0x0;
	s5 =	smul.u32 $0x140000, s5  }
0xa: {  	s18 =	sand.u32 $0x380, s18;
	s8 =	sshrl.u32 s6, $0x1;
	s11 =	sadd.s32 $0x5000, s9  }
0xb: {  	s13 =	sadd.s32 $0x7800, s9;
	s14 =	sadd.s32 $0xA000, s9;
	s16 =	sadd.s32 $0xC800, s9  }
0xc: {  	s17 =	sadd.s32 $0xF000, s9;
	s24 =	sadd.s32 $0x11800, s9;
	s26 =	sshrl.u32 s15, $0x2  }
0xd: {  	s6 =	ssub.s32 s6, s8;
	s8 =	sor.u32 $0x2800, s9;
	s12 =	sshrl.u32 s12, $0x2  }
0xe: {  	s9 =	sadd.s32 s9, s5;
	s21 =	sadd.s32 s5, s11;
	s23 =	sadd.s32 s5, s13  }
0xf: {  	s12 =	sadd.s32 s12, s3;
	s15 =	sshrl.u32 s9, $0x3;
	s22 =	sshrl.u32 s21, $0x3  }
0x10: {  	s25 =	sshrl.u32 s23, $0x3;
	s21 =	sadd.s32 s5, s17;
	s12 =	sadd.s32 s18, s12  }
0x11: {  	s18 =	sadd.s32 s5, s8;
	[dreg:$0x5] =	wrdreg s12;
	s12 =	sadd.s32 s26, s3  }
0x12: {  	s3 =	sadd.s32 s10, s15;
	s20 =	sshrl.u32 s18, $0x3;
	s26 =	sadd.s32 s5, s14  }
0x13: {  	s18 =	sadd.s32 s5, s16;
	[dreg:$0x7] =	wrdreg s3;
	s3 =	sadd.s32 s10, s20  }
0x14: {  	s5 =	sadd.s32 s5, s24;
	[dreg:$0x8] =	wrdreg s3;
	s3 =	sadd.s32 s10, s22  }
0x15: {  	s15 =	sshrl.u32 s26, $0x3;
	[dreg:$0x9] =	wrdreg s3;
	s3 =	sadd.s32 s10, s25  }
0x16: {  	s20 =	sshrl.u32 s18, $0x3;
	[dreg:$0xa] =	wrdreg s3;
	s3 =	sadd.s32 s10, s15  }
0x17: {  	s22 =	sshrl.u32 s21, $0x3;
	[dreg:$0xb] =	wrdreg s3;
	s3 =	sadd.s32 s10, s20  }
0x18: {  	s23 =	sshrl.u32 s5, $0x3;
	[dreg:$0xc] =	wrdreg s3;
	s3 =	sadd.s32 s10, s22  }
0x19: {  	s26 =	sadd.s32 s7, s0;
	[dreg:$0xd] =	wrdreg s3;
	s3 =	sadd.s32 s10, s23  }
0x1a: {  	s30 =	simm.s32 $0x3000;
	[dreg:$0xe] =	wrdreg s3;
	s3 =	sadd.s32 $0x200, s26  }
0x1b: {  	s10 =	sadd.s32 s8, s2;
	_ =	strace $0x80000047;
	[dreg:$0xf] =	wrdreg s3  }
0x1c: {  	s31 =	simm.s32 $0x1;
	s11 =	sadd.s32 s11, s2;
	[dreg:$0x10] =	wrdreg s10  }
0x1d: {  	s13 =	sadd.s32 s13, s2;
	s25 =	smul.u32 $0x50000, s19;
	[dreg:$0x11] =	wrdreg s11  }
0x1e: {  	s28 =	smul.u32 $0xFA, s19;
	s20 =	smax.u32 s6, $0x1;
	[dreg:$0x12] =	wrdreg s13  }
0x1f: {  	s7 =	sshrl.u32 s25, $0x2;
	s25 =	sadd.s32 $0x80, s12;
	[dreg:$0x13] =	wrdreg s20  }
0x20: {  	s9 =	simm.f32 $-1.000000000e+00;
	s5 =	sadd.s32 $0x180, s12;
	[dreg:$0x14] =	wrdreg s25  }
0x21: {  	s9 =	simm.s32 @!p0 $0x3F800000;
	s6 =	sadd.s32 $0x200, s12;
	[dreg:$0x16] =	wrdreg s5  }
0x22: {  	s18 =	sadd.s32 s7, s2;
	s7 =	sadd.s32 $0x280, s12;
	[dreg:$0x17] =	wrdreg s6  }
0x23: {  	s21 =	sadd.s32 s14, s2;
	s8 =	sadd.s32 $0x300, s12;
	[dreg:$0x18] =	wrdreg s7  }
0x24: {  	s14 =	sadd.s32 $0x14100, s12;
	s19 =	sadd.s32 $0x14280, s12;
	[dreg:$0x19] =	wrdreg s8  }
0x25: {  	s22 =	sadd.s32 s16, s2;
	s16 =	sadd.s32 $0x14180, s12;
	[dreg:$0x1d] =	wrdreg s14  }
0x26: {  	s23 =	sadd.s32 s17, s2;
	s17 =	sadd.s32 $0x14200, s12;
	[dreg:$0x1e] =	wrdreg s16  }
0x27: {  	s15 =	sadd.s32 $0xC00, s0;
	s0 =	simm.s32 $0x200;
	[dreg:$0x1f] =	wrdreg s17  }
0x28: {  	s24 =	sadd.s32 s24, s2;
	s0 =	simm.s32 @!p0 $0x400;
	[smem:$0x7FB] =	sst s19  }
0x29: {  	s26 =	sshrl.u32 s0, $0x2;
	s3 =	sadd.s32 $0x100, s12;
	[dreg:$0x6] =	wrdreg s12  }
0x2a: {  	s0 =	simm.s32 $0x50;
	s10 =	sadd.s32 $0x380, s12;
	[dreg:$0x15] =	wrdreg s3  }
0x2b: {  	s11 =	sadd.s32 $0x14000, s12;
	s13 =	sadd.s32 $0x14080, s12;
	[dreg:$0x1a] =	wrdreg s10  }
0x2c: {  	s20 =	sadd.s32 $0x14300, s12;
	s25 =	sadd.s32 $0x14380, s12;
	[dreg:$0x1b] =	wrdreg s11  }
0x2d: {  	s5 =	simm.s32 $0x2780;
	s7 =	simm.s32 $0x5800;
	[dreg:$0x1c] =	wrdreg s13  }
0x2e: {  	s8 =	simm.s32 $0x2;
	s12 =	simm.s32 $0x8280;
	[smem:$0x7FC] =	sst s20  }
0x2f: {  	[smem:$0x7FD] =	sst s25;
	s25 =	simm.s32 $0x80;
	s3 =	simm.s32 $0x2F80  }
0x30: {  	v1 =	vimm.f32 $0.0e+00;
	v0 =	vmov s9;
	s10 =	simm.s32 $0x400;
	s11 =	simm.s32 $0x8000;
	s13 =	simm.s32 $0x0  }
.LBB2_1:
0x31: {  	s6 =	rddreg [dreg:$0xf];
	s9 =	simm.s32 $0x100  }
0x32: {  	[tilespmem:s4], [sflag:$0x4] =	stream.strided.gather [hbm4b:s6+s25], $0x2780, s9, s25, $0x38;
	[tilespmem:$0x1ED00] =	vst v63  }
0x33: {  	_ =	swait.ge [sflag:s29], $0x2780  }
0x34: {  	[sflag:s29] =	ssyncset.done $0x0  }
0x35: {  	s6 =	simm.s32 $0x0;
	s9 =	simm.s32 $0x200;
	[sflag:s29] =	ssyncadd.s32 $0xFFFFD880  }
.LBB2_2:
0x36: {  	p0 =	sne.s32 s9, $0x9E00;
	[tilespmem:s6+$0x3070] =	vst v1  }
0x37: {  	[tilespmem:s6+$0x3000] =	vst v1  }
0x38: {  	[tilespmem:s6+$0x3010] =	vst v1  }
.Ltmp0:
0x39: {  	[tilespmem:s6+$0x3020] =	vst v1;
	(pc) =	sbr.rel @p0 .LBB2_2-.Ltmp0, $4  }
0x3a: {  	[tilespmem:s6+$0x3030] =	vst v1  }
0x3b: {  	[tilespmem:s6+$0x3040] =	vst v1  }
0x3c: {  	[tilespmem:s6+$0x3050] =	vst v1  }
0x3d: {  	[tilespmem:s6+$0x3060] =	vst v1;
	s6 =	sshra.s32 s9, $0x2;
	s9 =	sadd.s32 $0x200, s9  }
0x3e: {  	[tilespmem:s6+$0x3070] =	vst v1  }
0x3f: {  	[tilespmem:s6+$0x3000] =	vst v1  }
0x40: {  	[tilespmem:s6+$0x3010] =	vst v1  }
0x41: {  	[tilespmem:s6+$0x3020] =	vst v1  }
0x42: {  	[tilespmem:s6+$0x3030] =	vst v1  }
0x43: {  	[tilespmem:s6+$0x3040] =	vst v1  }
0x44: {  	[tilespmem:s6+$0x3050] =	vst v1  }
0x45: {  	[tilespmem:s6+$0x3060] =	vst v1;
	s6 =	simm.s32 $0x40;
	s9 =	simm.s32 $0x0  }
.LBB2_4:
0x46: {  	p0 =	sne.s32 s6, $0x9FC0;
	[tilespmem:s9+$0x5800] =	vst v1;
	s9 =	smov.u32 s6;
	s6 =	sadd.s32 $0x40, s6  }
.Ltmp1:
0x47: {  	(pc) =	sbr.rel @p0 .LBB2_4-.Ltmp1, $2  }
0x48: {  	_ =	sdelay $0x2  }
0x49: {  	s9 =	sshra.s32 s9, $0x2  }
0x4a: {  	[tilespmem:s9+$0x5800] =	vst v1  }
0x4b: {  	[spmem:s18] =	stream.linear.scatter [tilespmem:s30], [sflag:$0x1], $0x2800, $0x38;
	[tilespmem:$0x1ED00] =	vst v63  }
0x4c: {  	_ =	swait.ge [sflag:s31], $0x2800  }
0x4d: {  	[sflag:s31] =	ssyncset.done $0x0  }
0x4e: {  	s6 =	rddreg [dreg:$0x10];
	[sflag:s31] =	ssyncadd.s32 $0xFFFFD800  }
0x4f: {  	[spmem:s6] =	stream.linear.scatter [tilespmem:s30], [sflag:$0x1], $0x2800, $0x38;
	[tilespmem:$0x1ED00] =	vst v63  }
0x50: {  	_ =	swait.ge [sflag:s31], $0x2800  }
0x51: {  	[sflag:s31] =	ssyncset.done $0x0  }
0x52: {  	s20 =	smov.u32 s18;
	s18 =	rddreg [dreg:$0x11];
	[sflag:s31] =	ssyncadd.s32 $0xFFFFD800  }
0x53: {  	[spmem:s18] =	stream.linear.scatter [tilespmem:s30], [sflag:$0x1], $0x2800, $0x38;
	[tilespmem:$0x1ED00] =	vst v63  }
0x54: {  	_ =	swait.ge [sflag:s31], $0x2800  }
0x55: {  	[sflag:s31] =	ssyncset.done $0x0  }
0x56: {  	s19 =	rddreg [dreg:$0x12];
	[sflag:s31] =	ssyncadd.s32 $0xFFFFD800  }
0x57: {  	[spmem:s19] =	stream.linear.scatter [tilespmem:s30], [sflag:$0x1], $0x2800, $0x38;
	[tilespmem:$0x1ED00] =	vst v63  }
0x58: {  	_ =	swait.ge [sflag:s31], $0x2800  }
0x59: {  	[sflag:s31] =	ssyncset.done $0x0  }
0x5a: {  	[sflag:s31] =	ssyncadd.s32 $0xFFFFD800  }
0x5b: {  	[spmem:s21] =	stream.linear.scatter [tilespmem:s30], [sflag:$0x1], $0x2800, $0x38;
	[tilespmem:$0x1ED00] =	vst v63  }
0x5c: {  	_ =	swait.ge [sflag:s31], $0x2800  }
0x5d: {  	[sflag:s31] =	ssyncset.done $0x0  }
0x5e: {  	[sflag:s31] =	ssyncadd.s32 $0xFFFFD800  }
0x5f: {  	[spmem:s22] =	stream.linear.scatter [tilespmem:s30], [sflag:$0x1], $0x2800, $0x38;
	[tilespmem:$0x1ED00] =	vst v63  }
0x60: {  	_ =	swait.ge [sflag:s31], $0x2800  }
0x61: {  	[sflag:s31] =	ssyncset.done $0x0  }
0x62: {  	[sflag:s31] =	ssyncadd.s32 $0xFFFFD800  }
0x63: {  	[spmem:s23] =	stream.linear.scatter [tilespmem:s30], [sflag:$0x1], $0x2800, $0x38;
	[tilespmem:$0x1ED00] =	vst v63  }
0x64: {  	_ =	swait.ge [sflag:s31], $0x2800  }
0x65: {  	[sflag:s31] =	ssyncset.done $0x0  }
0x66: {  	[sflag:s31] =	ssyncadd.s32 $0xFFFFD800  }
0x67: {  	[spmem:s24] =	stream.linear.scatter [tilespmem:s30], [sflag:$0x1], $0x2800, $0x38;
	[tilespmem:$0x1ED00] =	vst v63  }
0x68: {  	_ =	swait.ge [sflag:s31], $0x2800  }
0x69: {  	[sflag:s31] =	ssyncset.done $0x0  }
0x6a: {  	[sflag:s31] =	ssyncadd.s32 $0xFFFFD800  }
0x6b: {  	s14 =	simm.s32 $0x0;
	[bflag:$0x0] =	sbarrier.arrive $0xFFFF  }
.LBB2_6:
0x6c: {  	s6 =	sand.u32 $0x1, s14;
	s9 =	sadd.s32 s28, s14  }
0x6d: {  	s6 =	sshll.u32 s6, $0xA;
	s9 =	sshll.u32 s9, $0x7  }
0x6e: {  	s16 =	sadd.s32 $0x2780, s6;
	s9 =	sadd.s32 s15, s9  }
0x6f: {  	[tilespmem:s16], [sflag:$0x4] =	stream.linear.gather [hbm4b:s9+s4], $0x400, $0x38;
	[tilespmem:$0x1ED00] =	vst v63  }
0x70: {  	_ =	swait.ge [sflag:s29], $0x400  }
0x71: {  	p0 =	seq.s32 s14, $0x0;
	s19 =	sor.u32 $0x2800, s6;
	[sflag:s29] =	ssyncset.done $0x0  }
0x72: {  	s9 =	simm.s32 @!p0 $0x3;
	v3 =	vmov s19;
	[sflag:s29] =	ssyncadd.s32 $0xFFFFFC00  }
0x73: {  	_ =	swait.ge @!p0 [sflag:s9], $0x2800  }
0x74: {  	s18 =	sadd.s32 s26, s16;
	v2 =	vmov s16;
	[sflag:s9] =	ssyncset.done @!p0 $0x0  }
0x75: {  	[sflag:s9] =	ssyncadd.s32 @!p0 $0xFFFFD800;
	p0 =	por $0x1, $0x1;
	s9 =	simm.s32 $0x0  }
0x76: {  	[tilespmem:s30], [sflag:$0x2] =	stream.indirect.gather [hbm4b:s1+s0], $0x80, s18, s0, $0xb8;
	[tilespmem:$0x1ED00] =	vst v63  }
.LBB2_7:
0x77: {  	v4 =	vld.idx.msk [tilespmem:v3+s9+$0x0 ss:$0x1], $0xffff;
	s17 =	sor.u32 $0x10, s9  }
0x78: {  	v5 =	vld.idx.msk [tilespmem:v3+s17+$0x0 ss:$0x1], $0xffff  }
0x79: {  	v6 =	vld.idx.msk [tilespmem:v2+s9+$0x0 ss:$0x1], $0xffff  }
0x7a: {  	v7 =	vld.idx.msk [tilespmem:v2+s17+$0x0 ss:$0x1], $0xffff;
	_ =	sdelay $0x4  }
0x7b: {  	v4 =	vld.idx.msk [tilespmem:v4+s4+$0x0], $0xffff  }
0x7c: {  	v5 =	vld.idx.msk [tilespmem:v5+s4+$0x0], $0xffff  }
0x7d: {  	v6 =	vld.idx.msk [tilespmem:v6+s4+$0x0], $0xffff  }
0x7e: {  	v7 =	vld.idx.msk [tilespmem:v7+s4+$0x0], $0xffff;
	_ =	sdelay $0x1  }
0x7f: {  	v4 =	vmul.f32 v4, v0  }
0x80: {  	v5 =	vmul.f32 v5, v0  }
0x81: {  	v4 =	vadd.f32 v4, v6  }
0x82: {  	v5 =	vadd.f32 v5, v7  }
0x83: {  	v6 =	vmul.f32 $2.000000030e-01, v4  }
0x84: {  	vm0 =	vge.f32 v4, $0.0e+00;
	v7 =	vmul.f32 $2.000000030e-01, v5  }
0x85: {  	vm15 =	vge.f32 v5, $0.0e+00;
	v4 =	vsel vm0, v4, v6  }
0x86: {  	v5 =	vsel vm15, v5, v7;
	v4 =	vsub.f32 $0.0e+00, v4  }
0x87: {  	v5 =	vsub.f32 $0.0e+00, v5  }
0x88: {  	v4 =	vmul.f32 $1.442695020e+00, v4  }
0x89: {  	v5 =	vmul.f32 $1.442695020e+00, v5  }
0x8a: {  	(erf) = vpow2.f32 v4  }
0x8b: {  	(erf) = vpow2.f32 v5;
	_ =	sdelay $0x4  }
0x8c: {  	p1 =	por p0, p0  }
.Ltmp2:
0x8d: {  	_ = 	snop;
	(pc) =	sbr.rel @p1 .LBB2_7-.Ltmp2, $4  }
0x8e: {  	_ = 	snop  }
0x8f: {  	v4 =	vpop (erf)  }
0x90: {  	[tilespmem:s9+$0x2F80] =	vst v4;
	v4 =	vpop (erf)  }
0x91: {  	p0 =	por $0x0, $0x0;
	[tilespmem:s9+$0x2F90] =	vst v4;
	s9 =	simm.s32 $0x20  }
0x92: {  	v2 =	vld [tilespmem:s6+$0x2840];
	_ =	sdelay $0x1  }
0x93: {  	v3 =	vld [tilespmem:s6+$0x27C0];
	_ =	sdelay $0x4  }
0x94: {  	s9 =	simm.s32 $0x0  }
0x95: {  	v2 =	vld.idx.msk [tilespmem:v2+s9+$0x0], $0xffff;
	_ =	sdelay $0x1  }
0x96: {  	v3 =	vld.idx.msk [tilespmem:v3+s9+$0x0], $0xffff;
	_ =	sdelay $0x2  }
0x97: {  	v2 =	vmul.f32 v2, v0;
	_ =	sdelay $0x1  }
0x98: {  	v2 =	vadd.f32 v2, v3;
	_ =	sdelay $0x1  }
0x99: {  	v3 =	vmul.f32 $2.000000030e-01, v2  }
0x9a: {  	vm0 =	vge.f32 v2, $0.0e+00  }
0x9b: {  	v2 =	vsel vm0, v2, v3  }
0x9c: {  	v2 =	vsub.f32 $0.0e+00, v2;
	_ =	sdelay $0x1  }
0x9d: {  	v2 =	vmul.f32 $1.442695020e+00, v2;
	_ =	sdelay $0x1  }
0x9e: {  	(erf) = vpow2.f32 v2;
	_ =	sdelay $0x4  }
0x9f: {  	s17 =	sadd.s32 $0x0, s6  }
0xa0: {  	v2 =	vmov s17;
	_ =	sdelay $0x2  }
0xa1: {  	v3 =	vpop (erf)  }
0xa2: {  	[tilespmem:$0x2FC0] =	vst v3  }
0xa3: {  	v2 =	vld.idx.msk [tilespmem:v2+s5+$0x0], $0xffff;
	_ =	sdelay $0x1  }
0xa4: {  	v3 =	vmov s9;
	_ =	sdelay $0x4  }
0xa5: {  	v3 =	vld.idx.msk [tilespmem:v3+s3+$0x0], $0xffff  }
0xa6: {  	v4 =	vld.idx.msk [tilespmem:v2+s7+$0x0], $0xffff;
	_ =	sdelay $0x1  }
0xa7: {  	s18 =	sadd.s32 $0x1, s6;
	s17 =	simm.s32 $0x2;
	s9 =	simm.s32 $0x1  }
.LBB2_9:
0xa8: {  	p0 =	sne.s32 s17, $0x4F;
	v5 =	vmov s18;
	_ =	sdelay $0x1  }
0xa9: {  	v3 =	vadd.f32 v4, v3;
	_ =	sdelay $0x1  }
0xaa: {  	[tilespmem:v2+s7+$0x0] =	vst.idx.msk $0xffff, v3  }
0xab: {  	v2 =	vld.idx.msk [tilespmem:v5+s5+$0x0], $0xffff;
	_ =	sdelay $0x1  }
0xac: {  	v3 =	vmov s9;
	s9 =	smov.u32 s17;
	_ =	sdelay $0x4  }
.Ltmp3:
0xad: {  	v3 =	vld.idx.msk [tilespmem:v3+s3+$0x0], $0xffff;
	(pc) =	sbr.rel @p0 .LBB2_9-.Ltmp3, $2  }
0xae: {  	v4 =	vld.idx.msk [tilespmem:v2+s7+$0x0], $0xffff;
	_ =	sdelay $0x2  }
0xaf: {  	s17 =	sadd.s32 $0x1, s17;
	s18 =	sadd.s32 s6, s9  }
0xb0: {  	v5 =	vmov s18;
	_ =	sdelay $0x1  }
0xb1: {  	v3 =	vadd.f32 v4, v3;
	_ =	sdelay $0x1  }
0xb2: {  	[tilespmem:v2+s7+$0x0] =	vst.idx.msk $0xffff, v3  }
0xb3: {  	v2 =	vld.idx.msk [tilespmem:v5+s5+$0x0], $0xffff;
	_ =	sdelay $0x1  }
0xb4: {  	v3 =	vmov s9;
	_ =	sdelay $0x4  }
0xb5: {  	v3 =	vld.idx.msk [tilespmem:v3+s3+$0x0], $0xffff  }
0xb6: {  	v4 =	vld.idx.msk [tilespmem:v2+s7+$0x0], $0xffff;
	_ =	sdelay $0x1  }
0xb7: {  	s6 =	simm.s32 $0x0  }
0xb8: {  	v5 =	vmov s6  }
0xb9: {  	v5 =	vand.u32 $0xFFFFFFFC, v5  }
0xba: {  	v3 =	vadd.f32 v4, v3;
	v4 =	vbroadcast v5, $0x0  }
0xbb: {  	s18 =	simm.s32 $0x2  }
0xbc: {  	v6 =	vmov s18;
	[tilespmem:v2+s7+$0x0] =	vst.idx.msk $0xffff, v3  }
0xbd: {  	v5 =	vand.u32 $0xFFFFFFFE, v6;
	_ =	swait.ge [sflag:s8], $0x2800  }
0xbe: {  	v5 =	vbroadcast v5, $0x0;
	[sflag:s8] =	ssyncset.done $0x0  }
0xbf: {  	[sflag:s8] =	ssyncadd.s32 $0xFFFFD800  }
0xc0: {  	s6 =	simm.s32 $0x3100;
	v2 =	vld.idx.msk [tilespmem:v4+s3+$0x0], $0xffff  }
0xc1: {  	v6 =	vld [tilespmem:s6+$0xFFFFFF00]  }
0xc2: {  	v7 =	vld [tilespmem:s6+$0xFFFFFF10]  }
0xc3: {  	s19 =	simm.s32 $0x1;
	v8 =	vld [tilespmem:s6+$0xFFFFFF20]  }
0xc4: {  	v4 =	vmov s19;
	v3 =	vld.idx.msk [tilespmem:v5+s3+$0x0], $0xffff  }
0xc5: {  	v5 =	vld [tilespmem:s6+$0x70];
	v4 =	vand.u32 $0xFFFFFFFD, v4  }
0xc6: {  	v9 =	vld [tilespmem:s6+$0xFFFFFF30];
	v4 =	vbroadcast v4, $0x0  }
0xc7: {  	v10 =	vld [tilespmem:s6+$0xFFFFFF40]  }
0xc8: {  	v11 =	vld [tilespmem:s6+$0xFFFFFF50]  }
0xc9: {  	v12 =	vld [tilespmem:s6+$0xFFFFFF60];
	v6 =	vmul.f32 v6, v2  }
0xca: {  	v14 =	vld [tilespmem:s6+$0x40];
	v5 =	vmul.f32 v5, v3  }
0xcb: {  	[tilespmem:s6+$0xFFFFFF00] =	vst v6;
	v6 =	vmul.f32 v7, v2;
	v7 =	vld [tilespmem:s6+$0xFFFFFF70]  }
0xcc: {  	v4 =	vld.idx.msk [tilespmem:v4+s3+$0x0], $0xffff;
	[tilespmem:s6+$0x70] =	vst v5;
	v5 =	vmul.f32 v8, v2  }
0xcd: {  	v8 =	vld [tilespmem:s6+$0xFFFFFF80];
	[tilespmem:s6+$0xFFFFFF10] =	vst v6;
	v6 =	vmul.f32 v9, v2  }
0xce: {  	v9 =	vld [tilespmem:s6+$0xFFFFFF90];
	[tilespmem:s6+$0xFFFFFF20] =	vst v5;
	v5 =	vmul.f32 v10, v2  }
0xcf: {  	v10 =	vld [tilespmem:s6+$0xFFFFFFA0];
	[tilespmem:s6+$0xFFFFFF30] =	vst v6;
	v6 =	vmul.f32 v11, v2  }
0xd0: {  	v11 =	vld [tilespmem:s6+$0xFFFFFFB0];
	[tilespmem:s6+$0xFFFFFF40] =	vst v5;
	v5 =	vmul.f32 v12, v2  }
0xd1: {  	v12 =	vld [tilespmem:s6+$0xFFFFFFC0];
	v7 =	vmul.f32 v7, v2;
	[tilespmem:s6+$0xFFFFFF50] =	vst v6  }
0xd2: {  	v6 =	vmul.f32 v8, v4;
	v8 =	vld [tilespmem:s6+$0xFFFFFFD0];
	[tilespmem:s6+$0xFFFFFF60] =	vst v5  }
0xd3: {  	s17 =	simm.s32 $0x3;
	v5 =	vld [tilespmem:s6+$0xFFFFFFE0];
	v9 =	vmul.f32 v9, v4;
	[tilespmem:s6+$0xFFFFFF70] =	vst v7  }
0xd4: {  	v13 =	vmov s17;
	v7 =	vld [tilespmem:s6+$0xFFFFFFF0];
	[tilespmem:s6+$0xFFFFFF80] =	vst v6;
	v6 =	vmul.f32 v10, v4  }
0xd5: {  	v10 =	vld [tilespmem:s6+$0x0];
	[tilespmem:s6+$0xFFFFFF90] =	vst v9;
	v9 =	vmul.f32 v11, v4  }
0xd6: {  	v11 =	vld [tilespmem:s6+$0x10];
	[tilespmem:s6+$0xFFFFFFA0] =	vst v6;
	v6 =	vmul.f32 v12, v4  }
0xd7: {  	[tilespmem:s6+$0xFFFFFFB0] =	vst v9;
	v8 =	vmul.f32 v8, v4;
	v9 =	vld [tilespmem:s6+$0x20]  }
0xd8: {  	v12 =	vld [tilespmem:s6+$0x30];
	[tilespmem:s6+$0xFFFFFFC0] =	vst v6;
	v5 =	vmul.f32 v5, v4  }
0xd9: {  	v2 =	vld.idx.msk [tilespmem:v13+s3+$0x0], $0xffff;
	v4 =	vmul.f32 v7, v4;
	[tilespmem:s6+$0xFFFFFFD0] =	vst v8  }
0xda: {  	v6 =	vmul.f32 v10, v3;
	[tilespmem:s6+$0xFFFFFFE0] =	vst v5;
	v5 =	vld [tilespmem:s6+$0x50]  }
0xdb: {  	s18 =	simm.s32 $0x4;
	[tilespmem:s6+$0xFFFFFFF0] =	vst v4;
	v7 =	vmul.f32 v11, v3;
	v4 =	vld [tilespmem:s6+$0x60]  }
0xdc: {  	s19 =	simm.s32 $0x7;
	v8 =	vmov s18;
	[tilespmem:s6+$0x0] =	vst v6;
	v10 =	vmul.f32 v9, v3;
	v9 =	vld [tilespmem:s6+$0x80]  }
0xdd: {  	s17 =	simm.s32 $0x5;
	v13 =	vand.u32 $0xFFFFFFFC, v8;
	v8 =	vld [tilespmem:s6+$0x90];
	v6 =	vmov s19;
	v11 =	vmul.f32 v12, v3;
	[tilespmem:s6+$0x10] =	vst v7  }
0xde: {  	s9 =	simm.s32 $0x3100;
	s18 =	simm.s32 $0x6;
	v12 =	vmul.f32 v14, v3;
	v7 =	vbroadcast v13, $0x0;
	v13 =	vmov s17;
	s17 =	simm.s32 $0x8;
	[tilespmem:s6+$0x20] =	vst v10;
	v10 =	vld [tilespmem:s6+$0xA0]  }
.LBB2_11:
0xdf: {  	p0 =	slt.u32 s17, $0x4C;
	v13 =	vand.u32 $0xFFFFFFFD, v13;
	v14 =	vmov s18;
	[tilespmem:s6+$0x30] =	vst v11;
	v5 =	vmul.f32 v5, v3;
	v11 =	vld [tilespmem:s6+$0xB0]  }
0xe0: {  	v13 =	vbroadcast v13, $0x0;
	v14 =	vand.u32 $0xFFFFFFFE, v14;
	[tilespmem:s6+$0x40] =	vst v12;
	v3 =	vmul.f32 v4, v3;
	v4 =	vld [tilespmem:s6+$0xC0]  }
0xe1: {  	v12 =	vbroadcast v14, $0x0;
	[tilespmem:s6+$0x50] =	vst v5;
	v5 =	vmul.f32 v9, v2;
	v9 =	vld [tilespmem:s6+$0xD0]  }
0xe2: {  	[tilespmem:s6+$0x60] =	vst v3;
	v3 =	vmul.f32 v8, v2;
	v8 =	vld [tilespmem:s6+$0xE0]  }
0xe3: {  	[tilespmem:s6+$0x80] =	vst v5;
	v5 =	vmul.f32 v10, v2;
	v10 =	vld [tilespmem:s6+$0xF0]  }
0xe4: {  	v6 =	vld.idx.msk [tilespmem:v6+s3+$0x0], $0xffff;
	[tilespmem:s6+$0x90] =	vst v3;
	v3 =	vmul.f32 v11, v2  }
0xe5: {  	v7 =	vld.idx.msk [tilespmem:v7+s3+$0x0], $0xffff;
	[tilespmem:s6+$0xA0] =	vst v5;
	v4 =	vmul.f32 v4, v2  }
0xe6: {  	v5 =	vld.idx.msk [tilespmem:v13+s3+$0x0], $0xffff;
	[tilespmem:s6+$0xB0] =	vst v3;
	v9 =	vmul.f32 v9, v2  }
0xe7: {  	s6 =	sadd.s32 $0x200, s6;
	v3 =	vld.idx.msk [tilespmem:v12+s3+$0x0], $0xffff;
	[tilespmem:s9+$0xC0] =	vst v4;
	v4 =	vmul.f32 v8, v2  }
0xe8: {  	v8 =	vld [tilespmem:s6+$0x70];
	[tilespmem:s9+$0xD0] =	vst v9;
	v10 =	vmul.f32 v10, v2  }
0xe9: {  	v9 =	vld [tilespmem:s6+$0xFFFFFF00];
	[tilespmem:s9+$0xE0] =	vst v4  }
0xea: {  	v2 =	vmov v6;
	v4 =	vld [tilespmem:s6+$0xFFFFFF10];
	[tilespmem:s9+$0xF0] =	vst v10;
	s9 =	smov.u32 s6  }
0xeb: {  	v6 =	vld [tilespmem:s6+$0xFFFFFF20]  }
0xec: {  	v10 =	vld [tilespmem:s6+$0xFFFFFF30]  }
0xed: {  	v11 =	vld [tilespmem:s6+$0xFFFFFF40];
	v8 =	vmul.f32 v8, v3  }
0xee: {  	v9 =	vmul.f32 v9, v7;
	v12 =	vld [tilespmem:s6+$0xFFFFFF50]  }
0xef: {  	v4 =	vmul.f32 v4, v7;
	v13 =	vld [tilespmem:s6+$0xFFFFFF60];
	[tilespmem:s6+$0x70] =	vst v8  }
0xf0: {  	[tilespmem:s6+$0xFFFFFF00] =	vst v9;
	v6 =	vmul.f32 v6, v7;
	v8 =	vld [tilespmem:s6+$0xFFFFFF70]  }
0xf1: {  	[tilespmem:s6+$0xFFFFFF10] =	vst v4;
	v4 =	vmul.f32 v10, v7;
	v9 =	vld [tilespmem:s6+$0xFFFFFF80]  }
0xf2: {  	[tilespmem:s6+$0xFFFFFF20] =	vst v6;
	v6 =	vmul.f32 v11, v7;
	v10 =	vld [tilespmem:s6+$0xFFFFFF90]  }
0xf3: {  	[tilespmem:s6+$0xFFFFFF30] =	vst v4;
	v4 =	vmul.f32 v12, v7;
	v11 =	vld [tilespmem:s6+$0xFFFFFFA0]  }
0xf4: {  	[tilespmem:s6+$0xFFFFFF40] =	vst v6;
	v6 =	vmul.f32 v13, v7;
	v12 =	vld [tilespmem:s6+$0xFFFFFFB0]  }
0xf5: {  	[tilespmem:s6+$0xFFFFFF50] =	vst v4;
	v4 =	vmul.f32 v8, v7;
	v7 =	vld [tilespmem:s6+$0xFFFFFFC0]  }
0xf6: {  	[tilespmem:s6+$0xFFFFFF60] =	vst v6;
	v6 =	vmul.f32 v9, v5;
	v8 =	vld [tilespmem:s6+$0xFFFFFFD0]  }
0xf7: {  	[tilespmem:s6+$0xFFFFFF70] =	vst v4;
	v4 =	vmul.f32 v10, v5;
	v9 =	vld [tilespmem:s6+$0xFFFFFFE0]  }
0xf8: {  	[tilespmem:s6+$0xFFFFFF80] =	vst v6;
	v6 =	vmul.f32 v11, v5;
	v10 =	vld [tilespmem:s6+$0xFFFFFFF0]  }
0xf9: {  	[tilespmem:s6+$0xFFFFFF90] =	vst v4;
	v4 =	vmul.f32 v12, v5;
	v11 =	vld [tilespmem:s6+$0x0]  }
0xfa: {  	[tilespmem:s6+$0xFFFFFFA0] =	vst v6;
	v6 =	vmul.f32 v7, v5;
	v7 =	vld [tilespmem:s6+$0x10]  }
0xfb: {  	[tilespmem:s6+$0xFFFFFFB0] =	vst v4;
	v4 =	vmul.f32 v8, v5;
	v8 =	vld [tilespmem:s6+$0x20]  }
0xfc: {  	[tilespmem:s6+$0xFFFFFFC0] =	vst v6;
	v6 =	vmul.f32 v9, v5;
	v12 =	vld [tilespmem:s6+$0x30]  }
0xfd: {  	[tilespmem:s6+$0xFFFFFFD0] =	vst v4;
	v4 =	vmul.f32 v10, v5;
	v10 =	vld [tilespmem:s6+$0x40]  }
.Ltmp4:
0xfe: {  	[tilespmem:s6+$0xFFFFFFE0] =	vst v6;
	v6 =	vmul.f32 v11, v3;
	v5 =	vld [tilespmem:s6+$0x50];
	(pc) =	sbr.rel @p0 .LBB2_11-.Ltmp4, $4  }
0xff: {  	[tilespmem:s6+$0xFFFFFFF0] =	vst v4;
	v7 =	vmul.f32 v7, v3;
	v4 =	vld [tilespmem:s6+$0x60]  }
0x100: {  	s18 =	sadd.s32 $0x3, s17;
	v11 =	vmov s17;
	[tilespmem:s6+$0x0] =	vst v6;
	v14 =	vmul.f32 v8, v3;
	v9 =	vld [tilespmem:s6+$0x80]  }
0x101: {  	s19 =	sadd.s32 $0x1, s17;
	v13 =	vand.u32 $0xFFFFFFFC, v11;
	v6 =	vmov s18;
	[tilespmem:s6+$0x10] =	vst v7;
	v11 =	vmul.f32 v12, v3;
	v8 =	vld [tilespmem:s6+$0x90]  }
0x102: {  	s18 =	sadd.s32 $0x2, s17;
	s17 =	sadd.s32 $0x4, s17;
	v7 =	vbroadcast v13, $0x0;
	v13 =	vmov s19;
	[tilespmem:s6+$0x20] =	vst v14;
	v12 =	vmul.f32 v10, v3;
	v10 =	vld [tilespmem:s6+$0xA0]  }
0x103: {  	v14 =	vld [tilespmem:s6+$0xB0]  }
0x104: {  	v16 =	vld [tilespmem:s6+$0xC0]  }
0x105: {  	v17 =	vld [tilespmem:s6+$0xD0]  }
0x106: {  	v18 =	vld [tilespmem:s6+$0xE0]  }
0x107: {  	v24 =	vld [tilespmem:s6+$0xF0];
	[tilespmem:s6+$0x30] =	vst v11;
	v5 =	vmul.f32 v5, v3  }
0x108: {  	v6 =	vld.idx.msk [tilespmem:v6+s3+$0x0], $0xffff;
	[tilespmem:s6+$0x40] =	vst v12;
	v3 =	vmul.f32 v4, v3  }
0x109: {  	s17 =	sadd.s32 $0x200, s6;
	v25 =	vld.idx.msk [tilespmem:v7+s3+$0x0], $0xffff;
	v9 =	vmul.f32 v9, v2;
	[tilespmem:s6+$0x50] =	vst v5  }
0x10a: {  	v30 =	vld [tilespmem:s17+$0x70];
	v26 =	vmul.f32 v8, v2;
	[tilespmem:s6+$0x60] =	vst v3  }
0x10b: {  	v31 =	vld [tilespmem:s17+$0xFFFFFF00];
	[tilespmem:s6+$0x80] =	vst v9;
	v3 =	vmul.f32 v10, v2  }
0x10c: {  	v15 =	vmov s18;
	v33 =	vld [tilespmem:s17+$0xFFFFFF10];
	[tilespmem:s6+$0x90] =	vst v26;
	v29 =	vmul.f32 v14, v2  }
0x10d: {  	v15 =	vand.u32 $0xFFFFFFFE, v15;
	v34 =	vld [tilespmem:s17+$0xFFFFFF20];
	[tilespmem:s6+$0xA0] =	vst v3;
	v3 =	vmul.f32 v16, v2  }
0x10e: {  	v13 =	vand.u32 $0xFFFFFFFD, v13;
	v35 =	vld [tilespmem:s17+$0xFFFFFF30];
	v15 =	vbroadcast v15, $0x0;
	v32 =	vmul.f32 v17, v2;
	[tilespmem:s6+$0xB0] =	vst v29  }
0x10f: {  	v13 =	vbroadcast v13, $0x0;
	v37 =	vld [tilespmem:s17+$0xFFFFFF50];
	[tilespmem:s9+$0xC0] =	vst v3;
	v3 =	vmul.f32 v18, v2  }
0x110: {  	v39 =	vld [tilespmem:s17+$0xFFFFFF60];
	[tilespmem:s9+$0xD0] =	vst v32;
	v2 =	vmul.f32 v24, v2  }
0x111: {  	v38 =	vmul.f32 v33, v25;
	[tilespmem:s9+$0xE0] =	vst v3;
	v3 =	vld [tilespmem:s17+$0xFFFFFF40]  }
0x112: {  	v40 =	vld [tilespmem:s17+$0xFFFFFF70];
	[tilespmem:s9+$0xF0] =	vst v2;
	v2 =	vmul.f32 v31, v25  }
0x113: {  	v41 =	vld [tilespmem:s17+$0xFFFFFF80];
	v5 =	vmul.f32 v35, v25;
	[tilespmem:s17+$0xFFFFFF10] =	vst v38  }
0x114: {  	v28 =	vld.idx.msk [tilespmem:v15+s3+$0x0], $0xffff;
	[tilespmem:s17+$0xFFFFFF00] =	vst v2;
	v2 =	vmul.f32 v34, v25  }
0x115: {  	v42 =	vmul.f32 v37, v25;
	v27 =	vld.idx.msk [tilespmem:v13+s3+$0x0], $0xffff;
	[tilespmem:s17+$0xFFFFFF30] =	vst v5  }
0x116: {  	[tilespmem:s17+$0xFFFFFF20] =	vst v2;
	v2 =	vmul.f32 v3, v25;
	v3 =	vld [tilespmem:s17+$0xFFFFFF90]  }
0x117: {  	v43 =	vld [tilespmem:s17+$0xFFFFFFA0];
	v4 =	vmul.f32 v40, v25;
	[tilespmem:s17+$0xFFFFFF50] =	vst v42  }
0x118: {  	v44 =	vld [tilespmem:s17+$0xFFFFFFB0];
	[tilespmem:s17+$0xFFFFFF40] =	vst v2;
	v2 =	vmul.f32 v39, v25  }
0x119: {  	v45 =	vld [tilespmem:s17+$0xFFFFFFC0];
	[tilespmem:s17+$0xFFFFFF70] =	vst v4;
	v36 =	vmul.f32 v30, v28  }
0x11a: {  	v46 =	vld [tilespmem:s17+$0xFFFFFFD0];
	[tilespmem:s17+$0xFFFFFF60] =	vst v2;
	v2 =	vmul.f32 v41, v27  }
0x11b: {  	v47 =	vld [tilespmem:s17+$0xFFFFFFE0];
	[tilespmem:s17+$0x70] =	vst v36;
	v3 =	vmul.f32 v3, v27  }
0x11c: {  	v48 =	vld [tilespmem:s17+$0xFFFFFFF0];
	[tilespmem:s17+$0xFFFFFF80] =	vst v2;
	v2 =	vmul.f32 v43, v27  }
0x11d: {  	v49 =	vld [tilespmem:s17+$0x0];
	[tilespmem:s17+$0xFFFFFF90] =	vst v3;
	v3 =	vmul.f32 v44, v27  }
0x11e: {  	v50 =	vld [tilespmem:s17+$0x10];
	[tilespmem:s17+$0xFFFFFFA0] =	vst v2;
	v2 =	vmul.f32 v45, v27  }
0x11f: {  	v51 =	vld [tilespmem:s17+$0x20];
	[tilespmem:s17+$0xFFFFFFB0] =	vst v3;
	v3 =	vmul.f32 v46, v27  }
0x120: {  	v52 =	vld [tilespmem:s17+$0x30];
	[tilespmem:s17+$0xFFFFFFC0] =	vst v2;
	v2 =	vmul.f32 v47, v27  }
0x121: {  	v53 =	vld [tilespmem:s17+$0x40];
	[tilespmem:s17+$0xFFFFFFD0] =	vst v3;
	v3 =	vmul.f32 v48, v27  }
0x122: {  	v54 =	vld [tilespmem:s17+$0x50];
	[tilespmem:s17+$0xFFFFFFE0] =	vst v2;
	v2 =	vmul.f32 v49, v28  }
0x123: {  	v55 =	vld [tilespmem:s17+$0x60];
	[tilespmem:s17+$0xFFFFFFF0] =	vst v3;
	v3 =	vmul.f32 v50, v28  }
0x124: {  	v56 =	vld [tilespmem:s17+$0x80];
	[tilespmem:s17+$0x0] =	vst v2;
	v2 =	vmul.f32 v51, v28  }
0x125: {  	v57 =	vld [tilespmem:s17+$0x90];
	[tilespmem:s17+$0x10] =	vst v3;
	v3 =	vmul.f32 v52, v28  }
0x126: {  	v58 =	vld [tilespmem:s17+$0xA0];
	[tilespmem:s17+$0x20] =	vst v2;
	v2 =	vmul.f32 v53, v28  }
0x127: {  	v59 =	vld [tilespmem:s17+$0xB0];
	[tilespmem:s17+$0x30] =	vst v3;
	v3 =	vmul.f32 v54, v28  }
0x128: {  	v60 =	vld [tilespmem:s17+$0xC0];
	[tilespmem:s17+$0x40] =	vst v2;
	v2 =	vmul.f32 v55, v28  }
0x129: {  	v61 =	vld [tilespmem:s17+$0xD0];
	[tilespmem:s17+$0x50] =	vst v3;
	v3 =	vmul.f32 v56, v6  }
0x12a: {  	v62 =	vld [tilespmem:s17+$0xE0];
	[tilespmem:s17+$0x60] =	vst v2;
	v2 =	vmul.f32 v57, v6  }
0x12b: {  	v63 =	vld [tilespmem:s17+$0xF0];
	[tilespmem:s17+$0x80] =	vst v3;
	v3 =	vmul.f32 v58, v6  }
0x12c: {  	[tilespmem:s17+$0x90] =	vst v2;
	v2 =	vmul.f32 v59, v6  }
0x12d: {  	s14 =	sadd.s32 $0x1, s14;
	[tilespmem:s17+$0xA0] =	vst v3;
	v3 =	vmul.f32 v60, v6  }
0x12e: {  	p0 =	sne.s32 s14, $0xFA;
	[tilespmem:s17+$0xB0] =	vst v2;
	v2 =	vmul.f32 v61, v6  }
.Ltmp5:
0x12f: {  	[tilespmem:s17+$0xC0] =	vst v3;
	v3 =	vmul.f32 v62, v6;
	(pc) =	sbr.rel @p0 .LBB2_6-.Ltmp5, $4  }
0x130: {  	[tilespmem:s17+$0xD0] =	vst v2;
	v2 =	vmul.f32 v63, v6  }
0x131: {  	[tilespmem:s17+$0xE0] =	vst v3  }
0x132: {  	[tilespmem:s17+$0xF0] =	vst v2  }
0x133: {  	[spmem:s2] =	stream.indirect.scatter.add.f32 [tilespmem:s30], [sflag:$0x3], $0x80, s16, s0, $0xb8;
	[tilespmem:$0x1ED00] =	vst v63  }
0x134: {  	s6 =	simm.s32 $0x3  }
0x135: {  	_ =	swait.ge [sflag:s6], $0x2800  }
0x136: {  	[sflag:s6] =	ssyncset.done $0x0  }
0x137: {  	s18 =	rddreg [dreg:$0x5];
	[sflag:s6] =	ssyncadd.s32 $0xFFFFD800  }
0x138: {  	[spmem:s18] =	stream.strided.scatter [tilespmem:s7], [sflag:$0x1], $0x2800, s10, s25, $0x38;
	[tilespmem:$0x1ED00] =	vst v63  }
0x139: {  	_ =	swait.ge [sflag:s31], $0x2800  }
0x13a: {  	[sflag:s31] =	ssyncset.done $0x0  }
0x13b: {  	[sflag:s31] =	ssyncadd.s32 $0xFFFFD800  }
0x13c: {  	[bflag:$0x0] =	sbarrier.arrive $0xFFFF  }
0x13d: {  	[tilespmem:$0x8280] =	vst v1  }
0x13e: {  	[tilespmem:$0x8290] =	vst v1  }
0x13f: {  	[tilespmem:$0x82A0] =	vst v1  }
0x140: {  	[tilespmem:$0x82B0] =	vst v1  }
0x141: {  	[tilespmem:$0x82C0] =	vst v1  }
0x142: {  	[tilespmem:$0x82D0] =	vst v1  }
0x143: {  	[tilespmem:$0x82E0] =	vst v1  }
0x144: {  	[tilespmem:$0x82F0] =	vst v1  }
0x145: {  	[tilespmem:$0x8300] =	vst v1  }
0x146: {  	[tilespmem:$0x8310] =	vst v1  }
0x147: {  	[tilespmem:$0x8320] =	vst v1  }
0x148: {  	[tilespmem:$0x8330] =	vst v1  }
0x149: {  	[tilespmem:$0x8340] =	vst v1  }
0x14a: {  	[tilespmem:$0x8350] =	vst v1  }
0x14b: {  	[tilespmem:$0x8360] =	vst v1  }
0x14c: {  	[tilespmem:$0x8370] =	vst v1  }
0x14d: {  	[tilespmem:$0x8380] =	vst v1  }
0x14e: {  	[tilespmem:$0x8390] =	vst v1  }
0x14f: {  	[tilespmem:$0x83A0] =	vst v1  }
0x150: {  	[tilespmem:$0x83B0] =	vst v1  }
0x151: {  	[tilespmem:$0x83C0] =	vst v1  }
0x152: {  	[tilespmem:$0x83D0] =	vst v1  }
0x153: {  	[tilespmem:$0x83E0] =	vst v1  }
0x154: {  	[tilespmem:$0x83F0] =	vst v1  }
0x155: {  	[tilespmem:$0x8400] =	vst v1  }
0x156: {  	[tilespmem:$0x8410] =	vst v1  }
0x157: {  	[tilespmem:$0x8420] =	vst v1  }
0x158: {  	[tilespmem:$0x8430] =	vst v1  }
0x159: {  	[tilespmem:$0x8440] =	vst v1  }
0x15a: {  	[tilespmem:$0x8450] =	vst v1  }
0x15b: {  	[tilespmem:$0x8460] =	vst v1  }
0x15c: {  	[tilespmem:$0x8470] =	vst v1  }
0x15d: {  	[tilespmem:$0x8480] =	vst v1  }
0x15e: {  	[tilespmem:$0x8490] =	vst v1  }
0x15f: {  	[tilespmem:$0x84A0] =	vst v1  }
0x160: {  	[tilespmem:$0x84B0] =	vst v1  }
0x161: {  	[tilespmem:$0x84C0] =	vst v1  }
0x162: {  	[tilespmem:$0x84D0] =	vst v1  }
0x163: {  	[tilespmem:$0x84E0] =	vst v1  }
0x164: {  	[tilespmem:$0x84F0] =	vst v1;
	s19 =	rddreg [dreg:$0x6]  }
0x165: {  	[tilespmem:s11], [sflag:$0x1] =	stream.strided.gather [spmem:s19], $0x280, s10, s25, $0x38;
	[tilespmem:$0x1ED00] =	vst v63  }
0x166: {  	_ =	swait.ge [sflag:s31], $0x280  }
0x167: {  	[sflag:s31] =	ssyncset.done $0x0  }
0x168: {  	s6 =	simm.s32 $0x0;
	[sflag:s31] =	ssyncadd.s32 $0xFFFFFD80  }
0x169: {  	s9 =	simm.s32 $0x40;
	v2 =	vld [tilespmem:s6+$0x8000]  }
.LBB2_14:
0x16a: {  	p0 =	sne.s32 s9, $0x9C0;
	v3 =	vld [tilespmem:s6+$0x8280];
	_ =	sdelay $0x2  }
.Ltmp6:
0x16b: {  	(pc) =	sbr.rel @p0 .LBB2_14-.Ltmp6, $4  }
0x16c: {  	_ = 	snop  }
0x16d: {  	v3 =	vadd.f32 v2, v3  }
0x16e: {  	s14 =	sshra.s32 s9, $0x2  }
0x16f: {  	s9 =	sadd.s32 $0x40, s9;
	v2 =	vld [tilespmem:s14+$0x8000];
	[tilespmem:s6+$0x8280] =	vst v3;
	s6 =	smov.u32 s14  }
0x170: {  	v3 =	vld [tilespmem:s6+$0x8280];
	_ =	sdelay $0x4  }
0x171: {  	v2 =	vadd.f32 v2, v3;
	_ =	sdelay $0x1  }
0x172: {  	s19 =	rddreg [dreg:$0x14];
	[tilespmem:s6+$0x8280] =	vst v2  }
0x173: {  	[tilespmem:s11], [sflag:$0x1] =	stream.strided.gather [spmem:s19], $0x280, s10, s25, $0x38;
	[tilespmem:$0x1ED00] =	vst v63  }
0x174: {  	_ =	swait.ge [sflag:s31], $0x280  }
0x175: {  	[sflag:s31] =	ssyncset.done $0x0  }
0x176: {  	s6 =	simm.s32 $0x0;
	[sflag:s31] =	ssyncadd.s32 $0xFFFFFD80  }
0x177: {  	s9 =	simm.s32 $0x40;
	s18 =	smov.u32 s20;
	v2 =	vld [tilespmem:s6+$0x8000]  }
.LBB2_16:
0x178: {  	p0 =	sne.s32 s9, $0x9C0;
	v3 =	vld [tilespmem:s6+$0x8280];
	_ =	sdelay $0x2  }
.Ltmp7:
0x179: {  	(pc) =	sbr.rel @p0 .LBB2_16-.Ltmp7, $4  }
0x17a: {  	_ = 	snop  }
0x17b: {  	v3 =	vadd.f32 v2, v3  }
0x17c: {  	s14 =	sshra.s32 s9, $0x2  }
0x17d: {  	s9 =	sadd.s32 $0x40, s9;
	v2 =	vld [tilespmem:s14+$0x8000];
	[tilespmem:s6+$0x8280] =	vst v3;
	s6 =	smov.u32 s14  }
0x17e: {  	v3 =	vld [tilespmem:s6+$0x8280];
	_ =	sdelay $0x4  }
0x17f: {  	v2 =	vadd.f32 v2, v3;
	_ =	sdelay $0x1  }
0x180: {  	s20 =	rddreg [dreg:$0x15];
	[tilespmem:s6+$0x8280] =	vst v2  }
0x181: {  	[tilespmem:s11], [sflag:$0x1] =	stream.strided.gather [spmem:s20], $0x280, s10, s25, $0x38;
	[tilespmem:$0x1ED00] =	vst v63  }
0x182: {  	_ =	swait.ge [sflag:s31], $0x280  }
0x183: {  	[sflag:s31] =	ssyncset.done $0x0  }
0x184: {  	s6 =	simm.s32 $0x0;
	[sflag:s31] =	ssyncadd.s32 $0xFFFFFD80  }
0x185: {  	s9 =	simm.s32 $0x40;
	v2 =	vld [tilespmem:s6+$0x8000]  }
.LBB2_18:
0x186: {  	p0 =	sne.s32 s9, $0x9C0;
	v3 =	vld [tilespmem:s6+$0x8280];
	_ =	sdelay $0x2  }
.Ltmp8:
0x187: {  	(pc) =	sbr.rel @p0 .LBB2_18-.Ltmp8, $4  }
0x188: {  	_ = 	snop  }
0x189: {  	v3 =	vadd.f32 v2, v3  }
0x18a: {  	s14 =	sshra.s32 s9, $0x2  }
0x18b: {  	s9 =	sadd.s32 $0x40, s9;
	v2 =	vld [tilespmem:s14+$0x8000];
	[tilespmem:s6+$0x8280] =	vst v3;
	s6 =	smov.u32 s14  }
0x18c: {  	v3 =	vld [tilespmem:s6+$0x8280];
	_ =	sdelay $0x4  }
0x18d: {  	v2 =	vadd.f32 v2, v3;
	_ =	sdelay $0x1  }
0x18e: {  	s20 =	rddreg [dreg:$0x16];
	[tilespmem:s6+$0x8280] =	vst v2  }
0x18f: {  	[tilespmem:s11], [sflag:$0x1] =	stream.strided.gather [spmem:s20], $0x280, s10, s25, $0x38;
	[tilespmem:$0x1ED00] =	vst v63  }
0x190: {  	_ =	swait.ge [sflag:s31], $0x280  }
0x191: {  	[sflag:s31] =	ssyncset.done $0x0  }
0x192: {  	s6 =	simm.s32 $0x0;
	[sflag:s31] =	ssyncadd.s32 $0xFFFFFD80  }
0x193: {  	s9 =	simm.s32 $0x40;
	v2 =	vld [tilespmem:s6+$0x8000]  }
.LBB2_20:
0x194: {  	p0 =	sne.s32 s9, $0x9C0;
	v3 =	vld [tilespmem:s6+$0x8280];
	_ =	sdelay $0x2  }
.Ltmp9:
0x195: {  	(pc) =	sbr.rel @p0 .LBB2_20-.Ltmp9, $4  }
0x196: {  	_ = 	snop  }
0x197: {  	v3 =	vadd.f32 v2, v3  }
0x198: {  	s14 =	sshra.s32 s9, $0x2  }
0x199: {  	s9 =	sadd.s32 $0x40, s9;
	v2 =	vld [tilespmem:s14+$0x8000];
	[tilespmem:s6+$0x8280] =	vst v3;
	s6 =	smov.u32 s14  }
0x19a: {  	v3 =	vld [tilespmem:s6+$0x8280];
	_ =	sdelay $0x4  }
0x19b: {  	v2 =	vadd.f32 v2, v3;
	_ =	sdelay $0x1  }
0x19c: {  	s20 =	rddreg [dreg:$0x17];
	[tilespmem:s6+$0x8280] =	vst v2  }
0x19d: {  	[tilespmem:s11], [sflag:$0x1] =	stream.strided.gather [spmem:s20], $0x280, s10, s25, $0x38;
	[tilespmem:$0x1ED00] =	vst v63  }
0x19e: {  	_ =	swait.ge [sflag:s31], $0x280  }
0x19f: {  	[sflag:s31] =	ssyncset.done $0x0  }
0x1a0: {  	s6 =	simm.s32 $0x0;
	[sflag:s31] =	ssyncadd.s32 $0xFFFFFD80  }
0x1a1: {  	s9 =	simm.s32 $0x40;
	v2 =	vld [tilespmem:s6+$0x8000]  }
.LBB2_22:
0x1a2: {  	p0 =	sne.s32 s9, $0x9C0;
	v3 =	vld [tilespmem:s6+$0x8280];
	_ =	sdelay $0x2  }
.Ltmp10:
0x1a3: {  	(pc) =	sbr.rel @p0 .LBB2_22-.Ltmp10, $4  }
0x1a4: {  	_ = 	snop  }
0x1a5: {  	v3 =	vadd.f32 v2, v3  }
0x1a6: {  	s14 =	sshra.s32 s9, $0x2  }
0x1a7: {  	s9 =	sadd.s32 $0x40, s9;
	v2 =	vld [tilespmem:s14+$0x8000];
	[tilespmem:s6+$0x8280] =	vst v3;
	s6 =	smov.u32 s14  }
0x1a8: {  	v3 =	vld [tilespmem:s6+$0x8280];
	_ =	sdelay $0x4  }
0x1a9: {  	v2 =	vadd.f32 v2, v3;
	_ =	sdelay $0x1  }
0x1aa: {  	s20 =	rddreg [dreg:$0x18];
	[tilespmem:s6+$0x8280] =	vst v2  }
0x1ab: {  	[tilespmem:s11], [sflag:$0x1] =	stream.strided.gather [spmem:s20], $0x280, s10, s25, $0x38;
	[tilespmem:$0x1ED00] =	vst v63  }
0x1ac: {  	_ =	swait.ge [sflag:s31], $0x280  }
0x1ad: {  	[sflag:s31] =	ssyncset.done $0x0  }
0x1ae: {  	s6 =	simm.s32 $0x0;
	[sflag:s31] =	ssyncadd.s32 $0xFFFFFD80  }
0x1af: {  	s9 =	simm.s32 $0x40;
	v2 =	vld [tilespmem:s6+$0x8000]  }
.LBB2_24:
0x1b0: {  	p0 =	sne.s32 s9, $0x9C0;
	v3 =	vld [tilespmem:s6+$0x8280];
	_ =	sdelay $0x2  }
.Ltmp11:
0x1b1: {  	(pc) =	sbr.rel @p0 .LBB2_24-.Ltmp11, $4  }
0x1b2: {  	_ = 	snop  }
0x1b3: {  	v3 =	vadd.f32 v2, v3  }
0x1b4: {  	s14 =	sshra.s32 s9, $0x2  }
0x1b5: {  	s9 =	sadd.s32 $0x40, s9;
	v2 =	vld [tilespmem:s14+$0x8000];
	[tilespmem:s6+$0x8280] =	vst v3;
	s6 =	smov.u32 s14  }
0x1b6: {  	v3 =	vld [tilespmem:s6+$0x8280];
	_ =	sdelay $0x4  }
0x1b7: {  	v2 =	vadd.f32 v2, v3;
	_ =	sdelay $0x1  }
0x1b8: {  	s20 =	rddreg [dreg:$0x19];
	[tilespmem:s6+$0x8280] =	vst v2  }
0x1b9: {  	[tilespmem:s11], [sflag:$0x1] =	stream.strided.gather [spmem:s20], $0x280, s10, s25, $0x38;
	[tilespmem:$0x1ED00] =	vst v63  }
0x1ba: {  	_ =	swait.ge [sflag:s31], $0x280  }
0x1bb: {  	[sflag:s31] =	ssyncset.done $0x0  }
0x1bc: {  	s6 =	simm.s32 $0x0;
	[sflag:s31] =	ssyncadd.s32 $0xFFFFFD80  }
0x1bd: {  	s9 =	simm.s32 $0x40;
	v2 =	vld [tilespmem:s6+$0x8000]  }
.LBB2_26:
0x1be: {  	p0 =	sne.s32 s9, $0x9C0;
	v3 =	vld [tilespmem:s6+$0x8280];
	_ =	sdelay $0x2  }
.Ltmp12:
0x1bf: {  	(pc) =	sbr.rel @p0 .LBB2_26-.Ltmp12, $4  }
0x1c0: {  	_ = 	snop  }
0x1c1: {  	v3 =	vadd.f32 v2, v3  }
0x1c2: {  	s14 =	sshra.s32 s9, $0x2  }
0x1c3: {  	s9 =	sadd.s32 $0x40, s9;
	v2 =	vld [tilespmem:s14+$0x8000];
	[tilespmem:s6+$0x8280] =	vst v3;
	s6 =	smov.u32 s14  }
0x1c4: {  	v3 =	vld [tilespmem:s6+$0x8280];
	_ =	sdelay $0x4  }
0x1c5: {  	v2 =	vadd.f32 v2, v3;
	_ =	sdelay $0x1  }
0x1c6: {  	s20 =	rddreg [dreg:$0x1a];
	[tilespmem:s6+$0x8280] =	vst v2  }
0x1c7: {  	[tilespmem:s11], [sflag:$0x1] =	stream.strided.gather [spmem:s20], $0x280, s10, s25, $0x38;
	[tilespmem:$0x1ED00] =	vst v63  }
0x1c8: {  	_ =	swait.ge [sflag:s31], $0x280  }
0x1c9: {  	[sflag:s31] =	ssyncset.done $0x0  }
0x1ca: {  	s6 =	simm.s32 $0x0;
	[sflag:s31] =	ssyncadd.s32 $0xFFFFFD80  }
0x1cb: {  	s9 =	simm.s32 $0x40;
	v2 =	vld [tilespmem:s6+$0x8000]  }
.LBB2_28:
0x1cc: {  	p0 =	sne.s32 s9, $0x9C0;
	v3 =	vld [tilespmem:s6+$0x8280];
	_ =	sdelay $0x2  }
.Ltmp13:
0x1cd: {  	(pc) =	sbr.rel @p0 .LBB2_28-.Ltmp13, $4  }
0x1ce: {  	_ = 	snop  }
0x1cf: {  	v3 =	vadd.f32 v2, v3  }
0x1d0: {  	s14 =	sshra.s32 s9, $0x2  }
0x1d1: {  	s9 =	sadd.s32 $0x40, s9;
	v2 =	vld [tilespmem:s14+$0x8000];
	[tilespmem:s6+$0x8280] =	vst v3;
	s6 =	smov.u32 s14  }
0x1d2: {  	v3 =	vld [tilespmem:s6+$0x8280];
	_ =	sdelay $0x4  }
0x1d3: {  	v2 =	vadd.f32 v2, v3;
	_ =	sdelay $0x1  }
0x1d4: {  	s20 =	rddreg [dreg:$0x1b];
	[tilespmem:s6+$0x8280] =	vst v2  }
0x1d5: {  	[tilespmem:s11], [sflag:$0x1] =	stream.strided.gather [spmem:s20], $0x280, s10, s25, $0x38;
	[tilespmem:$0x1ED00] =	vst v63  }
0x1d6: {  	_ =	swait.ge [sflag:s31], $0x280  }
0x1d7: {  	[sflag:s31] =	ssyncset.done $0x0  }
0x1d8: {  	s6 =	simm.s32 $0x0;
	[sflag:s31] =	ssyncadd.s32 $0xFFFFFD80  }
0x1d9: {  	s9 =	simm.s32 $0x40;
	v2 =	vld [tilespmem:s6+$0x8000]  }
.LBB2_30:
0x1da: {  	p0 =	sne.s32 s9, $0x9C0;
	v3 =	vld [tilespmem:s6+$0x8280];
	_ =	sdelay $0x2  }
.Ltmp14:
0x1db: {  	(pc) =	sbr.rel @p0 .LBB2_30-.Ltmp14, $4  }
0x1dc: {  	_ = 	snop  }
0x1dd: {  	v3 =	vadd.f32 v2, v3  }
0x1de: {  	s14 =	sshra.s32 s9, $0x2  }
0x1df: {  	s9 =	sadd.s32 $0x40, s9;
	v2 =	vld [tilespmem:s14+$0x8000];
	[tilespmem:s6+$0x8280] =	vst v3;
	s6 =	smov.u32 s14  }
0x1e0: {  	v3 =	vld [tilespmem:s6+$0x8280];
	_ =	sdelay $0x4  }
0x1e1: {  	v2 =	vadd.f32 v2, v3;
	_ =	sdelay $0x1  }
0x1e2: {  	s20 =	rddreg [dreg:$0x1c];
	[tilespmem:s6+$0x8280] =	vst v2  }
0x1e3: {  	[tilespmem:s11], [sflag:$0x1] =	stream.strided.gather [spmem:s20], $0x280, s10, s25, $0x38;
	[tilespmem:$0x1ED00] =	vst v63  }
0x1e4: {  	_ =	swait.ge [sflag:s31], $0x280  }
0x1e5: {  	[sflag:s31] =	ssyncset.done $0x0  }
0x1e6: {  	s6 =	simm.s32 $0x0;
	[sflag:s31] =	ssyncadd.s32 $0xFFFFFD80  }
0x1e7: {  	s9 =	simm.s32 $0x40;
	v2 =	vld [tilespmem:s6+$0x8000]  }
.LBB2_32:
0x1e8: {  	p0 =	sne.s32 s9, $0x9C0;
	v3 =	vld [tilespmem:s6+$0x8280];
	_ =	sdelay $0x2  }
.Ltmp15:
0x1e9: {  	(pc) =	sbr.rel @p0 .LBB2_32-.Ltmp15, $4  }
0x1ea: {  	_ = 	snop  }
0x1eb: {  	v3 =	vadd.f32 v2, v3  }
0x1ec: {  	s14 =	sshra.s32 s9, $0x2  }
0x1ed: {  	s9 =	sadd.s32 $0x40, s9;
	v2 =	vld [tilespmem:s14+$0x8000];
	[tilespmem:s6+$0x8280] =	vst v3;
	s6 =	smov.u32 s14  }
0x1ee: {  	v3 =	vld [tilespmem:s6+$0x8280];
	_ =	sdelay $0x4  }
0x1ef: {  	v2 =	vadd.f32 v2, v3;
	_ =	sdelay $0x1  }
0x1f0: {  	s20 =	rddreg [dreg:$0x1d];
	[tilespmem:s6+$0x8280] =	vst v2  }
0x1f1: {  	[tilespmem:s11], [sflag:$0x1] =	stream.strided.gather [spmem:s20], $0x280, s10, s25, $0x38;
	[tilespmem:$0x1ED00] =	vst v63  }
0x1f2: {  	_ =	swait.ge [sflag:s31], $0x280  }
0x1f3: {  	[sflag:s31] =	ssyncset.done $0x0  }
0x1f4: {  	s6 =	simm.s32 $0x0;
	[sflag:s31] =	ssyncadd.s32 $0xFFFFFD80  }
0x1f5: {  	s9 =	simm.s32 $0x40;
	v2 =	vld [tilespmem:s6+$0x8000]  }
.LBB2_34:
0x1f6: {  	p0 =	sne.s32 s9, $0x9C0;
	v3 =	vld [tilespmem:s6+$0x8280];
	_ =	sdelay $0x2  }
.Ltmp16:
0x1f7: {  	(pc) =	sbr.rel @p0 .LBB2_34-.Ltmp16, $4  }
0x1f8: {  	_ = 	snop  }
0x1f9: {  	v3 =	vadd.f32 v2, v3  }
0x1fa: {  	s14 =	sshra.s32 s9, $0x2  }
0x1fb: {  	s9 =	sadd.s32 $0x40, s9;
	v2 =	vld [tilespmem:s14+$0x8000];
	[tilespmem:s6+$0x8280] =	vst v3;
	s6 =	smov.u32 s14  }
0x1fc: {  	v3 =	vld [tilespmem:s6+$0x8280];
	_ =	sdelay $0x4  }
0x1fd: {  	v2 =	vadd.f32 v2, v3;
	_ =	sdelay $0x1  }
0x1fe: {  	s20 =	rddreg [dreg:$0x1e];
	[tilespmem:s6+$0x8280] =	vst v2  }
0x1ff: {  	[tilespmem:s11], [sflag:$0x1] =	stream.strided.gather [spmem:s20], $0x280, s10, s25, $0x38;
	[tilespmem:$0x1ED00] =	vst v63  }
0x200: {  	_ =	swait.ge [sflag:s31], $0x280  }
0x201: {  	[sflag:s31] =	ssyncset.done $0x0  }
0x202: {  	s6 =	simm.s32 $0x0;
	[sflag:s31] =	ssyncadd.s32 $0xFFFFFD80  }
0x203: {  	s9 =	simm.s32 $0x40;
	v2 =	vld [tilespmem:s6+$0x8000]  }
.LBB2_36:
0x204: {  	p0 =	sne.s32 s9, $0x9C0;
	v3 =	vld [tilespmem:s6+$0x8280];
	_ =	sdelay $0x2  }
.Ltmp17:
0x205: {  	(pc) =	sbr.rel @p0 .LBB2_36-.Ltmp17, $4  }
0x206: {  	_ = 	snop  }
0x207: {  	v3 =	vadd.f32 v2, v3  }
0x208: {  	s14 =	sshra.s32 s9, $0x2  }
0x209: {  	s9 =	sadd.s32 $0x40, s9;
	v2 =	vld [tilespmem:s14+$0x8000];
	[tilespmem:s6+$0x8280] =	vst v3;
	s6 =	smov.u32 s14  }
0x20a: {  	v3 =	vld [tilespmem:s6+$0x8280];
	_ =	sdelay $0x4  }
0x20b: {  	v2 =	vadd.f32 v2, v3;
	_ =	sdelay $0x1  }
0x20c: {  	s20 =	rddreg [dreg:$0x1f];
	[tilespmem:s6+$0x8280] =	vst v2  }
0x20d: {  	[tilespmem:s11], [sflag:$0x1] =	stream.strided.gather [spmem:s20], $0x280, s10, s25, $0x38;
	[tilespmem:$0x1ED00] =	vst v63  }
0x20e: {  	_ =	swait.ge [sflag:s31], $0x280  }
0x20f: {  	[sflag:s31] =	ssyncset.done $0x0  }
0x210: {  	s6 =	simm.s32 $0x0;
	[sflag:s31] =	ssyncadd.s32 $0xFFFFFD80  }
0x211: {  	s9 =	simm.s32 $0x40;
	v2 =	vld [tilespmem:s6+$0x8000]  }
.LBB2_38:
0x212: {  	p0 =	sne.s32 s9, $0x9C0;
	v3 =	vld [tilespmem:s6+$0x8280];
	_ =	sdelay $0x2  }
.Ltmp18:
0x213: {  	(pc) =	sbr.rel @p0 .LBB2_38-.Ltmp18, $4  }
0x214: {  	_ = 	snop  }
0x215: {  	v3 =	vadd.f32 v2, v3  }
0x216: {  	s14 =	sshra.s32 s9, $0x2  }
0x217: {  	s9 =	sadd.s32 $0x40, s9;
	v2 =	vld [tilespmem:s14+$0x8000];
	[tilespmem:s6+$0x8280] =	vst v3;
	s6 =	smov.u32 s14  }
0x218: {  	v3 =	vld [tilespmem:s6+$0x8280];
	_ =	sdelay $0x4  }
0x219: {  	s20 =	sld [smem:$0x7FB];
	v2 =	vadd.f32 v2, v3;
	_ =	sdelay $0x1  }
0x21a: {  	[tilespmem:s6+$0x8280] =	vst v2  }
0x21b: {  	[tilespmem:s11], [sflag:$0x1] =	stream.strided.gather [spmem:s20], $0x280, s10, s25, $0x38;
	[tilespmem:$0x1ED00] =	vst v63  }
0x21c: {  	_ =	swait.ge [sflag:s31], $0x280  }
0x21d: {  	[sflag:s31] =	ssyncset.done $0x0  }
0x21e: {  	s6 =	simm.s32 $0x0;
	[sflag:s31] =	ssyncadd.s32 $0xFFFFFD80  }
0x21f: {  	s9 =	simm.s32 $0x40;
	v2 =	vld [tilespmem:s6+$0x8000]  }
.LBB2_40:
0x220: {  	p0 =	sne.s32 s9, $0x9C0;
	v3 =	vld [tilespmem:s6+$0x8280];
	_ =	sdelay $0x2  }
.Ltmp19:
0x221: {  	(pc) =	sbr.rel @p0 .LBB2_40-.Ltmp19, $4  }
0x222: {  	_ = 	snop  }
0x223: {  	v3 =	vadd.f32 v2, v3  }
0x224: {  	s14 =	sshra.s32 s9, $0x2  }
0x225: {  	s9 =	sadd.s32 $0x40, s9;
	v2 =	vld [tilespmem:s14+$0x8000];
	[tilespmem:s6+$0x8280] =	vst v3;
	s6 =	smov.u32 s14  }
0x226: {  	v3 =	vld [tilespmem:s6+$0x8280];
	_ =	sdelay $0x4  }
0x227: {  	s20 =	sld [smem:$0x7FC];
	v2 =	vadd.f32 v2, v3;
	_ =	sdelay $0x1  }
0x228: {  	[tilespmem:s6+$0x8280] =	vst v2  }
0x229: {  	[tilespmem:s11], [sflag:$0x1] =	stream.strided.gather [spmem:s20], $0x280, s10, s25, $0x38;
	[tilespmem:$0x1ED00] =	vst v63  }
0x22a: {  	_ =	swait.ge [sflag:s31], $0x280  }
0x22b: {  	[sflag:s31] =	ssyncset.done $0x0  }
0x22c: {  	s6 =	simm.s32 $0x0;
	[sflag:s31] =	ssyncadd.s32 $0xFFFFFD80  }
0x22d: {  	s9 =	simm.s32 $0x40;
	v2 =	vld [tilespmem:s6+$0x8000]  }
.LBB2_42:
0x22e: {  	p0 =	sne.s32 s9, $0x9C0;
	v3 =	vld [tilespmem:s6+$0x8280];
	_ =	sdelay $0x2  }
.Ltmp20:
0x22f: {  	(pc) =	sbr.rel @p0 .LBB2_42-.Ltmp20, $4  }
0x230: {  	_ = 	snop  }
0x231: {  	v3 =	vadd.f32 v2, v3  }
0x232: {  	s14 =	sshra.s32 s9, $0x2  }
0x233: {  	s9 =	sadd.s32 $0x40, s9;
	v2 =	vld [tilespmem:s14+$0x8000];
	[tilespmem:s6+$0x8280] =	vst v3;
	s6 =	smov.u32 s14  }
0x234: {  	v3 =	vld [tilespmem:s6+$0x8280];
	_ =	sdelay $0x4  }
0x235: {  	s20 =	sld [smem:$0x7FD];
	v2 =	vadd.f32 v2, v3;
	_ =	sdelay $0x1  }
0x236: {  	[tilespmem:s6+$0x8280] =	vst v2  }
0x237: {  	[tilespmem:s11], [sflag:$0x1] =	stream.strided.gather [spmem:s20], $0x280, s10, s25, $0x38;
	[tilespmem:$0x1ED00] =	vst v63  }
0x238: {  	_ =	swait.ge [sflag:s31], $0x280  }
0x239: {  	[sflag:s31] =	ssyncset.done $0x0  }
0x23a: {  	s6 =	simm.s32 $0x0;
	[sflag:s31] =	ssyncadd.s32 $0xFFFFFD80  }
0x23b: {  	s9 =	simm.s32 $0x40;
	v2 =	vld [tilespmem:s6+$0x8000]  }
.LBB2_44:
0x23c: {  	p0 =	sne.s32 s9, $0x9C0;
	v3 =	vld [tilespmem:s6+$0x8280];
	_ =	sdelay $0x2  }
.Ltmp21:
0x23d: {  	(pc) =	sbr.rel @p0 .LBB2_44-.Ltmp21, $4  }
0x23e: {  	_ = 	snop  }
0x23f: {  	v3 =	vadd.f32 v2, v3  }
0x240: {  	s14 =	sshra.s32 s9, $0x2  }
0x241: {  	s9 =	sadd.s32 $0x40, s9;
	v2 =	vld [tilespmem:s14+$0x8000];
	[tilespmem:s6+$0x8280] =	vst v3;
	s6 =	smov.u32 s14  }
0x242: {  	v3 =	vld [tilespmem:s6+$0x8280];
	_ =	sdelay $0x4  }
0x243: {  	v2 =	vadd.f32 v2, v3  }
0x244: {  	s9 =	simm.s32 $0x0  }
0x245: {  	[tilespmem:s6+$0x8280] =	vst v2;
	v2 =	vmov s9  }
0x246: {  	[tilespmem:s30], [sflag:$0x1] =	stream.linear.gather [spmem:s18], $0x2800, $0x38;
	[tilespmem:$0x1ED00] =	vst v63  }
0x247: {  	_ =	swait.ge [sflag:s31], $0x2800  }
0x248: {  	[sflag:s31] =	ssyncset.done $0x0  }
0x249: {  	[sflag:s31] =	ssyncadd.s32 $0xFFFFD800  }
0x24a: {  	v2 =	vld.idx.msk [tilespmem:v2+s12+$0x0], $0xffff;
	_ =	sdelay $0x4  }
0x24b: {  	v2 =	vadd.f32 $1.000000020e-16, v2;
	_ =	sdelay $0x1  }
0x24c: {  	(erf) = vrcp.f32 v2;
	_ =	sdelay $0x1  }
0x24d: {  	s6 =	simm.s32 $0x3040  }
0x24e: {  	v3 =	vld [tilespmem:s6+$0xFFFFFFF0]  }
0x24f: {  	v4 =	vld [tilespmem:s6+$0xFFFFFFC0]  }
0x250: {  	v2 =	vld [tilespmem:s6+$0xFFFFFFD0]  }
0x251: {  	v5 =	vld [tilespmem:s6+$0xFFFFFFE0]  }
0x252: {  	v9 =	vld [tilespmem:s6+$0x0];
	_ =	sdelay $0x1  }
0x253: {  	v7 =	vpop (erf)  }
0x254: {  	s20 =	simm.s32 $0x1;
	v6 =	vld [tilespmem:s6+$0x20];
	v4 =	vmul.f32 v7, v4;
	v8 =	vmul.f32 v2, v7  }
0x255: {  	v10 =	vld [tilespmem:s6+$0x10];
	v2 =	vmov s20;
	v5 =	vmul.f32 v5, v7;
	v3 =	vmul.f32 v3, v7  }
0x256: {  	v13 =	vld [tilespmem:s6+$0x30];
	v9 =	vmul.f32 v9, v7;
	v11 =	vmul.f32 $9.999999770e-03, v4;
	vm0 =	vge.f32 v8, $0.0e+00  }
0x257: {  	v12 =	vmul.f32 $9.999999770e-03, v8;
	vm1 =	vge.f32 v4, $0.0e+00;
	vm2 =	vge.f32 v5, $0.0e+00  }
0x258: {  	v14 =	vmul.f32 $9.999999770e-03, v5;
	v4 =	vsel vm1, v4, v11;
	v11 =	vmul.f32 $9.999999770e-03, v3  }
0x259: {  	v8 =	vsel vm0, v8, v12;
	vm0 =	vge.f32 v3, $0.0e+00;
	[tilespmem:s6+$0xFFFFFFC0] =	vst v4;
	v4 =	vmul.f32 v6, v7  }
0x25a: {  	[tilespmem:s6+$0xFFFFFFD0] =	vst v8;
	v8 =	vmul.f32 $9.999999770e-03, v9;
	v11 =	vsel vm0, v3, v11;
	v3 =	vmul.f32 v10, v7  }
0x25b: {  	v63 =	vsel vm2, v5, v14;
	vm1 =	vge.f32 v9, $0.0e+00;
	v5 =	vmul.f32 v13, v7  }
0x25c: {  	[tilespmem:s6+$0xFFFFFFE0] =	vst v63;
	v7 =	vmul.f32 $9.999999770e-03, v4;
	v9 =	vsel vm1, v9, v8;
	v6 =	vmul.f32 $9.999999770e-03, v3  }
0x25d: {  	s9 =	simm.s32 $0x2;
	[tilespmem:s6+$0xFFFFFFF0] =	vst v11;
	vm1 =	vge.f32 v4, $0.0e+00;
	v8 =	vmul.f32 $9.999999770e-03, v5;
	vm0 =	vge.f32 v3, $0.0e+00  }
.LBB2_46:
0x25e: {  	p0 =	sne.s32 s9, $0x4F;
	[tilespmem:s6+$0x0] =	vst v9;
	v3 =	vsel vm0, v3, v6;
	v4 =	vsel vm1, v4, v7;
	vm0 =	vge.f32 v5, $0.0e+00  }
0x25f: {  	[tilespmem:s6+$0x10] =	vst v3;
	v3 =	vsel vm0, v5, v8  }
0x260: {  	[tilespmem:s6+$0x20] =	vst v4  }
0x261: {  	[tilespmem:s6+$0x30] =	vst v3  }
0x262: {  	v2 =	vld.idx.msk [tilespmem:v2+s12+$0x0], $0xffff;
	_ =	sdelay $0x5  }
0x263: {  	v2 =	vadd.f32 $1.000000020e-16, v2;
	_ =	sdelay $0x1  }
0x264: {  	(erf) = vrcp.f32 v2;
	_ =	sdelay $0x1  }
0x265: {  	s6 =	sadd.s32 $0x80, s6  }
0x266: {  	v3 =	vld [tilespmem:s6+$0xFFFFFFF0]  }
0x267: {  	v2 =	vld [tilespmem:s6+$0xFFFFFFD0]  }
0x268: {  	v4 =	vld [tilespmem:s6+$0xFFFFFFC0]  }
0x269: {  	v5 =	vld [tilespmem:s6+$0xFFFFFFE0];
	_ =	sdelay $0x2  }
0x26a: {  	v6 =	vld [tilespmem:s6+$0x20];
	v7 =	vpop (erf)  }
0x26b: {  	v4 =	vmul.f32 v7, v4;
	v8 =	vmul.f32 v2, v7;
	v9 =	vld [tilespmem:s6+$0x0]  }
0x26c: {  	v2 =	vmov s9;
	v3 =	vmul.f32 v3, v7;
	v5 =	vmul.f32 v5, v7;
	v10 =	vld [tilespmem:s6+$0x10]  }
0x26d: {  	v11 =	vmul.f32 $9.999999770e-03, v4;
	vm0 =	vge.f32 v8, $0.0e+00;
	v12 =	vmul.f32 $9.999999770e-03, v8;
	v13 =	vld [tilespmem:s6+$0x30]  }
0x26e: {  	vm1 =	vge.f32 v4, $0.0e+00;
	vm2 =	vge.f32 v5, $0.0e+00;
	v14 =	vmul.f32 $9.999999770e-03, v5  }
0x26f: {  	v4 =	vsel vm1, v4, v11;
	v8 =	vsel vm0, v8, v12;
	v11 =	vmul.f32 $9.999999770e-03, v3  }
.Ltmp22:
0x270: {  	vm0 =	vge.f32 v3, $0.0e+00;
	[tilespmem:s6+$0xFFFFFFC0] =	vst v4;
	v5 =	vsel vm2, v5, v14;
	v9 =	vmul.f32 v9, v7;
	(pc) =	sbr.rel @p0 .LBB2_46-.Ltmp22, $4  }
0x271: {  	v4 =	vmul.f32 v6, v7;
	[tilespmem:s6+$0xFFFFFFD0] =	vst v8;
	v8 =	vsel vm0, v3, v11;
	v3 =	vmul.f32 v10, v7  }
0x272: {  	[tilespmem:s6+$0xFFFFFFE0] =	vst v5;
	vm1 =	vge.f32 v9, $0.0e+00;
	v10 =	vmul.f32 $9.999999770e-03, v9;
	v5 =	vmul.f32 v13, v7  }
0x273: {  	v7 =	vmul.f32 $9.999999770e-03, v4;
	[tilespmem:s6+$0xFFFFFFF0] =	vst v8;
	vm0 =	vge.f32 v3, $0.0e+00;
	v6 =	vmul.f32 $9.999999770e-03, v3  }
0x274: {  	s9 =	sadd.s32 $0x1, s9;
	v9 =	vsel vm1, v9, v10;
	vm1 =	vge.f32 v4, $0.0e+00;
	v8 =	vmul.f32 $9.999999770e-03, v5  }
0x275: {  	[tilespmem:s6+$0x0] =	vst v9;
	v3 =	vsel vm0, v3, v6  }
0x276: {  	v4 =	vsel vm1, v4, v7;
	vm0 =	vge.f32 v5, $0.0e+00;
	[tilespmem:s6+$0x10] =	vst v3  }
0x277: {  	v3 =	vsel vm0, v5, v8;
	[tilespmem:s6+$0x20] =	vst v4  }
0x278: {  	[tilespmem:s6+$0x30] =	vst v3  }
0x279: {  	v2 =	vld.idx.msk [tilespmem:v2+s12+$0x0], $0xffff;
	_ =	sdelay $0x4  }
0x27a: {  	v2 =	vadd.f32 $1.000000020e-16, v2;
	_ =	sdelay $0x1  }
0x27b: {  	(erf) = vrcp.f32 v2;
	_ =	sdelay $0x1  }
0x27c: {  	s16 =	sadd.s32 $0x80, s6  }
0x27d: {  	v3 =	vld [tilespmem:s16+$0xFFFFFFC0]  }
0x27e: {  	v4 =	vld [tilespmem:s16+$0xFFFFFFE0]  }
0x27f: {  	v5 =	vld [tilespmem:s16+$0xFFFFFFF0]  }
0x280: {  	v2 =	vld [tilespmem:s16+$0xFFFFFFD0]  }
0x281: {  	v7 =	vld [tilespmem:s16+$0x0];
	_ =	sdelay $0x1  }
0x282: {  	v6 =	vpop (erf)  }
0x283: {  	v3 =	vmul.f32 v6, v3  }
0x284: {  	v8 =	vld [tilespmem:s16+$0x10];
	v2 =	vmul.f32 v2, v6;
	v4 =	vmul.f32 v4, v6  }
0x285: {  	v9 =	vld [tilespmem:s16+$0x20];
	v5 =	vmul.f32 v5, v6;
	v7 =	vmul.f32 v7, v6  }
0x286: {  	v12 =	vld [tilespmem:s16+$0x30];
	v10 =	vmul.f32 $9.999999770e-03, v3;
	vm0 =	vge.f32 v2, $0.0e+00;
	v11 =	vmul.f32 $9.999999770e-03, v2  }
0x287: {  	vm1 =	vge.f32 v3, $0.0e+00;
	vm2 =	vge.f32 v4, $0.0e+00;
	v13 =	vmul.f32 $9.999999770e-03, v4  }
0x288: {  	v3 =	vsel vm1, v3, v10;
	v2 =	vsel vm0, v2, v11;
	v10 =	vmul.f32 $9.999999770e-03, v5  }
0x289: {  	vm0 =	vge.f32 v5, $0.0e+00;
	[tilespmem:s16+$0xFFFFFFC0] =	vst v3;
	v3 =	vsel vm2, v4, v13;
	v4 =	vmul.f32 v8, v6  }
0x28a: {  	[tilespmem:s16+$0xFFFFFFD0] =	vst v2;
	v8 =	vmul.f32 $9.999999770e-03, v7;
	v2 =	vsel vm0, v5, v10;
	v5 =	vmul.f32 v9, v6  }
0x28b: {  	[tilespmem:s16+$0xFFFFFFE0] =	vst v3;
	vm0 =	vge.f32 v7, $0.0e+00;
	v3 =	vmul.f32 v12, v6;
	v6 =	vmul.f32 $9.999999770e-03, v4  }
0x28c: {  	[tilespmem:s16+$0xFFFFFFF0] =	vst v2;
	vm1 =	vge.f32 v4, $0.0e+00;
	v7 =	vsel vm0, v7, v8;
	v2 =	vmul.f32 $9.999999770e-03, v5  }
0x28d: {  	vm0 =	vge.f32 v5, $0.0e+00;
	v8 =	vmul.f32 $9.999999770e-03, v3;
	[tilespmem:s16+$0x0] =	vst v7;
	v4 =	vsel vm1, v4, v6  }
0x28e: {  	v2 =	vsel vm0, v5, v2;
	vm0 =	vge.f32 v3, $0.0e+00;
	[tilespmem:s16+$0x10] =	vst v4  }
0x28f: {  	v3 =	vsel vm0, v3, v8;
	[tilespmem:s16+$0x20] =	vst v2  }
0x290: {  	s17 =	rddreg [dreg:$0x7];
	[tilespmem:s16+$0x30] =	vst v3  }
0x291: {  	[hbm4b:s17+s4] =	stream.linear.scatter [tilespmem:s30], [sflag:$0x4], $0x2800, $0x38;
	[tilespmem:$0x1ED00] =	vst v63  }
0x292: {  	_ =	swait.ge [sflag:s29], $0x2800  }
0x293: {  	s19 =	simm.s32 $0x50;
	[sflag:s29] =	ssyncset.done $0x0  }
0x294: {  	v2 =	vmov s19;
	s20 =	rddreg [dreg:$0x10];
	[sflag:s29] =	ssyncadd.s32 $0xFFFFD800  }
0x295: {  	[tilespmem:s30], [sflag:$0x1] =	stream.linear.gather [spmem:s20], $0x2800, $0x38;
	[tilespmem:$0x1ED00] =	vst v63  }
0x296: {  	_ =	swait.ge [sflag:s31], $0x2800  }
0x297: {  	[sflag:s31] =	ssyncset.done $0x0  }
0x298: {  	[sflag:s31] =	ssyncadd.s32 $0xFFFFD800  }
0x299: {  	v2 =	vld.idx.msk [tilespmem:v2+s12+$0x0], $0xffff;
	_ =	sdelay $0x4  }
0x29a: {  	v2 =	vadd.f32 $1.000000020e-16, v2;
	_ =	sdelay $0x1  }
0x29b: {  	(erf) = vrcp.f32 v2;
	_ =	sdelay $0x1  }
0x29c: {  	s6 =	simm.s32 $0x3040  }
0x29d: {  	v3 =	vld [tilespmem:s6+$0xFFFFFFF0]  }
0x29e: {  	v4 =	vld [tilespmem:s6+$0xFFFFFFC0]  }
0x29f: {  	v2 =	vld [tilespmem:s6+$0xFFFFFFD0]  }
0x2a0: {  	v5 =	vld [tilespmem:s6+$0xFFFFFFE0]  }
0x2a1: {  	v9 =	vld [tilespmem:s6+$0x0];
	_ =	sdelay $0x1  }
0x2a2: {  	v7 =	vpop (erf)  }
0x2a3: {  	s9 =	simm.s32 $0x51;
	v6 =	vld [tilespmem:s6+$0x20];
	v4 =	vmul.f32 v7, v4;
	v8 =	vmul.f32 v2, v7  }
0x2a4: {  	v10 =	vld [tilespmem:s6+$0x10];
	v2 =	vmov s9;
	v5 =	vmul.f32 v5, v7;
	v3 =	vmul.f32 v3, v7  }
0x2a5: {  	v62 =	vld [tilespmem:s6+$0x30];
	v9 =	vmul.f32 v9, v7;
	v11 =	vmul.f32 $9.999999770e-03, v4;
	vm0 =	vge.f32 v8, $0.0e+00  }
0x2a6: {  	v61 =	vmul.f32 $9.999999770e-03, v8;
	vm1 =	vge.f32 v4, $0.0e+00;
	vm2 =	vge.f32 v5, $0.0e+00  }
0x2a7: {  	v14 =	vmul.f32 $9.999999770e-03, v5;
	v4 =	vsel vm1, v4, v11;
	v11 =	vmul.f32 $9.999999770e-03, v3  }
0x2a8: {  	v8 =	vsel vm0, v8, v61;
	vm0 =	vge.f32 v3, $0.0e+00;
	[tilespmem:s6+$0xFFFFFFC0] =	vst v4;
	v4 =	vmul.f32 v6, v7  }
0x2a9: {  	[tilespmem:s6+$0xFFFFFFD0] =	vst v8;
	v8 =	vmul.f32 $9.999999770e-03, v9;
	v11 =	vsel vm0, v3, v11;
	v3 =	vmul.f32 v10, v7  }
0x2aa: {  	v63 =	vsel vm2, v5, v14;
	vm1 =	vge.f32 v9, $0.0e+00;
	v5 =	vmul.f32 v62, v7  }
0x2ab: {  	[tilespmem:s6+$0xFFFFFFE0] =	vst v63;
	v7 =	vmul.f32 $9.999999770e-03, v4;
	v9 =	vsel vm1, v9, v8;
	v6 =	vmul.f32 $9.999999770e-03, v3  }
0x2ac: {  	s9 =	simm.s32 $0x52;
	[tilespmem:s6+$0xFFFFFFF0] =	vst v11;
	vm1 =	vge.f32 v4, $0.0e+00;
	v8 =	vmul.f32 $9.999999770e-03, v5;
	vm0 =	vge.f32 v3, $0.0e+00  }
.LBB2_48:
0x2ad: {  	p0 =	sne.s32 s9, $0x9F;
	[tilespmem:s6+$0x0] =	vst v9;
	v3 =	vsel vm0, v3, v6;
	v4 =	vsel vm1, v4, v7;
	vm0 =	vge.f32 v5, $0.0e+00  }
0x2ae: {  	[tilespmem:s6+$0x10] =	vst v3;
	v3 =	vsel vm0, v5, v8  }
0x2af: {  	[tilespmem:s6+$0x20] =	vst v4  }
0x2b0: {  	[tilespmem:s6+$0x30] =	vst v3  }
0x2b1: {  	v2 =	vld.idx.msk [tilespmem:v2+s12+$0x0], $0xffff;
	_ =	sdelay $0x5  }
0x2b2: {  	v2 =	vadd.f32 $1.000000020e-16, v2;
	_ =	sdelay $0x1  }
0x2b3: {  	(erf) = vrcp.f32 v2;
	_ =	sdelay $0x1  }
0x2b4: {  	s6 =	sadd.s32 $0x80, s6  }
0x2b5: {  	v3 =	vld [tilespmem:s6+$0xFFFFFFF0]  }
0x2b6: {  	v2 =	vld [tilespmem:s6+$0xFFFFFFD0]  }
0x2b7: {  	v4 =	vld [tilespmem:s6+$0xFFFFFFC0]  }
0x2b8: {  	v5 =	vld [tilespmem:s6+$0xFFFFFFE0];
	_ =	sdelay $0x2  }
0x2b9: {  	v6 =	vld [tilespmem:s6+$0x20];
	v7 =	vpop (erf)  }
0x2ba: {  	v4 =	vmul.f32 v7, v4;
	v8 =	vmul.f32 v2, v7;
	v9 =	vld [tilespmem:s6+$0x0]  }
0x2bb: {  	v2 =	vmov s9;
	v3 =	vmul.f32 v3, v7;
	v5 =	vmul.f32 v5, v7;
	v10 =	vld [tilespmem:s6+$0x10]  }
0x2bc: {  	v11 =	vmul.f32 $9.999999770e-03, v4;
	vm0 =	vge.f32 v8, $0.0e+00;
	v12 =	vmul.f32 $9.999999770e-03, v8;
	v13 =	vld [tilespmem:s6+$0x30]  }
0x2bd: {  	vm1 =	vge.f32 v4, $0.0e+00;
	vm2 =	vge.f32 v5, $0.0e+00;
	v14 =	vmul.f32 $9.999999770e-03, v5  }
0x2be: {  	v4 =	vsel vm1, v4, v11;
	v8 =	vsel vm0, v8, v12;
	v11 =	vmul.f32 $9.999999770e-03, v3  }
.Ltmp23:
0x2bf: {  	vm0 =	vge.f32 v3, $0.0e+00;
	[tilespmem:s6+$0xFFFFFFC0] =	vst v4;
	v5 =	vsel vm2, v5, v14;
	v9 =	vmul.f32 v9, v7;
	(pc) =	sbr.rel @p0 .LBB2_48-.Ltmp23, $4  }
0x2c0: {  	v4 =	vmul.f32 v6, v7;
	[tilespmem:s6+$0xFFFFFFD0] =	vst v8;
	v8 =	vsel vm0, v3, v11;
	v3 =	vmul.f32 v10, v7  }
0x2c1: {  	[tilespmem:s6+$0xFFFFFFE0] =	vst v5;
	vm1 =	vge.f32 v9, $0.0e+00;
	v10 =	vmul.f32 $9.999999770e-03, v9;
	v5 =	vmul.f32 v13, v7  }
0x2c2: {  	v7 =	vmul.f32 $9.999999770e-03, v4;
	[tilespmem:s6+$0xFFFFFFF0] =	vst v8;
	vm0 =	vge.f32 v3, $0.0e+00;
	v6 =	vmul.f32 $9.999999770e-03, v3  }
0x2c3: {  	s9 =	sadd.s32 $0x1, s9;
	v9 =	vsel vm1, v9, v10;
	vm1 =	vge.f32 v4, $0.0e+00;
	v8 =	vmul.f32 $9.999999770e-03, v5  }
0x2c4: {  	[tilespmem:s6+$0x0] =	vst v9;
	v3 =	vsel vm0, v3, v6  }
0x2c5: {  	v4 =	vsel vm1, v4, v7;
	vm0 =	vge.f32 v5, $0.0e+00;
	[tilespmem:s6+$0x10] =	vst v3  }
0x2c6: {  	v3 =	vsel vm0, v5, v8;
	[tilespmem:s6+$0x20] =	vst v4  }
0x2c7: {  	[tilespmem:s6+$0x30] =	vst v3  }
0x2c8: {  	v2 =	vld.idx.msk [tilespmem:v2+s12+$0x0], $0xffff;
	_ =	sdelay $0x4  }
0x2c9: {  	v2 =	vadd.f32 $1.000000020e-16, v2;
	_ =	sdelay $0x1  }
0x2ca: {  	(erf) = vrcp.f32 v2;
	_ =	sdelay $0x1  }
0x2cb: {  	s16 =	sadd.s32 $0x80, s6  }
0x2cc: {  	v3 =	vld [tilespmem:s16+$0xFFFFFFC0]  }
0x2cd: {  	v4 =	vld [tilespmem:s16+$0xFFFFFFE0]  }
0x2ce: {  	v5 =	vld [tilespmem:s16+$0xFFFFFFF0]  }
0x2cf: {  	v2 =	vld [tilespmem:s16+$0xFFFFFFD0]  }
0x2d0: {  	v7 =	vld [tilespmem:s16+$0x0];
	_ =	sdelay $0x1  }
0x2d1: {  	v6 =	vpop (erf)  }
0x2d2: {  	v3 =	vmul.f32 v6, v3  }
0x2d3: {  	v8 =	vld [tilespmem:s16+$0x10];
	v2 =	vmul.f32 v2, v6;
	v4 =	vmul.f32 v4, v6  }
0x2d4: {  	v9 =	vld [tilespmem:s16+$0x20];
	v5 =	vmul.f32 v5, v6;
	v7 =	vmul.f32 v7, v6  }
0x2d5: {  	v12 =	vld [tilespmem:s16+$0x30];
	v10 =	vmul.f32 $9.999999770e-03, v3;
	vm0 =	vge.f32 v2, $0.0e+00;
	v11 =	vmul.f32 $9.999999770e-03, v2  }
0x2d6: {  	vm1 =	vge.f32 v3, $0.0e+00;
	vm2 =	vge.f32 v4, $0.0e+00;
	v13 =	vmul.f32 $9.999999770e-03, v4  }
0x2d7: {  	v3 =	vsel vm1, v3, v10;
	v2 =	vsel vm0, v2, v11;
	v10 =	vmul.f32 $9.999999770e-03, v5  }
0x2d8: {  	vm0 =	vge.f32 v5, $0.0e+00;
	[tilespmem:s16+$0xFFFFFFC0] =	vst v3;
	v3 =	vsel vm2, v4, v13;
	v4 =	vmul.f32 v8, v6  }
0x2d9: {  	[tilespmem:s16+$0xFFFFFFD0] =	vst v2;
	v8 =	vmul.f32 $9.999999770e-03, v7;
	v2 =	vsel vm0, v5, v10;
	v5 =	vmul.f32 v9, v6  }
0x2da: {  	[tilespmem:s16+$0xFFFFFFE0] =	vst v3;
	vm0 =	vge.f32 v7, $0.0e+00;
	v3 =	vmul.f32 v12, v6;
	v6 =	vmul.f32 $9.999999770e-03, v4  }
0x2db: {  	[tilespmem:s16+$0xFFFFFFF0] =	vst v2;
	vm1 =	vge.f32 v4, $0.0e+00;
	v7 =	vsel vm0, v7, v8;
	v2 =	vmul.f32 $9.999999770e-03, v5  }
0x2dc: {  	vm0 =	vge.f32 v5, $0.0e+00;
	v8 =	vmul.f32 $9.999999770e-03, v3;
	[tilespmem:s16+$0x0] =	vst v7;
	v4 =	vsel vm1, v4, v6  }
0x2dd: {  	v2 =	vsel vm0, v5, v2;
	vm0 =	vge.f32 v3, $0.0e+00;
	[tilespmem:s16+$0x10] =	vst v4  }
0x2de: {  	v3 =	vsel vm0, v3, v8;
	[tilespmem:s16+$0x20] =	vst v2  }
0x2df: {  	s17 =	rddreg [dreg:$0x8];
	[tilespmem:s16+$0x30] =	vst v3  }
0x2e0: {  	[hbm4b:s17+s4] =	stream.linear.scatter [tilespmem:s30], [sflag:$0x4], $0x2800, $0x38;
	[tilespmem:$0x1ED00] =	vst v63  }
0x2e1: {  	_ =	swait.ge [sflag:s29], $0x2800  }
0x2e2: {  	s19 =	simm.s32 $0xA0;
	[sflag:s29] =	ssyncset.done $0x0  }
0x2e3: {  	v2 =	vmov s19;
	s20 =	rddreg [dreg:$0x11];
	[sflag:s29] =	ssyncadd.s32 $0xFFFFD800  }
0x2e4: {  	[tilespmem:s30], [sflag:$0x1] =	stream.linear.gather [spmem:s20], $0x2800, $0x38;
	[tilespmem:$0x1ED00] =	vst v63  }
0x2e5: {  	_ =	swait.ge [sflag:s31], $0x2800  }
0x2e6: {  	[sflag:s31] =	ssyncset.done $0x0  }
0x2e7: {  	[sflag:s31] =	ssyncadd.s32 $0xFFFFD800  }
0x2e8: {  	v2 =	vld.idx.msk [tilespmem:v2+s12+$0x0], $0xffff;
	_ =	sdelay $0x4  }
0x2e9: {  	v2 =	vadd.f32 $1.000000020e-16, v2;
	_ =	sdelay $0x1  }
0x2ea: {  	(erf) = vrcp.f32 v2;
	_ =	sdelay $0x1  }
0x2eb: {  	s6 =	simm.s32 $0x3040  }
0x2ec: {  	v3 =	vld [tilespmem:s6+$0xFFFFFFF0]  }
0x2ed: {  	v4 =	vld [tilespmem:s6+$0xFFFFFFC0]  }
0x2ee: {  	v2 =	vld [tilespmem:s6+$0xFFFFFFD0]  }
0x2ef: {  	v5 =	vld [tilespmem:s6+$0xFFFFFFE0]  }
0x2f0: {  	v9 =	vld [tilespmem:s6+$0x0];
	_ =	sdelay $0x1  }
0x2f1: {  	v7 =	vpop (erf)  }
0x2f2: {  	s9 =	simm.s32 $0xA1;
	v6 =	vld [tilespmem:s6+$0x20];
	v4 =	vmul.f32 v7, v4;
	v8 =	vmul.f32 v2, v7  }
0x2f3: {  	v10 =	vld [tilespmem:s6+$0x10];
	v2 =	vmov s9;
	v5 =	vmul.f32 v5, v7;
	v3 =	vmul.f32 v3, v7  }
0x2f4: {  	v62 =	vld [tilespmem:s6+$0x30];
	v9 =	vmul.f32 v9, v7;
	v11 =	vmul.f32 $9.999999770e-03, v4;
	vm0 =	vge.f32 v8, $0.0e+00  }
0x2f5: {  	v61 =	vmul.f32 $9.999999770e-03, v8;
	vm1 =	vge.f32 v4, $0.0e+00;
	vm2 =	vge.f32 v5, $0.0e+00  }
0x2f6: {  	v14 =	vmul.f32 $9.999999770e-03, v5;
	v4 =	vsel vm1, v4, v11;
	v11 =	vmul.f32 $9.999999770e-03, v3  }
0x2f7: {  	v8 =	vsel vm0, v8, v61;
	vm0 =	vge.f32 v3, $0.0e+00;
	[tilespmem:s6+$0xFFFFFFC0] =	vst v4;
	v4 =	vmul.f32 v6, v7  }
0x2f8: {  	[tilespmem:s6+$0xFFFFFFD0] =	vst v8;
	v8 =	vmul.f32 $9.999999770e-03, v9;
	v11 =	vsel vm0, v3, v11;
	v3 =	vmul.f32 v10, v7  }
0x2f9: {  	v63 =	vsel vm2, v5, v14;
	vm1 =	vge.f32 v9, $0.0e+00;
	v5 =	vmul.f32 v62, v7  }
0x2fa: {  	[tilespmem:s6+$0xFFFFFFE0] =	vst v63;
	v7 =	vmul.f32 $9.999999770e-03, v4;
	v9 =	vsel vm1, v9, v8;
	v6 =	vmul.f32 $9.999999770e-03, v3  }
0x2fb: {  	s9 =	simm.s32 $0xA2;
	[tilespmem:s6+$0xFFFFFFF0] =	vst v11;
	vm1 =	vge.f32 v4, $0.0e+00;
	v8 =	vmul.f32 $9.999999770e-03, v5;
	vm0 =	vge.f32 v3, $0.0e+00  }
.LBB2_50:
0x2fc: {  	p0 =	sne.s32 s9, $0xEF;
	[tilespmem:s6+$0x0] =	vst v9;
	v3 =	vsel vm0, v3, v6;
	v4 =	vsel vm1, v4, v7;
	vm0 =	vge.f32 v5, $0.0e+00  }
0x2fd: {  	[tilespmem:s6+$0x10] =	vst v3;
	v3 =	vsel vm0, v5, v8  }
0x2fe: {  	[tilespmem:s6+$0x20] =	vst v4  }
0x2ff: {  	[tilespmem:s6+$0x30] =	vst v3  }
0x300: {  	v2 =	vld.idx.msk [tilespmem:v2+s12+$0x0], $0xffff;
	_ =	sdelay $0x5  }
0x301: {  	v2 =	vadd.f32 $1.000000020e-16, v2;
	_ =	sdelay $0x1  }
0x302: {  	(erf) = vrcp.f32 v2;
	_ =	sdelay $0x1  }
0x303: {  	s6 =	sadd.s32 $0x80, s6  }
0x304: {  	v3 =	vld [tilespmem:s6+$0xFFFFFFF0]  }
0x305: {  	v2 =	vld [tilespmem:s6+$0xFFFFFFD0]  }
0x306: {  	v4 =	vld [tilespmem:s6+$0xFFFFFFC0]  }
0x307: {  	v5 =	vld [tilespmem:s6+$0xFFFFFFE0];
	_ =	sdelay $0x2  }
0x308: {  	v6 =	vld [tilespmem:s6+$0x20];
	v7 =	vpop (erf)  }
0x309: {  	v4 =	vmul.f32 v7, v4;
	v8 =	vmul.f32 v2, v7;
	v9 =	vld [tilespmem:s6+$0x0]  }
0x30a: {  	v2 =	vmov s9;
	v3 =	vmul.f32 v3, v7;
	v5 =	vmul.f32 v5, v7;
	v10 =	vld [tilespmem:s6+$0x10]  }
0x30b: {  	v11 =	vmul.f32 $9.999999770e-03, v4;
	vm0 =	vge.f32 v8, $0.0e+00;
	v12 =	vmul.f32 $9.999999770e-03, v8;
	v13 =	vld [tilespmem:s6+$0x30]  }
0x30c: {  	vm1 =	vge.f32 v4, $0.0e+00;
	vm2 =	vge.f32 v5, $0.0e+00;
	v14 =	vmul.f32 $9.999999770e-03, v5  }
0x30d: {  	v4 =	vsel vm1, v4, v11;
	v8 =	vsel vm0, v8, v12;
	v11 =	vmul.f32 $9.999999770e-03, v3  }
.Ltmp24:
0x30e: {  	vm0 =	vge.f32 v3, $0.0e+00;
	[tilespmem:s6+$0xFFFFFFC0] =	vst v4;
	v5 =	vsel vm2, v5, v14;
	v9 =	vmul.f32 v9, v7;
	(pc) =	sbr.rel @p0 .LBB2_50-.Ltmp24, $4  }
0x30f: {  	v4 =	vmul.f32 v6, v7;
	[tilespmem:s6+$0xFFFFFFD0] =	vst v8;
	v8 =	vsel vm0, v3, v11;
	v3 =	vmul.f32 v10, v7  }
0x310: {  	[tilespmem:s6+$0xFFFFFFE0] =	vst v5;
	vm1 =	vge.f32 v9, $0.0e+00;
	v10 =	vmul.f32 $9.999999770e-03, v9;
	v5 =	vmul.f32 v13, v7  }
0x311: {  	v7 =	vmul.f32 $9.999999770e-03, v4;
	[tilespmem:s6+$0xFFFFFFF0] =	vst v8;
	vm0 =	vge.f32 v3, $0.0e+00;
	v6 =	vmul.f32 $9.999999770e-03, v3  }
0x312: {  	s9 =	sadd.s32 $0x1, s9;
	v9 =	vsel vm1, v9, v10;
	vm1 =	vge.f32 v4, $0.0e+00;
	v8 =	vmul.f32 $9.999999770e-03, v5  }
0x313: {  	[tilespmem:s6+$0x0] =	vst v9;
	v3 =	vsel vm0, v3, v6  }
0x314: {  	v4 =	vsel vm1, v4, v7;
	vm0 =	vge.f32 v5, $0.0e+00;
	[tilespmem:s6+$0x10] =	vst v3  }
0x315: {  	v3 =	vsel vm0, v5, v8;
	[tilespmem:s6+$0x20] =	vst v4  }
0x316: {  	[tilespmem:s6+$0x30] =	vst v3  }
0x317: {  	v2 =	vld.idx.msk [tilespmem:v2+s12+$0x0], $0xffff;
	_ =	sdelay $0x4  }
0x318: {  	v2 =	vadd.f32 $1.000000020e-16, v2;
	_ =	sdelay $0x1  }
0x319: {  	(erf) = vrcp.f32 v2;
	_ =	sdelay $0x1  }
0x31a: {  	s16 =	sadd.s32 $0x80, s6  }
0x31b: {  	v3 =	vld [tilespmem:s16+$0xFFFFFFC0]  }
0x31c: {  	v4 =	vld [tilespmem:s16+$0xFFFFFFE0]  }
0x31d: {  	v5 =	vld [tilespmem:s16+$0xFFFFFFF0]  }
0x31e: {  	v2 =	vld [tilespmem:s16+$0xFFFFFFD0]  }
0x31f: {  	v7 =	vld [tilespmem:s16+$0x0];
	_ =	sdelay $0x1  }
0x320: {  	v6 =	vpop (erf)  }
0x321: {  	v3 =	vmul.f32 v6, v3  }
0x322: {  	v8 =	vld [tilespmem:s16+$0x10];
	v2 =	vmul.f32 v2, v6;
	v4 =	vmul.f32 v4, v6  }
0x323: {  	v9 =	vld [tilespmem:s16+$0x20];
	v5 =	vmul.f32 v5, v6;
	v7 =	vmul.f32 v7, v6  }
0x324: {  	v12 =	vld [tilespmem:s16+$0x30];
	v10 =	vmul.f32 $9.999999770e-03, v3;
	vm0 =	vge.f32 v2, $0.0e+00;
	v11 =	vmul.f32 $9.999999770e-03, v2  }
0x325: {  	vm1 =	vge.f32 v3, $0.0e+00;
	vm2 =	vge.f32 v4, $0.0e+00;
	v13 =	vmul.f32 $9.999999770e-03, v4  }
0x326: {  	v3 =	vsel vm1, v3, v10;
	v2 =	vsel vm0, v2, v11;
	v10 =	vmul.f32 $9.999999770e-03, v5  }
0x327: {  	vm0 =	vge.f32 v5, $0.0e+00;
	[tilespmem:s16+$0xFFFFFFC0] =	vst v3;
	v3 =	vsel vm2, v4, v13;
	v4 =	vmul.f32 v8, v6  }
0x328: {  	[tilespmem:s16+$0xFFFFFFD0] =	vst v2;
	v8 =	vmul.f32 $9.999999770e-03, v7;
	v2 =	vsel vm0, v5, v10;
	v5 =	vmul.f32 v9, v6  }
0x329: {  	[tilespmem:s16+$0xFFFFFFE0] =	vst v3;
	vm0 =	vge.f32 v7, $0.0e+00;
	v3 =	vmul.f32 v12, v6;
	v6 =	vmul.f32 $9.999999770e-03, v4  }
0x32a: {  	[tilespmem:s16+$0xFFFFFFF0] =	vst v2;
	vm1 =	vge.f32 v4, $0.0e+00;
	v7 =	vsel vm0, v7, v8;
	v2 =	vmul.f32 $9.999999770e-03, v5  }
0x32b: {  	vm0 =	vge.f32 v5, $0.0e+00;
	v8 =	vmul.f32 $9.999999770e-03, v3;
	[tilespmem:s16+$0x0] =	vst v7;
	v4 =	vsel vm1, v4, v6  }
0x32c: {  	v2 =	vsel vm0, v5, v2;
	vm0 =	vge.f32 v3, $0.0e+00;
	[tilespmem:s16+$0x10] =	vst v4  }
0x32d: {  	v3 =	vsel vm0, v3, v8;
	[tilespmem:s16+$0x20] =	vst v2  }
0x32e: {  	s17 =	rddreg [dreg:$0x9];
	[tilespmem:s16+$0x30] =	vst v3  }
0x32f: {  	[hbm4b:s17+s4] =	stream.linear.scatter [tilespmem:s30], [sflag:$0x4], $0x2800, $0x38;
	[tilespmem:$0x1ED00] =	vst v63  }
0x330: {  	_ =	swait.ge [sflag:s29], $0x2800  }
0x331: {  	s19 =	simm.s32 $0xF0;
	[sflag:s29] =	ssyncset.done $0x0  }
0x332: {  	v2 =	vmov s19;
	s20 =	rddreg [dreg:$0x12];
	[sflag:s29] =	ssyncadd.s32 $0xFFFFD800  }
0x333: {  	[tilespmem:s30], [sflag:$0x1] =	stream.linear.gather [spmem:s20], $0x2800, $0x38;
	[tilespmem:$0x1ED00] =	vst v63  }
0x334: {  	_ =	swait.ge [sflag:s31], $0x2800  }
0x335: {  	[sflag:s31] =	ssyncset.done $0x0  }
0x336: {  	[sflag:s31] =	ssyncadd.s32 $0xFFFFD800  }
0x337: {  	v2 =	vld.idx.msk [tilespmem:v2+s12+$0x0], $0xffff;
	_ =	sdelay $0x4  }
0x338: {  	v2 =	vadd.f32 $1.000000020e-16, v2;
	_ =	sdelay $0x1  }
0x339: {  	(erf) = vrcp.f32 v2;
	_ =	sdelay $0x1  }
0x33a: {  	s6 =	simm.s32 $0x3040  }
0x33b: {  	v3 =	vld [tilespmem:s6+$0xFFFFFFF0]  }
0x33c: {  	v4 =	vld [tilespmem:s6+$0xFFFFFFC0]  }
0x33d: {  	v2 =	vld [tilespmem:s6+$0xFFFFFFD0]  }
0x33e: {  	v5 =	vld [tilespmem:s6+$0xFFFFFFE0]  }
0x33f: {  	v9 =	vld [tilespmem:s6+$0x0];
	_ =	sdelay $0x1  }
0x340: {  	v7 =	vpop (erf)  }
0x341: {  	s9 =	simm.s32 $0xF1;
	v6 =	vld [tilespmem:s6+$0x20];
	v4 =	vmul.f32 v7, v4;
	v8 =	vmul.f32 v2, v7  }
0x342: {  	v10 =	vld [tilespmem:s6+$0x10];
	v2 =	vmov s9;
	v5 =	vmul.f32 v5, v7;
	v3 =	vmul.f32 v3, v7  }
0x343: {  	v62 =	vld [tilespmem:s6+$0x30];
	v9 =	vmul.f32 v9, v7;
	v11 =	vmul.f32 $9.999999770e-03, v4;
	vm0 =	vge.f32 v8, $0.0e+00  }
0x344: {  	v61 =	vmul.f32 $9.999999770e-03, v8;
	vm1 =	vge.f32 v4, $0.0e+00;
	vm2 =	vge.f32 v5, $0.0e+00  }
0x345: {  	v14 =	vmul.f32 $9.999999770e-03, v5;
	v4 =	vsel vm1, v4, v11;
	v11 =	vmul.f32 $9.999999770e-03, v3  }
0x346: {  	v8 =	vsel vm0, v8, v61;
	vm0 =	vge.f32 v3, $0.0e+00;
	[tilespmem:s6+$0xFFFFFFC0] =	vst v4;
	v4 =	vmul.f32 v6, v7  }
0x347: {  	[tilespmem:s6+$0xFFFFFFD0] =	vst v8;
	v8 =	vmul.f32 $9.999999770e-03, v9;
	v11 =	vsel vm0, v3, v11;
	v3 =	vmul.f32 v10, v7  }
0x348: {  	v63 =	vsel vm2, v5, v14;
	vm1 =	vge.f32 v9, $0.0e+00;
	v5 =	vmul.f32 v62, v7  }
0x349: {  	[tilespmem:s6+$0xFFFFFFE0] =	vst v63;
	v7 =	vmul.f32 $9.999999770e-03, v4;
	v9 =	vsel vm1, v9, v8;
	v6 =	vmul.f32 $9.999999770e-03, v3  }
0x34a: {  	s9 =	simm.s32 $0xF2;
	[tilespmem:s6+$0xFFFFFFF0] =	vst v11;
	vm1 =	vge.f32 v4, $0.0e+00;
	v8 =	vmul.f32 $9.999999770e-03, v5;
	vm0 =	vge.f32 v3, $0.0e+00  }
.LBB2_52:
0x34b: {  	p0 =	sne.s32 s9, $0x13F;
	[tilespmem:s6+$0x0] =	vst v9;
	v3 =	vsel vm0, v3, v6;
	v4 =	vsel vm1, v4, v7;
	vm0 =	vge.f32 v5, $0.0e+00  }
0x34c: {  	[tilespmem:s6+$0x10] =	vst v3;
	v3 =	vsel vm0, v5, v8  }
0x34d: {  	[tilespmem:s6+$0x20] =	vst v4  }
0x34e: {  	[tilespmem:s6+$0x30] =	vst v3  }
0x34f: {  	v2 =	vld.idx.msk [tilespmem:v2+s12+$0x0], $0xffff;
	_ =	sdelay $0x5  }
0x350: {  	v2 =	vadd.f32 $1.000000020e-16, v2;
	_ =	sdelay $0x1  }
0x351: {  	(erf) = vrcp.f32 v2;
	_ =	sdelay $0x1  }
0x352: {  	s6 =	sadd.s32 $0x80, s6  }
0x353: {  	v3 =	vld [tilespmem:s6+$0xFFFFFFF0]  }
0x354: {  	v2 =	vld [tilespmem:s6+$0xFFFFFFD0]  }
0x355: {  	v4 =	vld [tilespmem:s6+$0xFFFFFFC0]  }
0x356: {  	v5 =	vld [tilespmem:s6+$0xFFFFFFE0];
	_ =	sdelay $0x2  }
0x357: {  	v6 =	vld [tilespmem:s6+$0x20];
	v7 =	vpop (erf)  }
0x358: {  	v4 =	vmul.f32 v7, v4;
	v8 =	vmul.f32 v2, v7;
	v9 =	vld [tilespmem:s6+$0x0]  }
0x359: {  	v2 =	vmov s9;
	v3 =	vmul.f32 v3, v7;
	v5 =	vmul.f32 v5, v7;
	v10 =	vld [tilespmem:s6+$0x10]  }
0x35a: {  	v11 =	vmul.f32 $9.999999770e-03, v4;
	vm0 =	vge.f32 v8, $0.0e+00;
	v12 =	vmul.f32 $9.999999770e-03, v8;
	v13 =	vld [tilespmem:s6+$0x30]  }
0x35b: {  	vm1 =	vge.f32 v4, $0.0e+00;
	vm2 =	vge.f32 v5, $0.0e+00;
	v14 =	vmul.f32 $9.999999770e-03, v5  }
0x35c: {  	v4 =	vsel vm1, v4, v11;
	v8 =	vsel vm0, v8, v12;
	v11 =	vmul.f32 $9.999999770e-03, v3  }
.Ltmp25:
0x35d: {  	vm0 =	vge.f32 v3, $0.0e+00;
	[tilespmem:s6+$0xFFFFFFC0] =	vst v4;
	v5 =	vsel vm2, v5, v14;
	v9 =	vmul.f32 v9, v7;
	(pc) =	sbr.rel @p0 .LBB2_52-.Ltmp25, $4  }
0x35e: {  	v4 =	vmul.f32 v6, v7;
	[tilespmem:s6+$0xFFFFFFD0] =	vst v8;
	v8 =	vsel vm0, v3, v11;
	v3 =	vmul.f32 v10, v7  }
0x35f: {  	[tilespmem:s6+$0xFFFFFFE0] =	vst v5;
	vm1 =	vge.f32 v9, $0.0e+00;
	v10 =	vmul.f32 $9.999999770e-03, v9;
	v5 =	vmul.f32 v13, v7  }
0x360: {  	v7 =	vmul.f32 $9.999999770e-03, v4;
	[tilespmem:s6+$0xFFFFFFF0] =	vst v8;
	vm0 =	vge.f32 v3, $0.0e+00;
	v6 =	vmul.f32 $9.999999770e-03, v3  }
0x361: {  	s9 =	sadd.s32 $0x1, s9;
	v9 =	vsel vm1, v9, v10;
	vm1 =	vge.f32 v4, $0.0e+00;
	v8 =	vmul.f32 $9.999999770e-03, v5  }
0x362: {  	[tilespmem:s6+$0x0] =	vst v9;
	v3 =	vsel vm0, v3, v6  }
0x363: {  	v4 =	vsel vm1, v4, v7;
	vm0 =	vge.f32 v5, $0.0e+00;
	[tilespmem:s6+$0x10] =	vst v3  }
0x364: {  	v3 =	vsel vm0, v5, v8;
	[tilespmem:s6+$0x20] =	vst v4  }
0x365: {  	[tilespmem:s6+$0x30] =	vst v3  }
0x366: {  	v2 =	vld.idx.msk [tilespmem:v2+s12+$0x0], $0xffff;
	_ =	sdelay $0x4  }
0x367: {  	v2 =	vadd.f32 $1.000000020e-16, v2;
	_ =	sdelay $0x1  }
0x368: {  	(erf) = vrcp.f32 v2;
	_ =	sdelay $0x1  }
0x369: {  	s17 =	sadd.s32 $0x80, s6  }
0x36a: {  	v3 =	vld [tilespmem:s17+$0xFFFFFFC0]  }
0x36b: {  	v4 =	vld [tilespmem:s17+$0xFFFFFFE0]  }
0x36c: {  	v5 =	vld [tilespmem:s17+$0xFFFFFFF0]  }
0x36d: {  	v2 =	vld [tilespmem:s17+$0xFFFFFFD0]  }
0x36e: {  	v7 =	vld [tilespmem:s17+$0x0];
	_ =	sdelay $0x1  }
0x36f: {  	v6 =	vpop (erf)  }
0x370: {  	v3 =	vmul.f32 v6, v3  }
0x371: {  	v8 =	vld [tilespmem:s17+$0x10];
	v2 =	vmul.f32 v2, v6;
	v4 =	vmul.f32 v4, v6  }
0x372: {  	v9 =	vld [tilespmem:s17+$0x20];
	v5 =	vmul.f32 v5, v6;
	v7 =	vmul.f32 v7, v6  }
0x373: {  	v12 =	vld [tilespmem:s17+$0x30];
	v10 =	vmul.f32 $9.999999770e-03, v3;
	vm0 =	vge.f32 v2, $0.0e+00;
	v11 =	vmul.f32 $9.999999770e-03, v2  }
0x374: {  	vm1 =	vge.f32 v3, $0.0e+00;
	vm2 =	vge.f32 v4, $0.0e+00;
	v13 =	vmul.f32 $9.999999770e-03, v4  }
0x375: {  	v3 =	vsel vm1, v3, v10;
	v2 =	vsel vm0, v2, v11;
	v10 =	vmul.f32 $9.999999770e-03, v5  }
0x376: {  	vm0 =	vge.f32 v5, $0.0e+00;
	[tilespmem:s17+$0xFFFFFFC0] =	vst v3;
	v3 =	vsel vm2, v4, v13;
	v4 =	vmul.f32 v8, v6  }
0x377: {  	[tilespmem:s17+$0xFFFFFFD0] =	vst v2;
	v8 =	vmul.f32 $9.999999770e-03, v7;
	v2 =	vsel vm0, v5, v10;
	v5 =	vmul.f32 v9, v6  }
0x378: {  	[tilespmem:s17+$0xFFFFFFE0] =	vst v3;
	vm0 =	vge.f32 v7, $0.0e+00;
	v3 =	vmul.f32 v12, v6;
	v6 =	vmul.f32 $9.999999770e-03, v4  }
0x379: {  	[tilespmem:s17+$0xFFFFFFF0] =	vst v2;
	vm1 =	vge.f32 v4, $0.0e+00;
	v7 =	vsel vm0, v7, v8;
	v2 =	vmul.f32 $9.999999770e-03, v5  }
0x37a: {  	vm0 =	vge.f32 v5, $0.0e+00;
	v8 =	vmul.f32 $9.999999770e-03, v3;
	[tilespmem:s17+$0x0] =	vst v7;
	v4 =	vsel vm1, v4, v6  }
0x37b: {  	v2 =	vsel vm0, v5, v2;
	vm0 =	vge.f32 v3, $0.0e+00;
	[tilespmem:s17+$0x10] =	vst v4  }
0x37c: {  	v3 =	vsel vm0, v3, v8;
	[tilespmem:s17+$0x20] =	vst v2  }
0x37d: {  	s19 =	rddreg [dreg:$0xa];
	[tilespmem:s17+$0x30] =	vst v3  }
0x37e: {  	[hbm4b:s19+s4] =	stream.linear.scatter [tilespmem:s30], [sflag:$0x4], $0x2800, $0x38;
	[tilespmem:$0x1ED00] =	vst v63  }
0x37f: {  	_ =	swait.ge [sflag:s29], $0x2800  }
0x380: {  	s20 =	simm.s32 $0x140;
	[sflag:s29] =	ssyncset.done $0x0  }
0x381: {  	v2 =	vmov s20;
	[sflag:s29] =	ssyncadd.s32 $0xFFFFD800  }
0x382: {  	[tilespmem:s30], [sflag:$0x1] =	stream.linear.gather [spmem:s21], $0x2800, $0x38;
	[tilespmem:$0x1ED00] =	vst v63  }
0x383: {  	_ =	swait.ge [sflag:s31], $0x2800  }
0x384: {  	[sflag:s31] =	ssyncset.done $0x0  }
0x385: {  	[sflag:s31] =	ssyncadd.s32 $0xFFFFD800  }
0x386: {  	v2 =	vld.idx.msk [tilespmem:v2+s12+$0x0], $0xffff;
	_ =	sdelay $0x4  }
0x387: {  	v2 =	vadd.f32 $1.000000020e-16, v2;
	_ =	sdelay $0x1  }
0x388: {  	(erf) = vrcp.f32 v2;
	_ =	sdelay $0x1  }
0x389: {  	s6 =	simm.s32 $0x3040  }
0x38a: {  	v3 =	vld [tilespmem:s6+$0xFFFFFFF0]  }
0x38b: {  	v4 =	vld [tilespmem:s6+$0xFFFFFFC0]  }
0x38c: {  	v2 =	vld [tilespmem:s6+$0xFFFFFFD0]  }
0x38d: {  	v5 =	vld [tilespmem:s6+$0xFFFFFFE0]  }
0x38e: {  	v9 =	vld [tilespmem:s6+$0x0];
	_ =	sdelay $0x1  }
0x38f: {  	v7 =	vpop (erf)  }
0x390: {  	s9 =	simm.s32 $0x141;
	v6 =	vld [tilespmem:s6+$0x20];
	v4 =	vmul.f32 v7, v4;
	v8 =	vmul.f32 v2, v7  }
0x391: {  	v10 =	vld [tilespmem:s6+$0x10];
	v2 =	vmov s9;
	v5 =	vmul.f32 v5, v7;
	v3 =	vmul.f32 v3, v7  }
0x392: {  	v62 =	vld [tilespmem:s6+$0x30];
	v9 =	vmul.f32 v9, v7;
	v11 =	vmul.f32 $9.999999770e-03, v4;
	vm0 =	vge.f32 v8, $0.0e+00  }
0x393: {  	v61 =	vmul.f32 $9.999999770e-03, v8;
	vm1 =	vge.f32 v4, $0.0e+00;
	vm2 =	vge.f32 v5, $0.0e+00  }
0x394: {  	v14 =	vmul.f32 $9.999999770e-03, v5;
	v4 =	vsel vm1, v4, v11;
	v11 =	vmul.f32 $9.999999770e-03, v3  }
0x395: {  	v8 =	vsel vm0, v8, v61;
	vm0 =	vge.f32 v3, $0.0e+00;
	[tilespmem:s6+$0xFFFFFFC0] =	vst v4;
	v4 =	vmul.f32 v6, v7  }
0x396: {  	[tilespmem:s6+$0xFFFFFFD0] =	vst v8;
	v8 =	vmul.f32 $9.999999770e-03, v9;
	v11 =	vsel vm0, v3, v11;
	v3 =	vmul.f32 v10, v7  }
0x397: {  	v63 =	vsel vm2, v5, v14;
	vm1 =	vge.f32 v9, $0.0e+00;
	v5 =	vmul.f32 v62, v7  }
0x398: {  	[tilespmem:s6+$0xFFFFFFE0] =	vst v63;
	v7 =	vmul.f32 $9.999999770e-03, v4;
	v9 =	vsel vm1, v9, v8;
	v6 =	vmul.f32 $9.999999770e-03, v3  }
0x399: {  	s9 =	simm.s32 $0x142;
	[tilespmem:s6+$0xFFFFFFF0] =	vst v11;
	vm1 =	vge.f32 v4, $0.0e+00;
	v8 =	vmul.f32 $9.999999770e-03, v5;
	vm0 =	vge.f32 v3, $0.0e+00  }
.LBB2_54:
0x39a: {  	p0 =	sne.s32 s9, $0x18F;
	[tilespmem:s6+$0x0] =	vst v9;
	v3 =	vsel vm0, v3, v6;
	v4 =	vsel vm1, v4, v7;
	vm0 =	vge.f32 v5, $0.0e+00  }
0x39b: {  	[tilespmem:s6+$0x10] =	vst v3;
	v3 =	vsel vm0, v5, v8  }
0x39c: {  	[tilespmem:s6+$0x20] =	vst v4  }
0x39d: {  	[tilespmem:s6+$0x30] =	vst v3  }
0x39e: {  	v2 =	vld.idx.msk [tilespmem:v2+s12+$0x0], $0xffff;
	_ =	sdelay $0x5  }
0x39f: {  	v2 =	vadd.f32 $1.000000020e-16, v2;
	_ =	sdelay $0x1  }
0x3a0: {  	(erf) = vrcp.f32 v2;
	_ =	sdelay $0x1  }
0x3a1: {  	s6 =	sadd.s32 $0x80, s6  }
0x3a2: {  	v3 =	vld [tilespmem:s6+$0xFFFFFFF0]  }
0x3a3: {  	v2 =	vld [tilespmem:s6+$0xFFFFFFD0]  }
0x3a4: {  	v4 =	vld [tilespmem:s6+$0xFFFFFFC0]  }
0x3a5: {  	v5 =	vld [tilespmem:s6+$0xFFFFFFE0];
	_ =	sdelay $0x2  }
0x3a6: {  	v6 =	vld [tilespmem:s6+$0x20];
	v7 =	vpop (erf)  }
0x3a7: {  	v4 =	vmul.f32 v7, v4;
	v8 =	vmul.f32 v2, v7;
	v9 =	vld [tilespmem:s6+$0x0]  }
0x3a8: {  	v2 =	vmov s9;
	v3 =	vmul.f32 v3, v7;
	v5 =	vmul.f32 v5, v7;
	v10 =	vld [tilespmem:s6+$0x10]  }
0x3a9: {  	v11 =	vmul.f32 $9.999999770e-03, v4;
	vm0 =	vge.f32 v8, $0.0e+00;
	v12 =	vmul.f32 $9.999999770e-03, v8;
	v13 =	vld [tilespmem:s6+$0x30]  }
0x3aa: {  	vm1 =	vge.f32 v4, $0.0e+00;
	vm2 =	vge.f32 v5, $0.0e+00;
	v14 =	vmul.f32 $9.999999770e-03, v5  }
0x3ab: {  	v4 =	vsel vm1, v4, v11;
	v8 =	vsel vm0, v8, v12;
	v11 =	vmul.f32 $9.999999770e-03, v3  }
.Ltmp26:
0x3ac: {  	vm0 =	vge.f32 v3, $0.0e+00;
	[tilespmem:s6+$0xFFFFFFC0] =	vst v4;
	v5 =	vsel vm2, v5, v14;
	v9 =	vmul.f32 v9, v7;
	(pc) =	sbr.rel @p0 .LBB2_54-.Ltmp26, $4  }
0x3ad: {  	v4 =	vmul.f32 v6, v7;
	[tilespmem:s6+$0xFFFFFFD0] =	vst v8;
	v8 =	vsel vm0, v3, v11;
	v3 =	vmul.f32 v10, v7  }
0x3ae: {  	[tilespmem:s6+$0xFFFFFFE0] =	vst v5;
	vm1 =	vge.f32 v9, $0.0e+00;
	v10 =	vmul.f32 $9.999999770e-03, v9;
	v5 =	vmul.f32 v13, v7  }
0x3af: {  	v7 =	vmul.f32 $9.999999770e-03, v4;
	[tilespmem:s6+$0xFFFFFFF0] =	vst v8;
	vm0 =	vge.f32 v3, $0.0e+00;
	v6 =	vmul.f32 $9.999999770e-03, v3  }
0x3b0: {  	s9 =	sadd.s32 $0x1, s9;
	v9 =	vsel vm1, v9, v10;
	vm1 =	vge.f32 v4, $0.0e+00;
	v8 =	vmul.f32 $9.999999770e-03, v5  }
0x3b1: {  	[tilespmem:s6+$0x0] =	vst v9;
	v3 =	vsel vm0, v3, v6  }
0x3b2: {  	v4 =	vsel vm1, v4, v7;
	vm0 =	vge.f32 v5, $0.0e+00;
	[tilespmem:s6+$0x10] =	vst v3  }
0x3b3: {  	v3 =	vsel vm0, v5, v8;
	[tilespmem:s6+$0x20] =	vst v4  }
0x3b4: {  	[tilespmem:s6+$0x30] =	vst v3  }
0x3b5: {  	v2 =	vld.idx.msk [tilespmem:v2+s12+$0x0], $0xffff;
	_ =	sdelay $0x4  }
0x3b6: {  	v2 =	vadd.f32 $1.000000020e-16, v2;
	_ =	sdelay $0x1  }
0x3b7: {  	(erf) = vrcp.f32 v2;
	_ =	sdelay $0x1  }
0x3b8: {  	s17 =	sadd.s32 $0x80, s6  }
0x3b9: {  	v3 =	vld [tilespmem:s17+$0xFFFFFFC0]  }
0x3ba: {  	v4 =	vld [tilespmem:s17+$0xFFFFFFE0]  }
0x3bb: {  	v5 =	vld [tilespmem:s17+$0xFFFFFFF0]  }
0x3bc: {  	v2 =	vld [tilespmem:s17+$0xFFFFFFD0]  }
0x3bd: {  	v7 =	vld [tilespmem:s17+$0x0];
	_ =	sdelay $0x1  }
0x3be: {  	v6 =	vpop (erf)  }
0x3bf: {  	v3 =	vmul.f32 v6, v3  }
0x3c0: {  	v8 =	vld [tilespmem:s17+$0x10];
	v2 =	vmul.f32 v2, v6;
	v4 =	vmul.f32 v4, v6  }
0x3c1: {  	v9 =	vld [tilespmem:s17+$0x20];
	v5 =	vmul.f32 v5, v6;
	v7 =	vmul.f32 v7, v6  }
0x3c2: {  	v12 =	vld [tilespmem:s17+$0x30];
	v10 =	vmul.f32 $9.999999770e-03, v3;
	vm0 =	vge.f32 v2, $0.0e+00;
	v11 =	vmul.f32 $9.999999770e-03, v2  }
0x3c3: {  	vm1 =	vge.f32 v3, $0.0e+00;
	vm2 =	vge.f32 v4, $0.0e+00;
	v13 =	vmul.f32 $9.999999770e-03, v4  }
0x3c4: {  	v3 =	vsel vm1, v3, v10;
	v2 =	vsel vm0, v2, v11;
	v10 =	vmul.f32 $9.999999770e-03, v5  }
0x3c5: {  	vm0 =	vge.f32 v5, $0.0e+00;
	[tilespmem:s17+$0xFFFFFFC0] =	vst v3;
	v3 =	vsel vm2, v4, v13;
	v4 =	vmul.f32 v8, v6  }
0x3c6: {  	[tilespmem:s17+$0xFFFFFFD0] =	vst v2;
	v8 =	vmul.f32 $9.999999770e-03, v7;
	v2 =	vsel vm0, v5, v10;
	v5 =	vmul.f32 v9, v6  }
0x3c7: {  	[tilespmem:s17+$0xFFFFFFE0] =	vst v3;
	vm0 =	vge.f32 v7, $0.0e+00;
	v3 =	vmul.f32 v12, v6;
	v6 =	vmul.f32 $9.999999770e-03, v4  }
0x3c8: {  	[tilespmem:s17+$0xFFFFFFF0] =	vst v2;
	vm1 =	vge.f32 v4, $0.0e+00;
	v7 =	vsel vm0, v7, v8;
	v2 =	vmul.f32 $9.999999770e-03, v5  }
0x3c9: {  	vm0 =	vge.f32 v5, $0.0e+00;
	v8 =	vmul.f32 $9.999999770e-03, v3;
	[tilespmem:s17+$0x0] =	vst v7;
	v4 =	vsel vm1, v4, v6  }
0x3ca: {  	v2 =	vsel vm0, v5, v2;
	vm0 =	vge.f32 v3, $0.0e+00;
	[tilespmem:s17+$0x10] =	vst v4  }
0x3cb: {  	v3 =	vsel vm0, v3, v8;
	[tilespmem:s17+$0x20] =	vst v2  }
0x3cc: {  	s19 =	rddreg [dreg:$0xb];
	[tilespmem:s17+$0x30] =	vst v3  }
0x3cd: {  	[hbm4b:s19+s4] =	stream.linear.scatter [tilespmem:s30], [sflag:$0x4], $0x2800, $0x38;
	[tilespmem:$0x1ED00] =	vst v63  }
0x3ce: {  	_ =	swait.ge [sflag:s29], $0x2800  }
0x3cf: {  	s20 =	simm.s32 $0x190;
	[sflag:s29] =	ssyncset.done $0x0  }
0x3d0: {  	v2 =	vmov s20;
	[sflag:s29] =	ssyncadd.s32 $0xFFFFD800  }
0x3d1: {  	[tilespmem:s30], [sflag:$0x1] =	stream.linear.gather [spmem:s22], $0x2800, $0x38;
	[tilespmem:$0x1ED00] =	vst v63  }
0x3d2: {  	_ =	swait.ge [sflag:s31], $0x2800  }
0x3d3: {  	[sflag:s31] =	ssyncset.done $0x0  }
0x3d4: {  	[sflag:s31] =	ssyncadd.s32 $0xFFFFD800  }
0x3d5: {  	v2 =	vld.idx.msk [tilespmem:v2+s12+$0x0], $0xffff;
	_ =	sdelay $0x4  }
0x3d6: {  	v2 =	vadd.f32 $1.000000020e-16, v2;
	_ =	sdelay $0x1  }
0x3d7: {  	(erf) = vrcp.f32 v2;
	_ =	sdelay $0x1  }
0x3d8: {  	s6 =	simm.s32 $0x3040  }
0x3d9: {  	v3 =	vld [tilespmem:s6+$0xFFFFFFF0]  }
0x3da: {  	v4 =	vld [tilespmem:s6+$0xFFFFFFC0]  }
0x3db: {  	v2 =	vld [tilespmem:s6+$0xFFFFFFD0]  }
0x3dc: {  	v5 =	vld [tilespmem:s6+$0xFFFFFFE0]  }
0x3dd: {  	v9 =	vld [tilespmem:s6+$0x0];
	_ =	sdelay $0x1  }
0x3de: {  	v7 =	vpop (erf)  }
0x3df: {  	s9 =	simm.s32 $0x191;
	v6 =	vld [tilespmem:s6+$0x20];
	v4 =	vmul.f32 v7, v4;
	v8 =	vmul.f32 v2, v7  }
0x3e0: {  	v10 =	vld [tilespmem:s6+$0x10];
	v2 =	vmov s9;
	v5 =	vmul.f32 v5, v7;
	v3 =	vmul.f32 v3, v7  }
0x3e1: {  	v62 =	vld [tilespmem:s6+$0x30];
	v9 =	vmul.f32 v9, v7;
	v11 =	vmul.f32 $9.999999770e-03, v4;
	vm0 =	vge.f32 v8, $0.0e+00  }
0x3e2: {  	v61 =	vmul.f32 $9.999999770e-03, v8;
	vm1 =	vge.f32 v4, $0.0e+00;
	vm2 =	vge.f32 v5, $0.0e+00  }
0x3e3: {  	v14 =	vmul.f32 $9.999999770e-03, v5;
	v4 =	vsel vm1, v4, v11;
	v11 =	vmul.f32 $9.999999770e-03, v3  }
0x3e4: {  	v8 =	vsel vm0, v8, v61;
	vm0 =	vge.f32 v3, $0.0e+00;
	[tilespmem:s6+$0xFFFFFFC0] =	vst v4;
	v4 =	vmul.f32 v6, v7  }
0x3e5: {  	[tilespmem:s6+$0xFFFFFFD0] =	vst v8;
	v8 =	vmul.f32 $9.999999770e-03, v9;
	v11 =	vsel vm0, v3, v11;
	v3 =	vmul.f32 v10, v7  }
0x3e6: {  	v63 =	vsel vm2, v5, v14;
	vm1 =	vge.f32 v9, $0.0e+00;
	v5 =	vmul.f32 v62, v7  }
0x3e7: {  	[tilespmem:s6+$0xFFFFFFE0] =	vst v63;
	v7 =	vmul.f32 $9.999999770e-03, v4;
	v9 =	vsel vm1, v9, v8;
	v6 =	vmul.f32 $9.999999770e-03, v3  }
0x3e8: {  	s9 =	simm.s32 $0x192;
	[tilespmem:s6+$0xFFFFFFF0] =	vst v11;
	vm1 =	vge.f32 v4, $0.0e+00;
	v8 =	vmul.f32 $9.999999770e-03, v5;
	vm0 =	vge.f32 v3, $0.0e+00  }
.LBB2_56:
0x3e9: {  	p0 =	sne.s32 s9, $0x1DF;
	[tilespmem:s6+$0x0] =	vst v9;
	v3 =	vsel vm0, v3, v6;
	v4 =	vsel vm1, v4, v7;
	vm0 =	vge.f32 v5, $0.0e+00  }
0x3ea: {  	[tilespmem:s6+$0x10] =	vst v3;
	v3 =	vsel vm0, v5, v8  }
0x3eb: {  	[tilespmem:s6+$0x20] =	vst v4  }
0x3ec: {  	[tilespmem:s6+$0x30] =	vst v3  }
0x3ed: {  	v2 =	vld.idx.msk [tilespmem:v2+s12+$0x0], $0xffff;
	_ =	sdelay $0x5  }
0x3ee: {  	v2 =	vadd.f32 $1.000000020e-16, v2;
	_ =	sdelay $0x1  }
0x3ef: {  	(erf) = vrcp.f32 v2;
	_ =	sdelay $0x1  }
0x3f0: {  	s6 =	sadd.s32 $0x80, s6  }
0x3f1: {  	v3 =	vld [tilespmem:s6+$0xFFFFFFF0]  }
0x3f2: {  	v2 =	vld [tilespmem:s6+$0xFFFFFFD0]  }
0x3f3: {  	v4 =	vld [tilespmem:s6+$0xFFFFFFC0]  }
0x3f4: {  	v5 =	vld [tilespmem:s6+$0xFFFFFFE0];
	_ =	sdelay $0x2  }
0x3f5: {  	v6 =	vld [tilespmem:s6+$0x20];
	v7 =	vpop (erf)  }
0x3f6: {  	v4 =	vmul.f32 v7, v4;
	v8 =	vmul.f32 v2, v7;
	v9 =	vld [tilespmem:s6+$0x0]  }
0x3f7: {  	v2 =	vmov s9;
	v3 =	vmul.f32 v3, v7;
	v5 =	vmul.f32 v5, v7;
	v10 =	vld [tilespmem:s6+$0x10]  }
0x3f8: {  	v11 =	vmul.f32 $9.999999770e-03, v4;
	vm0 =	vge.f32 v8, $0.0e+00;
	v12 =	vmul.f32 $9.999999770e-03, v8;
	v13 =	vld [tilespmem:s6+$0x30]  }
0x3f9: {  	vm1 =	vge.f32 v4, $0.0e+00;
	vm2 =	vge.f32 v5, $0.0e+00;
	v14 =	vmul.f32 $9.999999770e-03, v5  }
0x3fa: {  	v4 =	vsel vm1, v4, v11;
	v8 =	vsel vm0, v8, v12;
	v11 =	vmul.f32 $9.999999770e-03, v3  }
.Ltmp27:
0x3fb: {  	vm0 =	vge.f32 v3, $0.0e+00;
	[tilespmem:s6+$0xFFFFFFC0] =	vst v4;
	v5 =	vsel vm2, v5, v14;
	v9 =	vmul.f32 v9, v7;
	(pc) =	sbr.rel @p0 .LBB2_56-.Ltmp27, $4  }
0x3fc: {  	v4 =	vmul.f32 v6, v7;
	[tilespmem:s6+$0xFFFFFFD0] =	vst v8;
	v8 =	vsel vm0, v3, v11;
	v3 =	vmul.f32 v10, v7  }
0x3fd: {  	[tilespmem:s6+$0xFFFFFFE0] =	vst v5;
	vm1 =	vge.f32 v9, $0.0e+00;
	v10 =	vmul.f32 $9.999999770e-03, v9;
	v5 =	vmul.f32 v13, v7  }
0x3fe: {  	v7 =	vmul.f32 $9.999999770e-03, v4;
	[tilespmem:s6+$0xFFFFFFF0] =	vst v8;
	vm0 =	vge.f32 v3, $0.0e+00;
	v6 =	vmul.f32 $9.999999770e-03, v3  }
0x3ff: {  	s9 =	sadd.s32 $0x1, s9;
	v9 =	vsel vm1, v9, v10;
	vm1 =	vge.f32 v4, $0.0e+00;
	v8 =	vmul.f32 $9.999999770e-03, v5  }
0x400: {  	[tilespmem:s6+$0x0] =	vst v9;
	v3 =	vsel vm0, v3, v6  }
0x401: {  	v4 =	vsel vm1, v4, v7;
	vm0 =	vge.f32 v5, $0.0e+00;
	[tilespmem:s6+$0x10] =	vst v3  }
0x402: {  	v3 =	vsel vm0, v5, v8;
	[tilespmem:s6+$0x20] =	vst v4  }
0x403: {  	[tilespmem:s6+$0x30] =	vst v3  }
0x404: {  	v2 =	vld.idx.msk [tilespmem:v2+s12+$0x0], $0xffff;
	_ =	sdelay $0x4  }
0x405: {  	v2 =	vadd.f32 $1.000000020e-16, v2;
	_ =	sdelay $0x1  }
0x406: {  	(erf) = vrcp.f32 v2;
	_ =	sdelay $0x1  }
0x407: {  	s17 =	sadd.s32 $0x80, s6  }
0x408: {  	v3 =	vld [tilespmem:s17+$0xFFFFFFC0]  }
0x409: {  	v4 =	vld [tilespmem:s17+$0xFFFFFFE0]  }
0x40a: {  	v5 =	vld [tilespmem:s17+$0xFFFFFFF0]  }
0x40b: {  	v2 =	vld [tilespmem:s17+$0xFFFFFFD0]  }
0x40c: {  	v7 =	vld [tilespmem:s17+$0x0];
	_ =	sdelay $0x1  }
0x40d: {  	v6 =	vpop (erf)  }
0x40e: {  	v3 =	vmul.f32 v6, v3  }
0x40f: {  	v8 =	vld [tilespmem:s17+$0x10];
	v2 =	vmul.f32 v2, v6;
	v4 =	vmul.f32 v4, v6  }
0x410: {  	v9 =	vld [tilespmem:s17+$0x20];
	v5 =	vmul.f32 v5, v6;
	v7 =	vmul.f32 v7, v6  }
0x411: {  	v12 =	vld [tilespmem:s17+$0x30];
	v10 =	vmul.f32 $9.999999770e-03, v3;
	vm0 =	vge.f32 v2, $0.0e+00;
	v11 =	vmul.f32 $9.999999770e-03, v2  }
0x412: {  	vm1 =	vge.f32 v3, $0.0e+00;
	vm2 =	vge.f32 v4, $0.0e+00;
	v13 =	vmul.f32 $9.999999770e-03, v4  }
0x413: {  	v3 =	vsel vm1, v3, v10;
	v2 =	vsel vm0, v2, v11;
	v10 =	vmul.f32 $9.999999770e-03, v5  }
0x414: {  	vm0 =	vge.f32 v5, $0.0e+00;
	[tilespmem:s17+$0xFFFFFFC0] =	vst v3;
	v3 =	vsel vm2, v4, v13;
	v4 =	vmul.f32 v8, v6  }
0x415: {  	[tilespmem:s17+$0xFFFFFFD0] =	vst v2;
	v8 =	vmul.f32 $9.999999770e-03, v7;
	v2 =	vsel vm0, v5, v10;
	v5 =	vmul.f32 v9, v6  }
0x416: {  	[tilespmem:s17+$0xFFFFFFE0] =	vst v3;
	vm0 =	vge.f32 v7, $0.0e+00;
	v3 =	vmul.f32 v12, v6;
	v6 =	vmul.f32 $9.999999770e-03, v4  }
0x417: {  	[tilespmem:s17+$0xFFFFFFF0] =	vst v2;
	vm1 =	vge.f32 v4, $0.0e+00;
	v7 =	vsel vm0, v7, v8;
	v2 =	vmul.f32 $9.999999770e-03, v5  }
0x418: {  	vm0 =	vge.f32 v5, $0.0e+00;
	v8 =	vmul.f32 $9.999999770e-03, v3;
	[tilespmem:s17+$0x0] =	vst v7;
	v4 =	vsel vm1, v4, v6  }
0x419: {  	v2 =	vsel vm0, v5, v2;
	vm0 =	vge.f32 v3, $0.0e+00;
	[tilespmem:s17+$0x10] =	vst v4  }
0x41a: {  	v3 =	vsel vm0, v3, v8;
	[tilespmem:s17+$0x20] =	vst v2  }
0x41b: {  	s19 =	rddreg [dreg:$0xc];
	[tilespmem:s17+$0x30] =	vst v3  }
0x41c: {  	[hbm4b:s19+s4] =	stream.linear.scatter [tilespmem:s30], [sflag:$0x4], $0x2800, $0x38;
	[tilespmem:$0x1ED00] =	vst v63  }
0x41d: {  	_ =	swait.ge [sflag:s29], $0x2800  }
0x41e: {  	s20 =	simm.s32 $0x1E0;
	[sflag:s29] =	ssyncset.done $0x0  }
0x41f: {  	v2 =	vmov s20;
	[sflag:s29] =	ssyncadd.s32 $0xFFFFD800  }
0x420: {  	[tilespmem:s30], [sflag:$0x1] =	stream.linear.gather [spmem:s23], $0x2800, $0x38;
	[tilespmem:$0x1ED00] =	vst v63  }
0x421: {  	_ =	swait.ge [sflag:s31], $0x2800  }
0x422: {  	[sflag:s31] =	ssyncset.done $0x0  }
0x423: {  	[sflag:s31] =	ssyncadd.s32 $0xFFFFD800  }
0x424: {  	v2 =	vld.idx.msk [tilespmem:v2+s12+$0x0], $0xffff;
	_ =	sdelay $0x4  }
0x425: {  	v2 =	vadd.f32 $1.000000020e-16, v2;
	_ =	sdelay $0x1  }
0x426: {  	(erf) = vrcp.f32 v2;
	_ =	sdelay $0x1  }
0x427: {  	s6 =	simm.s32 $0x3040  }
0x428: {  	v3 =	vld [tilespmem:s6+$0xFFFFFFF0]  }
0x429: {  	v4 =	vld [tilespmem:s6+$0xFFFFFFC0]  }
0x42a: {  	v2 =	vld [tilespmem:s6+$0xFFFFFFD0]  }
0x42b: {  	v5 =	vld [tilespmem:s6+$0xFFFFFFE0]  }
0x42c: {  	v9 =	vld [tilespmem:s6+$0x0];
	_ =	sdelay $0x1  }
0x42d: {  	v7 =	vpop (erf)  }
0x42e: {  	s9 =	simm.s32 $0x1E1;
	v6 =	vld [tilespmem:s6+$0x20];
	v4 =	vmul.f32 v7, v4;
	v8 =	vmul.f32 v2, v7  }
0x42f: {  	v10 =	vld [tilespmem:s6+$0x10];
	v2 =	vmov s9;
	v5 =	vmul.f32 v5, v7;
	v3 =	vmul.f32 v3, v7  }
0x430: {  	v62 =	vld [tilespmem:s6+$0x30];
	v9 =	vmul.f32 v9, v7;
	v11 =	vmul.f32 $9.999999770e-03, v4;
	vm0 =	vge.f32 v8, $0.0e+00  }
0x431: {  	v61 =	vmul.f32 $9.999999770e-03, v8;
	vm1 =	vge.f32 v4, $0.0e+00;
	vm2 =	vge.f32 v5, $0.0e+00  }
0x432: {  	v14 =	vmul.f32 $9.999999770e-03, v5;
	v4 =	vsel vm1, v4, v11;
	v11 =	vmul.f32 $9.999999770e-03, v3  }
0x433: {  	v8 =	vsel vm0, v8, v61;
	vm0 =	vge.f32 v3, $0.0e+00;
	[tilespmem:s6+$0xFFFFFFC0] =	vst v4;
	v4 =	vmul.f32 v6, v7  }
0x434: {  	[tilespmem:s6+$0xFFFFFFD0] =	vst v8;
	v8 =	vmul.f32 $9.999999770e-03, v9;
	v11 =	vsel vm0, v3, v11;
	v3 =	vmul.f32 v10, v7  }
0x435: {  	v63 =	vsel vm2, v5, v14;
	vm1 =	vge.f32 v9, $0.0e+00;
	v5 =	vmul.f32 v62, v7  }
0x436: {  	[tilespmem:s6+$0xFFFFFFE0] =	vst v63;
	v7 =	vmul.f32 $9.999999770e-03, v4;
	v9 =	vsel vm1, v9, v8;
	v6 =	vmul.f32 $9.999999770e-03, v3  }
0x437: {  	s9 =	simm.s32 $0x1E2;
	[tilespmem:s6+$0xFFFFFFF0] =	vst v11;
	vm1 =	vge.f32 v4, $0.0e+00;
	v8 =	vmul.f32 $9.999999770e-03, v5;
	vm0 =	vge.f32 v3, $0.0e+00  }
.LBB2_58:
0x438: {  	p0 =	sne.s32 s9, $0x22F;
	[tilespmem:s6+$0x0] =	vst v9;
	v3 =	vsel vm0, v3, v6;
	v4 =	vsel vm1, v4, v7;
	vm0 =	vge.f32 v5, $0.0e+00  }
0x439: {  	[tilespmem:s6+$0x10] =	vst v3;
	v3 =	vsel vm0, v5, v8  }
0x43a: {  	[tilespmem:s6+$0x20] =	vst v4  }
0x43b: {  	[tilespmem:s6+$0x30] =	vst v3  }
0x43c: {  	v2 =	vld.idx.msk [tilespmem:v2+s12+$0x0], $0xffff;
	_ =	sdelay $0x5  }
0x43d: {  	v2 =	vadd.f32 $1.000000020e-16, v2;
	_ =	sdelay $0x1  }
0x43e: {  	(erf) = vrcp.f32 v2;
	_ =	sdelay $0x1  }
0x43f: {  	s6 =	sadd.s32 $0x80, s6  }
0x440: {  	v3 =	vld [tilespmem:s6+$0xFFFFFFF0]  }
0x441: {  	v2 =	vld [tilespmem:s6+$0xFFFFFFD0]  }
0x442: {  	v4 =	vld [tilespmem:s6+$0xFFFFFFC0]  }
0x443: {  	v5 =	vld [tilespmem:s6+$0xFFFFFFE0];
	_ =	sdelay $0x2  }
0x444: {  	v6 =	vld [tilespmem:s6+$0x20];
	v7 =	vpop (erf)  }
0x445: {  	v4 =	vmul.f32 v7, v4;
	v8 =	vmul.f32 v2, v7;
	v9 =	vld [tilespmem:s6+$0x0]  }
0x446: {  	v2 =	vmov s9;
	v3 =	vmul.f32 v3, v7;
	v5 =	vmul.f32 v5, v7;
	v10 =	vld [tilespmem:s6+$0x10]  }
0x447: {  	v11 =	vmul.f32 $9.999999770e-03, v4;
	vm0 =	vge.f32 v8, $0.0e+00;
	v12 =	vmul.f32 $9.999999770e-03, v8;
	v13 =	vld [tilespmem:s6+$0x30]  }
0x448: {  	vm1 =	vge.f32 v4, $0.0e+00;
	vm2 =	vge.f32 v5, $0.0e+00;
	v14 =	vmul.f32 $9.999999770e-03, v5  }
0x449: {  	v4 =	vsel vm1, v4, v11;
	v8 =	vsel vm0, v8, v12;
	v11 =	vmul.f32 $9.999999770e-03, v3  }
.Ltmp28:
0x44a: {  	vm0 =	vge.f32 v3, $0.0e+00;
	[tilespmem:s6+$0xFFFFFFC0] =	vst v4;
	v5 =	vsel vm2, v5, v14;
	v9 =	vmul.f32 v9, v7;
	(pc) =	sbr.rel @p0 .LBB2_58-.Ltmp28, $4  }
0x44b: {  	v4 =	vmul.f32 v6, v7;
	[tilespmem:s6+$0xFFFFFFD0] =	vst v8;
	v8 =	vsel vm0, v3, v11;
	v3 =	vmul.f32 v10, v7  }
0x44c: {  	[tilespmem:s6+$0xFFFFFFE0] =	vst v5;
	vm1 =	vge.f32 v9, $0.0e+00;
	v10 =	vmul.f32 $9.999999770e-03, v9;
	v5 =	vmul.f32 v13, v7  }
0x44d: {  	v7 =	vmul.f32 $9.999999770e-03, v4;
	[tilespmem:s6+$0xFFFFFFF0] =	vst v8;
	vm0 =	vge.f32 v3, $0.0e+00;
	v6 =	vmul.f32 $9.999999770e-03, v3  }
0x44e: {  	s9 =	sadd.s32 $0x1, s9;
	v9 =	vsel vm1, v9, v10;
	vm1 =	vge.f32 v4, $0.0e+00;
	v8 =	vmul.f32 $9.999999770e-03, v5  }
0x44f: {  	[tilespmem:s6+$0x0] =	vst v9;
	v3 =	vsel vm0, v3, v6  }
0x450: {  	v4 =	vsel vm1, v4, v7;
	vm0 =	vge.f32 v5, $0.0e+00;
	[tilespmem:s6+$0x10] =	vst v3  }
0x451: {  	v3 =	vsel vm0, v5, v8;
	[tilespmem:s6+$0x20] =	vst v4  }
0x452: {  	[tilespmem:s6+$0x30] =	vst v3  }
0x453: {  	v2 =	vld.idx.msk [tilespmem:v2+s12+$0x0], $0xffff;
	_ =	sdelay $0x4  }
0x454: {  	v2 =	vadd.f32 $1.000000020e-16, v2;
	_ =	sdelay $0x1  }
0x455: {  	(erf) = vrcp.f32 v2;
	_ =	sdelay $0x1  }
0x456: {  	s17 =	sadd.s32 $0x80, s6  }
0x457: {  	v3 =	vld [tilespmem:s17+$0xFFFFFFC0]  }
0x458: {  	v4 =	vld [tilespmem:s17+$0xFFFFFFE0]  }
0x459: {  	v5 =	vld [tilespmem:s17+$0xFFFFFFF0]  }
0x45a: {  	v2 =	vld [tilespmem:s17+$0xFFFFFFD0]  }
0x45b: {  	v7 =	vld [tilespmem:s17+$0x0];
	_ =	sdelay $0x1  }
0x45c: {  	v6 =	vpop (erf)  }
0x45d: {  	v3 =	vmul.f32 v6, v3  }
0x45e: {  	v8 =	vld [tilespmem:s17+$0x10];
	v2 =	vmul.f32 v2, v6;
	v4 =	vmul.f32 v4, v6  }
0x45f: {  	v9 =	vld [tilespmem:s17+$0x20];
	v5 =	vmul.f32 v5, v6;
	v7 =	vmul.f32 v7, v6  }
0x460: {  	v12 =	vld [tilespmem:s17+$0x30];
	v10 =	vmul.f32 $9.999999770e-03, v3;
	vm0 =	vge.f32 v2, $0.0e+00;
	v11 =	vmul.f32 $9.999999770e-03, v2  }
0x461: {  	vm1 =	vge.f32 v3, $0.0e+00;
	vm2 =	vge.f32 v4, $0.0e+00;
	v13 =	vmul.f32 $9.999999770e-03, v4  }
0x462: {  	v3 =	vsel vm1, v3, v10;
	v2 =	vsel vm0, v2, v11;
	v10 =	vmul.f32 $9.999999770e-03, v5  }
0x463: {  	vm0 =	vge.f32 v5, $0.0e+00;
	[tilespmem:s17+$0xFFFFFFC0] =	vst v3;
	v3 =	vsel vm2, v4, v13;
	v4 =	vmul.f32 v8, v6  }
0x464: {  	[tilespmem:s17+$0xFFFFFFD0] =	vst v2;
	v8 =	vmul.f32 $9.999999770e-03, v7;
	v2 =	vsel vm0, v5, v10;
	v5 =	vmul.f32 v9, v6  }
0x465: {  	[tilespmem:s17+$0xFFFFFFE0] =	vst v3;
	vm0 =	vge.f32 v7, $0.0e+00;
	v3 =	vmul.f32 v12, v6;
	v6 =	vmul.f32 $9.999999770e-03, v4  }
0x466: {  	[tilespmem:s17+$0xFFFFFFF0] =	vst v2;
	vm1 =	vge.f32 v4, $0.0e+00;
	v7 =	vsel vm0, v7, v8;
	v2 =	vmul.f32 $9.999999770e-03, v5  }
0x467: {  	vm0 =	vge.f32 v5, $0.0e+00;
	v8 =	vmul.f32 $9.999999770e-03, v3;
	[tilespmem:s17+$0x0] =	vst v7;
	v4 =	vsel vm1, v4, v6  }
0x468: {  	v2 =	vsel vm0, v5, v2;
	vm0 =	vge.f32 v3, $0.0e+00;
	[tilespmem:s17+$0x10] =	vst v4  }
0x469: {  	v3 =	vsel vm0, v3, v8;
	[tilespmem:s17+$0x20] =	vst v2  }
0x46a: {  	s19 =	rddreg [dreg:$0xd];
	[tilespmem:s17+$0x30] =	vst v3  }
0x46b: {  	[hbm4b:s19+s4] =	stream.linear.scatter [tilespmem:s30], [sflag:$0x4], $0x2800, $0x38;
	[tilespmem:$0x1ED00] =	vst v63  }
0x46c: {  	_ =	swait.ge [sflag:s29], $0x2800  }
0x46d: {  	s20 =	simm.s32 $0x230;
	[sflag:s29] =	ssyncset.done $0x0  }
0x46e: {  	v2 =	vmov s20;
	[sflag:s29] =	ssyncadd.s32 $0xFFFFD800  }
0x46f: {  	[tilespmem:s30], [sflag:$0x1] =	stream.linear.gather [spmem:s24], $0x2800, $0x38;
	[tilespmem:$0x1ED00] =	vst v63  }
0x470: {  	_ =	swait.ge [sflag:s31], $0x2800  }
0x471: {  	[sflag:s31] =	ssyncset.done $0x0  }
0x472: {  	[sflag:s31] =	ssyncadd.s32 $0xFFFFD800  }
0x473: {  	v2 =	vld.idx.msk [tilespmem:v2+s12+$0x0], $0xffff;
	_ =	sdelay $0x4  }
0x474: {  	v2 =	vadd.f32 $1.000000020e-16, v2;
	_ =	sdelay $0x1  }
0x475: {  	(erf) = vrcp.f32 v2;
	_ =	sdelay $0x1  }
0x476: {  	s6 =	simm.s32 $0x3040  }
0x477: {  	v3 =	vld [tilespmem:s6+$0xFFFFFFF0]  }
0x478: {  	v4 =	vld [tilespmem:s6+$0xFFFFFFC0]  }
0x479: {  	v2 =	vld [tilespmem:s6+$0xFFFFFFD0]  }
0x47a: {  	v5 =	vld [tilespmem:s6+$0xFFFFFFE0]  }
0x47b: {  	v9 =	vld [tilespmem:s6+$0x0];
	_ =	sdelay $0x1  }
0x47c: {  	v7 =	vpop (erf)  }
0x47d: {  	s9 =	simm.s32 $0x231;
	v6 =	vld [tilespmem:s6+$0x20];
	v4 =	vmul.f32 v7, v4;
	v8 =	vmul.f32 v2, v7  }
0x47e: {  	v10 =	vld [tilespmem:s6+$0x10];
	v2 =	vmov s9;
	v5 =	vmul.f32 v5, v7;
	v3 =	vmul.f32 v3, v7  }
0x47f: {  	v62 =	vld [tilespmem:s6+$0x30];
	v9 =	vmul.f32 v9, v7;
	v11 =	vmul.f32 $9.999999770e-03, v4;
	vm0 =	vge.f32 v8, $0.0e+00  }
0x480: {  	v61 =	vmul.f32 $9.999999770e-03, v8;
	vm1 =	vge.f32 v4, $0.0e+00;
	vm2 =	vge.f32 v5, $0.0e+00  }
0x481: {  	v14 =	vmul.f32 $9.999999770e-03, v5;
	v4 =	vsel vm1, v4, v11;
	v11 =	vmul.f32 $9.999999770e-03, v3  }
0x482: {  	v8 =	vsel vm0, v8, v61;
	vm0 =	vge.f32 v3, $0.0e+00;
	[tilespmem:s6+$0xFFFFFFC0] =	vst v4;
	v4 =	vmul.f32 v6, v7  }
0x483: {  	[tilespmem:s6+$0xFFFFFFD0] =	vst v8;
	v8 =	vmul.f32 $9.999999770e-03, v9;
	v11 =	vsel vm0, v3, v11;
	v3 =	vmul.f32 v10, v7  }
0x484: {  	v63 =	vsel vm2, v5, v14;
	vm1 =	vge.f32 v9, $0.0e+00;
	v5 =	vmul.f32 v62, v7  }
0x485: {  	[tilespmem:s6+$0xFFFFFFE0] =	vst v63;
	v7 =	vmul.f32 $9.999999770e-03, v4;
	v9 =	vsel vm1, v9, v8;
	v6 =	vmul.f32 $9.999999770e-03, v3  }
0x486: {  	s9 =	simm.s32 $0x232;
	[tilespmem:s6+$0xFFFFFFF0] =	vst v11;
	vm1 =	vge.f32 v4, $0.0e+00;
	v8 =	vmul.f32 $9.999999770e-03, v5;
	vm0 =	vge.f32 v3, $0.0e+00  }
.LBB2_60:
0x487: {  	p0 =	sne.s32 s9, $0x27F;
	[tilespmem:s6+$0x0] =	vst v9;
	v3 =	vsel vm0, v3, v6;
	v4 =	vsel vm1, v4, v7;
	vm0 =	vge.f32 v5, $0.0e+00  }
0x488: {  	[tilespmem:s6+$0x10] =	vst v3;
	v3 =	vsel vm0, v5, v8  }
0x489: {  	[tilespmem:s6+$0x20] =	vst v4  }
0x48a: {  	[tilespmem:s6+$0x30] =	vst v3  }
0x48b: {  	v2 =	vld.idx.msk [tilespmem:v2+s12+$0x0], $0xffff;
	_ =	sdelay $0x5  }
0x48c: {  	v2 =	vadd.f32 $1.000000020e-16, v2;
	_ =	sdelay $0x1  }
0x48d: {  	(erf) = vrcp.f32 v2;
	_ =	sdelay $0x1  }
0x48e: {  	s6 =	sadd.s32 $0x80, s6  }
0x48f: {  	v3 =	vld [tilespmem:s6+$0xFFFFFFF0]  }
0x490: {  	v2 =	vld [tilespmem:s6+$0xFFFFFFD0]  }
0x491: {  	v4 =	vld [tilespmem:s6+$0xFFFFFFC0]  }
0x492: {  	v5 =	vld [tilespmem:s6+$0xFFFFFFE0];
	_ =	sdelay $0x2  }
0x493: {  	v6 =	vld [tilespmem:s6+$0x20];
	v7 =	vpop (erf)  }
0x494: {  	v4 =	vmul.f32 v7, v4;
	v8 =	vmul.f32 v2, v7;
	v9 =	vld [tilespmem:s6+$0x0]  }
0x495: {  	v2 =	vmov s9;
	v3 =	vmul.f32 v3, v7;
	v5 =	vmul.f32 v5, v7;
	v10 =	vld [tilespmem:s6+$0x10]  }
0x496: {  	v11 =	vmul.f32 $9.999999770e-03, v4;
	vm0 =	vge.f32 v8, $0.0e+00;
	v12 =	vmul.f32 $9.999999770e-03, v8;
	v13 =	vld [tilespmem:s6+$0x30]  }
0x497: {  	vm1 =	vge.f32 v4, $0.0e+00;
	vm2 =	vge.f32 v5, $0.0e+00;
	v14 =	vmul.f32 $9.999999770e-03, v5  }
0x498: {  	v4 =	vsel vm1, v4, v11;
	v8 =	vsel vm0, v8, v12;
	v11 =	vmul.f32 $9.999999770e-03, v3  }
.Ltmp29:
0x499: {  	vm0 =	vge.f32 v3, $0.0e+00;
	[tilespmem:s6+$0xFFFFFFC0] =	vst v4;
	v5 =	vsel vm2, v5, v14;
	v9 =	vmul.f32 v9, v7;
	(pc) =	sbr.rel @p0 .LBB2_60-.Ltmp29, $4  }
0x49a: {  	v4 =	vmul.f32 v6, v7;
	[tilespmem:s6+$0xFFFFFFD0] =	vst v8;
	v8 =	vsel vm0, v3, v11;
	v3 =	vmul.f32 v10, v7  }
0x49b: {  	[tilespmem:s6+$0xFFFFFFE0] =	vst v5;
	vm1 =	vge.f32 v9, $0.0e+00;
	v10 =	vmul.f32 $9.999999770e-03, v9;
	v5 =	vmul.f32 v13, v7  }
0x49c: {  	v7 =	vmul.f32 $9.999999770e-03, v4;
	[tilespmem:s6+$0xFFFFFFF0] =	vst v8;
	vm0 =	vge.f32 v3, $0.0e+00;
	v6 =	vmul.f32 $9.999999770e-03, v3  }
0x49d: {  	s9 =	sadd.s32 $0x1, s9;
	v9 =	vsel vm1, v9, v10;
	vm1 =	vge.f32 v4, $0.0e+00;
	v8 =	vmul.f32 $9.999999770e-03, v5  }
0x49e: {  	[tilespmem:s6+$0x0] =	vst v9;
	v3 =	vsel vm0, v3, v6  }
0x49f: {  	v4 =	vsel vm1, v4, v7;
	vm8 =	vge.f32 v5, $0.0e+00;
	[tilespmem:s6+$0x10] =	vst v3  }
0x4a0: {  	v3 =	vsel vm8, v5, v8;
	[tilespmem:s6+$0x20] =	vst v4  }
0x4a1: {  	[tilespmem:s6+$0x30] =	vst v3  }
0x4a2: {  	v2 =	vld.idx.msk [tilespmem:v2+s12+$0x0], $0xffff;
	_ =	sdelay $0x4  }
0x4a3: {  	v2 =	vadd.f32 $1.000000020e-16, v2;
	_ =	sdelay $0x1  }
0x4a4: {  	(erf) = vrcp.f32 v2  }
0x4a5: {  	s17 =	sadd.s32 $0x80, s6  }
0x4a6: {  	v3 =	vld [tilespmem:s17+$0xFFFFFFC0]  }
0x4a7: {  	v53 =	vld [tilespmem:s17+$0xFFFFFFE0]  }
0x4a8: {  	v54 =	vld [tilespmem:s17+$0xFFFFFFF0]  }
0x4a9: {  	v2 =	vld [tilespmem:s17+$0xFFFFFFD0]  }
0x4aa: {  	v56 =	vld [tilespmem:s17+$0x0]  }
0x4ab: {  	v57 =	vld [tilespmem:s17+$0x10]  }
0x4ac: {  	v9 =	vld [tilespmem:s17+$0x20]  }
0x4ad: {  	v55 =	vpop (erf)  }
0x4ae: {  	v3 =	vmul.f32 v55, v3;
	v2 =	vmul.f32 v2, v55  }
0x4af: {  	v4 =	vmul.f32 v53, v55;
	v5 =	vmul.f32 v54, v55  }
0x4b0: {  	v7 =	vmul.f32 v56, v55;
	v59 =	vmul.f32 v57, v55  }
0x4b1: {  	v12 =	vld [tilespmem:s17+$0x30];
	v60 =	vmul.f32 v9, v55;
	v10 =	vmul.f32 $9.999999770e-03, v3  }
0x4b2: {  	vm9 =	vge.f32 v2, $0.0e+00;
	v11 =	vmul.f32 $9.999999770e-03, v2;
	vm10 =	vge.f32 v3, $0.0e+00  }
0x4b3: {  	vm2 =	vge.f32 v4, $0.0e+00;
	v13 =	vmul.f32 $9.999999770e-03, v4;
	v3 =	vsel vm10, v3, v10  }
0x4b4: {  	v58 =	vmul.f32 $9.999999770e-03, v5;
	vm11 =	vge.f32 v5, $0.0e+00;
	v2 =	vsel vm9, v2, v11;
	[tilespmem:s17+$0xFFFFFFC0] =	vst v3  }
0x4b5: {  	v61 =	vmul.f32 $9.999999770e-03, v7;
	vm12 =	vge.f32 v7, $0.0e+00;
	v3 =	vsel vm2, v4, v13;
	[tilespmem:s17+$0xFFFFFFD0] =	vst v2  }
0x4b6: {  	v62 =	vmul.f32 $9.999999770e-03, v59;
	v2 =	vsel vm11, v5, v58;
	[tilespmem:s17+$0xFFFFFFE0] =	vst v3;
	v3 =	vmul.f32 v12, v55  }
0x4b7: {  	vm13 =	vge.f32 v59, $0.0e+00;
	v7 =	vsel vm12, v7, v61;
	[tilespmem:s17+$0xFFFFFFF0] =	vst v2;
	v2 =	vmul.f32 $9.999999770e-03, v60  }
0x4b8: {  	vm14 =	vge.f32 v60, $0.0e+00;
	[tilespmem:s17+$0x0] =	vst v7;
	v4 =	vsel vm13, v59, v62;
	v63 =	vmul.f32 $9.999999770e-03, v3  }
0x4b9: {  	[tilespmem:s17+$0x10] =	vst v4;
	v2 =	vsel vm14, v60, v2;
	vm15 =	vge.f32 v3, $0.0e+00  }
0x4ba: {  	[tilespmem:s17+$0x20] =	vst v2;
	v3 =	vsel vm15, v3, v63  }
0x4bb: {  	s19 =	rddreg [dreg:$0xe];
	[tilespmem:s17+$0x30] =	vst v3  }
0x4bc: {  	[hbm4b:s19+s4] =	stream.linear.scatter [tilespmem:s30], [sflag:$0x4], $0x2800, $0x38;
	[tilespmem:$0x1ED00] =	vst v63  }
0x4bd: {  	_ =	swait.ge [sflag:s29], $0x2800  }
0x4be: {  	s13 =	sadd.s32 $0x1, s13;
	s20 =	rddreg [dreg:$0x13]  }
0x4bf: {  	p0 =	sne.s32 s13, s20  }
.Ltmp30:
0x4c0: {  	_ = 	snop;
	(pc) =	sbr.rel @p0 .LBB2_1-.Ltmp30, $3  }
0x4c1: {  	_ =	sdelay $0x1  }
0x4c2: {  	[sflag:s29] =	ssyncset.done $0x0  }
0x4c3: {  	[sflag:s29] =	ssyncadd.s32 $0xFFFFD800  }
0x4c4: {  	_ =	sfence.sel $0x180000  }
0x4c5: {  	[bflag:$0x0] =	sbarrier.arrive $0xFFFF  }
0x4c6: {  	_ =	strace $0x90000047  }
0x4c7: {  	s0 =	stileid.u32;
	[bflag:$0x2] =	sbarrier.arrive $0xFFFF  }
0x4c8: {  	p0 =	sne.s32 s0, $0x0;
	s0 =	rddreg [dreg:$0x4]  }
0x4c9: {  	s0 =	sadd.s32 @!p0 $0x100000, s0  }
0x4ca: {  	[sflag:s0] =	ssyncadd.tile.s32 @!p0 $0x1;
	_ =	shalt  }
.Lfunc_end2:
_tile_overlayer_lowered:
.L_overlay_start_2:
0x4cb: {  	(tag) =	ssettag $0x2  }
0x4cc: {  	s0 =	rddreg [dreg:$0x0];
	s2 =	stileid.u32  }
0x4cd: {  	s1 =	rddreg [dreg:$0x1];
	p0 =	sne.s32 s2, $0x0  }
0x4ce: {  	s3 =	rddreg [dreg:$0x2];
	[bflag:$0x3] =	sbarrier.arrive $0xFFFF;
	s2 =	simm.s32 @!p0 $0x1C04  }
0x4cf: {  	[timem:s3], [sflag:s2] =	dma.local @!p0 [hbm:s0], s1  }
0x4d0: {  	s0 =	simm.s32 @!p0 $0x4  }
0x4d1: {  	_ =	swait.ge @!p0 [sflag:s0], s1  }
0x4d2: {  	s1 =	ssub.s32 @!p0 $0x0, s1;
	[sflag:s0] =	ssyncset.done @!p0 $0x0  }
0x4d3: {  	[sflag:s0] =	ssyncadd.s32 @!p0 s1  }
0x4d4: {  	[bflag:$0x3] =	sbarrier.arrive $0xFFFF  }
0x4d5: {  	_ =	shalt  }

</sc_bundles>
